<compile_context>
chip_gen: v7x
topology: tpu7x:2x2x1
jax: 0.10.2.dev20260603
libtpu: 0.0.44.dev20260713+nightly
codegen_flags: <defaults>
</compile_context>

<pallas_src>
import functools

import jax
import jax.numpy as jnp
from jax import lax
from jax.experimental import pallas as pl
from jax.experimental.pallas import tpu as pltpu
from jax.experimental.pallas import tpu_sc as plsc

N = 10000
E = 20000
G = 256
H = 64
EH = 32
STEPS = 3
C = 100

NP = 10240
EP = 20480
NW = 32
EPW = EP // NW
NCH = EPW // 128
NPW = NP // NW
NPT = NP // 16
HP = 128

F32 = jnp.float32
BF16 = jnp.bfloat16
NEG_INF = float("-inf")


def _proj_body(x_ref, w_ref, b_ref, o_ref, *, nvalid, bm):
    i = pl.program_id(0)
    y = jnp.dot(x_ref[...].astype(BF16), w_ref[...],
                preferred_element_type=F32) + b_ref[...]
    y = jnp.maximum(y, 0.0)
    rows = i * bm + lax.broadcasted_iota(jnp.int32, (bm, 1), 0)
    o_ref[...] = jnp.where(rows < nvalid, y, 0.0)


def _proj(x, w, b, nvalid, mout, bm=2048):
    k = x.shape[1]
    n = w.shape[1]
    return pl.pallas_call(
        functools.partial(_proj_body, nvalid=nvalid, bm=bm),
        grid=(mout // bm,),
        in_specs=[
            pl.BlockSpec((bm, k), lambda i: (i, 0)),
            pl.BlockSpec((k, n), lambda i: (0, 0)),
            pl.BlockSpec((1, n), lambda i: (0, 0)),
        ],
        out_specs=pl.BlockSpec((bm, n), lambda i: (i, 0)),
        out_shape=jax.ShapeDtypeStruct((mout, n), F32),
    )(x, w, b)


def _gather_body(tbl_hbm, idx_hbm, out_hbm, idx_v, rows_v, sem, *, nch):
    c = lax.axis_index("c")
    s = lax.axis_index("s")
    wid = s * 2 + c
    epw = nch * 128
    pltpu.sync_copy(idx_hbm.at[wid], idx_v)
    copies = []
    for j in range(nch):
        copies.append(
            pltpu.async_copy(tbl_hbm.at[idx_v.at[j]],
                             rows_v.at[pl.ds(j * 128, 128)], sem))
    for cp in copies:
        cp.wait()
    pltpu.sync_copy(rows_v, out_hbm.at[pl.ds(wid * epw, epw)])


def _sc_gather(table, idx, nch):
    mesh = plsc.VectorSubcoreMesh(core_axis_name="c", subcore_axis_name="s")
    return pl.kernel(
        functools.partial(_gather_body, nch=nch),
        out_type=jax.ShapeDtypeStruct((NW * nch * 128, HP), F32),
        mesh=mesh,
        scratch_types=[
            pltpu.VMEM((nch, 128), jnp.int32),
            pltpu.VMEM((nch * 128, HP), F32),
            pltpu.SemaphoreType.DMA,
        ],
    )(table, idx)


def _msg_body(g_ref, z_ref, w2_ref, s_ref, b2_ref, o_ref, *, bm, evalid):
    i = pl.program_id(0)
    gb = g_ref[...].astype(BF16)
    zb = z_ref[...].astype(BF16)
    ck = 256
    acc256 = jnp.zeros((bm, ck), F32)
    for c in range(EH * H // ck):
        sl = pl.ds(c * ck, ck)
        yc = jnp.dot(gb, w2_ref[:, sl], preferred_element_type=F32)
        zc = jnp.dot(zb, s_ref[:, sl], preferred_element_type=F32)
        acc256 = acc256 + yc * zc
    acc128 = acc256[:, :128] + acc256[:, 128:]
    m = acc128[:, :H] + acc128[:, H:] + jnp.dot(gb, b2_ref[...],
                                                preferred_element_type=F32)
    m128 = jnp.concatenate([m, jnp.zeros((bm, HP - H), F32)], axis=1)
    if evalid is not None:
        rows = i * bm + lax.broadcasted_iota(jnp.int32, (bm, 1), 0)
        m128 = jnp.where(rows < evalid, m128, 0.0)
    o_ref[...] = m128


def _messages(g, z, w2cat, smat, b2, evalid, zoff, bm=512):
    ep = g.shape[0]
    return pl.pallas_call(
        functools.partial(_msg_body, bm=bm, evalid=evalid),
        grid=(ep // bm,),
        in_specs=[
            pl.BlockSpec((bm, HP), lambda i: (i, 0)),
            pl.BlockSpec((bm, EH), lambda i: (i + zoff, 0)),
            pl.BlockSpec((HP, EH * H), lambda i: (0, 0)),
            pl.BlockSpec((EH, EH * H), lambda i: (0, 0)),
            pl.BlockSpec((HP, H), lambda i: (0, 0)),
        ],
        out_specs=pl.BlockSpec((bm, HP), lambda i: (i, 0)),
        out_shape=jax.ShapeDtypeStruct((ep, HP), F32),
    )(g, z, w2cat, smat, b2)


def _scatter_body(ma_hbm, mb_hbm, idxa_hbm, idxb_hbm, zero_hbm, part_hbm,
                  m_v0, m_v1, idxa_v, idxb_v, acc_sh, sem0, sem1, *,
                  nch_a, nch_b):
    c = lax.axis_index("c")
    s = lax.axis_index("s")
    wid = s * 2 + c
    bufs = (m_v0, m_v1)
    sems = (sem0, sem1)
    def chunk_src(j):
        if j < nch_a:
            return ma_hbm.at[pl.ds(wid * nch_a * 128 + j * 128, 128)]
        return mb_hbm.at[pl.ds(wid * nch_b * 128 + (j - nch_a) * 128, 128)]
    def chunk_idx(j):
        if j < nch_a:
            return idxa_v.at[j]
        return idxb_v.at[j - nch_a]
    nch = nch_a + nch_b
    pltpu.sync_copy(zero_hbm, m_v0)
    for j in range(NPT // 128):
        pltpu.sync_copy(m_v0, acc_sh.at[pl.ds(s * NPT + j * 128, 128)])
    pltpu.sync_copy(idxa_hbm.at[wid], idxa_v)
    pltpu.sync_copy(idxb_hbm.at[wid], idxb_v)
    cps = [None, None]
    cps[0] = pltpu.async_copy(chunk_src(0), m_v0, sem0)
    plsc.subcore_barrier()
    for j in range(nch):
        if j + 1 < nch:
            cps[(j + 1) % 2] = pltpu.async_copy(
                chunk_src(j + 1), bufs[(j + 1) % 2], sems[(j + 1) % 2])
        cps[j % 2].wait()
        pltpu.sync_copy(bufs[j % 2], acc_sh.at[chunk_idx(j)], add=True)
    plsc.subcore_barrier()
    pltpu.sync_copy(acc_sh.at[pl.ds(s * NPT, NPT)],
                    part_hbm.at[c, pl.ds(s * NPT, NPT)])


def _sc_scatter(ma, mb, idxa, idxb, zeros_tile, nch_a, nch_b):
    mesh = plsc.VectorSubcoreMesh(core_axis_name="c", subcore_axis_name="s")
    return pl.kernel(
        functools.partial(_scatter_body, nch_a=nch_a, nch_b=nch_b),
        out_type=jax.ShapeDtypeStruct((2, NP, HP), F32),
        mesh=mesh,
        scratch_types=[
            pltpu.VMEM((128, HP), F32),
            pltpu.VMEM((128, HP), F32),
            pltpu.VMEM((nch_a, 128), jnp.int32),
            pltpu.VMEM((nch_b, 128), jnp.int32),
            pltpu.VMEM_SHARED((NP, HP), F32),
            pltpu.SemaphoreType.DMA,
            pltpu.SemaphoreType.DMA,
        ],
    )(ma, mb, idxa, idxb, zeros_tile)


def _gru_body(p_ref, hid_ref, wih_ref, whh_ref, bih_ref, bhh_ref, bc_ref,
              ww_ref, bw_ref, h_ref, *extra_refs, final, bm):
    i = pl.program_id(0)
    hid = hid_ref[:, :H]
    x = jnp.maximum(p_ref[0] + p_ref[1] + bc_ref[...], 0.0)
    gs = (jnp.dot(x.astype(BF16), wih_ref[...], preferred_element_type=F32)
          + jnp.dot(hid_ref[...].astype(BF16), whh_ref[...],
                    preferred_element_type=F32) + bih_ref[...])
    gh_n = (jnp.dot(hid_ref[...].astype(BF16), whh_ref[:, 2 * 128:2 * 128 + H],
                    preferred_element_type=F32) + bhh_ref[...])
    r = jax.nn.sigmoid(gs[:, 0:H])
    zg = jax.nn.sigmoid(gs[:, 128:128 + H])
    n = jnp.tanh(gs[:, 256:256 + H] - gh_n + r * gh_n)
    hn = (1.0 - zg) * n + zg * hid
    rows = i * bm + lax.broadcasted_iota(jnp.int32, (bm, 1), 0)
    valid = rows < N
    hn = jnp.where(valid, hn, 0.0)
    h_ref[...] = jnp.concatenate([hn, jnp.zeros((bm, HP - H), F32)], axis=1)
    if final:
        hw_ref, hm_ref = extra_refs
        wv = jax.nn.sigmoid(jnp.dot(hn.astype(BF16), ww_ref[...],
                                    preferred_element_type=F32) + bw_ref[...])
        hw_ref[...] = jnp.where(valid, hn * wv, 0.0)
        hm_ref[...] = jnp.where(valid, hn, NEG_INF)


def _gru(parts, hid, wih, whh, bih, bhhn, bc, ww, bw, final, bm=1024):
    nout = 3 if final else 1
    shapes = [jax.ShapeDtypeStruct((NP, HP), F32)]
    specs = [pl.BlockSpec((bm, HP), lambda i: (i, 0))]
    if final:
        shapes += [jax.ShapeDtypeStruct((NP, H), F32)] * 2
        specs += [pl.BlockSpec((bm, H), lambda i: (i, 0))] * 2
    out = pl.pallas_call(
        functools.partial(_gru_body, final=final, bm=bm),
        grid=(NP // bm,),
        in_specs=[
            pl.BlockSpec((2, bm, HP), lambda i: (0, i, 0)),
            pl.BlockSpec((bm, HP), lambda i: (i, 0)),
            pl.BlockSpec((HP, 3 * 128), lambda i: (0, 0)),
            pl.BlockSpec((HP, 3 * 128), lambda i: (0, 0)),
            pl.BlockSpec((1, 3 * 128), lambda i: (0, 0)),
            pl.BlockSpec((1, H), lambda i: (0, 0)),
            pl.BlockSpec((1, HP), lambda i: (0, 0)),
            pl.BlockSpec((H, 1), lambda i: (0, 0)),
            pl.BlockSpec((1, 1), lambda i: (0, 0)),
        ],
        out_specs=specs[:nout],
        out_shape=shapes[:nout],
    )(parts, hid, wih, whh, bih, bhhn, bc, ww, bw)
    return out


def _readout_body(hw_hbm, hm_hbm, gid_hbm, zero_hbm, ninf_hbm,
                  sum_hbm, max_hbm, hw_v, hm_v, ids_v, sacc, macc):
    c = lax.axis_index("c")
    s = lax.axis_index("s")
    wid = s * 2 + c
    pltpu.sync_copy(hw_hbm.at[pl.ds(wid * NPW, NPW)], hw_v)
    pltpu.sync_copy(hm_hbm.at[pl.ds(wid * NPW, NPW)], hm_v)
    pltpu.sync_copy(gid_hbm.at[wid], ids_v.at[pl.ds(0, NPW)])
    pltpu.sync_copy(zero_hbm, sacc)
    pltpu.sync_copy(ninf_hbm, macc)

    def body(n, carry):
        gid = ids_v[pl.ds(n, 16)][0]
        for ci in range(H // 16):
            sl = pl.ds(ci * 16, 16)
            sacc[gid, sl] = sacc[gid, sl] + hw_v[n, sl]
            macc[gid, sl] = jnp.maximum(macc[gid, sl], hm_v[n, sl])
        return carry

    lax.fori_loop(0, NPW, body, 0)
    pltpu.sync_copy(sacc, sum_hbm.at[wid])
    pltpu.sync_copy(macc, max_hbm.at[wid])


def _sc_readout(hw, hm, gids, zero_g, ninf_g):
    mesh = plsc.VectorSubcoreMesh(core_axis_name="c", subcore_axis_name="s")
    return pl.kernel(
        _readout_body,
        out_type=(jax.ShapeDtypeStruct((NW, G, H), F32),
                  jax.ShapeDtypeStruct((NW, G, H), F32)),
        mesh=mesh,
        compiler_params=pltpu.CompilerParams(use_tc_tiling_on_sc=False),
        scratch_types=[
            pltpu.VMEM((NPW, H), F32),
            pltpu.VMEM((NPW, H), F32),
            pltpu.VMEM((NPW + 16,), jnp.int32),
            pltpu.VMEM((G, H), F32),
            pltpu.VMEM((G, H), F32),
        ],
    )(hw, hm, gids, zero_g, ninf_g)


def _final_body(s_ref, m_ref, wa_ref, wb_ref, b_ref, o_ref):
    hs = s_ref[0]
    hm = m_ref[0]
    for i in range(1, NW):
        hs = hs + s_ref[i]
        hm = jnp.maximum(hm, m_ref[i])
    o_ref[...] = (jnp.dot(hs.astype(BF16), wa_ref[...],
                          preferred_element_type=F32)
                  + jnp.dot(hm.astype(BF16), wb_ref[...],
                            preferred_element_type=F32)
                  + b_ref[...])


def _final(sum_parts, max_parts, wffA, wffB, bff):
    return pl.pallas_call(
        _final_body,
        in_specs=[
            pl.BlockSpec((NW, G, H), lambda: (0, 0, 0)),
            pl.BlockSpec((NW, G, H), lambda: (0, 0, 0)),
            pl.BlockSpec((H, C), lambda: (0, 0)),
            pl.BlockSpec((H, C), lambda: (0, 0)),
            pl.BlockSpec((1, C), lambda: (0, 0)),
        ],
        out_specs=pl.BlockSpec((G, C), lambda: (0, 0)),
        out_shape=jax.ShapeDtypeStruct((G, C), F32),
    )(sum_parts, max_parts, wffA, wffB, bff)


def kernel(node_feats, edge_feats, edge_index, graph_ids, W_proj, b_proj,
           W_e1, b_e1, W_e2, b_e2, b_conv, W_ih, W_hh, b_ih, b_hh,
           W_w, b_w, W_ff, b_ff):
    EA = NW * 3 * 128
    src_f = jnp.pad(edge_index[0], (0, EP - E))
    dst_f = jnp.pad(edge_index[1], (0, EP - E))
    srcA = src_f[:EA].reshape(NW, 3, 128)
    srcB = src_f[EA:].reshape(NW, 2, 128)
    dstA = dst_f[:EA].reshape(NW, 3, 128)
    dstB = dst_f[EA:].reshape(NW, 2, 128)
    gids = jnp.pad(graph_ids, (0, NP - N)).reshape(NW, NPW)

    wproj = jnp.pad(W_proj.astype(BF16), ((0, 0), (0, HP - H)))
    bproj = jnp.pad(b_proj.reshape(1, H), ((0, 0), (0, HP - H)))
    we1 = W_e1.astype(BF16)
    w2cat = jnp.pad(
        W_e2.reshape(EH, H, H).transpose(1, 0, 2).reshape(H, EH * H)
        .astype(BF16), ((0, HP - H), (0, 0)))
    smat = jnp.repeat(jnp.eye(EH, dtype=BF16), H, axis=1)
    b2 = jnp.pad(b_e2.reshape(H, H).astype(BF16), ((0, HP - H), (0, 0)))
    def _gatepad(wT):
        w3 = wT.astype(BF16).reshape(H, 3, H)
        return jnp.pad(w3, ((0, HP - H), (0, 0), (0, 128 - H))).reshape(
            HP, 3 * 128)
    wih = _gatepad(W_ih.T)
    whh = _gatepad(W_hh.T)
    bih = jnp.pad((b_ih + b_hh).reshape(3, H),
                  ((0, 0), (0, 128 - H))).reshape(1, 3 * 128)
    bhhn = b_hh[2 * H:].reshape(1, H)
    bc = jnp.zeros((1, HP), F32).at[:, :H].set(b_conv.reshape(1, H))
    ww16 = W_w.astype(BF16)
    bw = b_w.reshape(1, 1)
    wffA = W_ff[:H].astype(BF16)
    wffB = W_ff[H:].astype(BF16)
    bff = b_ff.reshape(1, C)

    zeros_tile = jnp.zeros((128, HP), F32)
    zeros_g = jnp.zeros((G, H), F32)
    ninf_g = jnp.full((G, H), NEG_INF, F32)

    h = _proj(node_feats, wproj, bproj, nvalid=N, mout=NP)
    z = _proj(edge_feats, we1, b_e1.reshape(1, EH), nvalid=E, mout=EP)

    hidden = h
    for step in range(STEPS):
        gA = _sc_gather(hidden, srcA, 3)
        gB = _sc_gather(hidden, srcB, 2)
        mA = _messages(gA, z, w2cat, smat, b2, evalid=None, zoff=0)
        mB = _messages(gB, z, w2cat, smat, b2, evalid=E - EA, zoff=EA // 512)
        parts = _sc_scatter(mA, mB, dstA, dstB, zeros_tile, 3, 2)
        final = step == STEPS - 1
        out = _gru(parts, hidden, wih, whh, bih, bhhn, bc,
                   ww16, bw, final=final)
        if final:
            hidden, hw, hm = out
        else:
            (hidden,) = out

    sum_parts, max_parts = _sc_readout(hw, hm, gids, zeros_g, ninf_g)
    return _final(sum_parts, max_parts, wffA, wffB, bff)

# --- scband reference (transcript-rebuilt; emitter-appended) ---
"""Pipeline reference for scband-my-gnn-23751169147066 (READ-ONLY COPY).

The authoritative reference and input builder live on the scoring server;
editing this copy changes nothing except your own understanding.
"""

import jax, jax.numpy as jnp
import numpy as np

N_NODES = 10000
N_EDGES = 20000
N_GRAPHS = 256
NODE_IN = 74
EDGE_IN = 12
H = 64
EH = 32
STEPS = 3
N_CLASSES = 100


def setup_inputs(seed: int = 0):
    key = jax.random.key(seed)
    ks = jax.random.split(key, 16)
    s = 0.1
    inp = {}
    inp['node_feats'] = jax.random.normal(ks[0], (N_NODES, NODE_IN), dtype=jnp.float32)
    inp['edge_feats'] = jax.random.normal(ks[1], (N_EDGES, EDGE_IN), dtype=jnp.float32)
    inp['edge_index'] = jax.random.randint(ks[2], (2, N_EDGES), 0, N_NODES, dtype=jnp.int32)
    inp['graph_ids'] = jnp.sort(jax.random.randint(ks[3], (N_NODES,), 0, N_GRAPHS, dtype=jnp.int32))
    inp['W_proj'] = jax.random.normal(ks[4], (NODE_IN, H), dtype=jnp.float32) * s
    inp['b_proj'] = jnp.zeros((H,), dtype=jnp.float32)
    inp['W_e1'] = jax.random.normal(ks[5], (EDGE_IN, EH), dtype=jnp.float32) * s
    inp['b_e1'] = jnp.zeros((EH,), dtype=jnp.float32)
    inp['W_e2'] = jax.random.normal(ks[6], (EH, H * H), dtype=jnp.float32) * s
    inp['b_e2'] = jnp.zeros((H * H,), dtype=jnp.float32)
    inp['b_conv'] = jnp.zeros((H,), dtype=jnp.float32)
    inp['W_ih'] = jax.random.normal(ks[7], (3 * H, H), dtype=jnp.float32) * s
    inp['W_hh'] = jax.random.normal(ks[8], (3 * H, H), dtype=jnp.float32) * s
    inp['b_ih'] = jnp.zeros((3 * H,), dtype=jnp.float32)
    inp['b_hh'] = jnp.zeros((3 * H,), dtype=jnp.float32)
    inp['W_w'] = jax.random.normal(ks[9], (H, 1), dtype=jnp.float32) * s
    inp['b_w'] = jnp.zeros((1,), dtype=jnp.float32)
    inp['W_ff'] = jax.random.normal(ks[10], (2 * H, N_CLASSES), dtype=jnp.float32) * s
    inp['b_ff'] = jnp.zeros((N_CLASSES,), dtype=jnp.float32)
    return inp


def _gru_cell(x, h, W_ih, W_hh, b_ih, b_hh):
    gi = x @ W_ih.T + b_ih
    gh = h @ W_hh.T + b_hh
    i_r, i_z, i_n = jnp.split(gi, 3, axis=-1)
    h_r, h_z, h_n = jnp.split(gh, 3, axis=-1)
    r = jax.nn.sigmoid(i_r + h_r)
    z = jax.nn.sigmoid(i_z + h_z)
    n = jnp.tanh(i_n + r * h_n)
    return (1.0 - z) * n + z * h


def reference(node_feats, edge_feats, edge_index, graph_ids, W_proj, b_proj, W_e1, b_e1, W_e2, b_e2, b_conv, W_ih, W_hh, b_ih, b_hh, W_w, b_w, W_ff, b_ff):
    src = edge_index[0]
    dst = edge_index[1]
    # MPNNGNN: project node feats
    h = jax.nn.relu(node_feats @ W_proj + b_proj)
    hidden = h
    # NNConv edge network: edge_feats -> [E, H, H] per-edge weight matrices
    ew = (jax.nn.relu(edge_feats @ W_e1 + b_e1) @ W_e2 + b_e2).reshape(N_EDGES, H, H)
    for _ in range(STEPS):
        # message: h_src @ W_e  (u_mul_e then sum over in-dim)
        m = jnp.einsum('ei,eio->eo', h[src], ew)
        agg = jax.ops.segment_sum(m, dst, num_segments=N_NODES) + b_conv
        x = jax.nn.relu(agg)
        hidden = _gru_cell(x, hidden, W_ih, W_hh, b_ih, b_hh)
        h = hidden
    # WeightedSumAndMax readout over batched graphs
    w = jax.nn.sigmoid(h @ W_w + b_w)
    h_sum = jax.ops.segment_sum(h * w, graph_ids, num_segments=N_GRAPHS)
    h_max = jax.ops.segment_max(h, graph_ids, num_segments=N_GRAPHS)
    hg = jnp.concatenate([h_sum, h_max], axis=1)
    return hg @ W_ff + b_ff

if __name__ == "__main__":
    import jax
    _d = setup_inputs()
    print(jax.jit(kernel)(*tuple(_d.values())))

</pallas_src>

<mosaic_0001>
#map = affine_map<(d0, d1) -> (0, 0)>
#map1 = affine_map<(d0, d1) -> (0, 0, 0)>
module attributes {stable_mosaic.version = 14 : i64} {
  func.func @_gather_body(%arg0: i32, %arg1: i32, %arg2: memref<10240x128xf32, #tpu.memory_space<hbm>>, %arg3: memref<32x2x128xi32, #tpu.memory_space<hbm>>, %arg4: memref<8192x128xf32, #tpu.memory_space<hbm>>, %arg5: memref<2x128xi32, #tpu.memory_space<vmem>>, %arg6: memref<256x128xf32, #tpu.memory_space<vmem>>, %arg7: memref<!tpu.dma_semaphore, #tpu.memory_space<semaphore_mem>>) attributes {dimension_semantics = [#tpu.dimension_semantics<core_parallel>, #tpu.dimension_semantics<subcore_parallel>], iteration_bounds = array<i64: 2, 16>, scalar_prefetch = 0 : i64, scratch_operands = 3 : i64, tpu.core_type = #tpu.core_type<sc_vector_subcore>, window_params = [{transform_indices = #map}, {transform_indices = #map1}, {transform_indices = #map}]} {
    %mul3A = arith.constant 2 : i32
    %mul3A_0 = arith.muli %arg1, %mul3A : i32
    %add3A = arith.addi %mul3A_0, %arg0 : i32
    "tpu.region"() ({
      %run_scoped3A = tpu.sem_alloc : memref<!tpu.dma_semaphore, #tpu.memory_space<semaphore_mem>>
      %dma_start3A_41 = arith.constant 0 : i32
      %dma_start3A_42 = arith.constant 0 : i32
      %dma_start3A_43 = tpu.memref_slice %arg3[%add3A, %dma_start3A_41, %dma_start3A_42] : memref<32x2x128xi32, #tpu.memory_space<hbm>> -> memref<1x2x128xi32, #tpu.memory_space<hbm>>
      %dma_start3A_44 = tpu.memref_squeeze %dma_start3A_43 : memref<1x2x128xi32, #tpu.memory_space<hbm>> -> memref<2x128xi32, #tpu.memory_space<hbm>>
      %dma_start3A_45 = arith.constant 0 : i32
      %dma_start3A_46 = arith.constant 0 : i32
      %dma_start3A_47 = tpu.memref_slice %arg3[%add3A, %dma_start3A_45, %dma_start3A_46] : memref<32x2x128xi32, #tpu.memory_space<hbm>> -> memref<1x2x128xi32, #tpu.memory_space<hbm>>
      %dma_start3A_48 = tpu.memref_squeeze %dma_start3A_47 : memref<1x2x128xi32, #tpu.memory_space<hbm>> -> memref<2x128xi32, #tpu.memory_space<hbm>>
      tpu.enqueue_dma source(%dma_start3A_48 : memref<2x128xi32, #tpu.memory_space<hbm>>) target(%arg5 : memref<2x128xi32, #tpu.memory_space<vmem>>) target_semaphore(%run_scoped3A : memref<!tpu.dma_semaphore, #tpu.memory_space<semaphore_mem>>)
      %dma_wait3A_49 = arith.constant 0 : i32
      %dma_wait3A_50 = arith.constant 0 : i32
      %dma_wait3A_51 = tpu.memref_slice %arg3[%add3A, %dma_wait3A_49, %dma_wait3A_50] : memref<32x2x128xi32, #tpu.memory_space<hbm>> -> memref<1x2x128xi32, #tpu.memory_space<hbm>>
      %dma_wait3A_52 = tpu.memref_squeeze %dma_wait3A_51 : memref<1x2x128xi32, #tpu.memory_space<hbm>> -> memref<2x128xi32, #tpu.memory_space<hbm>>
      %dma_wait3A_53 = arith.constant 0 : i32
      %dma_wait3A_54 = arith.constant 0 : i32
      %dma_wait3A_55 = tpu.memref_slice %arg3[%add3A, %dma_wait3A_53, %dma_wait3A_54] : memref<32x2x128xi32, #tpu.memory_space<hbm>> -> memref<1x2x128xi32, #tpu.memory_space<hbm>>
      %dma_wait3A_56 = tpu.memref_squeeze %dma_wait3A_55 : memref<1x2x128xi32, #tpu.memory_space<hbm>> -> memref<2x128xi32, #tpu.memory_space<hbm>>
      tpu.wait_dma2 semaphore(%run_scoped3A : memref<!tpu.dma_semaphore, #tpu.memory_space<semaphore_mem>>) src(%dma_wait3A_56 : memref<2x128xi32, #tpu.memory_space<hbm>>) dst(%arg5 : memref<2x128xi32, #tpu.memory_space<vmem>>)
      tpu.yield
    }) : () -> ()
    %dma_start3A = arith.constant 0 : i32
    %dma_start3A_1 = arith.constant 0 : i32
    %dma_start3A_2 = arith.constant 0 : i32
    %dma_start3A_3 = tpu.memref_slice %arg6[%dma_start3A_1, %dma_start3A_2] : memref<256x128xf32, #tpu.memory_space<vmem>> -> memref<128x128xf32, #tpu.memory_space<vmem>>
    %dma_start3A_4 = arith.constant 0 : i32
    %dma_start3A_5 = tpu.memref_slice %arg5[%dma_start3A, %dma_start3A_4] : memref<2x128xi32, #tpu.memory_space<vmem>> -> memref<1x128xi32, #tpu.memory_space<vmem>>
    %dma_start3A_6 = tpu.memref_squeeze %dma_start3A_5 : memref<1x128xi32, #tpu.memory_space<vmem>> -> memref<128xi32, #tpu.memory_space<vmem>>
    %dma_start3A_7 = arith.constant 0 : i32
    %dma_start3A_8 = arith.constant 0 : i32
    %dma_start3A_9 = tpu.memref_slice %arg2[%dma_start3A_7, %dma_start3A_8] : memref<10240x128xf32, #tpu.memory_space<hbm>> -> memref<10240x128xf32, #tpu.memory_space<hbm>>
    tpu.enqueue_indirect_dma source(%dma_start3A_9 : memref<10240x128xf32, #tpu.memory_space<hbm>>) target(%dma_start3A_3 : memref<128x128xf32, #tpu.memory_space<vmem>>) offsets(%dma_start3A_6 : memref<128xi32, #tpu.memory_space<vmem>>) semaphore(%arg7 : memref<!tpu.dma_semaphore, #tpu.memory_space<semaphore_mem>>)
    %dma_start3A_10 = arith.constant 1 : i32
    %dma_start3A_11 = arith.constant 128 : i32
    %dma_start3A_12 = arith.constant 0 : i32
    %dma_start3A_13 = tpu.memref_slice %arg6[%dma_start3A_11, %dma_start3A_12] : memref<256x128xf32, #tpu.memory_space<vmem>> -> memref<128x128xf32, #tpu.memory_space<vmem>>
    %dma_start3A_14 = arith.constant 0 : i32
    %dma_start3A_15 = tpu.memref_slice %arg5[%dma_start3A_10, %dma_start3A_14] : memref<2x128xi32, #tpu.memory_space<vmem>> -> memref<1x128xi32, #tpu.memory_space<vmem>>
    %dma_start3A_16 = tpu.memref_squeeze %dma_start3A_15 : memref<1x128xi32, #tpu.memory_space<vmem>> -> memref<128xi32, #tpu.memory_space<vmem>>
    %dma_start3A_17 = arith.constant 0 : i32
    %dma_start3A_18 = arith.constant 0 : i32
    %dma_start3A_19 = tpu.memref_slice %arg2[%dma_start3A_17, %dma_start3A_18] : memref<10240x128xf32, #tpu.memory_space<hbm>> -> memref<10240x128xf32, #tpu.memory_space<hbm>>
    tpu.enqueue_indirect_dma source(%dma_start3A_19 : memref<10240x128xf32, #tpu.memory_space<hbm>>) target(%dma_start3A_13 : memref<128x128xf32, #tpu.memory_space<vmem>>) offsets(%dma_start3A_16 : memref<128xi32, #tpu.memory_space<vmem>>) semaphore(%arg7 : memref<!tpu.dma_semaphore, #tpu.memory_space<semaphore_mem>>)
    %dma_wait3A = arith.constant 0 : i32
    %dma_wait3A_20 = arith.constant 0 : i32
    %dma_wait3A_21 = arith.constant 0 : i32
    %dma_wait3A_22 = tpu.memref_slice %arg6[%dma_wait3A_20, %dma_wait3A_21] : memref<256x128xf32, #tpu.memory_space<vmem>> -> memref<128x128xf32, #tpu.memory_space<vmem>>
    %dma_wait3A_23 = arith.constant 0 : i32
    %dma_wait3A_24 = tpu.memref_slice %arg5[%dma_wait3A, %dma_wait3A_23] : memref<2x128xi32, #tpu.memory_space<vmem>> -> memref<1x128xi32, #tpu.memory_space<vmem>>
    %dma_wait3A_25 = tpu.memref_squeeze %dma_wait3A_24 : memref<1x128xi32, #tpu.memory_space<vmem>> -> memref<128xi32, #tpu.memory_space<vmem>>
    %dma_wait3A_26 = arith.constant 0 : i32
    %dma_wait3A_27 = arith.constant 0 : i32
    %dma_wait3A_28 = tpu.memref_slice %arg2[%dma_wait3A_26, %dma_wait3A_27] : memref<10240x128xf32, #tpu.memory_space<hbm>> -> memref<10240x128xf32, #tpu.memory_space<hbm>>
    tpu.wait_indirect_dma semaphore(%arg7 : memref<!tpu.dma_semaphore, #tpu.memory_space<semaphore_mem>>) src(%dma_wait3A_28 : memref<10240x128xf32, #tpu.memory_space<hbm>>) dst(%dma_wait3A_22 : memref<128x128xf32, #tpu.memory_space<vmem>>)
    %dma_wait3A_29 = arith.constant 1 : i32
    %dma_wait3A_30 = arith.constant 128 : i32
    %dma_wait3A_31 = arith.constant 0 : i32
    %dma_wait3A_32 = tpu.memref_slice %arg6[%dma_wait3A_30, %dma_wait3A_31] : memref<256x128xf32, #tpu.memory_space<vmem>> -> memref<128x128xf32, #tpu.memory_space<vmem>>
    %dma_wait3A_33 = arith.constant 0 : i32
    %dma_wait3A_34 = tpu.memref_slice %arg5[%dma_wait3A_29, %dma_wait3A_33] : memref<2x128xi32, #tpu.memory_space<vmem>> -> memref<1x128xi32, #tpu.memory_space<vmem>>
    %dma_wait3A_35 = tpu.memref_squeeze %dma_wait3A_34 : memref<1x128xi32, #tpu.memory_space<vmem>> -> memref<128xi32, #tpu.memory_space<vmem>>
    %dma_wait3A_36 = arith.constant 0 : i32
    %dma_wait3A_37 = arith.constant 0 : i32
    %dma_wait3A_38 = tpu.memref_slice %arg2[%dma_wait3A_36, %dma_wait3A_37] : memref<10240x128xf32, #tpu.memory_space<hbm>> -> memref<10240x128xf32, #tpu.memory_space<hbm>>
    tpu.wait_indirect_dma semaphore(%arg7 : memref<!tpu.dma_semaphore, #tpu.memory_space<semaphore_mem>>) src(%dma_wait3A_38 : memref<10240x128xf32, #tpu.memory_space<hbm>>) dst(%dma_wait3A_32 : memref<128x128xf32, #tpu.memory_space<vmem>>)
    %mul3A_39 = arith.constant 256 : i32
    %mul3A_40 = arith.muli %add3A, %mul3A_39 : i32
    "tpu.region"() ({
      %run_scoped3A = tpu.sem_alloc : memref<!tpu.dma_semaphore, #tpu.memory_space<semaphore_mem>>
      %dma_start3A_41 = arith.constant 0 : i32
      %dma_start3A_42 = tpu.memref_slice %arg4[%mul3A_40, %dma_start3A_41] : memref<8192x128xf32, #tpu.memory_space<hbm>> -> memref<256x128xf32, #tpu.memory_space<hbm>>
      %dma_start3A_43 = arith.constant 0 : i32
      %dma_start3A_44 = tpu.memref_slice %arg4[%mul3A_40, %dma_start3A_43] : memref<8192x128xf32, #tpu.memory_space<hbm>> -> memref<256x128xf32, #tpu.memory_space<hbm>>
      tpu.enqueue_dma source(%arg6 : memref<256x128xf32, #tpu.memory_space<vmem>>) target(%dma_start3A_44 : memref<256x128xf32, #tpu.memory_space<hbm>>) target_semaphore(%run_scoped3A : memref<!tpu.dma_semaphore, #tpu.memory_space<semaphore_mem>>)
      %dma_wait3A_45 = arith.constant 0 : i32
      %dma_wait3A_46 = tpu.memref_slice %arg4[%mul3A_40, %dma_wait3A_45] : memref<8192x128xf32, #tpu.memory_space<hbm>> -> memref<256x128xf32, #tpu.memory_space<hbm>>
      %dma_wait3A_47 = arith.constant 0 : i32
      %dma_wait3A_48 = tpu.memref_slice %arg4[%mul3A_40, %dma_wait3A_47] : memref<8192x128xf32, #tpu.memory_space<hbm>> -> memref<256x128xf32, #tpu.memory_space<hbm>>
      tpu.wait_dma2 semaphore(%run_scoped3A : memref<!tpu.dma_semaphore, #tpu.memory_space<semaphore_mem>>) src(%arg6 : memref<256x128xf32, #tpu.memory_space<vmem>>) dst(%dma_wait3A_48 : memref<256x128xf32, #tpu.memory_space<hbm>>)
      tpu.yield
    }) : () -> ()
    return
  }
}

#map = affine_map<(d0, d1) -> (0, 0)>
#map1 = affine_map<(d0, d1) -> (0, 0, 0)>
module attributes {stable_mosaic.version = 14 : i64} {
  func.func @_scatter_body(%arg0: i32, %arg1: i32, %arg2: memref<12288x128xf32, #tpu.memory_space<hbm>>, %arg3: memref<8192x128xf32, #tpu.memory_space<hbm>>, %arg4: memref<32x3x128xi32, #tpu.memory_space<hbm>>, %arg5: memref<32x2x128xi32, #tpu.memory_space<hbm>>, %arg6: memref<128x128xf32, #tpu.memory_space<hbm>>, %arg7: memref<2x10240x128xf32, #tpu.memory_space<hbm>>, %arg8: memref<128x128xf32, #tpu.memory_space<vmem>>, %arg9: memref<128x128xf32, #tpu.memory_space<vmem>>, %arg10: memref<3x128xi32, #tpu.memory_space<vmem>>, %arg11: memref<2x128xi32, #tpu.memory_space<vmem>>, %arg12: memref<10240x128xf32, #tpu.memory_space<vmem_shared>>, %arg13: memref<!tpu.dma_semaphore, #tpu.memory_space<semaphore_mem>>, %arg14: memref<!tpu.dma_semaphore, #tpu.memory_space<semaphore_mem>>) attributes {dimension_semantics = [#tpu.dimension_semantics<core_parallel>, #tpu.dimension_semantics<subcore_parallel>], iteration_bounds = array<i64: 2, 16>, scalar_prefetch = 0 : i64, scratch_operands = 7 : i64, tpu.core_type = #tpu.core_type<sc_vector_subcore>, window_params = [{transform_indices = #map}, {transform_indices = #map}, {transform_indices = #map1}, {transform_indices = #map1}, {transform_indices = #map}, {transform_indices = #map1}]} {
    %mul3A = arith.constant 2 : i32
    %mul3A_0 = arith.muli %arg1, %mul3A : i32
    %add3A = arith.addi %mul3A_0, %arg0 : i32
    "tpu.region"() ({
      %run_scoped3A_98 = tpu.sem_alloc : memref<!tpu.dma_semaphore, #tpu.memory_space<semaphore_mem>>
      tpu.enqueue_dma source(%arg6 : memref<128x128xf32, #tpu.memory_space<hbm>>) target(%arg8 : memref<128x128xf32, #tpu.memory_space<vmem>>) target_semaphore(%run_scoped3A_98 : memref<!tpu.dma_semaphore, #tpu.memory_space<semaphore_mem>>)
      tpu.wait_dma2 semaphore(%run_scoped3A_98 : memref<!tpu.dma_semaphore, #tpu.memory_space<semaphore_mem>>) src(%arg6 : memref<128x128xf32, #tpu.memory_space<hbm>>) dst(%arg8 : memref<128x128xf32, #tpu.memory_space<vmem>>)
      tpu.yield
    }) : () -> ()
    %mul3A_1 = arith.constant 640 : i32
    %mul3A_2 = arith.muli %arg1, %mul3A_1 : i32
    %add3A_3 = arith.constant 0 : i32
    %add3A_4 = arith.addi %mul3A_2, %add3A_3 : i32
    "tpu.region"() ({
      %run_scoped3A_98 = tpu.sem_alloc : memref<!tpu.dma_semaphore, #tpu.memory_space<semaphore_mem>>
      %dma_start3A_99 = arith.constant 0 : i32
      %dma_start3A_100 = tpu.memref_slice %arg12[%add3A_4, %dma_start3A_99] : memref<10240x128xf32, #tpu.memory_space<vmem_shared>> -> memref<128x128xf32, #tpu.memory_space<vmem_shared>>
      %dma_start3A_101 = arith.constant 0 : i32
      %dma_start3A_102 = tpu.memref_slice %arg12[%add3A_4, %dma_start3A_101] : memref<10240x128xf32, #tpu.memory_space<vmem_shared>> -> memref<128x128xf32, #tpu.memory_space<vmem_shared>>
      tpu.enqueue_dma source(%arg8 : memref<128x128xf32, #tpu.memory_space<vmem>>) target(%dma_start3A_102 : memref<128x128xf32, #tpu.memory_space<vmem_shared>>) target_semaphore(%run_scoped3A_98 : memref<!tpu.dma_semaphore, #tpu.memory_space<semaphore_mem>>)
      %dma_wait3A_103 = arith.constant 0 : i32
      %dma_wait3A_104 = tpu.memref_slice %arg12[%add3A_4, %dma_wait3A_103] : memref<10240x128xf32, #tpu.memory_space<vmem_shared>> -> memref<128x128xf32, #tpu.memory_space<vmem_shared>>
      %dma_wait3A_105 = arith.constant 0 : i32
      %dma_wait3A_106 = tpu.memref_slice %arg12[%add3A_4, %dma_wait3A_105] : memref<10240x128xf32, #tpu.memory_space<vmem_shared>> -> memref<128x128xf32, #tpu.memory_space<vmem_shared>>
      tpu.wait_dma2 semaphore(%run_scoped3A_98 : memref<!tpu.dma_semaphore, #tpu.memory_space<semaphore_mem>>) src(%arg8 : memref<128x128xf32, #tpu.memory_space<vmem>>) dst(%dma_wait3A_106 : memref<128x128xf32, #tpu.memory_space<vmem_shared>>)
      tpu.yield
    }) : () -> ()
    %mul3A_5 = arith.constant 640 : i32
    %mul3A_6 = arith.muli %arg1, %mul3A_5 : i32
    %add3A_7 = arith.constant 128 : i32
    %add3A_8 = arith.addi %mul3A_6, %add3A_7 : i32
    "tpu.region"() ({
      %run_scoped3A_98 = tpu.sem_alloc : memref<!tpu.dma_semaphore, #tpu.memory_space<semaphore_mem>>
      %dma_start3A_99 = arith.constant 0 : i32
      %dma_start3A_100 = tpu.memref_slice %arg12[%add3A_8, %dma_start3A_99] : memref<10240x128xf32, #tpu.memory_space<vmem_shared>> -> memref<128x128xf32, #tpu.memory_space<vmem_shared>>
      %dma_start3A_101 = arith.constant 0 : i32
      %dma_start3A_102 = tpu.memref_slice %arg12[%add3A_8, %dma_start3A_101] : memref<10240x128xf32, #tpu.memory_space<vmem_shared>> -> memref<128x128xf32, #tpu.memory_space<vmem_shared>>
      tpu.enqueue_dma source(%arg8 : memref<128x128xf32, #tpu.memory_space<vmem>>) target(%dma_start3A_102 : memref<128x128xf32, #tpu.memory_space<vmem_shared>>) target_semaphore(%run_scoped3A_98 : memref<!tpu.dma_semaphore, #tpu.memory_space<semaphore_mem>>)
      %dma_wait3A_103 = arith.constant 0 : i32
      %dma_wait3A_104 = tpu.memref_slice %arg12[%add3A_8, %dma_wait3A_103] : memref<10240x128xf32, #tpu.memory_space<vmem_shared>> -> memref<128x128xf32, #tpu.memory_space<vmem_shared>>
      %dma_wait3A_105 = arith.constant 0 : i32
      %dma_wait3A_106 = tpu.memref_slice %arg12[%add3A_8, %dma_wait3A_105] : memref<10240x128xf32, #tpu.memory_space<vmem_shared>> -> memref<128x128xf32, #tpu.memory_space<vmem_shared>>
      tpu.wait_dma2 semaphore(%run_scoped3A_98 : memref<!tpu.dma_semaphore, #tpu.memory_space<semaphore_mem>>) src(%arg8 : memref<128x128xf32, #tpu.memory_space<vmem>>) dst(%dma_wait3A_106 : memref<128x128xf32, #tpu.memory_space<vmem_shared>>)
      tpu.yield
    }) : () -> ()
    %mul3A_9 = arith.constant 640 : i32
    %mul3A_10 = arith.muli %arg1, %mul3A_9 : i32
    %add3A_11 = arith.constant 256 : i32
    %add3A_12 = arith.addi %mul3A_10, %add3A_11 : i32
    "tpu.region"() ({
      %run_scoped3A_98 = tpu.sem_alloc : memref<!tpu.dma_semaphore, #tpu.memory_space<semaphore_mem>>
      %dma_start3A_99 = arith.constant 0 : i32
      %dma_start3A_100 = tpu.memref_slice %arg12[%add3A_12, %dma_start3A_99] : memref<10240x128xf32, #tpu.memory_space<vmem_shared>> -> memref<128x128xf32, #tpu.memory_space<vmem_shared>>
      %dma_start3A_101 = arith.constant 0 : i32
      %dma_start3A_102 = tpu.memref_slice %arg12[%add3A_12, %dma_start3A_101] : memref<10240x128xf32, #tpu.memory_space<vmem_shared>> -> memref<128x128xf32, #tpu.memory_space<vmem_shared>>
      tpu.enqueue_dma source(%arg8 : memref<128x128xf32, #tpu.memory_space<vmem>>) target(%dma_start3A_102 : memref<128x128xf32, #tpu.memory_space<vmem_shared>>) target_semaphore(%run_scoped3A_98 : memref<!tpu.dma_semaphore, #tpu.memory_space<semaphore_mem>>)
      %dma_wait3A_103 = arith.constant 0 : i32
      %dma_wait3A_104 = tpu.memref_slice %arg12[%add3A_12, %dma_wait3A_103] : memref<10240x128xf32, #tpu.memory_space<vmem_shared>> -> memref<128x128xf32, #tpu.memory_space<vmem_shared>>
      %dma_wait3A_105 = arith.constant 0 : i32
      %dma_wait3A_106 = tpu.memref_slice %arg12[%add3A_12, %dma_wait3A_105] : memref<10240x128xf32, #tpu.memory_space<vmem_shared>> -> memref<128x128xf32, #tpu.memory_space<vmem_shared>>
      tpu.wait_dma2 semaphore(%run_scoped3A_98 : memref<!tpu.dma_semaphore, #tpu.memory_space<semaphore_mem>>) src(%arg8 : memref<128x128xf32, #tpu.memory_space<vmem>>) dst(%dma_wait3A_106 : memref<128x128xf32, #tpu.memory_space<vmem_shared>>)
      tpu.yield
    }) : () -> ()
    %mul3A_13 = arith.constant 640 : i32
    %mul3A_14 = arith.muli %arg1, %mul3A_13 : i32
    %add3A_15 = arith.constant 384 : i32
    %add3A_16 = arith.addi %mul3A_14, %add3A_15 : i32
    "tpu.region"() ({
      %run_scoped3A_98 = tpu.sem_alloc : memref<!tpu.dma_semaphore, #tpu.memory_space<semaphore_mem>>
      %dma_start3A_99 = arith.constant 0 : i32
      %dma_start3A_100 = tpu.memref_slice %arg12[%add3A_16, %dma_start3A_99] : memref<10240x128xf32, #tpu.memory_space<vmem_shared>> -> memref<128x128xf32, #tpu.memory_space<vmem_shared>>
      %dma_start3A_101 = arith.constant 0 : i32
      %dma_start3A_102 = tpu.memref_slice %arg12[%add3A_16, %dma_start3A_101] : memref<10240x128xf32, #tpu.memory_space<vmem_shared>> -> memref<128x128xf32, #tpu.memory_space<vmem_shared>>
      tpu.enqueue_dma source(%arg8 : memref<128x128xf32, #tpu.memory_space<vmem>>) target(%dma_start3A_102 : memref<128x128xf32, #tpu.memory_space<vmem_shared>>) target_semaphore(%run_scoped3A_98 : memref<!tpu.dma_semaphore, #tpu.memory_space<semaphore_mem>>)
      %dma_wait3A_103 = arith.constant 0 : i32
      %dma_wait3A_104 = tpu.memref_slice %arg12[%add3A_16, %dma_wait3A_103] : memref<10240x128xf32, #tpu.memory_space<vmem_shared>> -> memref<128x128xf32, #tpu.memory_space<vmem_shared>>
      %dma_wait3A_105 = arith.constant 0 : i32
      %dma_wait3A_106 = tpu.memref_slice %arg12[%add3A_16, %dma_wait3A_105] : memref<10240x128xf32, #tpu.memory_space<vmem_shared>> -> memref<128x128xf32, #tpu.memory_space<vmem_shared>>
      tpu.wait_dma2 semaphore(%run_scoped3A_98 : memref<!tpu.dma_semaphore, #tpu.memory_space<semaphore_mem>>) src(%arg8 : memref<128x128xf32, #tpu.memory_space<vmem>>) dst(%dma_wait3A_106 : memref<128x128xf32, #tpu.memory_space<vmem_shared>>)
      tpu.yield
    }) : () -> ()
    %mul3A_17 = arith.constant 640 : i32
    %mul3A_18 = arith.muli %arg1, %mul3A_17 : i32
    %add3A_19 = arith.constant 512 : i32
    %add3A_20 = arith.addi %mul3A_18, %add3A_19 : i32
    "tpu.region"() ({
      %run_scoped3A_98 = tpu.sem_alloc : memref<!tpu.dma_semaphore, #tpu.memory_space<semaphore_mem>>
      %dma_start3A_99 = arith.constant 0 : i32
      %dma_start3A_100 = tpu.memref_slice %arg12[%add3A_20, %dma_start3A_99] : memref<10240x128xf32, #tpu.memory_space<vmem_shared>> -> memref<128x128xf32, #tpu.memory_space<vmem_shared>>
      %dma_start3A_101 = arith.constant 0 : i32
      %dma_start3A_102 = tpu.memref_slice %arg12[%add3A_20, %dma_start3A_101] : memref<10240x128xf32, #tpu.memory_space<vmem_shared>> -> memref<128x128xf32, #tpu.memory_space<vmem_shared>>
      tpu.enqueue_dma source(%arg8 : memref<128x128xf32, #tpu.memory_space<vmem>>) target(%dma_start3A_102 : memref<128x128xf32, #tpu.memory_space<vmem_shared>>) target_semaphore(%run_scoped3A_98 : memref<!tpu.dma_semaphore, #tpu.memory_space<semaphore_mem>>)
      %dma_wait3A_103 = arith.constant 0 : i32
      %dma_wait3A_104 = tpu.memref_slice %arg12[%add3A_20, %dma_wait3A_103] : memref<10240x128xf32, #tpu.memory_space<vmem_shared>> -> memref<128x128xf32, #tpu.memory_space<vmem_shared>>
      %dma_wait3A_105 = arith.constant 0 : i32
      %dma_wait3A_106 = tpu.memref_slice %arg12[%add3A_20, %dma_wait3A_105] : memref<10240x128xf32, #tpu.memory_space<vmem_shared>> -> memref<128x128xf32, #tpu.memory_space<vmem_shared>>
      tpu.wait_dma2 semaphore(%run_scoped3A_98 : memref<!tpu.dma_semaphore, #tpu.memory_space<semaphore_mem>>) src(%arg8 : memref<128x128xf32, #tpu.memory_space<vmem>>) dst(%dma_wait3A_106 : memref<128x128xf32, #tpu.memory_space<vmem_shared>>)
      tpu.yield
    }) : () -> ()
    "tpu.region"() ({
      %run_scoped3A_98 = tpu.sem_alloc : memref<!tpu.dma_semaphore, #tpu.memory_space<semaphore_mem>>
      %dma_start3A_99 = arith.constant 0 : i32
      %dma_start3A_100 = arith.constant 0 : i32
      %dma_start3A_101 = tpu.memref_slice %arg4[%add3A, %dma_start3A_99, %dma_start3A_100] : memref<32x3x128xi32, #tpu.memory_space<hbm>> -> memref<1x3x128xi32, #tpu.memory_space<hbm>>
      %dma_start3A_102 = tpu.memref_squeeze %dma_start3A_101 : memref<1x3x128xi32, #tpu.memory_space<hbm>> -> memref<3x128xi32, #tpu.memory_space<hbm>>
      %dma_start3A_103 = arith.constant 0 : i32
      %dma_start3A_104 = arith.constant 0 : i32
      %dma_start3A_105 = tpu.memref_slice %arg4[%add3A, %dma_start3A_103, %dma_start3A_104] : memref<32x3x128xi32, #tpu.memory_space<hbm>> -> memref<1x3x128xi32, #tpu.memory_space<hbm>>
      %dma_start3A_106 = tpu.memref_squeeze %dma_start3A_105 : memref<1x3x128xi32, #tpu.memory_space<hbm>> -> memref<3x128xi32, #tpu.memory_space<hbm>>
      tpu.enqueue_dma source(%dma_start3A_106 : memref<3x128xi32, #tpu.memory_space<hbm>>) target(%arg10 : memref<3x128xi32, #tpu.memory_space<vmem>>) target_semaphore(%run_scoped3A_98 : memref<!tpu.dma_semaphore, #tpu.memory_space<semaphore_mem>>)
      %dma_wait3A_107 = arith.constant 0 : i32
      %dma_wait3A_108 = arith.constant 0 : i32
      %dma_wait3A_109 = tpu.memref_slice %arg4[%add3A, %dma_wait3A_107, %dma_wait3A_108] : memref<32x3x128xi32, #tpu.memory_space<hbm>> -> memref<1x3x128xi32, #tpu.memory_space<hbm>>
      %dma_wait3A_110 = tpu.memref_squeeze %dma_wait3A_109 : memref<1x3x128xi32, #tpu.memory_space<hbm>> -> memref<3x128xi32, #tpu.memory_space<hbm>>
      %dma_wait3A_111 = arith.constant 0 : i32
      %dma_wait3A_112 = arith.constant 0 : i32
      %dma_wait3A_113 = tpu.memref_slice %arg4[%add3A, %dma_wait3A_111, %dma_wait3A_112] : memref<32x3x128xi32, #tpu.memory_space<hbm>> -> memref<1x3x128xi32, #tpu.memory_space<hbm>>
      %dma_wait3A_114 = tpu.memref_squeeze %dma_wait3A_113 : memref<1x3x128xi32, #tpu.memory_space<hbm>> -> memref<3x128xi32, #tpu.memory_space<hbm>>
      tpu.wait_dma2 semaphore(%run_scoped3A_98 : memref<!tpu.dma_semaphore, #tpu.memory_space<semaphore_mem>>) src(%dma_wait3A_114 : memref<3x128xi32, #tpu.memory_space<hbm>>) dst(%arg10 : memref<3x128xi32, #tpu.memory_space<vmem>>)
      tpu.yield
    }) : () -> ()
    "tpu.region"() ({
      %run_scoped3A_98 = tpu.sem_alloc : memref<!tpu.dma_semaphore, #tpu.memory_space<semaphore_mem>>
      %dma_start3A_99 = arith.constant 0 : i32
      %dma_start3A_100 = arith.constant 0 : i32
      %dma_start3A_101 = tpu.memref_slice %arg5[%add3A, %dma_start3A_99, %dma_start3A_100] : memref<32x2x128xi32, #tpu.memory_space<hbm>> -> memref<1x2x128xi32, #tpu.memory_space<hbm>>
      %dma_start3A_102 = tpu.memref_squeeze %dma_start3A_101 : memref<1x2x128xi32, #tpu.memory_space<hbm>> -> memref<2x128xi32, #tpu.memory_space<hbm>>
      %dma_start3A_103 = arith.constant 0 : i32
      %dma_start3A_104 = arith.constant 0 : i32
      %dma_start3A_105 = tpu.memref_slice %arg5[%add3A, %dma_start3A_103, %dma_start3A_104] : memref<32x2x128xi32, #tpu.memory_space<hbm>> -> memref<1x2x128xi32, #tpu.memory_space<hbm>>
      %dma_start3A_106 = tpu.memref_squeeze %dma_start3A_105 : memref<1x2x128xi32, #tpu.memory_space<hbm>> -> memref<2x128xi32, #tpu.memory_space<hbm>>
      tpu.enqueue_dma source(%dma_start3A_106 : memref<2x128xi32, #tpu.memory_space<hbm>>) target(%arg11 : memref<2x128xi32, #tpu.memory_space<vmem>>) target_semaphore(%run_scoped3A_98 : memref<!tpu.dma_semaphore, #tpu.memory_space<semaphore_mem>>)
      %dma_wait3A_107 = arith.constant 0 : i32
      %dma_wait3A_108 = arith.constant 0 : i32
      %dma_wait3A_109 = tpu.memref_slice %arg5[%add3A, %dma_wait3A_107, %dma_wait3A_108] : memref<32x2x128xi32, #tpu.memory_space<hbm>> -> memref<1x2x128xi32, #tpu.memory_space<hbm>>
      %dma_wait3A_110 = tpu.memref_squeeze %dma_wait3A_109 : memref<1x2x128xi32, #tpu.memory_space<hbm>> -> memref<2x128xi32, #tpu.memory_space<hbm>>
      %dma_wait3A_111 = arith.constant 0 : i32
      %dma_wait3A_112 = arith.constant 0 : i32
      %dma_wait3A_113 = tpu.memref_slice %arg5[%add3A, %dma_wait3A_111, %dma_wait3A_112] : memref<32x2x128xi32, #tpu.memory_space<hbm>> -> memref<1x2x128xi32, #tpu.memory_space<hbm>>
      %dma_wait3A_114 = tpu.memref_squeeze %dma_wait3A_113 : memref<1x2x128xi32, #tpu.memory_space<hbm>> -> memref<2x128xi32, #tpu.memory_space<hbm>>
      tpu.wait_dma2 semaphore(%run_scoped3A_98 : memref<!tpu.dma_semaphore, #tpu.memory_space<semaphore_mem>>) src(%dma_wait3A_114 : memref<2x128xi32, #tpu.memory_space<hbm>>) dst(%arg11 : memref<2x128xi32, #tpu.memory_space<vmem>>)
      tpu.yield
    }) : () -> ()
    %mul3A_21 = arith.constant 3 : i32
    %mul3A_22 = arith.muli %add3A, %mul3A_21 : i32
    %mul3A_23 = arith.constant 128 : i32
    %mul3A_24 = arith.muli %mul3A_22, %mul3A_23 : i32
    %add3A_25 = arith.constant 0 : i32
    %add3A_26 = arith.addi %mul3A_24, %add3A_25 : i32
    %dma_start3A = arith.constant 0 : i32
    %dma_start3A_27 = tpu.memref_slice %arg2[%add3A_26, %dma_start3A] : memref<12288x128xf32, #tpu.memory_space<hbm>> -> memref<128x128xf32, #tpu.memory_space<hbm>>
    %dma_start3A_28 = arith.constant 0 : i32
    %dma_start3A_29 = tpu.memref_slice %arg2[%add3A_26, %dma_start3A_28] : memref<12288x128xf32, #tpu.memory_space<hbm>> -> memref<128x128xf32, #tpu.memory_space<hbm>>
    tpu.enqueue_dma source(%dma_start3A_29 : memref<128x128xf32, #tpu.memory_space<hbm>>) target(%arg8 : memref<128x128xf32, #tpu.memory_space<vmem>>) target_semaphore(%arg13 : memref<!tpu.dma_semaphore, #tpu.memory_space<semaphore_mem>>)
    %barrier3A = arith.constant 0 : index
    tpu.barrier barrier_id(%barrier3A)
    %mul3A_30 = arith.constant 3 : i32
    %mul3A_31 = arith.muli %add3A, %mul3A_30 : i32
    %mul3A_32 = arith.constant 128 : i32
    %mul3A_33 = arith.muli %mul3A_31, %mul3A_32 : i32
    %add3A_34 = arith.constant 128 : i32
    %add3A_35 = arith.addi %mul3A_33, %add3A_34 : i32
    %dma_start3A_36 = arith.constant 0 : i32
    %dma_start3A_37 = tpu.memref_slice %arg2[%add3A_35, %dma_start3A_36] : memref<12288x128xf32, #tpu.memory_space<hbm>> -> memref<128x128xf32, #tpu.memory_space<hbm>>
    %dma_start3A_38 = arith.constant 0 : i32
    %dma_start3A_39 = tpu.memref_slice %arg2[%add3A_35, %dma_start3A_38] : memref<12288x128xf32, #tpu.memory_space<hbm>> -> memref<128x128xf32, #tpu.memory_space<hbm>>
    tpu.enqueue_dma source(%dma_start3A_39 : memref<128x128xf32, #tpu.memory_space<hbm>>) target(%arg9 : memref<128x128xf32, #tpu.memory_space<vmem>>) target_semaphore(%arg14 : memref<!tpu.dma_semaphore, #tpu.memory_space<semaphore_mem>>)
    %dma_wait3A = arith.constant 0 : i32
    %dma_wait3A_40 = tpu.memref_slice %arg2[%add3A_26, %dma_wait3A] : memref<12288x128xf32, #tpu.memory_space<hbm>> -> memref<128x128xf32, #tpu.memory_space<hbm>>
    %dma_wait3A_41 = arith.constant 0 : i32
    %dma_wait3A_42 = tpu.memref_slice %arg2[%add3A_26, %dma_wait3A_41] : memref<12288x128xf32, #tpu.memory_space<hbm>> -> memref<128x128xf32, #tpu.memory_space<hbm>>
    tpu.wait_dma2 semaphore(%arg13 : memref<!tpu.dma_semaphore, #tpu.memory_space<semaphore_mem>>) src(%dma_wait3A_42 : memref<128x128xf32, #tpu.memory_space<hbm>>) dst(%arg8 : memref<128x128xf32, #tpu.memory_space<vmem>>)
    %run_scoped3A = arith.constant 0 : i32
    "tpu.region"() ({
      %run_scoped3A_98 = tpu.sem_alloc : memref<!tpu.dma_semaphore, #tpu.memory_space<semaphore_mem>>
      %dma_start3A_99 = arith.constant 0 : i32
      %dma_start3A_100 = tpu.memref_slice %arg10[%run_scoped3A, %dma_start3A_99] : memref<3x128xi32, #tpu.memory_space<vmem>> -> memref<1x128xi32, #tpu.memory_space<vmem>>
      %dma_start3A_101 = tpu.memref_squeeze %dma_start3A_100 : memref<1x128xi32, #tpu.memory_space<vmem>> -> memref<128xi32, #tpu.memory_space<vmem>>
      %dma_start3A_102 = arith.constant 0 : i32
      %dma_start3A_103 = arith.constant 0 : i32
      %dma_start3A_104 = tpu.memref_slice %arg12[%dma_start3A_102, %dma_start3A_103] : memref<10240x128xf32, #tpu.memory_space<vmem_shared>> -> memref<10240x128xf32, #tpu.memory_space<vmem_shared>>
      tpu.enqueue_indirect_dma source(%arg8 : memref<128x128xf32, #tpu.memory_space<vmem>>) target(%dma_start3A_104 : memref<10240x128xf32, #tpu.memory_space<vmem_shared>>) offsets(%dma_start3A_101 : memref<128xi32, #tpu.memory_space<vmem>>) semaphore(%run_scoped3A_98 : memref<!tpu.dma_semaphore, #tpu.memory_space<semaphore_mem>>) {add = true}
      %dma_wait3A_105 = arith.constant 0 : i32
      %dma_wait3A_106 = tpu.memref_slice %arg10[%run_scoped3A, %dma_wait3A_105] : memref<3x128xi32, #tpu.memory_space<vmem>> -> memref<1x128xi32, #tpu.memory_space<vmem>>
      %dma_wait3A_107 = tpu.memref_squeeze %dma_wait3A_106 : memref<1x128xi32, #tpu.memory_space<vmem>> -> memref<128xi32, #tpu.memory_space<vmem>>
      %dma_wait3A_108 = arith.constant 0 : i32
      %dma_wait3A_109 = arith.constant 0 : i32
      %dma_wait3A_110 = tpu.memref_slice %arg12[%dma_wait3A_108, %dma_wait3A_109] : memref<10240x128xf32, #tpu.memory_space<vmem_shared>> -> memref<10240x128xf32, #tpu.memory_space<vmem_shared>>
      tpu.wait_indirect_dma semaphore(%run_scoped3A_98 : memref<!tpu.dma_semaphore, #tpu.memory_space<semaphore_mem>>) src(%arg8 : memref<128x128xf32, #tpu.memory_space<vmem>>) dst(%dma_wait3A_110 : memref<10240x128xf32, #tpu.memory_space<vmem_shared>>)
      tpu.yield
    }) : () -> ()
    %mul3A_43 = arith.constant 3 : i32
    %mul3A_44 = arith.muli %add3A, %mul3A_43 : i32
    %mul3A_45 = arith.constant 128 : i32
    %mul3A_46 = arith.muli %mul3A_44, %mul3A_45 : i32
    %add3A_47 = arith.constant 256 : i32
    %add3A_48 = arith.addi %mul3A_46, %add3A_47 : i32
    %dma_start3A_49 = arith.constant 0 : i32
    %dma_start3A_50 = tpu.memref_slice %arg2[%add3A_48, %dma_start3A_49] : memref<12288x128xf32, #tpu.memory_space<hbm>> -> memref<128x128xf32, #tpu.memory_space<hbm>>
    %dma_start3A_51 = arith.constant 0 : i32
    %dma_start3A_52 = tpu.memref_slice %arg2[%add3A_48, %dma_start3A_51] : memref<12288x128xf32, #tpu.memory_space<hbm>> -> memref<128x128xf32, #tpu.memory_space<hbm>>
    tpu.enqueue_dma source(%dma_start3A_52 : memref<128x128xf32, #tpu.memory_space<hbm>>) target(%arg8 : memref<128x128xf32, #tpu.memory_space<vmem>>) target_semaphore(%arg13 : memref<!tpu.dma_semaphore, #tpu.memory_space<semaphore_mem>>)
    %dma_wait3A_53 = arith.constant 0 : i32
    %dma_wait3A_54 = tpu.memref_slice %arg2[%add3A_35, %dma_wait3A_53] : memref<12288x128xf32, #tpu.memory_space<hbm>> -> memref<128x128xf32, #tpu.memory_space<hbm>>
    %dma_wait3A_55 = arith.constant 0 : i32
    %dma_wait3A_56 = tpu.memref_slice %arg2[%add3A_35, %dma_wait3A_55] : memref<12288x128xf32, #tpu.memory_space<hbm>> -> memref<128x128xf32, #tpu.memory_space<hbm>>
    tpu.wait_dma2 semaphore(%arg14 : memref<!tpu.dma_semaphore, #tpu.memory_space<semaphore_mem>>) src(%dma_wait3A_56 : memref<128x128xf32, #tpu.memory_space<hbm>>) dst(%arg9 : memref<128x128xf32, #tpu.memory_space<vmem>>)
    %run_scoped3A_57 = arith.constant 1 : i32
    "tpu.region"() ({
      %run_scoped3A_98 = tpu.sem_alloc : memref<!tpu.dma_semaphore, #tpu.memory_space<semaphore_mem>>
      %dma_start3A_99 = arith.constant 0 : i32
      %dma_start3A_100 = tpu.memref_slice %arg10[%run_scoped3A_57, %dma_start3A_99] : memref<3x128xi32, #tpu.memory_space<vmem>> -> memref<1x128xi32, #tpu.memory_space<vmem>>
      %dma_start3A_101 = tpu.memref_squeeze %dma_start3A_100 : memref<1x128xi32, #tpu.memory_space<vmem>> -> memref<128xi32, #tpu.memory_space<vmem>>
      %dma_start3A_102 = arith.constant 0 : i32
      %dma_start3A_103 = arith.constant 0 : i32
      %dma_start3A_104 = tpu.memref_slice %arg12[%dma_start3A_102, %dma_start3A_103] : memref<10240x128xf32, #tpu.memory_space<vmem_shared>> -> memref<10240x128xf32, #tpu.memory_space<vmem_shared>>
      tpu.enqueue_indirect_dma source(%arg9 : memref<128x128xf32, #tpu.memory_space<vmem>>) target(%dma_start3A_104 : memref<10240x128xf32, #tpu.memory_space<vmem_shared>>) offsets(%dma_start3A_101 : memref<128xi32, #tpu.memory_space<vmem>>) semaphore(%run_scoped3A_98 : memref<!tpu.dma_semaphore, #tpu.memory_space<semaphore_mem>>) {add = true}
      %dma_wait3A_105 = arith.constant 0 : i32
      %dma_wait3A_106 = tpu.memref_slice %arg10[%run_scoped3A_57, %dma_wait3A_105] : memref<3x128xi32, #tpu.memory_space<vmem>> -> memref<1x128xi32, #tpu.memory_space<vmem>>
      %dma_wait3A_107 = tpu.memref_squeeze %dma_wait3A_106 : memref<1x128xi32, #tpu.memory_space<vmem>> -> memref<128xi32, #tpu.memory_space<vmem>>
      %dma_wait3A_108 = arith.constant 0 : i32
      %dma_wait3A_109 = arith.constant 0 : i32
      %dma_wait3A_110 = tpu.memref_slice %arg12[%dma_wait3A_108, %dma_wait3A_109] : memref<10240x128xf32, #tpu.memory_space<vmem_shared>> -> memref<10240x128xf32, #tpu.memory_space<vmem_shared>>
      tpu.wait_indirect_dma semaphore(%run_scoped3A_98 : memref<!tpu.dma_semaphore, #tpu.memory_space<semaphore_mem>>) src(%arg9 : memref<128x128xf32, #tpu.memory_space<vmem>>) dst(%dma_wait3A_110 : memref<10240x128xf32, #tpu.memory_space<vmem_shared>>)
      tpu.yield
    }) : () -> ()
    %mul3A_58 = arith.constant 2 : i32
    %mul3A_59 = arith.muli %add3A, %mul3A_58 : i32
    %mul3A_60 = arith.constant 128 : i32
    %mul3A_61 = arith.muli %mul3A_59, %mul3A_60 : i32
    %add3A_62 = arith.constant 0 : i32
    %add3A_63 = arith.addi %mul3A_61, %add3A_62 : i32
    %dma_start3A_64 = arith.constant 0 : i32
    %dma_start3A_65 = tpu.memref_slice %arg3[%add3A_63, %dma_start3A_64] : memref<8192x128xf32, #tpu.memory_space<hbm>> -> memref<128x128xf32, #tpu.memory_space<hbm>>
    %dma_start3A_66 = arith.constant 0 : i32
    %dma_start3A_67 = tpu.memref_slice %arg3[%add3A_63, %dma_start3A_66] : memref<8192x128xf32, #tpu.memory_space<hbm>> -> memref<128x128xf32, #tpu.memory_space<hbm>>
    tpu.enqueue_dma source(%dma_start3A_67 : memref<128x128xf32, #tpu.memory_space<hbm>>) target(%arg9 : memref<128x128xf32, #tpu.memory_space<vmem>>) target_semaphore(%arg14 : memref<!tpu.dma_semaphore, #tpu.memory_space<semaphore_mem>>)
    %dma_wait3A_68 = arith.constant 0 : i32
    %dma_wait3A_69 = tpu.memref_slice %arg2[%add3A_48, %dma_wait3A_68] : memref<12288x128xf32, #tpu.memory_space<hbm>> -> memref<128x128xf32, #tpu.memory_space<hbm>>
    %dma_wait3A_70 = arith.constant 0 : i32
    %dma_wait3A_71 = tpu.memref_slice %arg2[%add3A_48, %dma_wait3A_70] : memref<12288x128xf32, #tpu.memory_space<hbm>> -> memref<128x128xf32, #tpu.memory_space<hbm>>
    tpu.wait_dma2 semaphore(%arg13 : memref<!tpu.dma_semaphore, #tpu.memory_space<semaphore_mem>>) src(%dma_wait3A_71 : memref<128x128xf32, #tpu.memory_space<hbm>>) dst(%arg8 : memref<128x128xf32, #tpu.memory_space<vmem>>)
    %run_scoped3A_72 = arith.constant 2 : i32
    "tpu.region"() ({
      %run_scoped3A_98 = tpu.sem_alloc : memref<!tpu.dma_semaphore, #tpu.memory_space<semaphore_mem>>
      %dma_start3A_99 = arith.constant 0 : i32
      %dma_start3A_100 = tpu.memref_slice %arg10[%run_scoped3A_72, %dma_start3A_99] : memref<3x128xi32, #tpu.memory_space<vmem>> -> memref<1x128xi32, #tpu.memory_space<vmem>>
      %dma_start3A_101 = tpu.memref_squeeze %dma_start3A_100 : memref<1x128xi32, #tpu.memory_space<vmem>> -> memref<128xi32, #tpu.memory_space<vmem>>
      %dma_start3A_102 = arith.constant 0 : i32
      %dma_start3A_103 = arith.constant 0 : i32
      %dma_start3A_104 = tpu.memref_slice %arg12[%dma_start3A_102, %dma_start3A_103] : memref<10240x128xf32, #tpu.memory_space<vmem_shared>> -> memref<10240x128xf32, #tpu.memory_space<vmem_shared>>
      tpu.enqueue_indirect_dma source(%arg8 : memref<128x128xf32, #tpu.memory_space<vmem>>) target(%dma_start3A_104 : memref<10240x128xf32, #tpu.memory_space<vmem_shared>>) offsets(%dma_start3A_101 : memref<128xi32, #tpu.memory_space<vmem>>) semaphore(%run_scoped3A_98 : memref<!tpu.dma_semaphore, #tpu.memory_space<semaphore_mem>>) {add = true}
      %dma_wait3A_105 = arith.constant 0 : i32
      %dma_wait3A_106 = tpu.memref_slice %arg10[%run_scoped3A_72, %dma_wait3A_105] : memref<3x128xi32, #tpu.memory_space<vmem>> -> memref<1x128xi32, #tpu.memory_space<vmem>>
      %dma_wait3A_107 = tpu.memref_squeeze %dma_wait3A_106 : memref<1x128xi32, #tpu.memory_space<vmem>> -> memref<128xi32, #tpu.memory_space<vmem>>
      %dma_wait3A_108 = arith.constant 0 : i32
      %dma_wait3A_109 = arith.constant 0 : i32
      %dma_wait3A_110 = tpu.memref_slice %arg12[%dma_wait3A_108, %dma_wait3A_109] : memref<10240x128xf32, #tpu.memory_space<vmem_shared>> -> memref<10240x128xf32, #tpu.memory_space<vmem_shared>>
      tpu.wait_indirect_dma semaphore(%run_scoped3A_98 : memref<!tpu.dma_semaphore, #tpu.memory_space<semaphore_mem>>) src(%arg8 : memref<128x128xf32, #tpu.memory_space<vmem>>) dst(%dma_wait3A_110 : memref<10240x128xf32, #tpu.memory_space<vmem_shared>>)
      tpu.yield
    }) : () -> ()
    %mul3A_73 = arith.constant 2 : i32
    %mul3A_74 = arith.muli %add3A, %mul3A_73 : i32
    %mul3A_75 = arith.constant 128 : i32
    %mul3A_76 = arith.muli %mul3A_74, %mul3A_75 : i32
    %add3A_77 = arith.constant 128 : i32
    %add3A_78 = arith.addi %mul3A_76, %add3A_77 : i32
    %dma_start3A_79 = arith.constant 0 : i32
    %dma_start3A_80 = tpu.memref_slice %arg3[%add3A_78, %dma_start3A_79] : memref<8192x128xf32, #tpu.memory_space<hbm>> -> memref<128x128xf32, #tpu.memory_space<hbm>>
    %dma_start3A_81 = arith.constant 0 : i32
    %dma_start3A_82 = tpu.memref_slice %arg3[%add3A_78, %dma_start3A_81] : memref<8192x128xf32, #tpu.memory_space<hbm>> -> memref<128x128xf32, #tpu.memory_space<hbm>>
    tpu.enqueue_dma source(%dma_start3A_82 : memref<128x128xf32, #tpu.memory_space<hbm>>) target(%arg8 : memref<128x128xf32, #tpu.memory_space<vmem>>) target_semaphore(%arg13 : memref<!tpu.dma_semaphore, #tpu.memory_space<semaphore_mem>>)
    %dma_wait3A_83 = arith.constant 0 : i32
    %dma_wait3A_84 = tpu.memref_slice %arg3[%add3A_63, %dma_wait3A_83] : memref<8192x128xf32, #tpu.memory_space<hbm>> -> memref<128x128xf32, #tpu.memory_space<hbm>>
    %dma_wait3A_85 = arith.constant 0 : i32
    %dma_wait3A_86 = tpu.memref_slice %arg3[%add3A_63, %dma_wait3A_85] : memref<8192x128xf32, #tpu.memory_space<hbm>> -> memref<128x128xf32, #tpu.memory_space<hbm>>
    tpu.wait_dma2 semaphore(%arg14 : memref<!tpu.dma_semaphore, #tpu.memory_space<semaphore_mem>>) src(%dma_wait3A_86 : memref<128x128xf32, #tpu.memory_space<hbm>>) dst(%arg9 : memref<128x128xf32, #tpu.memory_space<vmem>>)
    %run_scoped3A_87 = arith.constant 0 : i32
    "tpu.region"() ({
      %run_scoped3A_98 = tpu.sem_alloc : memref<!tpu.dma_semaphore, #tpu.memory_space<semaphore_mem>>
      %dma_start3A_99 = arith.constant 0 : i32
      %dma_start3A_100 = tpu.memref_slice %arg11[%run_scoped3A_87, %dma_start3A_99] : memref<2x128xi32, #tpu.memory_space<vmem>> -> memref<1x128xi32, #tpu.memory_space<vmem>>
      %dma_start3A_101 = tpu.memref_squeeze %dma_start3A_100 : memref<1x128xi32, #tpu.memory_space<vmem>> -> memref<128xi32, #tpu.memory_space<vmem>>
      %dma_start3A_102 = arith.constant 0 : i32
      %dma_start3A_103 = arith.constant 0 : i32
      %dma_start3A_104 = tpu.memref_slice %arg12[%dma_start3A_102, %dma_start3A_103] : memref<10240x128xf32, #tpu.memory_space<vmem_shared>> -> memref<10240x128xf32, #tpu.memory_space<vmem_shared>>
      tpu.enqueue_indirect_dma source(%arg9 : memref<128x128xf32, #tpu.memory_space<vmem>>) target(%dma_start3A_104 : memref<10240x128xf32, #tpu.memory_space<vmem_shared>>) offsets(%dma_start3A_101 : memref<128xi32, #tpu.memory_space<vmem>>) semaphore(%run_scoped3A_98 : memref<!tpu.dma_semaphore, #tpu.memory_space<semaphore_mem>>) {add = true}
      %dma_wait3A_105 = arith.constant 0 : i32
      %dma_wait3A_106 = tpu.memref_slice %arg11[%run_scoped3A_87, %dma_wait3A_105] : memref<2x128xi32, #tpu.memory_space<vmem>> -> memref<1x128xi32, #tpu.memory_space<vmem>>
      %dma_wait3A_107 = tpu.memref_squeeze %dma_wait3A_106 : memref<1x128xi32, #tpu.memory_space<vmem>> -> memref<128xi32, #tpu.memory_space<vmem>>
      %dma_wait3A_108 = arith.constant 0 : i32
      %dma_wait3A_109 = arith.constant 0 : i32
      %dma_wait3A_110 = tpu.memref_slice %arg12[%dma_wait3A_108, %dma_wait3A_109] : memref<10240x128xf32, #tpu.memory_space<vmem_shared>> -> memref<10240x128xf32, #tpu.memory_space<vmem_shared>>
      tpu.wait_indirect_dma semaphore(%run_scoped3A_98 : memref<!tpu.dma_semaphore, #tpu.memory_space<semaphore_mem>>) src(%arg9 : memref<128x128xf32, #tpu.memory_space<vmem>>) dst(%dma_wait3A_110 : memref<10240x128xf32, #tpu.memory_space<vmem_shared>>)
      tpu.yield
    }) : () -> ()
    %dma_wait3A_88 = arith.constant 0 : i32
    %dma_wait3A_89 = tpu.memref_slice %arg3[%add3A_78, %dma_wait3A_88] : memref<8192x128xf32, #tpu.memory_space<hbm>> -> memref<128x128xf32, #tpu.memory_space<hbm>>
    %dma_wait3A_90 = arith.constant 0 : i32
    %dma_wait3A_91 = tpu.memref_slice %arg3[%add3A_78, %dma_wait3A_90] : memref<8192x128xf32, #tpu.memory_space<hbm>> -> memref<128x128xf32, #tpu.memory_space<hbm>>
    tpu.wait_dma2 semaphore(%arg13 : memref<!tpu.dma_semaphore, #tpu.memory_space<semaphore_mem>>) src(%dma_wait3A_91 : memref<128x128xf32, #tpu.memory_space<hbm>>) dst(%arg8 : memref<128x128xf32, #tpu.memory_space<vmem>>)
    %run_scoped3A_92 = arith.constant 1 : i32
    "tpu.region"() ({
      %run_scoped3A_98 = tpu.sem_alloc : memref<!tpu.dma_semaphore, #tpu.memory_space<semaphore_mem>>
      %dma_start3A_99 = arith.constant 0 : i32
      %dma_start3A_100 = tpu.memref_slice %arg11[%run_scoped3A_92, %dma_start3A_99] : memref<2x128xi32, #tpu.memory_space<vmem>> -> memref<1x128xi32, #tpu.memory_space<vmem>>
      %dma_start3A_101 = tpu.memref_squeeze %dma_start3A_100 : memref<1x128xi32, #tpu.memory_space<vmem>> -> memref<128xi32, #tpu.memory_space<vmem>>
      %dma_start3A_102 = arith.constant 0 : i32
      %dma_start3A_103 = arith.constant 0 : i32
      %dma_start3A_104 = tpu.memref_slice %arg12[%dma_start3A_102, %dma_start3A_103] : memref<10240x128xf32, #tpu.memory_space<vmem_shared>> -> memref<10240x128xf32, #tpu.memory_space<vmem_shared>>
      tpu.enqueue_indirect_dma source(%arg8 : memref<128x128xf32, #tpu.memory_space<vmem>>) target(%dma_start3A_104 : memref<10240x128xf32, #tpu.memory_space<vmem_shared>>) offsets(%dma_start3A_101 : memref<128xi32, #tpu.memory_space<vmem>>) semaphore(%run_scoped3A_98 : memref<!tpu.dma_semaphore, #tpu.memory_space<semaphore_mem>>) {add = true}
      %dma_wait3A_105 = arith.constant 0 : i32
      %dma_wait3A_106 = tpu.memref_slice %arg11[%run_scoped3A_92, %dma_wait3A_105] : memref<2x128xi32, #tpu.memory_space<vmem>> -> memref<1x128xi32, #tpu.memory_space<vmem>>
      %dma_wait3A_107 = tpu.memref_squeeze %dma_wait3A_106 : memref<1x128xi32, #tpu.memory_space<vmem>> -> memref<128xi32, #tpu.memory_space<vmem>>
      %dma_wait3A_108 = arith.constant 0 : i32
      %dma_wait3A_109 = arith.constant 0 : i32
      %dma_wait3A_110 = tpu.memref_slice %arg12[%dma_wait3A_108, %dma_wait3A_109] : memref<10240x128xf32, #tpu.memory_space<vmem_shared>> -> memref<10240x128xf32, #tpu.memory_space<vmem_shared>>
      tpu.wait_indirect_dma semaphore(%run_scoped3A_98 : memref<!tpu.dma_semaphore, #tpu.memory_space<semaphore_mem>>) src(%arg8 : memref<128x128xf32, #tpu.memory_space<vmem>>) dst(%dma_wait3A_110 : memref<10240x128xf32, #tpu.memory_space<vmem_shared>>)
      tpu.yield
    }) : () -> ()
    %barrier3A_93 = arith.constant 0 : index
    tpu.barrier barrier_id(%barrier3A_93)
    %mul3A_94 = arith.constant 640 : i32
    %mul3A_95 = arith.muli %arg1, %mul3A_94 : i32
    %mul3A_96 = arith.constant 640 : i32
    %mul3A_97 = arith.muli %arg1, %mul3A_96 : i32
    "tpu.region"() ({
      %run_scoped3A_98 = tpu.sem_alloc : memref<!tpu.dma_semaphore, #tpu.memory_space<semaphore_mem>>
      %dma_start3A_99 = arith.constant 0 : i32
      %dma_start3A_100 = tpu.memref_slice %arg7[%arg0, %mul3A_97, %dma_start3A_99] : memref<2x10240x128xf32, #tpu.memory_space<hbm>> -> memref<1x640x128xf32, #tpu.memory_space<hbm>>
      %dma_start3A_101 = tpu.memref_squeeze %dma_start3A_100 : memref<1x640x128xf32, #tpu.memory_space<hbm>> -> memref<640x128xf32, #tpu.memory_space<hbm>>
      %dma_start3A_102 = arith.constant 0 : i32
      %dma_start3A_103 = tpu.memref_slice %arg12[%mul3A_95, %dma_start3A_102] : memref<10240x128xf32, #tpu.memory_space<vmem_shared>> -> memref<640x128xf32, #tpu.memory_space<vmem_shared>>
      tpu.enqueue_dma source(%dma_start3A_103 : memref<640x128xf32, #tpu.memory_space<vmem_shared>>) target(%dma_start3A_101 : memref<640x128xf32, #tpu.memory_space<hbm>>) target_semaphore(%run_scoped3A_98 : memref<!tpu.dma_semaphore, #tpu.memory_space<semaphore_mem>>)
      %dma_wait3A_104 = arith.constant 0 : i32
      %dma_wait3A_105 = tpu.memref_slice %arg7[%arg0, %mul3A_97, %dma_wait3A_104] : memref<2x10240x128xf32, #tpu.memory_space<hbm>> -> memref<1x640x128xf32, #tpu.memory_space<hbm>>
      %dma_wait3A_106 = tpu.memref_squeeze %dma_wait3A_105 : memref<1x640x128xf32, #tpu.memory_space<hbm>> -> memref<640x128xf32, #tpu.memory_space<hbm>>
      %dma_wait3A_107 = arith.constant 0 : i32
      %dma_wait3A_108 = tpu.memref_slice %arg12[%mul3A_95, %dma_wait3A_107] : memref<10240x128xf32, #tpu.memory_space<vmem_shared>> -> memref<640x128xf32, #tpu.memory_space<vmem_shared>>
      tpu.wait_dma2 semaphore(%run_scoped3A_98 : memref<!tpu.dma_semaphore, #tpu.memory_space<semaphore_mem>>) src(%dma_wait3A_108 : memref<640x128xf32, #tpu.memory_space<vmem_shared>>) dst(%dma_wait3A_106 : memref<640x128xf32, #tpu.memory_space<hbm>>)
      tpu.yield
    }) : () -> ()
    return
  }
}

#map = affine_map<(d0, d1) -> (0, 0)>
#map1 = affine_map<(d0, d1) -> (0, 0, 0)>
module attributes {stable_mosaic.version = 14 : i64} {
  func.func @_gather_body(%arg0: i32, %arg1: i32, %arg2: memref<10240x128xf32, #tpu.memory_space<hbm>>, %arg3: memref<32x3x128xi32, #tpu.memory_space<hbm>>, %arg4: memref<12288x128xf32, #tpu.memory_space<hbm>>, %arg5: memref<3x128xi32, #tpu.memory_space<vmem>>, %arg6: memref<384x128xf32, #tpu.memory_space<vmem>>, %arg7: memref<!tpu.dma_semaphore, #tpu.memory_space<semaphore_mem>>) attributes {dimension_semantics = [#tpu.dimension_semantics<core_parallel>, #tpu.dimension_semantics<subcore_parallel>], iteration_bounds = array<i64: 2, 16>, scalar_prefetch = 0 : i64, scratch_operands = 3 : i64, tpu.core_type = #tpu.core_type<sc_vector_subcore>, window_params = [{transform_indices = #map}, {transform_indices = #map1}, {transform_indices = #map}]} {
    %mul3A = arith.constant 2 : i32
    %mul3A_0 = arith.muli %arg1, %mul3A : i32
    %add3A = arith.addi %mul3A_0, %arg0 : i32
    "tpu.region"() ({
      %run_scoped3A = tpu.sem_alloc : memref<!tpu.dma_semaphore, #tpu.memory_space<semaphore_mem>>
      %dma_start3A_61 = arith.constant 0 : i32
      %dma_start3A_62 = arith.constant 0 : i32
      %dma_start3A_63 = tpu.memref_slice %arg3[%add3A, %dma_start3A_61, %dma_start3A_62] : memref<32x3x128xi32, #tpu.memory_space<hbm>> -> memref<1x3x128xi32, #tpu.memory_space<hbm>>
      %dma_start3A_64 = tpu.memref_squeeze %dma_start3A_63 : memref<1x3x128xi32, #tpu.memory_space<hbm>> -> memref<3x128xi32, #tpu.memory_space<hbm>>
      %dma_start3A_65 = arith.constant 0 : i32
      %dma_start3A_66 = arith.constant 0 : i32
      %dma_start3A_67 = tpu.memref_slice %arg3[%add3A, %dma_start3A_65, %dma_start3A_66] : memref<32x3x128xi32, #tpu.memory_space<hbm>> -> memref<1x3x128xi32, #tpu.memory_space<hbm>>
      %dma_start3A_68 = tpu.memref_squeeze %dma_start3A_67 : memref<1x3x128xi32, #tpu.memory_space<hbm>> -> memref<3x128xi32, #tpu.memory_space<hbm>>
      tpu.enqueue_dma source(%dma_start3A_68 : memref<3x128xi32, #tpu.memory_space<hbm>>) target(%arg5 : memref<3x128xi32, #tpu.memory_space<vmem>>) target_semaphore(%run_scoped3A : memref<!tpu.dma_semaphore, #tpu.memory_space<semaphore_mem>>)
      %dma_wait3A_69 = arith.constant 0 : i32
      %dma_wait3A_70 = arith.constant 0 : i32
      %dma_wait3A_71 = tpu.memref_slice %arg3[%add3A, %dma_wait3A_69, %dma_wait3A_70] : memref<32x3x128xi32, #tpu.memory_space<hbm>> -> memref<1x3x128xi32, #tpu.memory_space<hbm>>
      %dma_wait3A_72 = tpu.memref_squeeze %dma_wait3A_71 : memref<1x3x128xi32, #tpu.memory_space<hbm>> -> memref<3x128xi32, #tpu.memory_space<hbm>>
      %dma_wait3A_73 = arith.constant 0 : i32
      %dma_wait3A_74 = arith.constant 0 : i32
      %dma_wait3A_75 = tpu.memref_slice %arg3[%add3A, %dma_wait3A_73, %dma_wait3A_74] : memref<32x3x128xi32, #tpu.memory_space<hbm>> -> memref<1x3x128xi32, #tpu.memory_space<hbm>>
      %dma_wait3A_76 = tpu.memref_squeeze %dma_wait3A_75 : memref<1x3x128xi32, #tpu.memory_space<hbm>> -> memref<3x128xi32, #tpu.memory_space<hbm>>
      tpu.wait_dma2 semaphore(%run_scoped3A : memref<!tpu.dma_semaphore, #tpu.memory_space<semaphore_mem>>) src(%dma_wait3A_76 : memref<3x128xi32, #tpu.memory_space<hbm>>) dst(%arg5 : memref<3x128xi32, #tpu.memory_space<vmem>>)
      tpu.yield
    }) : () -> ()
    %dma_start3A = arith.constant 0 : i32
    %dma_start3A_1 = arith.constant 0 : i32
    %dma_start3A_2 = arith.constant 0 : i32
    %dma_start3A_3 = tpu.memref_slice %arg6[%dma_start3A_1, %dma_start3A_2] : memref<384x128xf32, #tpu.memory_space<vmem>> -> memref<128x128xf32, #tpu.memory_space<vmem>>
    %dma_start3A_4 = arith.constant 0 : i32
    %dma_start3A_5 = tpu.memref_slice %arg5[%dma_start3A, %dma_start3A_4] : memref<3x128xi32, #tpu.memory_space<vmem>> -> memref<1x128xi32, #tpu.memory_space<vmem>>
    %dma_start3A_6 = tpu.memref_squeeze %dma_start3A_5 : memref<1x128xi32, #tpu.memory_space<vmem>> -> memref<128xi32, #tpu.memory_space<vmem>>
    %dma_start3A_7 = arith.constant 0 : i32
    %dma_start3A_8 = arith.constant 0 : i32
    %dma_start3A_9 = tpu.memref_slice %arg2[%dma_start3A_7, %dma_start3A_8] : memref<10240x128xf32, #tpu.memory_space<hbm>> -> memref<10240x128xf32, #tpu.memory_space<hbm>>
    tpu.enqueue_indirect_dma source(%dma_start3A_9 : memref<10240x128xf32, #tpu.memory_space<hbm>>) target(%dma_start3A_3 : memref<128x128xf32, #tpu.memory_space<vmem>>) offsets(%dma_start3A_6 : memref<128xi32, #tpu.memory_space<vmem>>) semaphore(%arg7 : memref<!tpu.dma_semaphore, #tpu.memory_space<semaphore_mem>>)
    %dma_start3A_10 = arith.constant 1 : i32
    %dma_start3A_11 = arith.constant 128 : i32
    %dma_start3A_12 = arith.constant 0 : i32
    %dma_start3A_13 = tpu.memref_slice %arg6[%dma_start3A_11, %dma_start3A_12] : memref<384x128xf32, #tpu.memory_space<vmem>> -> memref<128x128xf32, #tpu.memory_space<vmem>>
    %dma_start3A_14 = arith.constant 0 : i32
    %dma_start3A_15 = tpu.memref_slice %arg5[%dma_start3A_10, %dma_start3A_14] : memref<3x128xi32, #tpu.memory_space<vmem>> -> memref<1x128xi32, #tpu.memory_space<vmem>>
    %dma_start3A_16 = tpu.memref_squeeze %dma_start3A_15 : memref<1x128xi32, #tpu.memory_space<vmem>> -> memref<128xi32, #tpu.memory_space<vmem>>
    %dma_start3A_17 = arith.constant 0 : i32
    %dma_start3A_18 = arith.constant 0 : i32
    %dma_start3A_19 = tpu.memref_slice %arg2[%dma_start3A_17, %dma_start3A_18] : memref<10240x128xf32, #tpu.memory_space<hbm>> -> memref<10240x128xf32, #tpu.memory_space<hbm>>
    tpu.enqueue_indirect_dma source(%dma_start3A_19 : memref<10240x128xf32, #tpu.memory_space<hbm>>) target(%dma_start3A_13 : memref<128x128xf32, #tpu.memory_space<vmem>>) offsets(%dma_start3A_16 : memref<128xi32, #tpu.memory_space<vmem>>) semaphore(%arg7 : memref<!tpu.dma_semaphore, #tpu.memory_space<semaphore_mem>>)
    %dma_start3A_20 = arith.constant 2 : i32
    %dma_start3A_21 = arith.constant 256 : i32
    %dma_start3A_22 = arith.constant 0 : i32
    %dma_start3A_23 = tpu.memref_slice %arg6[%dma_start3A_21, %dma_start3A_22] : memref<384x128xf32, #tpu.memory_space<vmem>> -> memref<128x128xf32, #tpu.memory_space<vmem>>
    %dma_start3A_24 = arith.constant 0 : i32
    %dma_start3A_25 = tpu.memref_slice %arg5[%dma_start3A_20, %dma_start3A_24] : memref<3x128xi32, #tpu.memory_space<vmem>> -> memref<1x128xi32, #tpu.memory_space<vmem>>
    %dma_start3A_26 = tpu.memref_squeeze %dma_start3A_25 : memref<1x128xi32, #tpu.memory_space<vmem>> -> memref<128xi32, #tpu.memory_space<vmem>>
    %dma_start3A_27 = arith.constant 0 : i32
    %dma_start3A_28 = arith.constant 0 : i32
    %dma_start3A_29 = tpu.memref_slice %arg2[%dma_start3A_27, %dma_start3A_28] : memref<10240x128xf32, #tpu.memory_space<hbm>> -> memref<10240x128xf32, #tpu.memory_space<hbm>>
    tpu.enqueue_indirect_dma source(%dma_start3A_29 : memref<10240x128xf32, #tpu.memory_space<hbm>>) target(%dma_start3A_23 : memref<128x128xf32, #tpu.memory_space<vmem>>) offsets(%dma_start3A_26 : memref<128xi32, #tpu.memory_space<vmem>>) semaphore(%arg7 : memref<!tpu.dma_semaphore, #tpu.memory_space<semaphore_mem>>)
    %dma_wait3A = arith.constant 0 : i32
    %dma_wait3A_30 = arith.constant 0 : i32
    %dma_wait3A_31 = arith.constant 0 : i32
    %dma_wait3A_32 = tpu.memref_slice %arg6[%dma_wait3A_30, %dma_wait3A_31] : memref<384x128xf32, #tpu.memory_space<vmem>> -> memref<128x128xf32, #tpu.memory_space<vmem>>
    %dma_wait3A_33 = arith.constant 0 : i32
    %dma_wait3A_34 = tpu.memref_slice %arg5[%dma_wait3A, %dma_wait3A_33] : memref<3x128xi32, #tpu.memory_space<vmem>> -> memref<1x128xi32, #tpu.memory_space<vmem>>
    %dma_wait3A_35 = tpu.memref_squeeze %dma_wait3A_34 : memref<1x128xi32, #tpu.memory_space<vmem>> -> memref<128xi32, #tpu.memory_space<vmem>>
    %dma_wait3A_36 = arith.constant 0 : i32
    %dma_wait3A_37 = arith.constant 0 : i32
    %dma_wait3A_38 = tpu.memref_slice %arg2[%dma_wait3A_36, %dma_wait3A_37] : memref<10240x128xf32, #tpu.memory_space<hbm>> -> memref<10240x128xf32, #tpu.memory_space<hbm>>
    tpu.wait_indirect_dma semaphore(%arg7 : memref<!tpu.dma_semaphore, #tpu.memory_space<semaphore_mem>>) src(%dma_wait3A_38 : memref<10240x128xf32, #tpu.memory_space<hbm>>) dst(%dma_wait3A_32 : memref<128x128xf32, #tpu.memory_space<vmem>>)
    %dma_wait3A_39 = arith.constant 1 : i32
    %dma_wait3A_40 = arith.constant 128 : i32
    %dma_wait3A_41 = arith.constant 0 : i32
    %dma_wait3A_42 = tpu.memref_slice %arg6[%dma_wait3A_40, %dma_wait3A_41] : memref<384x128xf32, #tpu.memory_space<vmem>> -> memref<128x128xf32, #tpu.memory_space<vmem>>
    %dma_wait3A_43 = arith.constant 0 : i32
    %dma_wait3A_44 = tpu.memref_slice %arg5[%dma_wait3A_39, %dma_wait3A_43] : memref<3x128xi32, #tpu.memory_space<vmem>> -> memref<1x128xi32, #tpu.memory_space<vmem>>
    %dma_wait3A_45 = tpu.memref_squeeze %dma_wait3A_44 : memref<1x128xi32, #tpu.memory_space<vmem>> -> memref<128xi32, #tpu.memory_space<vmem>>
    %dma_wait3A_46 = arith.constant 0 : i32
    %dma_wait3A_47 = arith.constant 0 : i32
    %dma_wait3A_48 = tpu.memref_slice %arg2[%dma_wait3A_46, %dma_wait3A_47] : memref<10240x128xf32, #tpu.memory_space<hbm>> -> memref<10240x128xf32, #tpu.memory_space<hbm>>
    tpu.wait_indirect_dma semaphore(%arg7 : memref<!tpu.dma_semaphore, #tpu.memory_space<semaphore_mem>>) src(%dma_wait3A_48 : memref<10240x128xf32, #tpu.memory_space<hbm>>) dst(%dma_wait3A_42 : memref<128x128xf32, #tpu.memory_space<vmem>>)
    %dma_wait3A_49 = arith.constant 2 : i32
    %dma_wait3A_50 = arith.constant 256 : i32
    %dma_wait3A_51 = arith.constant 0 : i32
    %dma_wait3A_52 = tpu.memref_slice %arg6[%dma_wait3A_50, %dma_wait3A_51] : memref<384x128xf32, #tpu.memory_space<vmem>> -> memref<128x128xf32, #tpu.memory_space<vmem>>
    %dma_wait3A_53 = arith.constant 0 : i32
    %dma_wait3A_54 = tpu.memref_slice %arg5[%dma_wait3A_49, %dma_wait3A_53] : memref<3x128xi32, #tpu.memory_space<vmem>> -> memref<1x128xi32, #tpu.memory_space<vmem>>
    %dma_wait3A_55 = tpu.memref_squeeze %dma_wait3A_54 : memref<1x128xi32, #tpu.memory_space<vmem>> -> memref<128xi32, #tpu.memory_space<vmem>>
    %dma_wait3A_56 = arith.constant 0 : i32
    %dma_wait3A_57 = arith.constant 0 : i32
    %dma_wait3A_58 = tpu.memref_slice %arg2[%dma_wait3A_56, %dma_wait3A_57] : memref<10240x128xf32, #tpu.memory_space<hbm>> -> memref<10240x128xf32, #tpu.memory_space<hbm>>
    tpu.wait_indirect_dma semaphore(%arg7 : memref<!tpu.dma_semaphore, #tpu.memory_space<semaphore_mem>>) src(%dma_wait3A_58 : memref<10240x128xf32, #tpu.memory_space<hbm>>) dst(%dma_wait3A_52 : memref<128x128xf32, #tpu.memory_space<vmem>>)
    %mul3A_59 = arith.constant 384 : i32
    %mul3A_60 = arith.muli %add3A, %mul3A_59 : i32
    "tpu.region"() ({
      %run_scoped3A = tpu.sem_alloc : memref<!tpu.dma_semaphore, #tpu.memory_space<semaphore_mem>>
      %dma_start3A_61 = arith.constant 0 : i32
      %dma_start3A_62 = tpu.memref_slice %arg4[%mul3A_60, %dma_start3A_61] : memref<12288x128xf32, #tpu.memory_space<hbm>> -> memref<384x128xf32, #tpu.memory_space<hbm>>
      %dma_start3A_63 = arith.constant 0 : i32
      %dma_start3A_64 = tpu.memref_slice %arg4[%mul3A_60, %dma_start3A_63] : memref<12288x128xf32, #tpu.memory_space<hbm>> -> memref<384x128xf32, #tpu.memory_space<hbm>>
      tpu.enqueue_dma source(%arg6 : memref<384x128xf32, #tpu.memory_space<vmem>>) target(%dma_start3A_64 : memref<384x128xf32, #tpu.memory_space<hbm>>) target_semaphore(%run_scoped3A : memref<!tpu.dma_semaphore, #tpu.memory_space<semaphore_mem>>)
      %dma_wait3A_65 = arith.constant 0 : i32
      %dma_wait3A_66 = tpu.memref_slice %arg4[%mul3A_60, %dma_wait3A_65] : memref<12288x128xf32, #tpu.memory_space<hbm>> -> memref<384x128xf32, #tpu.memory_space<hbm>>
      %dma_wait3A_67 = arith.constant 0 : i32
      %dma_wait3A_68 = tpu.memref_slice %arg4[%mul3A_60, %dma_wait3A_67] : memref<12288x128xf32, #tpu.memory_space<hbm>> -> memref<384x128xf32, #tpu.memory_space<hbm>>
      tpu.wait_dma2 semaphore(%run_scoped3A : memref<!tpu.dma_semaphore, #tpu.memory_space<semaphore_mem>>) src(%arg6 : memref<384x128xf32, #tpu.memory_space<vmem>>) dst(%dma_wait3A_68 : memref<384x128xf32, #tpu.memory_space<hbm>>)
      tpu.yield
    }) : () -> ()
    return
  }
}

#map = affine_map<(d0, d1) -> (0, 0)>
#map1 = affine_map<(d0, d1) -> (0, 0, 0)>
module attributes {stable_mosaic.version = 14 : i64} {
  func.func @_gather_body(%arg0: i32, %arg1: i32, %arg2: memref<10240x128xf32, #tpu.memory_space<hbm>>, %arg3: memref<32x2x128xi32, #tpu.memory_space<hbm>>, %arg4: memref<8192x128xf32, #tpu.memory_space<hbm>>, %arg5: memref<2x128xi32, #tpu.memory_space<vmem>>, %arg6: memref<256x128xf32, #tpu.memory_space<vmem>>, %arg7: memref<!tpu.dma_semaphore, #tpu.memory_space<semaphore_mem>>) attributes {dimension_semantics = [#tpu.dimension_semantics<core_parallel>, #tpu.dimension_semantics<subcore_parallel>], iteration_bounds = array<i64: 2, 16>, scalar_prefetch = 0 : i64, scratch_operands = 3 : i64, tpu.core_type = #tpu.core_type<sc_vector_subcore>, window_params = [{transform_indices = #map}, {transform_indices = #map1}, {transform_indices = #map}]} {
    %mul3A = arith.constant 2 : i32
    %mul3A_0 = arith.muli %arg1, %mul3A : i32
    %add3A = arith.addi %mul3A_0, %arg0 : i32
    "tpu.region"() ({
      %run_scoped3A = tpu.sem_alloc : memref<!tpu.dma_semaphore, #tpu.memory_space<semaphore_mem>>
      %dma_start3A_41 = arith.constant 0 : i32
      %dma_start3A_42 = arith.constant 0 : i32
      %dma_start3A_43 = tpu.memref_slice %arg3[%add3A, %dma_start3A_41, %dma_start3A_42] : memref<32x2x128xi32, #tpu.memory_space<hbm>> -> memref<1x2x128xi32, #tpu.memory_space<hbm>>
      %dma_start3A_44 = tpu.memref_squeeze %dma_start3A_43 : memref<1x2x128xi32, #tpu.memory_space<hbm>> -> memref<2x128xi32, #tpu.memory_space<hbm>>
      %dma_start3A_45 = arith.constant 0 : i32
      %dma_start3A_46 = arith.constant 0 : i32
      %dma_start3A_47 = tpu.memref_slice %arg3[%add3A, %dma_start3A_45, %dma_start3A_46] : memref<32x2x128xi32, #tpu.memory_space<hbm>> -> memref<1x2x128xi32, #tpu.memory_space<hbm>>
      %dma_start3A_48 = tpu.memref_squeeze %dma_start3A_47 : memref<1x2x128xi32, #tpu.memory_space<hbm>> -> memref<2x128xi32, #tpu.memory_space<hbm>>
      tpu.enqueue_dma source(%dma_start3A_48 : memref<2x128xi32, #tpu.memory_space<hbm>>) target(%arg5 : memref<2x128xi32, #tpu.memory_space<vmem>>) target_semaphore(%run_scoped3A : memref<!tpu.dma_semaphore, #tpu.memory_space<semaphore_mem>>)
      %dma_wait3A_49 = arith.constant 0 : i32
      %dma_wait3A_50 = arith.constant 0 : i32
      %dma_wait3A_51 = tpu.memref_slice %arg3[%add3A, %dma_wait3A_49, %dma_wait3A_50] : memref<32x2x128xi32, #tpu.memory_space<hbm>> -> memref<1x2x128xi32, #tpu.memory_space<hbm>>
      %dma_wait3A_52 = tpu.memref_squeeze %dma_wait3A_51 : memref<1x2x128xi32, #tpu.memory_space<hbm>> -> memref<2x128xi32, #tpu.memory_space<hbm>>
      %dma_wait3A_53 = arith.constant 0 : i32
      %dma_wait3A_54 = arith.constant 0 : i32
      %dma_wait3A_55 = tpu.memref_slice %arg3[%add3A, %dma_wait3A_53, %dma_wait3A_54] : memref<32x2x128xi32, #tpu.memory_space<hbm>> -> memref<1x2x128xi32, #tpu.memory_space<hbm>>
      %dma_wait3A_56 = tpu.memref_squeeze %dma_wait3A_55 : memref<1x2x128xi32, #tpu.memory_space<hbm>> -> memref<2x128xi32, #tpu.memory_space<hbm>>
      tpu.wait_dma2 semaphore(%run_scoped3A : memref<!tpu.dma_semaphore, #tpu.memory_space<semaphore_mem>>) src(%dma_wait3A_56 : memref<2x128xi32, #tpu.memory_space<hbm>>) dst(%arg5 : memref<2x128xi32, #tpu.memory_space<vmem>>)
      tpu.yield
    }) : () -> ()
    %dma_start3A = arith.constant 0 : i32
    %dma_start3A_1 = arith.constant 0 : i32
    %dma_start3A_2 = arith.constant 0 : i32
    %dma_start3A_3 = tpu.memref_slice %arg6[%dma_start3A_1, %dma_start3A_2] : memref<256x128xf32, #tpu.memory_space<vmem>> -> memref<128x128xf32, #tpu.memory_space<vmem>>
    %dma_start3A_4 = arith.constant 0 : i32
    %dma_start3A_5 = tpu.memref_slice %arg5[%dma_start3A, %dma_start3A_4] : memref<2x128xi32, #tpu.memory_space<vmem>> -> memref<1x128xi32, #tpu.memory_space<vmem>>
    %dma_start3A_6 = tpu.memref_squeeze %dma_start3A_5 : memref<1x128xi32, #tpu.memory_space<vmem>> -> memref<128xi32, #tpu.memory_space<vmem>>
    %dma_start3A_7 = arith.constant 0 : i32
    %dma_start3A_8 = arith.constant 0 : i32
    %dma_start3A_9 = tpu.memref_slice %arg2[%dma_start3A_7, %dma_start3A_8] : memref<10240x128xf32, #tpu.memory_space<hbm>> -> memref<10240x128xf32, #tpu.memory_space<hbm>>
    tpu.enqueue_indirect_dma source(%dma_start3A_9 : memref<10240x128xf32, #tpu.memory_space<hbm>>) target(%dma_start3A_3 : memref<128x128xf32, #tpu.memory_space<vmem>>) offsets(%dma_start3A_6 : memref<128xi32, #tpu.memory_space<vmem>>) semaphore(%arg7 : memref<!tpu.dma_semaphore, #tpu.memory_space<semaphore_mem>>)
    %dma_start3A_10 = arith.constant 1 : i32
    %dma_start3A_11 = arith.constant 128 : i32
    %dma_start3A_12 = arith.constant 0 : i32
    %dma_start3A_13 = tpu.memref_slice %arg6[%dma_start3A_11, %dma_start3A_12] : memref<256x128xf32, #tpu.memory_space<vmem>> -> memref<128x128xf32, #tpu.memory_space<vmem>>
    %dma_start3A_14 = arith.constant 0 : i32
    %dma_start3A_15 = tpu.memref_slice %arg5[%dma_start3A_10, %dma_start3A_14] : memref<2x128xi32, #tpu.memory_space<vmem>> -> memref<1x128xi32, #tpu.memory_space<vmem>>
    %dma_start3A_16 = tpu.memref_squeeze %dma_start3A_15 : memref<1x128xi32, #tpu.memory_space<vmem>> -> memref<128xi32, #tpu.memory_space<vmem>>
    %dma_start3A_17 = arith.constant 0 : i32
    %dma_start3A_18 = arith.constant 0 : i32
    %dma_start3A_19 = tpu.memref_slice %arg2[%dma_start3A_17, %dma_start3A_18] : memref<10240x128xf32, #tpu.memory_space<hbm>> -> memref<10240x128xf32, #tpu.memory_space<hbm>>
    tpu.enqueue_indirect_dma source(%dma_start3A_19 : memref<10240x128xf32, #tpu.memory_space<hbm>>) target(%dma_start3A_13 : memref<128x128xf32, #tpu.memory_space<vmem>>) offsets(%dma_start3A_16 : memref<128xi32, #tpu.memory_space<vmem>>) semaphore(%arg7 : memref<!tpu.dma_semaphore, #tpu.memory_space<semaphore_mem>>)
    %dma_wait3A = arith.constant 0 : i32
    %dma_wait3A_20 = arith.constant 0 : i32
    %dma_wait3A_21 = arith.constant 0 : i32
    %dma_wait3A_22 = tpu.memref_slice %arg6[%dma_wait3A_20, %dma_wait3A_21] : memref<256x128xf32, #tpu.memory_space<vmem>> -> memref<128x128xf32, #tpu.memory_space<vmem>>
    %dma_wait3A_23 = arith.constant 0 : i32
    %dma_wait3A_24 = tpu.memref_slice %arg5[%dma_wait3A, %dma_wait3A_23] : memref<2x128xi32, #tpu.memory_space<vmem>> -> memref<1x128xi32, #tpu.memory_space<vmem>>
    %dma_wait3A_25 = tpu.memref_squeeze %dma_wait3A_24 : memref<1x128xi32, #tpu.memory_space<vmem>> -> memref<128xi32, #tpu.memory_space<vmem>>
    %dma_wait3A_26 = arith.constant 0 : i32
    %dma_wait3A_27 = arith.constant 0 : i32
    %dma_wait3A_28 = tpu.memref_slice %arg2[%dma_wait3A_26, %dma_wait3A_27] : memref<10240x128xf32, #tpu.memory_space<hbm>> -> memref<10240x128xf32, #tpu.memory_space<hbm>>
    tpu.wait_indirect_dma semaphore(%arg7 : memref<!tpu.dma_semaphore, #tpu.memory_space<semaphore_mem>>) src(%dma_wait3A_28 : memref<10240x128xf32, #tpu.memory_space<hbm>>) dst(%dma_wait3A_22 : memref<128x128xf32, #tpu.memory_space<vmem>>)
    %dma_wait3A_29 = arith.constant 1 : i32
    %dma_wait3A_30 = arith.constant 128 : i32
    %dma_wait3A_31 = arith.constant 0 : i32
    %dma_wait3A_32 = tpu.memref_slice %arg6[%dma_wait3A_30, %dma_wait3A_31] : memref<256x128xf32, #tpu.memory_space<vmem>> -> memref<128x128xf32, #tpu.memory_space<vmem>>
    %dma_wait3A_33 = arith.constant 0 : i32
    %dma_wait3A_34 = tpu.memref_slice %arg5[%dma_wait3A_29, %dma_wait3A_33] : memref<2x128xi32, #tpu.memory_space<vmem>> -> memref<1x128xi32, #tpu.memory_space<vmem>>
    %dma_wait3A_35 = tpu.memref_squeeze %dma_wait3A_34 : memref<1x128xi32, #tpu.memory_space<vmem>> -> memref<128xi32, #tpu.memory_space<vmem>>
    %dma_wait3A_36 = arith.constant 0 : i32
    %dma_wait3A_37 = arith.constant 0 : i32
    %dma_wait3A_38 = tpu.memref_slice %arg2[%dma_wait3A_36, %dma_wait3A_37] : memref<10240x128xf32, #tpu.memory_space<hbm>> -> memref<10240x128xf32, #tpu.memory_space<hbm>>
    tpu.wait_indirect_dma semaphore(%arg7 : memref<!tpu.dma_semaphore, #tpu.memory_space<semaphore_mem>>) src(%dma_wait3A_38 : memref<10240x128xf32, #tpu.memory_space<hbm>>) dst(%dma_wait3A_32 : memref<128x128xf32, #tpu.memory_space<vmem>>)
    %mul3A_39 = arith.constant 256 : i32
    %mul3A_40 = arith.muli %add3A, %mul3A_39 : i32
    "tpu.region"() ({
      %run_scoped3A = tpu.sem_alloc : memref<!tpu.dma_semaphore, #tpu.memory_space<semaphore_mem>>
      %dma_start3A_41 = arith.constant 0 : i32
      %dma_start3A_42 = tpu.memref_slice %arg4[%mul3A_40, %dma_start3A_41] : memref<8192x128xf32, #tpu.memory_space<hbm>> -> memref<256x128xf32, #tpu.memory_space<hbm>>
      %dma_start3A_43 = arith.constant 0 : i32
      %dma_start3A_44 = tpu.memref_slice %arg4[%mul3A_40, %dma_start3A_43] : memref<8192x128xf32, #tpu.memory_space<hbm>> -> memref<256x128xf32, #tpu.memory_space<hbm>>
      tpu.enqueue_dma source(%arg6 : memref<256x128xf32, #tpu.memory_space<vmem>>) target(%dma_start3A_44 : memref<256x128xf32, #tpu.memory_space<hbm>>) target_semaphore(%run_scoped3A : memref<!tpu.dma_semaphore, #tpu.memory_space<semaphore_mem>>)
      %dma_wait3A_45 = arith.constant 0 : i32
      %dma_wait3A_46 = tpu.memref_slice %arg4[%mul3A_40, %dma_wait3A_45] : memref<8192x128xf32, #tpu.memory_space<hbm>> -> memref<256x128xf32, #tpu.memory_space<hbm>>
      %dma_wait3A_47 = arith.constant 0 : i32
      %dma_wait3A_48 = tpu.memref_slice %arg4[%mul3A_40, %dma_wait3A_47] : memref<8192x128xf32, #tpu.memory_space<hbm>> -> memref<256x128xf32, #tpu.memory_space<hbm>>
      tpu.wait_dma2 semaphore(%run_scoped3A : memref<!tpu.dma_semaphore, #tpu.memory_space<semaphore_mem>>) src(%arg6 : memref<256x128xf32, #tpu.memory_space<vmem>>) dst(%dma_wait3A_48 : memref<256x128xf32, #tpu.memory_space<hbm>>)
      tpu.yield
    }) : () -> ()
    return
  }
}

#map = affine_map<(d0, d1) -> (0, 0)>
#map1 = affine_map<(d0, d1) -> (0, 0, 0)>
module attributes {stable_mosaic.version = 14 : i64} {
  func.func @_gather_body(%arg0: i32, %arg1: i32, %arg2: memref<10240x128xf32, #tpu.memory_space<hbm>>, %arg3: memref<32x3x128xi32, #tpu.memory_space<hbm>>, %arg4: memref<12288x128xf32, #tpu.memory_space<hbm>>, %arg5: memref<3x128xi32, #tpu.memory_space<vmem>>, %arg6: memref<384x128xf32, #tpu.memory_space<vmem>>, %arg7: memref<!tpu.dma_semaphore, #tpu.memory_space<semaphore_mem>>) attributes {dimension_semantics = [#tpu.dimension_semantics<core_parallel>, #tpu.dimension_semantics<subcore_parallel>], iteration_bounds = array<i64: 2, 16>, scalar_prefetch = 0 : i64, scratch_operands = 3 : i64, tpu.core_type = #tpu.core_type<sc_vector_subcore>, window_params = [{transform_indices = #map}, {transform_indices = #map1}, {transform_indices = #map}]} {
    %mul3A = arith.constant 2 : i32
    %mul3A_0 = arith.muli %arg1, %mul3A : i32
    %add3A = arith.addi %mul3A_0, %arg0 : i32
    "tpu.region"() ({
      %run_scoped3A = tpu.sem_alloc : memref<!tpu.dma_semaphore, #tpu.memory_space<semaphore_mem>>
      %dma_start3A_61 = arith.constant 0 : i32
      %dma_start3A_62 = arith.constant 0 : i32
      %dma_start3A_63 = tpu.memref_slice %arg3[%add3A, %dma_start3A_61, %dma_start3A_62] : memref<32x3x128xi32, #tpu.memory_space<hbm>> -> memref<1x3x128xi32, #tpu.memory_space<hbm>>
      %dma_start3A_64 = tpu.memref_squeeze %dma_start3A_63 : memref<1x3x128xi32, #tpu.memory_space<hbm>> -> memref<3x128xi32, #tpu.memory_space<hbm>>
      %dma_start3A_65 = arith.constant 0 : i32
      %dma_start3A_66 = arith.constant 0 : i32
      %dma_start3A_67 = tpu.memref_slice %arg3[%add3A, %dma_start3A_65, %dma_start3A_66] : memref<32x3x128xi32, #tpu.memory_space<hbm>> -> memref<1x3x128xi32, #tpu.memory_space<hbm>>
      %dma_start3A_68 = tpu.memref_squeeze %dma_start3A_67 : memref<1x3x128xi32, #tpu.memory_space<hbm>> -> memref<3x128xi32, #tpu.memory_space<hbm>>
      tpu.enqueue_dma source(%dma_start3A_68 : memref<3x128xi32, #tpu.memory_space<hbm>>) target(%arg5 : memref<3x128xi32, #tpu.memory_space<vmem>>) target_semaphore(%run_scoped3A : memref<!tpu.dma_semaphore, #tpu.memory_space<semaphore_mem>>)
      %dma_wait3A_69 = arith.constant 0 : i32
      %dma_wait3A_70 = arith.constant 0 : i32
      %dma_wait3A_71 = tpu.memref_slice %arg3[%add3A, %dma_wait3A_69, %dma_wait3A_70] : memref<32x3x128xi32, #tpu.memory_space<hbm>> -> memref<1x3x128xi32, #tpu.memory_space<hbm>>
      %dma_wait3A_72 = tpu.memref_squeeze %dma_wait3A_71 : memref<1x3x128xi32, #tpu.memory_space<hbm>> -> memref<3x128xi32, #tpu.memory_space<hbm>>
      %dma_wait3A_73 = arith.constant 0 : i32
      %dma_wait3A_74 = arith.constant 0 : i32
      %dma_wait3A_75 = tpu.memref_slice %arg3[%add3A, %dma_wait3A_73, %dma_wait3A_74] : memref<32x3x128xi32, #tpu.memory_space<hbm>> -> memref<1x3x128xi32, #tpu.memory_space<hbm>>
      %dma_wait3A_76 = tpu.memref_squeeze %dma_wait3A_75 : memref<1x3x128xi32, #tpu.memory_space<hbm>> -> memref<3x128xi32, #tpu.memory_space<hbm>>
      tpu.wait_dma2 semaphore(%run_scoped3A : memref<!tpu.dma_semaphore, #tpu.memory_space<semaphore_mem>>) src(%dma_wait3A_76 : memref<3x128xi32, #tpu.memory_space<hbm>>) dst(%arg5 : memref<3x128xi32, #tpu.memory_space<vmem>>)
      tpu.yield
    }) : () -> ()
    %dma_start3A = arith.constant 0 : i32
    %dma_start3A_1 = arith.constant 0 : i32
    %dma_start3A_2 = arith.constant 0 : i32
    %dma_start3A_3 = tpu.memref_slice %arg6[%dma_start3A_1, %dma_start3A_2] : memref<384x128xf32, #tpu.memory_space<vmem>> -> memref<128x128xf32, #tpu.memory_space<vmem>>
    %dma_start3A_4 = arith.constant 0 : i32
    %dma_start3A_5 = tpu.memref_slice %arg5[%dma_start3A, %dma_start3A_4] : memref<3x128xi32, #tpu.memory_space<vmem>> -> memref<1x128xi32, #tpu.memory_space<vmem>>
    %dma_start3A_6 = tpu.memref_squeeze %dma_start3A_5 : memref<1x128xi32, #tpu.memory_space<vmem>> -> memref<128xi32, #tpu.memory_space<vmem>>
    %dma_start3A_7 = arith.constant 0 : i32
    %dma_start3A_8 = arith.constant 0 : i32
    %dma_start3A_9 = tpu.memref_slice %arg2[%dma_start3A_7, %dma_start3A_8] : memref<10240x128xf32, #tpu.memory_space<hbm>> -> memref<10240x128xf32, #tpu.memory_space<hbm>>
    tpu.enqueue_indirect_dma source(%dma_start3A_9 : memref<10240x128xf32, #tpu.memory_space<hbm>>) target(%dma_start3A_3 : memref<128x128xf32, #tpu.memory_space<vmem>>) offsets(%dma_start3A_6 : memref<128xi32, #tpu.memory_space<vmem>>) semaphore(%arg7 : memref<!tpu.dma_semaphore, #tpu.memory_space<semaphore_mem>>)
    %dma_start3A_10 = arith.constant 1 : i32
    %dma_start3A_11 = arith.constant 128 : i32
    %dma_start3A_12 = arith.constant 0 : i32
    %dma_start3A_13 = tpu.memref_slice %arg6[%dma_start3A_11, %dma_start3A_12] : memref<384x128xf32, #tpu.memory_space<vmem>> -> memref<128x128xf32, #tpu.memory_space<vmem>>
    %dma_start3A_14 = arith.constant 0 : i32
    %dma_start3A_15 = tpu.memref_slice %arg5[%dma_start3A_10, %dma_start3A_14] : memref<3x128xi32, #tpu.memory_space<vmem>> -> memref<1x128xi32, #tpu.memory_space<vmem>>
    %dma_start3A_16 = tpu.memref_squeeze %dma_start3A_15 : memref<1x128xi32, #tpu.memory_space<vmem>> -> memref<128xi32, #tpu.memory_space<vmem>>
    %dma_start3A_17 = arith.constant 0 : i32
    %dma_start3A_18 = arith.constant 0 : i32
    %dma_start3A_19 = tpu.memref_slice %arg2[%dma_start3A_17, %dma_start3A_18] : memref<10240x128xf32, #tpu.memory_space<hbm>> -> memref<10240x128xf32, #tpu.memory_space<hbm>>
    tpu.enqueue_indirect_dma source(%dma_start3A_19 : memref<10240x128xf32, #tpu.memory_space<hbm>>) target(%dma_start3A_13 : memref<128x128xf32, #tpu.memory_space<vmem>>) offsets(%dma_start3A_16 : memref<128xi32, #tpu.memory_space<vmem>>) semaphore(%arg7 : memref<!tpu.dma_semaphore, #tpu.memory_space<semaphore_mem>>)
    %dma_start3A_20 = arith.constant 2 : i32
    %dma_start3A_21 = arith.constant 256 : i32
    %dma_start3A_22 = arith.constant 0 : i32
    %dma_start3A_23 = tpu.memref_slice %arg6[%dma_start3A_21, %dma_start3A_22] : memref<384x128xf32, #tpu.memory_space<vmem>> -> memref<128x128xf32, #tpu.memory_space<vmem>>
    %dma_start3A_24 = arith.constant 0 : i32
    %dma_start3A_25 = tpu.memref_slice %arg5[%dma_start3A_20, %dma_start3A_24] : memref<3x128xi32, #tpu.memory_space<vmem>> -> memref<1x128xi32, #tpu.memory_space<vmem>>
    %dma_start3A_26 = tpu.memref_squeeze %dma_start3A_25 : memref<1x128xi32, #tpu.memory_space<vmem>> -> memref<128xi32, #tpu.memory_space<vmem>>
    %dma_start3A_27 = arith.constant 0 : i32
    %dma_start3A_28 = arith.constant 0 : i32
    %dma_start3A_29 = tpu.memref_slice %arg2[%dma_start3A_27, %dma_start3A_28] : memref<10240x128xf32, #tpu.memory_space<hbm>> -> memref<10240x128xf32, #tpu.memory_space<hbm>>
    tpu.enqueue_indirect_dma source(%dma_start3A_29 : memref<10240x128xf32, #tpu.memory_space<hbm>>) target(%dma_start3A_23 : memref<128x128xf32, #tpu.memory_space<vmem>>) offsets(%dma_start3A_26 : memref<128xi32, #tpu.memory_space<vmem>>) semaphore(%arg7 : memref<!tpu.dma_semaphore, #tpu.memory_space<semaphore_mem>>)
    %dma_wait3A = arith.constant 0 : i32
    %dma_wait3A_30 = arith.constant 0 : i32
    %dma_wait3A_31 = arith.constant 0 : i32
    %dma_wait3A_32 = tpu.memref_slice %arg6[%dma_wait3A_30, %dma_wait3A_31] : memref<384x128xf32, #tpu.memory_space<vmem>> -> memref<128x128xf32, #tpu.memory_space<vmem>>
    %dma_wait3A_33 = arith.constant 0 : i32
    %dma_wait3A_34 = tpu.memref_slice %arg5[%dma_wait3A, %dma_wait3A_33] : memref<3x128xi32, #tpu.memory_space<vmem>> -> memref<1x128xi32, #tpu.memory_space<vmem>>
    %dma_wait3A_35 = tpu.memref_squeeze %dma_wait3A_34 : memref<1x128xi32, #tpu.memory_space<vmem>> -> memref<128xi32, #tpu.memory_space<vmem>>
    %dma_wait3A_36 = arith.constant 0 : i32
    %dma_wait3A_37 = arith.constant 0 : i32
    %dma_wait3A_38 = tpu.memref_slice %arg2[%dma_wait3A_36, %dma_wait3A_37] : memref<10240x128xf32, #tpu.memory_space<hbm>> -> memref<10240x128xf32, #tpu.memory_space<hbm>>
    tpu.wait_indirect_dma semaphore(%arg7 : memref<!tpu.dma_semaphore, #tpu.memory_space<semaphore_mem>>) src(%dma_wait3A_38 : memref<10240x128xf32, #tpu.memory_space<hbm>>) dst(%dma_wait3A_32 : memref<128x128xf32, #tpu.memory_space<vmem>>)
    %dma_wait3A_39 = arith.constant 1 : i32
    %dma_wait3A_40 = arith.constant 128 : i32
    %dma_wait3A_41 = arith.constant 0 : i32
    %dma_wait3A_42 = tpu.memref_slice %arg6[%dma_wait3A_40, %dma_wait3A_41] : memref<384x128xf32, #tpu.memory_space<vmem>> -> memref<128x128xf32, #tpu.memory_space<vmem>>
    %dma_wait3A_43 = arith.constant 0 : i32
    %dma_wait3A_44 = tpu.memref_slice %arg5[%dma_wait3A_39, %dma_wait3A_43] : memref<3x128xi32, #tpu.memory_space<vmem>> -> memref<1x128xi32, #tpu.memory_space<vmem>>
    %dma_wait3A_45 = tpu.memref_squeeze %dma_wait3A_44 : memref<1x128xi32, #tpu.memory_space<vmem>> -> memref<128xi32, #tpu.memory_space<vmem>>
    %dma_wait3A_46 = arith.constant 0 : i32
    %dma_wait3A_47 = arith.constant 0 : i32
    %dma_wait3A_48 = tpu.memref_slice %arg2[%dma_wait3A_46, %dma_wait3A_47] : memref<10240x128xf32, #tpu.memory_space<hbm>> -> memref<10240x128xf32, #tpu.memory_space<hbm>>
    tpu.wait_indirect_dma semaphore(%arg7 : memref<!tpu.dma_semaphore, #tpu.memory_space<semaphore_mem>>) src(%dma_wait3A_48 : memref<10240x128xf32, #tpu.memory_space<hbm>>) dst(%dma_wait3A_42 : memref<128x128xf32, #tpu.memory_space<vmem>>)
    %dma_wait3A_49 = arith.constant 2 : i32
    %dma_wait3A_50 = arith.constant 256 : i32
    %dma_wait3A_51 = arith.constant 0 : i32
    %dma_wait3A_52 = tpu.memref_slice %arg6[%dma_wait3A_50, %dma_wait3A_51] : memref<384x128xf32, #tpu.memory_space<vmem>> -> memref<128x128xf32, #tpu.memory_space<vmem>>
    %dma_wait3A_53 = arith.constant 0 : i32
    %dma_wait3A_54 = tpu.memref_slice %arg5[%dma_wait3A_49, %dma_wait3A_53] : memref<3x128xi32, #tpu.memory_space<vmem>> -> memref<1x128xi32, #tpu.memory_space<vmem>>
    %dma_wait3A_55 = tpu.memref_squeeze %dma_wait3A_54 : memref<1x128xi32, #tpu.memory_space<vmem>> -> memref<128xi32, #tpu.memory_space<vmem>>
    %dma_wait3A_56 = arith.constant 0 : i32
    %dma_wait3A_57 = arith.constant 0 : i32
    %dma_wait3A_58 = tpu.memref_slice %arg2[%dma_wait3A_56, %dma_wait3A_57] : memref<10240x128xf32, #tpu.memory_space<hbm>> -> memref<10240x128xf32, #tpu.memory_space<hbm>>
    tpu.wait_indirect_dma semaphore(%arg7 : memref<!tpu.dma_semaphore, #tpu.memory_space<semaphore_mem>>) src(%dma_wait3A_58 : memref<10240x128xf32, #tpu.memory_space<hbm>>) dst(%dma_wait3A_52 : memref<128x128xf32, #tpu.memory_space<vmem>>)
    %mul3A_59 = arith.constant 384 : i32
    %mul3A_60 = arith.muli %add3A, %mul3A_59 : i32
    "tpu.region"() ({
      %run_scoped3A = tpu.sem_alloc : memref<!tpu.dma_semaphore, #tpu.memory_space<semaphore_mem>>
      %dma_start3A_61 = arith.constant 0 : i32
      %dma_start3A_62 = tpu.memref_slice %arg4[%mul3A_60, %dma_start3A_61] : memref<12288x128xf32, #tpu.memory_space<hbm>> -> memref<384x128xf32, #tpu.memory_space<hbm>>
      %dma_start3A_63 = arith.constant 0 : i32
      %dma_start3A_64 = tpu.memref_slice %arg4[%mul3A_60, %dma_start3A_63] : memref<12288x128xf32, #tpu.memory_space<hbm>> -> memref<384x128xf32, #tpu.memory_space<hbm>>
      tpu.enqueue_dma source(%arg6 : memref<384x128xf32, #tpu.memory_space<vmem>>) target(%dma_start3A_64 : memref<384x128xf32, #tpu.memory_space<hbm>>) target_semaphore(%run_scoped3A : memref<!tpu.dma_semaphore, #tpu.memory_space<semaphore_mem>>)
      %dma_wait3A_65 = arith.constant 0 : i32
      %dma_wait3A_66 = tpu.memref_slice %arg4[%mul3A_60, %dma_wait3A_65] : memref<12288x128xf32, #tpu.memory_space<hbm>> -> memref<384x128xf32, #tpu.memory_space<hbm>>
      %dma_wait3A_67 = arith.constant 0 : i32
      %dma_wait3A_68 = tpu.memref_slice %arg4[%mul3A_60, %dma_wait3A_67] : memref<12288x128xf32, #tpu.memory_space<hbm>> -> memref<384x128xf32, #tpu.memory_space<hbm>>
      tpu.wait_dma2 semaphore(%run_scoped3A : memref<!tpu.dma_semaphore, #tpu.memory_space<semaphore_mem>>) src(%arg6 : memref<384x128xf32, #tpu.memory_space<vmem>>) dst(%dma_wait3A_68 : memref<384x128xf32, #tpu.memory_space<hbm>>)
      tpu.yield
    }) : () -> ()
    return
  }
}

#map = affine_map<(d0, d1) -> (0, 0)>
#map1 = affine_map<(d0, d1) -> (0, 0, 0)>
module attributes {stable_mosaic.version = 14 : i64} {
  func.func @_scatter_body(%arg0: i32, %arg1: i32, %arg2: memref<12288x128xf32, #tpu.memory_space<hbm>>, %arg3: memref<8192x128xf32, #tpu.memory_space<hbm>>, %arg4: memref<32x3x128xi32, #tpu.memory_space<hbm>>, %arg5: memref<32x2x128xi32, #tpu.memory_space<hbm>>, %arg6: memref<128x128xf32, #tpu.memory_space<hbm>>, %arg7: memref<2x10240x128xf32, #tpu.memory_space<hbm>>, %arg8: memref<128x128xf32, #tpu.memory_space<vmem>>, %arg9: memref<128x128xf32, #tpu.memory_space<vmem>>, %arg10: memref<3x128xi32, #tpu.memory_space<vmem>>, %arg11: memref<2x128xi32, #tpu.memory_space<vmem>>, %arg12: memref<10240x128xf32, #tpu.memory_space<vmem_shared>>, %arg13: memref<!tpu.dma_semaphore, #tpu.memory_space<semaphore_mem>>, %arg14: memref<!tpu.dma_semaphore, #tpu.memory_space<semaphore_mem>>) attributes {dimension_semantics = [#tpu.dimension_semantics<core_parallel>, #tpu.dimension_semantics<subcore_parallel>], iteration_bounds = array<i64: 2, 16>, scalar_prefetch = 0 : i64, scratch_operands = 7 : i64, tpu.core_type = #tpu.core_type<sc_vector_subcore>, window_params = [{transform_indices = #map}, {transform_indices = #map}, {transform_indices = #map1}, {transform_indices = #map1}, {transform_indices = #map}, {transform_indices = #map1}]} {
    %mul3A = arith.constant 2 : i32
    %mul3A_0 = arith.muli %arg1, %mul3A : i32
    %add3A = arith.addi %mul3A_0, %arg0 : i32
    "tpu.region"() ({
      %run_scoped3A_98 = tpu.sem_alloc : memref<!tpu.dma_semaphore, #tpu.memory_space<semaphore_mem>>
      tpu.enqueue_dma source(%arg6 : memref<128x128xf32, #tpu.memory_space<hbm>>) target(%arg8 : memref<128x128xf32, #tpu.memory_space<vmem>>) target_semaphore(%run_scoped3A_98 : memref<!tpu.dma_semaphore, #tpu.memory_space<semaphore_mem>>)
      tpu.wait_dma2 semaphore(%run_scoped3A_98 : memref<!tpu.dma_semaphore, #tpu.memory_space<semaphore_mem>>) src(%arg6 : memref<128x128xf32, #tpu.memory_space<hbm>>) dst(%arg8 : memref<128x128xf32, #tpu.memory_space<vmem>>)
      tpu.yield
    }) : () -> ()
    %mul3A_1 = arith.constant 640 : i32
    %mul3A_2 = arith.muli %arg1, %mul3A_1 : i32
    %add3A_3 = arith.constant 0 : i32
    %add3A_4 = arith.addi %mul3A_2, %add3A_3 : i32
    "tpu.region"() ({
      %run_scoped3A_98 = tpu.sem_alloc : memref<!tpu.dma_semaphore, #tpu.memory_space<semaphore_mem>>
      %dma_start3A_99 = arith.constant 0 : i32
      %dma_start3A_100 = tpu.memref_slice %arg12[%add3A_4, %dma_start3A_99] : memref<10240x128xf32, #tpu.memory_space<vmem_shared>> -> memref<128x128xf32, #tpu.memory_space<vmem_shared>>
      %dma_start3A_101 = arith.constant 0 : i32
      %dma_start3A_102 = tpu.memref_slice %arg12[%add3A_4, %dma_start3A_101] : memref<10240x128xf32, #tpu.memory_space<vmem_shared>> -> memref<128x128xf32, #tpu.memory_space<vmem_shared>>
      tpu.enqueue_dma source(%arg8 : memref<128x128xf32, #tpu.memory_space<vmem>>) target(%dma_start3A_102 : memref<128x128xf32, #tpu.memory_space<vmem_shared>>) target_semaphore(%run_scoped3A_98 : memref<!tpu.dma_semaphore, #tpu.memory_space<semaphore_mem>>)
      %dma_wait3A_103 = arith.constant 0 : i32
      %dma_wait3A_104 = tpu.memref_slice %arg12[%add3A_4, %dma_wait3A_103] : memref<10240x128xf32, #tpu.memory_space<vmem_shared>> -> memref<128x128xf32, #tpu.memory_space<vmem_shared>>
      %dma_wait3A_105 = arith.constant 0 : i32
      %dma_wait3A_106 = tpu.memref_slice %arg12[%add3A_4, %dma_wait3A_105] : memref<10240x128xf32, #tpu.memory_space<vmem_shared>> -> memref<128x128xf32, #tpu.memory_space<vmem_shared>>
      tpu.wait_dma2 semaphore(%run_scoped3A_98 : memref<!tpu.dma_semaphore, #tpu.memory_space<semaphore_mem>>) src(%arg8 : memref<128x128xf32, #tpu.memory_space<vmem>>) dst(%dma_wait3A_106 : memref<128x128xf32, #tpu.memory_space<vmem_shared>>)
      tpu.yield
    }) : () -> ()
    %mul3A_5 = arith.constant 640 : i32
    %mul3A_6 = arith.muli %arg1, %mul3A_5 : i32
    %add3A_7 = arith.constant 128 : i32
    %add3A_8 = arith.addi %mul3A_6, %add3A_7 : i32
    "tpu.region"() ({
      %run_scoped3A_98 = tpu.sem_alloc : memref<!tpu.dma_semaphore, #tpu.memory_space<semaphore_mem>>
      %dma_start3A_99 = arith.constant 0 : i32
      %dma_start3A_100 = tpu.memref_slice %arg12[%add3A_8, %dma_start3A_99] : memref<10240x128xf32, #tpu.memory_space<vmem_shared>> -> memref<128x128xf32, #tpu.memory_space<vmem_shared>>
      %dma_start3A_101 = arith.constant 0 : i32
      %dma_start3A_102 = tpu.memref_slice %arg12[%add3A_8, %dma_start3A_101] : memref<10240x128xf32, #tpu.memory_space<vmem_shared>> -> memref<128x128xf32, #tpu.memory_space<vmem_shared>>
      tpu.enqueue_dma source(%arg8 : memref<128x128xf32, #tpu.memory_space<vmem>>) target(%dma_start3A_102 : memref<128x128xf32, #tpu.memory_space<vmem_shared>>) target_semaphore(%run_scoped3A_98 : memref<!tpu.dma_semaphore, #tpu.memory_space<semaphore_mem>>)
      %dma_wait3A_103 = arith.constant 0 : i32
      %dma_wait3A_104 = tpu.memref_slice %arg12[%add3A_8, %dma_wait3A_103] : memref<10240x128xf32, #tpu.memory_space<vmem_shared>> -> memref<128x128xf32, #tpu.memory_space<vmem_shared>>
      %dma_wait3A_105 = arith.constant 0 : i32
      %dma_wait3A_106 = tpu.memref_slice %arg12[%add3A_8, %dma_wait3A_105] : memref<10240x128xf32, #tpu.memory_space<vmem_shared>> -> memref<128x128xf32, #tpu.memory_space<vmem_shared>>
      tpu.wait_dma2 semaphore(%run_scoped3A_98 : memref<!tpu.dma_semaphore, #tpu.memory_space<semaphore_mem>>) src(%arg8 : memref<128x128xf32, #tpu.memory_space<vmem>>) dst(%dma_wait3A_106 : memref<128x128xf32, #tpu.memory_space<vmem_shared>>)
      tpu.yield
    }) : () -> ()
    %mul3A_9 = arith.constant 640 : i32
    %mul3A_10 = arith.muli %arg1, %mul3A_9 : i32
    %add3A_11 = arith.constant 256 : i32
    %add3A_12 = arith.addi %mul3A_10, %add3A_11 : i32
    "tpu.region"() ({
      %run_scoped3A_98 = tpu.sem_alloc : memref<!tpu.dma_semaphore, #tpu.memory_space<semaphore_mem>>
      %dma_start3A_99 = arith.constant 0 : i32
      %dma_start3A_100 = tpu.memref_slice %arg12[%add3A_12, %dma_start3A_99] : memref<10240x128xf32, #tpu.memory_space<vmem_shared>> -> memref<128x128xf32, #tpu.memory_space<vmem_shared>>
      %dma_start3A_101 = arith.constant 0 : i32
      %dma_start3A_102 = tpu.memref_slice %arg12[%add3A_12, %dma_start3A_101] : memref<10240x128xf32, #tpu.memory_space<vmem_shared>> -> memref<128x128xf32, #tpu.memory_space<vmem_shared>>
      tpu.enqueue_dma source(%arg8 : memref<128x128xf32, #tpu.memory_space<vmem>>) target(%dma_start3A_102 : memref<128x128xf32, #tpu.memory_space<vmem_shared>>) target_semaphore(%run_scoped3A_98 : memref<!tpu.dma_semaphore, #tpu.memory_space<semaphore_mem>>)
      %dma_wait3A_103 = arith.constant 0 : i32
      %dma_wait3A_104 = tpu.memref_slice %arg12[%add3A_12, %dma_wait3A_103] : memref<10240x128xf32, #tpu.memory_space<vmem_shared>> -> memref<128x128xf32, #tpu.memory_space<vmem_shared>>
      %dma_wait3A_105 = arith.constant 0 : i32
      %dma_wait3A_106 = tpu.memref_slice %arg12[%add3A_12, %dma_wait3A_105] : memref<10240x128xf32, #tpu.memory_space<vmem_shared>> -> memref<128x128xf32, #tpu.memory_space<vmem_shared>>
      tpu.wait_dma2 semaphore(%run_scoped3A_98 : memref<!tpu.dma_semaphore, #tpu.memory_space<semaphore_mem>>) src(%arg8 : memref<128x128xf32, #tpu.memory_space<vmem>>) dst(%dma_wait3A_106 : memref<128x128xf32, #tpu.memory_space<vmem_shared>>)
      tpu.yield
    }) : () -> ()
    %mul3A_13 = arith.constant 640 : i32
    %mul3A_14 = arith.muli %arg1, %mul3A_13 : i32
    %add3A_15 = arith.constant 384 : i32
    %add3A_16 = arith.addi %mul3A_14, %add3A_15 : i32
    "tpu.region"() ({
      %run_scoped3A_98 = tpu.sem_alloc : memref<!tpu.dma_semaphore, #tpu.memory_space<semaphore_mem>>
      %dma_start3A_99 = arith.constant 0 : i32
      %dma_start3A_100 = tpu.memref_slice %arg12[%add3A_16, %dma_start3A_99] : memref<10240x128xf32, #tpu.memory_space<vmem_shared>> -> memref<128x128xf32, #tpu.memory_space<vmem_shared>>
      %dma_start3A_101 = arith.constant 0 : i32
      %dma_start3A_102 = tpu.memref_slice %arg12[%add3A_16, %dma_start3A_101] : memref<10240x128xf32, #tpu.memory_space<vmem_shared>> -> memref<128x128xf32, #tpu.memory_space<vmem_shared>>
      tpu.enqueue_dma source(%arg8 : memref<128x128xf32, #tpu.memory_space<vmem>>) target(%dma_start3A_102 : memref<128x128xf32, #tpu.memory_space<vmem_shared>>) target_semaphore(%run_scoped3A_98 : memref<!tpu.dma_semaphore, #tpu.memory_space<semaphore_mem>>)
      %dma_wait3A_103 = arith.constant 0 : i32
      %dma_wait3A_104 = tpu.memref_slice %arg12[%add3A_16, %dma_wait3A_103] : memref<10240x128xf32, #tpu.memory_space<vmem_shared>> -> memref<128x128xf32, #tpu.memory_space<vmem_shared>>
      %dma_wait3A_105 = arith.constant 0 : i32
      %dma_wait3A_106 = tpu.memref_slice %arg12[%add3A_16, %dma_wait3A_105] : memref<10240x128xf32, #tpu.memory_space<vmem_shared>> -> memref<128x128xf32, #tpu.memory_space<vmem_shared>>
      tpu.wait_dma2 semaphore(%run_scoped3A_98 : memref<!tpu.dma_semaphore, #tpu.memory_space<semaphore_mem>>) src(%arg8 : memref<128x128xf32, #tpu.memory_space<vmem>>) dst(%dma_wait3A_106 : memref<128x128xf32, #tpu.memory_space<vmem_shared>>)
      tpu.yield
    }) : () -> ()
    %mul3A_17 = arith.constant 640 : i32
    %mul3A_18 = arith.muli %arg1, %mul3A_17 : i32
    %add3A_19 = arith.constant 512 : i32
    %add3A_20 = arith.addi %mul3A_18, %add3A_19 : i32
    "tpu.region"() ({
      %run_scoped3A_98 = tpu.sem_alloc : memref<!tpu.dma_semaphore, #tpu.memory_space<semaphore_mem>>
      %dma_start3A_99 = arith.constant 0 : i32
      %dma_start3A_100 = tpu.memref_slice %arg12[%add3A_20, %dma_start3A_99] : memref<10240x128xf32, #tpu.memory_space<vmem_shared>> -> memref<128x128xf32, #tpu.memory_space<vmem_shared>>
      %dma_start3A_101 = arith.constant 0 : i32
      %dma_start3A_102 = tpu.memref_slice %arg12[%add3A_20, %dma_start3A_101] : memref<10240x128xf32, #tpu.memory_space<vmem_shared>> -> memref<128x128xf32, #tpu.memory_space<vmem_shared>>
      tpu.enqueue_dma source(%arg8 : memref<128x128xf32, #tpu.memory_space<vmem>>) target(%dma_start3A_102 : memref<128x128xf32, #tpu.memory_space<vmem_shared>>) target_semaphore(%run_scoped3A_98 : memref<!tpu.dma_semaphore, #tpu.memory_space<semaphore_mem>>)
      %dma_wait3A_103 = arith.constant 0 : i32
      %dma_wait3A_104 = tpu.memref_slice %arg12[%add3A_20, %dma_wait3A_103] : memref<10240x128xf32, #tpu.memory_space<vmem_shared>> -> memref<128x128xf32, #tpu.memory_space<vmem_shared>>
      %dma_wait3A_105 = arith.constant 0 : i32
      %dma_wait3A_106 = tpu.memref_slice %arg12[%add3A_20, %dma_wait3A_105] : memref<10240x128xf32, #tpu.memory_space<vmem_shared>> -> memref<128x128xf32, #tpu.memory_space<vmem_shared>>
      tpu.wait_dma2 semaphore(%run_scoped3A_98 : memref<!tpu.dma_semaphore, #tpu.memory_space<semaphore_mem>>) src(%arg8 : memref<128x128xf32, #tpu.memory_space<vmem>>) dst(%dma_wait3A_106 : memref<128x128xf32, #tpu.memory_space<vmem_shared>>)
      tpu.yield
    }) : () -> ()
    "tpu.region"() ({
      %run_scoped3A_98 = tpu.sem_alloc : memref<!tpu.dma_semaphore, #tpu.memory_space<semaphore_mem>>
      %dma_start3A_99 = arith.constant 0 : i32
      %dma_start3A_100 = arith.constant 0 : i32
      %dma_start3A_101 = tpu.memref_slice %arg4[%add3A, %dma_start3A_99, %dma_start3A_100] : memref<32x3x128xi32, #tpu.memory_space<hbm>> -> memref<1x3x128xi32, #tpu.memory_space<hbm>>
      %dma_start3A_102 = tpu.memref_squeeze %dma_start3A_101 : memref<1x3x128xi32, #tpu.memory_space<hbm>> -> memref<3x128xi32, #tpu.memory_space<hbm>>
      %dma_start3A_103 = arith.constant 0 : i32
      %dma_start3A_104 = arith.constant 0 : i32
      %dma_start3A_105 = tpu.memref_slice %arg4[%add3A, %dma_start3A_103, %dma_start3A_104] : memref<32x3x128xi32, #tpu.memory_space<hbm>> -> memref<1x3x128xi32, #tpu.memory_space<hbm>>
      %dma_start3A_106 = tpu.memref_squeeze %dma_start3A_105 : memref<1x3x128xi32, #tpu.memory_space<hbm>> -> memref<3x128xi32, #tpu.memory_space<hbm>>
      tpu.enqueue_dma source(%dma_start3A_106 : memref<3x128xi32, #tpu.memory_space<hbm>>) target(%arg10 : memref<3x128xi32, #tpu.memory_space<vmem>>) target_semaphore(%run_scoped3A_98 : memref<!tpu.dma_semaphore, #tpu.memory_space<semaphore_mem>>)
      %dma_wait3A_107 = arith.constant 0 : i32
      %dma_wait3A_108 = arith.constant 0 : i32
      %dma_wait3A_109 = tpu.memref_slice %arg4[%add3A, %dma_wait3A_107, %dma_wait3A_108] : memref<32x3x128xi32, #tpu.memory_space<hbm>> -> memref<1x3x128xi32, #tpu.memory_space<hbm>>
      %dma_wait3A_110 = tpu.memref_squeeze %dma_wait3A_109 : memref<1x3x128xi32, #tpu.memory_space<hbm>> -> memref<3x128xi32, #tpu.memory_space<hbm>>
      %dma_wait3A_111 = arith.constant 0 : i32
      %dma_wait3A_112 = arith.constant 0 : i32
      %dma_wait3A_113 = tpu.memref_slice %arg4[%add3A, %dma_wait3A_111, %dma_wait3A_112] : memref<32x3x128xi32, #tpu.memory_space<hbm>> -> memref<1x3x128xi32, #tpu.memory_space<hbm>>
      %dma_wait3A_114 = tpu.memref_squeeze %dma_wait3A_113 : memref<1x3x128xi32, #tpu.memory_space<hbm>> -> memref<3x128xi32, #tpu.memory_space<hbm>>
      tpu.wait_dma2 semaphore(%run_scoped3A_98 : memref<!tpu.dma_semaphore, #tpu.memory_space<semaphore_mem>>) src(%dma_wait3A_114 : memref<3x128xi32, #tpu.memory_space<hbm>>) dst(%arg10 : memref<3x128xi32, #tpu.memory_space<vmem>>)
      tpu.yield
    }) : () -> ()
    "tpu.region"() ({
      %run_scoped3A_98 = tpu.sem_alloc : memref<!tpu.dma_semaphore, #tpu.memory_space<semaphore_mem>>
      %dma_start3A_99 = arith.constant 0 : i32
      %dma_start3A_100 = arith.constant 0 : i32
      %dma_start3A_101 = tpu.memref_slice %arg5[%add3A, %dma_start3A_99, %dma_start3A_100] : memref<32x2x128xi32, #tpu.memory_space<hbm>> -> memref<1x2x128xi32, #tpu.memory_space<hbm>>
      %dma_start3A_102 = tpu.memref_squeeze %dma_start3A_101 : memref<1x2x128xi32, #tpu.memory_space<hbm>> -> memref<2x128xi32, #tpu.memory_space<hbm>>
      %dma_start3A_103 = arith.constant 0 : i32
      %dma_start3A_104 = arith.constant 0 : i32
      %dma_start3A_105 = tpu.memref_slice %arg5[%add3A, %dma_start3A_103, %dma_start3A_104] : memref<32x2x128xi32, #tpu.memory_space<hbm>> -> memref<1x2x128xi32, #tpu.memory_space<hbm>>
      %dma_start3A_106 = tpu.memref_squeeze %dma_start3A_105 : memref<1x2x128xi32, #tpu.memory_space<hbm>> -> memref<2x128xi32, #tpu.memory_space<hbm>>
      tpu.enqueue_dma source(%dma_start3A_106 : memref<2x128xi32, #tpu.memory_space<hbm>>) target(%arg11 : memref<2x128xi32, #tpu.memory_space<vmem>>) target_semaphore(%run_scoped3A_98 : memref<!tpu.dma_semaphore, #tpu.memory_space<semaphore_mem>>)
      %dma_wait3A_107 = arith.constant 0 : i32
      %dma_wait3A_108 = arith.constant 0 : i32
      %dma_wait3A_109 = tpu.memref_slice %arg5[%add3A, %dma_wait3A_107, %dma_wait3A_108] : memref<32x2x128xi32, #tpu.memory_space<hbm>> -> memref<1x2x128xi32, #tpu.memory_space<hbm>>
      %dma_wait3A_110 = tpu.memref_squeeze %dma_wait3A_109 : memref<1x2x128xi32, #tpu.memory_space<hbm>> -> memref<2x128xi32, #tpu.memory_space<hbm>>
      %dma_wait3A_111 = arith.constant 0 : i32
      %dma_wait3A_112 = arith.constant 0 : i32
      %dma_wait3A_113 = tpu.memref_slice %arg5[%add3A, %dma_wait3A_111, %dma_wait3A_112] : memref<32x2x128xi32, #tpu.memory_space<hbm>> -> memref<1x2x128xi32, #tpu.memory_space<hbm>>
      %dma_wait3A_114 = tpu.memref_squeeze %dma_wait3A_113 : memref<1x2x128xi32, #tpu.memory_space<hbm>> -> memref<2x128xi32, #tpu.memory_space<hbm>>
      tpu.wait_dma2 semaphore(%run_scoped3A_98 : memref<!tpu.dma_semaphore, #tpu.memory_space<semaphore_mem>>) src(%dma_wait3A_114 : memref<2x128xi32, #tpu.memory_space<hbm>>) dst(%arg11 : memref<2x128xi32, #tpu.memory_space<vmem>>)
      tpu.yield
    }) : () -> ()
    %mul3A_21 = arith.constant 3 : i32
    %mul3A_22 = arith.muli %add3A, %mul3A_21 : i32
    %mul3A_23 = arith.constant 128 : i32
    %mul3A_24 = arith.muli %mul3A_22, %mul3A_23 : i32
    %add3A_25 = arith.constant 0 : i32
    %add3A_26 = arith.addi %mul3A_24, %add3A_25 : i32
    %dma_start3A = arith.constant 0 : i32
    %dma_start3A_27 = tpu.memref_slice %arg2[%add3A_26, %dma_start3A] : memref<12288x128xf32, #tpu.memory_space<hbm>> -> memref<128x128xf32, #tpu.memory_space<hbm>>
    %dma_start3A_28 = arith.constant 0 : i32
    %dma_start3A_29 = tpu.memref_slice %arg2[%add3A_26, %dma_start3A_28] : memref<12288x128xf32, #tpu.memory_space<hbm>> -> memref<128x128xf32, #tpu.memory_space<hbm>>
    tpu.enqueue_dma source(%dma_start3A_29 : memref<128x128xf32, #tpu.memory_space<hbm>>) target(%arg8 : memref<128x128xf32, #tpu.memory_space<vmem>>) target_semaphore(%arg13 : memref<!tpu.dma_semaphore, #tpu.memory_space<semaphore_mem>>)
    %barrier3A = arith.constant 0 : index
    tpu.barrier barrier_id(%barrier3A)
    %mul3A_30 = arith.constant 3 : i32
    %mul3A_31 = arith.muli %add3A, %mul3A_30 : i32
    %mul3A_32 = arith.constant 128 : i32
    %mul3A_33 = arith.muli %mul3A_31, %mul3A_32 : i32
    %add3A_34 = arith.constant 128 : i32
    %add3A_35 = arith.addi %mul3A_33, %add3A_34 : i32
    %dma_start3A_36 = arith.constant 0 : i32
    %dma_start3A_37 = tpu.memref_slice %arg2[%add3A_35, %dma_start3A_36] : memref<12288x128xf32, #tpu.memory_space<hbm>> -> memref<128x128xf32, #tpu.memory_space<hbm>>
    %dma_start3A_38 = arith.constant 0 : i32
    %dma_start3A_39 = tpu.memref_slice %arg2[%add3A_35, %dma_start3A_38] : memref<12288x128xf32, #tpu.memory_space<hbm>> -> memref<128x128xf32, #tpu.memory_space<hbm>>
    tpu.enqueue_dma source(%dma_start3A_39 : memref<128x128xf32, #tpu.memory_space<hbm>>) target(%arg9 : memref<128x128xf32, #tpu.memory_space<vmem>>) target_semaphore(%arg14 : memref<!tpu.dma_semaphore, #tpu.memory_space<semaphore_mem>>)
    %dma_wait3A = arith.constant 0 : i32
    %dma_wait3A_40 = tpu.memref_slice %arg2[%add3A_26, %dma_wait3A] : memref<12288x128xf32, #tpu.memory_space<hbm>> -> memref<128x128xf32, #tpu.memory_space<hbm>>
    %dma_wait3A_41 = arith.constant 0 : i32
    %dma_wait3A_42 = tpu.memref_slice %arg2[%add3A_26, %dma_wait3A_41] : memref<12288x128xf32, #tpu.memory_space<hbm>> -> memref<128x128xf32, #tpu.memory_space<hbm>>
    tpu.wait_dma2 semaphore(%arg13 : memref<!tpu.dma_semaphore, #tpu.memory_space<semaphore_mem>>) src(%dma_wait3A_42 : memref<128x128xf32, #tpu.memory_space<hbm>>) dst(%arg8 : memref<128x128xf32, #tpu.memory_space<vmem>>)
    %run_scoped3A = arith.constant 0 : i32
    "tpu.region"() ({
      %run_scoped3A_98 = tpu.sem_alloc : memref<!tpu.dma_semaphore, #tpu.memory_space<semaphore_mem>>
      %dma_start3A_99 = arith.constant 0 : i32
      %dma_start3A_100 = tpu.memref_slice %arg10[%run_scoped3A, %dma_start3A_99] : memref<3x128xi32, #tpu.memory_space<vmem>> -> memref<1x128xi32, #tpu.memory_space<vmem>>
      %dma_start3A_101 = tpu.memref_squeeze %dma_start3A_100 : memref<1x128xi32, #tpu.memory_space<vmem>> -> memref<128xi32, #tpu.memory_space<vmem>>
      %dma_start3A_102 = arith.constant 0 : i32
      %dma_start3A_103 = arith.constant 0 : i32
      %dma_start3A_104 = tpu.memref_slice %arg12[%dma_start3A_102, %dma_start3A_103] : memref<10240x128xf32, #tpu.memory_space<vmem_shared>> -> memref<10240x128xf32, #tpu.memory_space<vmem_shared>>
      tpu.enqueue_indirect_dma source(%arg8 : memref<128x128xf32, #tpu.memory_space<vmem>>) target(%dma_start3A_104 : memref<10240x128xf32, #tpu.memory_space<vmem_shared>>) offsets(%dma_start3A_101 : memref<128xi32, #tpu.memory_space<vmem>>) semaphore(%run_scoped3A_98 : memref<!tpu.dma_semaphore, #tpu.memory_space<semaphore_mem>>) {add = true}
      %dma_wait3A_105 = arith.constant 0 : i32
      %dma_wait3A_106 = tpu.memref_slice %arg10[%run_scoped3A, %dma_wait3A_105] : memref<3x128xi32, #tpu.memory_space<vmem>> -> memref<1x128xi32, #tpu.memory_space<vmem>>
      %dma_wait3A_107 = tpu.memref_squeeze %dma_wait3A_106 : memref<1x128xi32, #tpu.memory_space<vmem>> -> memref<128xi32, #tpu.memory_space<vmem>>
      %dma_wait3A_108 = arith.constant 0 : i32
      %dma_wait3A_109 = arith.constant 0 : i32
      %dma_wait3A_110 = tpu.memref_slice %arg12[%dma_wait3A_108, %dma_wait3A_109] : memref<10240x128xf32, #tpu.memory_space<vmem_shared>> -> memref<10240x128xf32, #tpu.memory_space<vmem_shared>>
      tpu.wait_indirect_dma semaphore(%run_scoped3A_98 : memref<!tpu.dma_semaphore, #tpu.memory_space<semaphore_mem>>) src(%arg8 : memref<128x128xf32, #tpu.memory_space<vmem>>) dst(%dma_wait3A_110 : memref<10240x128xf32, #tpu.memory_space<vmem_shared>>)
      tpu.yield
    }) : () -> ()
    %mul3A_43 = arith.constant 3 : i32
    %mul3A_44 = arith.muli %add3A, %mul3A_43 : i32
    %mul3A_45 = arith.constant 128 : i32
    %mul3A_46 = arith.muli %mul3A_44, %mul3A_45 : i32
    %add3A_47 = arith.constant 256 : i32
    %add3A_48 = arith.addi %mul3A_46, %add3A_47 : i32
    %dma_start3A_49 = arith.constant 0 : i32
    %dma_start3A_50 = tpu.memref_slice %arg2[%add3A_48, %dma_start3A_49] : memref<12288x128xf32, #tpu.memory_space<hbm>> -> memref<128x128xf32, #tpu.memory_space<hbm>>
    %dma_start3A_51 = arith.constant 0 : i32
    %dma_start3A_52 = tpu.memref_slice %arg2[%add3A_48, %dma_start3A_51] : memref<12288x128xf32, #tpu.memory_space<hbm>> -> memref<128x128xf32, #tpu.memory_space<hbm>>
    tpu.enqueue_dma source(%dma_start3A_52 : memref<128x128xf32, #tpu.memory_space<hbm>>) target(%arg8 : memref<128x128xf32, #tpu.memory_space<vmem>>) target_semaphore(%arg13 : memref<!tpu.dma_semaphore, #tpu.memory_space<semaphore_mem>>)
    %dma_wait3A_53 = arith.constant 0 : i32
    %dma_wait3A_54 = tpu.memref_slice %arg2[%add3A_35, %dma_wait3A_53] : memref<12288x128xf32, #tpu.memory_space<hbm>> -> memref<128x128xf32, #tpu.memory_space<hbm>>
    %dma_wait3A_55 = arith.constant 0 : i32
    %dma_wait3A_56 = tpu.memref_slice %arg2[%add3A_35, %dma_wait3A_55] : memref<12288x128xf32, #tpu.memory_space<hbm>> -> memref<128x128xf32, #tpu.memory_space<hbm>>
    tpu.wait_dma2 semaphore(%arg14 : memref<!tpu.dma_semaphore, #tpu.memory_space<semaphore_mem>>) src(%dma_wait3A_56 : memref<128x128xf32, #tpu.memory_space<hbm>>) dst(%arg9 : memref<128x128xf32, #tpu.memory_space<vmem>>)
    %run_scoped3A_57 = arith.constant 1 : i32
    "tpu.region"() ({
      %run_scoped3A_98 = tpu.sem_alloc : memref<!tpu.dma_semaphore, #tpu.memory_space<semaphore_mem>>
      %dma_start3A_99 = arith.constant 0 : i32
      %dma_start3A_100 = tpu.memref_slice %arg10[%run_scoped3A_57, %dma_start3A_99] : memref<3x128xi32, #tpu.memory_space<vmem>> -> memref<1x128xi32, #tpu.memory_space<vmem>>
      %dma_start3A_101 = tpu.memref_squeeze %dma_start3A_100 : memref<1x128xi32, #tpu.memory_space<vmem>> -> memref<128xi32, #tpu.memory_space<vmem>>
      %dma_start3A_102 = arith.constant 0 : i32
      %dma_start3A_103 = arith.constant 0 : i32
      %dma_start3A_104 = tpu.memref_slice %arg12[%dma_start3A_102, %dma_start3A_103] : memref<10240x128xf32, #tpu.memory_space<vmem_shared>> -> memref<10240x128xf32, #tpu.memory_space<vmem_shared>>
      tpu.enqueue_indirect_dma source(%arg9 : memref<128x128xf32, #tpu.memory_space<vmem>>) target(%dma_start3A_104 : memref<10240x128xf32, #tpu.memory_space<vmem_shared>>) offsets(%dma_start3A_101 : memref<128xi32, #tpu.memory_space<vmem>>) semaphore(%run_scoped3A_98 : memref<!tpu.dma_semaphore, #tpu.memory_space<semaphore_mem>>) {add = true}
      %dma_wait3A_105 = arith.constant 0 : i32
      %dma_wait3A_106 = tpu.memref_slice %arg10[%run_scoped3A_57, %dma_wait3A_105] : memref<3x128xi32, #tpu.memory_space<vmem>> -> memref<1x128xi32, #tpu.memory_space<vmem>>
      %dma_wait3A_107 = tpu.memref_squeeze %dma_wait3A_106 : memref<1x128xi32, #tpu.memory_space<vmem>> -> memref<128xi32, #tpu.memory_space<vmem>>
      %dma_wait3A_108 = arith.constant 0 : i32
      %dma_wait3A_109 = arith.constant 0 : i32
      %dma_wait3A_110 = tpu.memref_slice %arg12[%dma_wait3A_108, %dma_wait3A_109] : memref<10240x128xf32, #tpu.memory_space<vmem_shared>> -> memref<10240x128xf32, #tpu.memory_space<vmem_shared>>
      tpu.wait_indirect_dma semaphore(%run_scoped3A_98 : memref<!tpu.dma_semaphore, #tpu.memory_space<semaphore_mem>>) src(%arg9 : memref<128x128xf32, #tpu.memory_space<vmem>>) dst(%dma_wait3A_110 : memref<10240x128xf32, #tpu.memory_space<vmem_shared>>)
      tpu.yield
    }) : () -> ()
    %mul3A_58 = arith.constant 2 : i32
    %mul3A_59 = arith.muli %add3A, %mul3A_58 : i32
    %mul3A_60 = arith.constant 128 : i32
    %mul3A_61 = arith.muli %mul3A_59, %mul3A_60 : i32
    %add3A_62 = arith.constant 0 : i32
    %add3A_63 = arith.addi %mul3A_61, %add3A_62 : i32
    %dma_start3A_64 = arith.constant 0 : i32
    %dma_start3A_65 = tpu.memref_slice %arg3[%add3A_63, %dma_start3A_64] : memref<8192x128xf32, #tpu.memory_space<hbm>> -> memref<128x128xf32, #tpu.memory_space<hbm>>
    %dma_start3A_66 = arith.constant 0 : i32
    %dma_start3A_67 = tpu.memref_slice %arg3[%add3A_63, %dma_start3A_66] : memref<8192x128xf32, #tpu.memory_space<hbm>> -> memref<128x128xf32, #tpu.memory_space<hbm>>
    tpu.enqueue_dma source(%dma_start3A_67 : memref<128x128xf32, #tpu.memory_space<hbm>>) target(%arg9 : memref<128x128xf32, #tpu.memory_space<vmem>>) target_semaphore(%arg14 : memref<!tpu.dma_semaphore, #tpu.memory_space<semaphore_mem>>)
    %dma_wait3A_68 = arith.constant 0 : i32
    %dma_wait3A_69 = tpu.memref_slice %arg2[%add3A_48, %dma_wait3A_68] : memref<12288x128xf32, #tpu.memory_space<hbm>> -> memref<128x128xf32, #tpu.memory_space<hbm>>
    %dma_wait3A_70 = arith.constant 0 : i32
    %dma_wait3A_71 = tpu.memref_slice %arg2[%add3A_48, %dma_wait3A_70] : memref<12288x128xf32, #tpu.memory_space<hbm>> -> memref<128x128xf32, #tpu.memory_space<hbm>>
    tpu.wait_dma2 semaphore(%arg13 : memref<!tpu.dma_semaphore, #tpu.memory_space<semaphore_mem>>) src(%dma_wait3A_71 : memref<128x128xf32, #tpu.memory_space<hbm>>) dst(%arg8 : memref<128x128xf32, #tpu.memory_space<vmem>>)
    %run_scoped3A_72 = arith.constant 2 : i32
    "tpu.region"() ({
      %run_scoped3A_98 = tpu.sem_alloc : memref<!tpu.dma_semaphore, #tpu.memory_space<semaphore_mem>>
      %dma_start3A_99 = arith.constant 0 : i32
      %dma_start3A_100 = tpu.memref_slice %arg10[%run_scoped3A_72, %dma_start3A_99] : memref<3x128xi32, #tpu.memory_space<vmem>> -> memref<1x128xi32, #tpu.memory_space<vmem>>
      %dma_start3A_101 = tpu.memref_squeeze %dma_start3A_100 : memref<1x128xi32, #tpu.memory_space<vmem>> -> memref<128xi32, #tpu.memory_space<vmem>>
      %dma_start3A_102 = arith.constant 0 : i32
      %dma_start3A_103 = arith.constant 0 : i32
      %dma_start3A_104 = tpu.memref_slice %arg12[%dma_start3A_102, %dma_start3A_103] : memref<10240x128xf32, #tpu.memory_space<vmem_shared>> -> memref<10240x128xf32, #tpu.memory_space<vmem_shared>>
      tpu.enqueue_indirect_dma source(%arg8 : memref<128x128xf32, #tpu.memory_space<vmem>>) target(%dma_start3A_104 : memref<10240x128xf32, #tpu.memory_space<vmem_shared>>) offsets(%dma_start3A_101 : memref<128xi32, #tpu.memory_space<vmem>>) semaphore(%run_scoped3A_98 : memref<!tpu.dma_semaphore, #tpu.memory_space<semaphore_mem>>) {add = true}
      %dma_wait3A_105 = arith.constant 0 : i32
      %dma_wait3A_106 = tpu.memref_slice %arg10[%run_scoped3A_72, %dma_wait3A_105] : memref<3x128xi32, #tpu.memory_space<vmem>> -> memref<1x128xi32, #tpu.memory_space<vmem>>
      %dma_wait3A_107 = tpu.memref_squeeze %dma_wait3A_106 : memref<1x128xi32, #tpu.memory_space<vmem>> -> memref<128xi32, #tpu.memory_space<vmem>>
      %dma_wait3A_108 = arith.constant 0 : i32
      %dma_wait3A_109 = arith.constant 0 : i32
      %dma_wait3A_110 = tpu.memref_slice %arg12[%dma_wait3A_108, %dma_wait3A_109] : memref<10240x128xf32, #tpu.memory_space<vmem_shared>> -> memref<10240x128xf32, #tpu.memory_space<vmem_shared>>
      tpu.wait_indirect_dma semaphore(%run_scoped3A_98 : memref<!tpu.dma_semaphore, #tpu.memory_space<semaphore_mem>>) src(%arg8 : memref<128x128xf32, #tpu.memory_space<vmem>>) dst(%dma_wait3A_110 : memref<10240x128xf32, #tpu.memory_space<vmem_shared>>)
      tpu.yield
    }) : () -> ()
    %mul3A_73 = arith.constant 2 : i32
    %mul3A_74 = arith.muli %add3A, %mul3A_73 : i32
    %mul3A_75 = arith.constant 128 : i32
    %mul3A_76 = arith.muli %mul3A_74, %mul3A_75 : i32
    %add3A_77 = arith.constant 128 : i32
    %add3A_78 = arith.addi %mul3A_76, %add3A_77 : i32
    %dma_start3A_79 = arith.constant 0 : i32
    %dma_start3A_80 = tpu.memref_slice %arg3[%add3A_78, %dma_start3A_79] : memref<8192x128xf32, #tpu.memory_space<hbm>> -> memref<128x128xf32, #tpu.memory_space<hbm>>
    %dma_start3A_81 = arith.constant 0 : i32
    %dma_start3A_82 = tpu.memref_slice %arg3[%add3A_78, %dma_start3A_81] : memref<8192x128xf32, #tpu.memory_space<hbm>> -> memref<128x128xf32, #tpu.memory_space<hbm>>
    tpu.enqueue_dma source(%dma_start3A_82 : memref<128x128xf32, #tpu.memory_space<hbm>>) target(%arg8 : memref<128x128xf32, #tpu.memory_space<vmem>>) target_semaphore(%arg13 : memref<!tpu.dma_semaphore, #tpu.memory_space<semaphore_mem>>)
    %dma_wait3A_83 = arith.constant 0 : i32
    %dma_wait3A_84 = tpu.memref_slice %arg3[%add3A_63, %dma_wait3A_83] : memref<8192x128xf32, #tpu.memory_space<hbm>> -> memref<128x128xf32, #tpu.memory_space<hbm>>
    %dma_wait3A_85 = arith.constant 0 : i32
    %dma_wait3A_86 = tpu.memref_slice %arg3[%add3A_63, %dma_wait3A_85] : memref<8192x128xf32, #tpu.memory_space<hbm>> -> memref<128x128xf32, #tpu.memory_space<hbm>>
    tpu.wait_dma2 semaphore(%arg14 : memref<!tpu.dma_semaphore, #tpu.memory_space<semaphore_mem>>) src(%dma_wait3A_86 : memref<128x128xf32, #tpu.memory_space<hbm>>) dst(%arg9 : memref<128x128xf32, #tpu.memory_space<vmem>>)
    %run_scoped3A_87 = arith.constant 0 : i32
    "tpu.region"() ({
      %run_scoped3A_98 = tpu.sem_alloc : memref<!tpu.dma_semaphore, #tpu.memory_space<semaphore_mem>>
      %dma_start3A_99 = arith.constant 0 : i32
      %dma_start3A_100 = tpu.memref_slice %arg11[%run_scoped3A_87, %dma_start3A_99] : memref<2x128xi32, #tpu.memory_space<vmem>> -> memref<1x128xi32, #tpu.memory_space<vmem>>
      %dma_start3A_101 = tpu.memref_squeeze %dma_start3A_100 : memref<1x128xi32, #tpu.memory_space<vmem>> -> memref<128xi32, #tpu.memory_space<vmem>>
      %dma_start3A_102 = arith.constant 0 : i32
      %dma_start3A_103 = arith.constant 0 : i32
      %dma_start3A_104 = tpu.memref_slice %arg12[%dma_start3A_102, %dma_start3A_103] : memref<10240x128xf32, #tpu.memory_space<vmem_shared>> -> memref<10240x128xf32, #tpu.memory_space<vmem_shared>>
      tpu.enqueue_indirect_dma source(%arg9 : memref<128x128xf32, #tpu.memory_space<vmem>>) target(%dma_start3A_104 : memref<10240x128xf32, #tpu.memory_space<vmem_shared>>) offsets(%dma_start3A_101 : memref<128xi32, #tpu.memory_space<vmem>>) semaphore(%run_scoped3A_98 : memref<!tpu.dma_semaphore, #tpu.memory_space<semaphore_mem>>) {add = true}
      %dma_wait3A_105 = arith.constant 0 : i32
      %dma_wait3A_106 = tpu.memref_slice %arg11[%run_scoped3A_87, %dma_wait3A_105] : memref<2x128xi32, #tpu.memory_space<vmem>> -> memref<1x128xi32, #tpu.memory_space<vmem>>
      %dma_wait3A_107 = tpu.memref_squeeze %dma_wait3A_106 : memref<1x128xi32, #tpu.memory_space<vmem>> -> memref<128xi32, #tpu.memory_space<vmem>>
      %dma_wait3A_108 = arith.constant 0 : i32
      %dma_wait3A_109 = arith.constant 0 : i32
      %dma_wait3A_110 = tpu.memref_slice %arg12[%dma_wait3A_108, %dma_wait3A_109] : memref<10240x128xf32, #tpu.memory_space<vmem_shared>> -> memref<10240x128xf32, #tpu.memory_space<vmem_shared>>
      tpu.wait_indirect_dma semaphore(%run_scoped3A_98 : memref<!tpu.dma_semaphore, #tpu.memory_space<semaphore_mem>>) src(%arg9 : memref<128x128xf32, #tpu.memory_space<vmem>>) dst(%dma_wait3A_110 : memref<10240x128xf32, #tpu.memory_space<vmem_shared>>)
      tpu.yield
    }) : () -> ()
    %dma_wait3A_88 = arith.constant 0 : i32
    %dma_wait3A_89 = tpu.memref_slice %arg3[%add3A_78, %dma_wait3A_88] : memref<8192x128xf32, #tpu.memory_space<hbm>> -> memref<128x128xf32, #tpu.memory_space<hbm>>
    %dma_wait3A_90 = arith.constant 0 : i32
    %dma_wait3A_91 = tpu.memref_slice %arg3[%add3A_78, %dma_wait3A_90] : memref<8192x128xf32, #tpu.memory_space<hbm>> -> memref<128x128xf32, #tpu.memory_space<hbm>>
    tpu.wait_dma2 semaphore(%arg13 : memref<!tpu.dma_semaphore, #tpu.memory_space<semaphore_mem>>) src(%dma_wait3A_91 : memref<128x128xf32, #tpu.memory_space<hbm>>) dst(%arg8 : memref<128x128xf32, #tpu.memory_space<vmem>>)
    %run_scoped3A_92 = arith.constant 1 : i32
    "tpu.region"() ({
      %run_scoped3A_98 = tpu.sem_alloc : memref<!tpu.dma_semaphore, #tpu.memory_space<semaphore_mem>>
      %dma_start3A_99 = arith.constant 0 : i32
      %dma_start3A_100 = tpu.memref_slice %arg11[%run_scoped3A_92, %dma_start3A_99] : memref<2x128xi32, #tpu.memory_space<vmem>> -> memref<1x128xi32, #tpu.memory_space<vmem>>
      %dma_start3A_101 = tpu.memref_squeeze %dma_start3A_100 : memref<1x128xi32, #tpu.memory_space<vmem>> -> memref<128xi32, #tpu.memory_space<vmem>>
      %dma_start3A_102 = arith.constant 0 : i32
      %dma_start3A_103 = arith.constant 0 : i32
      %dma_start3A_104 = tpu.memref_slice %arg12[%dma_start3A_102, %dma_start3A_103] : memref<10240x128xf32, #tpu.memory_space<vmem_shared>> -> memref<10240x128xf32, #tpu.memory_space<vmem_shared>>
      tpu.enqueue_indirect_dma source(%arg8 : memref<128x128xf32, #tpu.memory_space<vmem>>) target(%dma_start3A_104 : memref<10240x128xf32, #tpu.memory_space<vmem_shared>>) offsets(%dma_start3A_101 : memref<128xi32, #tpu.memory_space<vmem>>) semaphore(%run_scoped3A_98 : memref<!tpu.dma_semaphore, #tpu.memory_space<semaphore_mem>>) {add = true}
      %dma_wait3A_105 = arith.constant 0 : i32
      %dma_wait3A_106 = tpu.memref_slice %arg11[%run_scoped3A_92, %dma_wait3A_105] : memref<2x128xi32, #tpu.memory_space<vmem>> -> memref<1x128xi32, #tpu.memory_space<vmem>>
      %dma_wait3A_107 = tpu.memref_squeeze %dma_wait3A_106 : memref<1x128xi32, #tpu.memory_space<vmem>> -> memref<128xi32, #tpu.memory_space<vmem>>
      %dma_wait3A_108 = arith.constant 0 : i32
      %dma_wait3A_109 = arith.constant 0 : i32
      %dma_wait3A_110 = tpu.memref_slice %arg12[%dma_wait3A_108, %dma_wait3A_109] : memref<10240x128xf32, #tpu.memory_space<vmem_shared>> -> memref<10240x128xf32, #tpu.memory_space<vmem_shared>>
      tpu.wait_indirect_dma semaphore(%run_scoped3A_98 : memref<!tpu.dma_semaphore, #tpu.memory_space<semaphore_mem>>) src(%arg8 : memref<128x128xf32, #tpu.memory_space<vmem>>) dst(%dma_wait3A_110 : memref<10240x128xf32, #tpu.memory_space<vmem_shared>>)
      tpu.yield
    }) : () -> ()
    %barrier3A_93 = arith.constant 0 : index
    tpu.barrier barrier_id(%barrier3A_93)
    %mul3A_94 = arith.constant 640 : i32
    %mul3A_95 = arith.muli %arg1, %mul3A_94 : i32
    %mul3A_96 = arith.constant 640 : i32
    %mul3A_97 = arith.muli %arg1, %mul3A_96 : i32
    "tpu.region"() ({
      %run_scoped3A_98 = tpu.sem_alloc : memref<!tpu.dma_semaphore, #tpu.memory_space<semaphore_mem>>
      %dma_start3A_99 = arith.constant 0 : i32
      %dma_start3A_100 = tpu.memref_slice %arg7[%arg0, %mul3A_97, %dma_start3A_99] : memref<2x10240x128xf32, #tpu.memory_space<hbm>> -> memref<1x640x128xf32, #tpu.memory_space<hbm>>
      %dma_start3A_101 = tpu.memref_squeeze %dma_start3A_100 : memref<1x640x128xf32, #tpu.memory_space<hbm>> -> memref<640x128xf32, #tpu.memory_space<hbm>>
      %dma_start3A_102 = arith.constant 0 : i32
      %dma_start3A_103 = tpu.memref_slice %arg12[%mul3A_95, %dma_start3A_102] : memref<10240x128xf32, #tpu.memory_space<vmem_shared>> -> memref<640x128xf32, #tpu.memory_space<vmem_shared>>
      tpu.enqueue_dma source(%dma_start3A_103 : memref<640x128xf32, #tpu.memory_space<vmem_shared>>) target(%dma_start3A_101 : memref<640x128xf32, #tpu.memory_space<hbm>>) target_semaphore(%run_scoped3A_98 : memref<!tpu.dma_semaphore, #tpu.memory_space<semaphore_mem>>)
      %dma_wait3A_104 = arith.constant 0 : i32
      %dma_wait3A_105 = tpu.memref_slice %arg7[%arg0, %mul3A_97, %dma_wait3A_104] : memref<2x10240x128xf32, #tpu.memory_space<hbm>> -> memref<1x640x128xf32, #tpu.memory_space<hbm>>
      %dma_wait3A_106 = tpu.memref_squeeze %dma_wait3A_105 : memref<1x640x128xf32, #tpu.memory_space<hbm>> -> memref<640x128xf32, #tpu.memory_space<hbm>>
      %dma_wait3A_107 = arith.constant 0 : i32
      %dma_wait3A_108 = tpu.memref_slice %arg12[%mul3A_95, %dma_wait3A_107] : memref<10240x128xf32, #tpu.memory_space<vmem_shared>> -> memref<640x128xf32, #tpu.memory_space<vmem_shared>>
      tpu.wait_dma2 semaphore(%run_scoped3A_98 : memref<!tpu.dma_semaphore, #tpu.memory_space<semaphore_mem>>) src(%dma_wait3A_108 : memref<640x128xf32, #tpu.memory_space<vmem_shared>>) dst(%dma_wait3A_106 : memref<640x128xf32, #tpu.memory_space<hbm>>)
      tpu.yield
    }) : () -> ()
    return
  }
}

#map = affine_map<(d0, d1) -> (0, 0)>
#map1 = affine_map<(d0, d1) -> (0, 0, 0)>
module attributes {stable_mosaic.version = 14 : i64} {
  func.func @_gather_body(%arg0: i32, %arg1: i32, %arg2: memref<10240x128xf32, #tpu.memory_space<hbm>>, %arg3: memref<32x2x128xi32, #tpu.memory_space<hbm>>, %arg4: memref<8192x128xf32, #tpu.memory_space<hbm>>, %arg5: memref<2x128xi32, #tpu.memory_space<vmem>>, %arg6: memref<256x128xf32, #tpu.memory_space<vmem>>, %arg7: memref<!tpu.dma_semaphore, #tpu.memory_space<semaphore_mem>>) attributes {dimension_semantics = [#tpu.dimension_semantics<core_parallel>, #tpu.dimension_semantics<subcore_parallel>], iteration_bounds = array<i64: 2, 16>, scalar_prefetch = 0 : i64, scratch_operands = 3 : i64, tpu.core_type = #tpu.core_type<sc_vector_subcore>, window_params = [{transform_indices = #map}, {transform_indices = #map1}, {transform_indices = #map}]} {
    %mul3A = arith.constant 2 : i32
    %mul3A_0 = arith.muli %arg1, %mul3A : i32
    %add3A = arith.addi %mul3A_0, %arg0 : i32
    "tpu.region"() ({
      %run_scoped3A = tpu.sem_alloc : memref<!tpu.dma_semaphore, #tpu.memory_space<semaphore_mem>>
      %dma_start3A_41 = arith.constant 0 : i32
      %dma_start3A_42 = arith.constant 0 : i32
      %dma_start3A_43 = tpu.memref_slice %arg3[%add3A, %dma_start3A_41, %dma_start3A_42] : memref<32x2x128xi32, #tpu.memory_space<hbm>> -> memref<1x2x128xi32, #tpu.memory_space<hbm>>
      %dma_start3A_44 = tpu.memref_squeeze %dma_start3A_43 : memref<1x2x128xi32, #tpu.memory_space<hbm>> -> memref<2x128xi32, #tpu.memory_space<hbm>>
      %dma_start3A_45 = arith.constant 0 : i32
      %dma_start3A_46 = arith.constant 0 : i32
      %dma_start3A_47 = tpu.memref_slice %arg3[%add3A, %dma_start3A_45, %dma_start3A_46] : memref<32x2x128xi32, #tpu.memory_space<hbm>> -> memref<1x2x128xi32, #tpu.memory_space<hbm>>
      %dma_start3A_48 = tpu.memref_squeeze %dma_start3A_47 : memref<1x2x128xi32, #tpu.memory_space<hbm>> -> memref<2x128xi32, #tpu.memory_space<hbm>>
      tpu.enqueue_dma source(%dma_start3A_48 : memref<2x128xi32, #tpu.memory_space<hbm>>) target(%arg5 : memref<2x128xi32, #tpu.memory_space<vmem>>) target_semaphore(%run_scoped3A : memref<!tpu.dma_semaphore, #tpu.memory_space<semaphore_mem>>)
      %dma_wait3A_49 = arith.constant 0 : i32
      %dma_wait3A_50 = arith.constant 0 : i32
      %dma_wait3A_51 = tpu.memref_slice %arg3[%add3A, %dma_wait3A_49, %dma_wait3A_50] : memref<32x2x128xi32, #tpu.memory_space<hbm>> -> memref<1x2x128xi32, #tpu.memory_space<hbm>>
      %dma_wait3A_52 = tpu.memref_squeeze %dma_wait3A_51 : memref<1x2x128xi32, #tpu.memory_space<hbm>> -> memref<2x128xi32, #tpu.memory_space<hbm>>
      %dma_wait3A_53 = arith.constant 0 : i32
      %dma_wait3A_54 = arith.constant 0 : i32
      %dma_wait3A_55 = tpu.memref_slice %arg3[%add3A, %dma_wait3A_53, %dma_wait3A_54] : memref<32x2x128xi32, #tpu.memory_space<hbm>> -> memref<1x2x128xi32, #tpu.memory_space<hbm>>
      %dma_wait3A_56 = tpu.memref_squeeze %dma_wait3A_55 : memref<1x2x128xi32, #tpu.memory_space<hbm>> -> memref<2x128xi32, #tpu.memory_space<hbm>>
      tpu.wait_dma2 semaphore(%run_scoped3A : memref<!tpu.dma_semaphore, #tpu.memory_space<semaphore_mem>>) src(%dma_wait3A_56 : memref<2x128xi32, #tpu.memory_space<hbm>>) dst(%arg5 : memref<2x128xi32, #tpu.memory_space<vmem>>)
      tpu.yield
    }) : () -> ()
    %dma_start3A = arith.constant 0 : i32
    %dma_start3A_1 = arith.constant 0 : i32
    %dma_start3A_2 = arith.constant 0 : i32
    %dma_start3A_3 = tpu.memref_slice %arg6[%dma_start3A_1, %dma_start3A_2] : memref<256x128xf32, #tpu.memory_space<vmem>> -> memref<128x128xf32, #tpu.memory_space<vmem>>
    %dma_start3A_4 = arith.constant 0 : i32
    %dma_start3A_5 = tpu.memref_slice %arg5[%dma_start3A, %dma_start3A_4] : memref<2x128xi32, #tpu.memory_space<vmem>> -> memref<1x128xi32, #tpu.memory_space<vmem>>
    %dma_start3A_6 = tpu.memref_squeeze %dma_start3A_5 : memref<1x128xi32, #tpu.memory_space<vmem>> -> memref<128xi32, #tpu.memory_space<vmem>>
    %dma_start3A_7 = arith.constant 0 : i32
    %dma_start3A_8 = arith.constant 0 : i32
    %dma_start3A_9 = tpu.memref_slice %arg2[%dma_start3A_7, %dma_start3A_8] : memref<10240x128xf32, #tpu.memory_space<hbm>> -> memref<10240x128xf32, #tpu.memory_space<hbm>>
    tpu.enqueue_indirect_dma source(%dma_start3A_9 : memref<10240x128xf32, #tpu.memory_space<hbm>>) target(%dma_start3A_3 : memref<128x128xf32, #tpu.memory_space<vmem>>) offsets(%dma_start3A_6 : memref<128xi32, #tpu.memory_space<vmem>>) semaphore(%arg7 : memref<!tpu.dma_semaphore, #tpu.memory_space<semaphore_mem>>)
    %dma_start3A_10 = arith.constant 1 : i32
    %dma_start3A_11 = arith.constant 128 : i32
    %dma_start3A_12 = arith.constant 0 : i32
    %dma_start3A_13 = tpu.memref_slice %arg6[%dma_start3A_11, %dma_start3A_12] : memref<256x128xf32, #tpu.memory_space<vmem>> -> memref<128x128xf32, #tpu.memory_space<vmem>>
    %dma_start3A_14 = arith.constant 0 : i32
    %dma_start3A_15 = tpu.memref_slice %arg5[%dma_start3A_10, %dma_start3A_14] : memref<2x128xi32, #tpu.memory_space<vmem>> -> memref<1x128xi32, #tpu.memory_space<vmem>>
    %dma_start3A_16 = tpu.memref_squeeze %dma_start3A_15 : memref<1x128xi32, #tpu.memory_space<vmem>> -> memref<128xi32, #tpu.memory_space<vmem>>
    %dma_start3A_17 = arith.constant 0 : i32
    %dma_start3A_18 = arith.constant 0 : i32
    %dma_start3A_19 = tpu.memref_slice %arg2[%dma_start3A_17, %dma_start3A_18] : memref<10240x128xf32, #tpu.memory_space<hbm>> -> memref<10240x128xf32, #tpu.memory_space<hbm>>
    tpu.enqueue_indirect_dma source(%dma_start3A_19 : memref<10240x128xf32, #tpu.memory_space<hbm>>) target(%dma_start3A_13 : memref<128x128xf32, #tpu.memory_space<vmem>>) offsets(%dma_start3A_16 : memref<128xi32, #tpu.memory_space<vmem>>) semaphore(%arg7 : memref<!tpu.dma_semaphore, #tpu.memory_space<semaphore_mem>>)
    %dma_wait3A = arith.constant 0 : i32
    %dma_wait3A_20 = arith.constant 0 : i32
    %dma_wait3A_21 = arith.constant 0 : i32
    %dma_wait3A_22 = tpu.memref_slice %arg6[%dma_wait3A_20, %dma_wait3A_21] : memref<256x128xf32, #tpu.memory_space<vmem>> -> memref<128x128xf32, #tpu.memory_space<vmem>>
    %dma_wait3A_23 = arith.constant 0 : i32
    %dma_wait3A_24 = tpu.memref_slice %arg5[%dma_wait3A, %dma_wait3A_23] : memref<2x128xi32, #tpu.memory_space<vmem>> -> memref<1x128xi32, #tpu.memory_space<vmem>>
    %dma_wait3A_25 = tpu.memref_squeeze %dma_wait3A_24 : memref<1x128xi32, #tpu.memory_space<vmem>> -> memref<128xi32, #tpu.memory_space<vmem>>
    %dma_wait3A_26 = arith.constant 0 : i32
    %dma_wait3A_27 = arith.constant 0 : i32
    %dma_wait3A_28 = tpu.memref_slice %arg2[%dma_wait3A_26, %dma_wait3A_27] : memref<10240x128xf32, #tpu.memory_space<hbm>> -> memref<10240x128xf32, #tpu.memory_space<hbm>>
    tpu.wait_indirect_dma semaphore(%arg7 : memref<!tpu.dma_semaphore, #tpu.memory_space<semaphore_mem>>) src(%dma_wait3A_28 : memref<10240x128xf32, #tpu.memory_space<hbm>>) dst(%dma_wait3A_22 : memref<128x128xf32, #tpu.memory_space<vmem>>)
    %dma_wait3A_29 = arith.constant 1 : i32
    %dma_wait3A_30 = arith.constant 128 : i32
    %dma_wait3A_31 = arith.constant 0 : i32
    %dma_wait3A_32 = tpu.memref_slice %arg6[%dma_wait3A_30, %dma_wait3A_31] : memref<256x128xf32, #tpu.memory_space<vmem>> -> memref<128x128xf32, #tpu.memory_space<vmem>>
    %dma_wait3A_33 = arith.constant 0 : i32
    %dma_wait3A_34 = tpu.memref_slice %arg5[%dma_wait3A_29, %dma_wait3A_33] : memref<2x128xi32, #tpu.memory_space<vmem>> -> memref<1x128xi32, #tpu.memory_space<vmem>>
    %dma_wait3A_35 = tpu.memref_squeeze %dma_wait3A_34 : memref<1x128xi32, #tpu.memory_space<vmem>> -> memref<128xi32, #tpu.memory_space<vmem>>
    %dma_wait3A_36 = arith.constant 0 : i32
    %dma_wait3A_37 = arith.constant 0 : i32
    %dma_wait3A_38 = tpu.memref_slice %arg2[%dma_wait3A_36, %dma_wait3A_37] : memref<10240x128xf32, #tpu.memory_space<hbm>> -> memref<10240x128xf32, #tpu.memory_space<hbm>>
    tpu.wait_indirect_dma semaphore(%arg7 : memref<!tpu.dma_semaphore, #tpu.memory_space<semaphore_mem>>) src(%dma_wait3A_38 : memref<10240x128xf32, #tpu.memory_space<hbm>>) dst(%dma_wait3A_32 : memref<128x128xf32, #tpu.memory_space<vmem>>)
    %mul3A_39 = arith.constant 256 : i32
    %mul3A_40 = arith.muli %add3A, %mul3A_39 : i32
    "tpu.region"() ({
      %run_scoped3A = tpu.sem_alloc : memref<!tpu.dma_semaphore, #tpu.memory_space<semaphore_mem>>
      %dma_start3A_41 = arith.constant 0 : i32
      %dma_start3A_42 = tpu.memref_slice %arg4[%mul3A_40, %dma_start3A_41] : memref<8192x128xf32, #tpu.memory_space<hbm>> -> memref<256x128xf32, #tpu.memory_space<hbm>>
      %dma_start3A_43 = arith.constant 0 : i32
      %dma_start3A_44 = tpu.memref_slice %arg4[%mul3A_40, %dma_start3A_43] : memref<8192x128xf32, #tpu.memory_space<hbm>> -> memref<256x128xf32, #tpu.memory_space<hbm>>
      tpu.enqueue_dma source(%arg6 : memref<256x128xf32, #tpu.memory_space<vmem>>) target(%dma_start3A_44 : memref<256x128xf32, #tpu.memory_space<hbm>>) target_semaphore(%run_scoped3A : memref<!tpu.dma_semaphore, #tpu.memory_space<semaphore_mem>>)
      %dma_wait3A_45 = arith.constant 0 : i32
      %dma_wait3A_46 = tpu.memref_slice %arg4[%mul3A_40, %dma_wait3A_45] : memref<8192x128xf32, #tpu.memory_space<hbm>> -> memref<256x128xf32, #tpu.memory_space<hbm>>
      %dma_wait3A_47 = arith.constant 0 : i32
      %dma_wait3A_48 = tpu.memref_slice %arg4[%mul3A_40, %dma_wait3A_47] : memref<8192x128xf32, #tpu.memory_space<hbm>> -> memref<256x128xf32, #tpu.memory_space<hbm>>
      tpu.wait_dma2 semaphore(%run_scoped3A : memref<!tpu.dma_semaphore, #tpu.memory_space<semaphore_mem>>) src(%arg6 : memref<256x128xf32, #tpu.memory_space<vmem>>) dst(%dma_wait3A_48 : memref<256x128xf32, #tpu.memory_space<hbm>>)
      tpu.yield
    }) : () -> ()
    return
  }
}

#map = affine_map<(d0, d1) -> (0, 0)>
#map1 = affine_map<(d0, d1) -> (0, 0, 0)>
module attributes {stable_mosaic.version = 14 : i64} {
  func.func @_gather_body(%arg0: i32, %arg1: i32, %arg2: memref<10240x128xf32, #tpu.memory_space<hbm>>, %arg3: memref<32x3x128xi32, #tpu.memory_space<hbm>>, %arg4: memref<12288x128xf32, #tpu.memory_space<hbm>>, %arg5: memref<3x128xi32, #tpu.memory_space<vmem>>, %arg6: memref<384x128xf32, #tpu.memory_space<vmem>>, %arg7: memref<!tpu.dma_semaphore, #tpu.memory_space<semaphore_mem>>) attributes {dimension_semantics = [#tpu.dimension_semantics<core_parallel>, #tpu.dimension_semantics<subcore_parallel>], iteration_bounds = array<i64: 2, 16>, scalar_prefetch = 0 : i64, scratch_operands = 3 : i64, tpu.core_type = #tpu.core_type<sc_vector_subcore>, window_params = [{transform_indices = #map}, {transform_indices = #map1}, {transform_indices = #map}]} {
    %mul3A = arith.constant 2 : i32
    %mul3A_0 = arith.muli %arg1, %mul3A : i32
    %add3A = arith.addi %mul3A_0, %arg0 : i32
    "tpu.region"() ({
      %run_scoped3A = tpu.sem_alloc : memref<!tpu.dma_semaphore, #tpu.memory_space<semaphore_mem>>
      %dma_start3A_61 = arith.constant 0 : i32
      %dma_start3A_62 = arith.constant 0 : i32
      %dma_start3A_63 = tpu.memref_slice %arg3[%add3A, %dma_start3A_61, %dma_start3A_62] : memref<32x3x128xi32, #tpu.memory_space<hbm>> -> memref<1x3x128xi32, #tpu.memory_space<hbm>>
      %dma_start3A_64 = tpu.memref_squeeze %dma_start3A_63 : memref<1x3x128xi32, #tpu.memory_space<hbm>> -> memref<3x128xi32, #tpu.memory_space<hbm>>
      %dma_start3A_65 = arith.constant 0 : i32
      %dma_start3A_66 = arith.constant 0 : i32
      %dma_start3A_67 = tpu.memref_slice %arg3[%add3A, %dma_start3A_65, %dma_start3A_66] : memref<32x3x128xi32, #tpu.memory_space<hbm>> -> memref<1x3x128xi32, #tpu.memory_space<hbm>>
      %dma_start3A_68 = tpu.memref_squeeze %dma_start3A_67 : memref<1x3x128xi32, #tpu.memory_space<hbm>> -> memref<3x128xi32, #tpu.memory_space<hbm>>
      tpu.enqueue_dma source(%dma_start3A_68 : memref<3x128xi32, #tpu.memory_space<hbm>>) target(%arg5 : memref<3x128xi32, #tpu.memory_space<vmem>>) target_semaphore(%run_scoped3A : memref<!tpu.dma_semaphore, #tpu.memory_space<semaphore_mem>>)
      %dma_wait3A_69 = arith.constant 0 : i32
      %dma_wait3A_70 = arith.constant 0 : i32
      %dma_wait3A_71 = tpu.memref_slice %arg3[%add3A, %dma_wait3A_69, %dma_wait3A_70] : memref<32x3x128xi32, #tpu.memory_space<hbm>> -> memref<1x3x128xi32, #tpu.memory_space<hbm>>
      %dma_wait3A_72 = tpu.memref_squeeze %dma_wait3A_71 : memref<1x3x128xi32, #tpu.memory_space<hbm>> -> memref<3x128xi32, #tpu.memory_space<hbm>>
      %dma_wait3A_73 = arith.constant 0 : i32
      %dma_wait3A_74 = arith.constant 0 : i32
      %dma_wait3A_75 = tpu.memref_slice %arg3[%add3A, %dma_wait3A_73, %dma_wait3A_74] : memref<32x3x128xi32, #tpu.memory_space<hbm>> -> memref<1x3x128xi32, #tpu.memory_space<hbm>>
      %dma_wait3A_76 = tpu.memref_squeeze %dma_wait3A_75 : memref<1x3x128xi32, #tpu.memory_space<hbm>> -> memref<3x128xi32, #tpu.memory_space<hbm>>
      tpu.wait_dma2 semaphore(%run_scoped3A : memref<!tpu.dma_semaphore, #tpu.memory_space<semaphore_mem>>) src(%dma_wait3A_76 : memref<3x128xi32, #tpu.memory_space<hbm>>) dst(%arg5 : memref<3x128xi32, #tpu.memory_space<vmem>>)
      tpu.yield
    }) : () -> ()
    %dma_start3A = arith.constant 0 : i32
    %dma_start3A_1 = arith.constant 0 : i32
    %dma_start3A_2 = arith.constant 0 : i32
    %dma_start3A_3 = tpu.memref_slice %arg6[%dma_start3A_1, %dma_start3A_2] : memref<384x128xf32, #tpu.memory_space<vmem>> -> memref<128x128xf32, #tpu.memory_space<vmem>>
    %dma_start3A_4 = arith.constant 0 : i32
    %dma_start3A_5 = tpu.memref_slice %arg5[%dma_start3A, %dma_start3A_4] : memref<3x128xi32, #tpu.memory_space<vmem>> -> memref<1x128xi32, #tpu.memory_space<vmem>>
    %dma_start3A_6 = tpu.memref_squeeze %dma_start3A_5 : memref<1x128xi32, #tpu.memory_space<vmem>> -> memref<128xi32, #tpu.memory_space<vmem>>
    %dma_start3A_7 = arith.constant 0 : i32
    %dma_start3A_8 = arith.constant 0 : i32
    %dma_start3A_9 = tpu.memref_slice %arg2[%dma_start3A_7, %dma_start3A_8] : memref<10240x128xf32, #tpu.memory_space<hbm>> -> memref<10240x128xf32, #tpu.memory_space<hbm>>
    tpu.enqueue_indirect_dma source(%dma_start3A_9 : memref<10240x128xf32, #tpu.memory_space<hbm>>) target(%dma_start3A_3 : memref<128x128xf32, #tpu.memory_space<vmem>>) offsets(%dma_start3A_6 : memref<128xi32, #tpu.memory_space<vmem>>) semaphore(%arg7 : memref<!tpu.dma_semaphore, #tpu.memory_space<semaphore_mem>>)
    %dma_start3A_10 = arith.constant 1 : i32
    %dma_start3A_11 = arith.constant 128 : i32
    %dma_start3A_12 = arith.constant 0 : i32
    %dma_start3A_13 = tpu.memref_slice %arg6[%dma_start3A_11, %dma_start3A_12] : memref<384x128xf32, #tpu.memory_space<vmem>> -> memref<128x128xf32, #tpu.memory_space<vmem>>
    %dma_start3A_14 = arith.constant 0 : i32
    %dma_start3A_15 = tpu.memref_slice %arg5[%dma_start3A_10, %dma_start3A_14] : memref<3x128xi32, #tpu.memory_space<vmem>> -> memref<1x128xi32, #tpu.memory_space<vmem>>
    %dma_start3A_16 = tpu.memref_squeeze %dma_start3A_15 : memref<1x128xi32, #tpu.memory_space<vmem>> -> memref<128xi32, #tpu.memory_space<vmem>>
    %dma_start3A_17 = arith.constant 0 : i32
    %dma_start3A_18 = arith.constant 0 : i32
    %dma_start3A_19 = tpu.memref_slice %arg2[%dma_start3A_17, %dma_start3A_18] : memref<10240x128xf32, #tpu.memory_space<hbm>> -> memref<10240x128xf32, #tpu.memory_space<hbm>>
    tpu.enqueue_indirect_dma source(%dma_start3A_19 : memref<10240x128xf32, #tpu.memory_space<hbm>>) target(%dma_start3A_13 : memref<128x128xf32, #tpu.memory_space<vmem>>) offsets(%dma_start3A_16 : memref<128xi32, #tpu.memory_space<vmem>>) semaphore(%arg7 : memref<!tpu.dma_semaphore, #tpu.memory_space<semaphore_mem>>)
    %dma_start3A_20 = arith.constant 2 : i32
    %dma_start3A_21 = arith.constant 256 : i32
    %dma_start3A_22 = arith.constant 0 : i32
    %dma_start3A_23 = tpu.memref_slice %arg6[%dma_start3A_21, %dma_start3A_22] : memref<384x128xf32, #tpu.memory_space<vmem>> -> memref<128x128xf32, #tpu.memory_space<vmem>>
    %dma_start3A_24 = arith.constant 0 : i32
    %dma_start3A_25 = tpu.memref_slice %arg5[%dma_start3A_20, %dma_start3A_24] : memref<3x128xi32, #tpu.memory_space<vmem>> -> memref<1x128xi32, #tpu.memory_space<vmem>>
    %dma_start3A_26 = tpu.memref_squeeze %dma_start3A_25 : memref<1x128xi32, #tpu.memory_space<vmem>> -> memref<128xi32, #tpu.memory_space<vmem>>
    %dma_start3A_27 = arith.constant 0 : i32
    %dma_start3A_28 = arith.constant 0 : i32
    %dma_start3A_29 = tpu.memref_slice %arg2[%dma_start3A_27, %dma_start3A_28] : memref<10240x128xf32, #tpu.memory_space<hbm>> -> memref<10240x128xf32, #tpu.memory_space<hbm>>
    tpu.enqueue_indirect_dma source(%dma_start3A_29 : memref<10240x128xf32, #tpu.memory_space<hbm>>) target(%dma_start3A_23 : memref<128x128xf32, #tpu.memory_space<vmem>>) offsets(%dma_start3A_26 : memref<128xi32, #tpu.memory_space<vmem>>) semaphore(%arg7 : memref<!tpu.dma_semaphore, #tpu.memory_space<semaphore_mem>>)
    %dma_wait3A = arith.constant 0 : i32
    %dma_wait3A_30 = arith.constant 0 : i32
    %dma_wait3A_31 = arith.constant 0 : i32
    %dma_wait3A_32 = tpu.memref_slice %arg6[%dma_wait3A_30, %dma_wait3A_31] : memref<384x128xf32, #tpu.memory_space<vmem>> -> memref<128x128xf32, #tpu.memory_space<vmem>>
    %dma_wait3A_33 = arith.constant 0 : i32
    %dma_wait3A_34 = tpu.memref_slice %arg5[%dma_wait3A, %dma_wait3A_33] : memref<3x128xi32, #tpu.memory_space<vmem>> -> memref<1x128xi32, #tpu.memory_space<vmem>>
    %dma_wait3A_35 = tpu.memref_squeeze %dma_wait3A_34 : memref<1x128xi32, #tpu.memory_space<vmem>> -> memref<128xi32, #tpu.memory_space<vmem>>
    %dma_wait3A_36 = arith.constant 0 : i32
    %dma_wait3A_37 = arith.constant 0 : i32
    %dma_wait3A_38 = tpu.memref_slice %arg2[%dma_wait3A_36, %dma_wait3A_37] : memref<10240x128xf32, #tpu.memory_space<hbm>> -> memref<10240x128xf32, #tpu.memory_space<hbm>>
    tpu.wait_indirect_dma semaphore(%arg7 : memref<!tpu.dma_semaphore, #tpu.memory_space<semaphore_mem>>) src(%dma_wait3A_38 : memref<10240x128xf32, #tpu.memory_space<hbm>>) dst(%dma_wait3A_32 : memref<128x128xf32, #tpu.memory_space<vmem>>)
    %dma_wait3A_39 = arith.constant 1 : i32
    %dma_wait3A_40 = arith.constant 128 : i32
    %dma_wait3A_41 = arith.constant 0 : i32
    %dma_wait3A_42 = tpu.memref_slice %arg6[%dma_wait3A_40, %dma_wait3A_41] : memref<384x128xf32, #tpu.memory_space<vmem>> -> memref<128x128xf32, #tpu.memory_space<vmem>>
    %dma_wait3A_43 = arith.constant 0 : i32
    %dma_wait3A_44 = tpu.memref_slice %arg5[%dma_wait3A_39, %dma_wait3A_43] : memref<3x128xi32, #tpu.memory_space<vmem>> -> memref<1x128xi32, #tpu.memory_space<vmem>>
    %dma_wait3A_45 = tpu.memref_squeeze %dma_wait3A_44 : memref<1x128xi32, #tpu.memory_space<vmem>> -> memref<128xi32, #tpu.memory_space<vmem>>
    %dma_wait3A_46 = arith.constant 0 : i32
    %dma_wait3A_47 = arith.constant 0 : i32
    %dma_wait3A_48 = tpu.memref_slice %arg2[%dma_wait3A_46, %dma_wait3A_47] : memref<10240x128xf32, #tpu.memory_space<hbm>> -> memref<10240x128xf32, #tpu.memory_space<hbm>>
    tpu.wait_indirect_dma semaphore(%arg7 : memref<!tpu.dma_semaphore, #tpu.memory_space<semaphore_mem>>) src(%dma_wait3A_48 : memref<10240x128xf32, #tpu.memory_space<hbm>>) dst(%dma_wait3A_42 : memref<128x128xf32, #tpu.memory_space<vmem>>)
    %dma_wait3A_49 = arith.constant 2 : i32
    %dma_wait3A_50 = arith.constant 256 : i32
    %dma_wait3A_51 = arith.constant 0 : i32
    %dma_wait3A_52 = tpu.memref_slice %arg6[%dma_wait3A_50, %dma_wait3A_51] : memref<384x128xf32, #tpu.memory_space<vmem>> -> memref<128x128xf32, #tpu.memory_space<vmem>>
    %dma_wait3A_53 = arith.constant 0 : i32
    %dma_wait3A_54 = tpu.memref_slice %arg5[%dma_wait3A_49, %dma_wait3A_53] : memref<3x128xi32, #tpu.memory_space<vmem>> -> memref<1x128xi32, #tpu.memory_space<vmem>>
    %dma_wait3A_55 = tpu.memref_squeeze %dma_wait3A_54 : memref<1x128xi32, #tpu.memory_space<vmem>> -> memref<128xi32, #tpu.memory_space<vmem>>
    %dma_wait3A_56 = arith.constant 0 : i32
    %dma_wait3A_57 = arith.constant 0 : i32
    %dma_wait3A_58 = tpu.memref_slice %arg2[%dma_wait3A_56, %dma_wait3A_57] : memref<10240x128xf32, #tpu.memory_space<hbm>> -> memref<10240x128xf32, #tpu.memory_space<hbm>>
    tpu.wait_indirect_dma semaphore(%arg7 : memref<!tpu.dma_semaphore, #tpu.memory_space<semaphore_mem>>) src(%dma_wait3A_58 : memref<10240x128xf32, #tpu.memory_space<hbm>>) dst(%dma_wait3A_52 : memref<128x128xf32, #tpu.memory_space<vmem>>)
    %mul3A_59 = arith.constant 384 : i32
    %mul3A_60 = arith.muli %add3A, %mul3A_59 : i32
    "tpu.region"() ({
      %run_scoped3A = tpu.sem_alloc : memref<!tpu.dma_semaphore, #tpu.memory_space<semaphore_mem>>
      %dma_start3A_61 = arith.constant 0 : i32
      %dma_start3A_62 = tpu.memref_slice %arg4[%mul3A_60, %dma_start3A_61] : memref<12288x128xf32, #tpu.memory_space<hbm>> -> memref<384x128xf32, #tpu.memory_space<hbm>>
      %dma_start3A_63 = arith.constant 0 : i32
      %dma_start3A_64 = tpu.memref_slice %arg4[%mul3A_60, %dma_start3A_63] : memref<12288x128xf32, #tpu.memory_space<hbm>> -> memref<384x128xf32, #tpu.memory_space<hbm>>
      tpu.enqueue_dma source(%arg6 : memref<384x128xf32, #tpu.memory_space<vmem>>) target(%dma_start3A_64 : memref<384x128xf32, #tpu.memory_space<hbm>>) target_semaphore(%run_scoped3A : memref<!tpu.dma_semaphore, #tpu.memory_space<semaphore_mem>>)
      %dma_wait3A_65 = arith.constant 0 : i32
      %dma_wait3A_66 = tpu.memref_slice %arg4[%mul3A_60, %dma_wait3A_65] : memref<12288x128xf32, #tpu.memory_space<hbm>> -> memref<384x128xf32, #tpu.memory_space<hbm>>
      %dma_wait3A_67 = arith.constant 0 : i32
      %dma_wait3A_68 = tpu.memref_slice %arg4[%mul3A_60, %dma_wait3A_67] : memref<12288x128xf32, #tpu.memory_space<hbm>> -> memref<384x128xf32, #tpu.memory_space<hbm>>
      tpu.wait_dma2 semaphore(%run_scoped3A : memref<!tpu.dma_semaphore, #tpu.memory_space<semaphore_mem>>) src(%arg6 : memref<384x128xf32, #tpu.memory_space<vmem>>) dst(%dma_wait3A_68 : memref<384x128xf32, #tpu.memory_space<hbm>>)
      tpu.yield
    }) : () -> ()
    return
  }
}

#map = affine_map<(d0, d1) -> (0, 0)>
#map1 = affine_map<(d0, d1) -> (0, 0, 0)>
module attributes {stable_mosaic.version = 14 : i64} {
  func.func @_scatter_body(%arg0: i32, %arg1: i32, %arg2: memref<12288x128xf32, #tpu.memory_space<hbm>>, %arg3: memref<8192x128xf32, #tpu.memory_space<hbm>>, %arg4: memref<32x3x128xi32, #tpu.memory_space<hbm>>, %arg5: memref<32x2x128xi32, #tpu.memory_space<hbm>>, %arg6: memref<128x128xf32, #tpu.memory_space<hbm>>, %arg7: memref<2x10240x128xf32, #tpu.memory_space<hbm>>, %arg8: memref<128x128xf32, #tpu.memory_space<vmem>>, %arg9: memref<128x128xf32, #tpu.memory_space<vmem>>, %arg10: memref<3x128xi32, #tpu.memory_space<vmem>>, %arg11: memref<2x128xi32, #tpu.memory_space<vmem>>, %arg12: memref<10240x128xf32, #tpu.memory_space<vmem_shared>>, %arg13: memref<!tpu.dma_semaphore, #tpu.memory_space<semaphore_mem>>, %arg14: memref<!tpu.dma_semaphore, #tpu.memory_space<semaphore_mem>>) attributes {dimension_semantics = [#tpu.dimension_semantics<core_parallel>, #tpu.dimension_semantics<subcore_parallel>], iteration_bounds = array<i64: 2, 16>, scalar_prefetch = 0 : i64, scratch_operands = 7 : i64, tpu.core_type = #tpu.core_type<sc_vector_subcore>, window_params = [{transform_indices = #map}, {transform_indices = #map}, {transform_indices = #map1}, {transform_indices = #map1}, {transform_indices = #map}, {transform_indices = #map1}]} {
    %mul3A = arith.constant 2 : i32
    %mul3A_0 = arith.muli %arg1, %mul3A : i32
    %add3A = arith.addi %mul3A_0, %arg0 : i32
    "tpu.region"() ({
      %run_scoped3A_98 = tpu.sem_alloc : memref<!tpu.dma_semaphore, #tpu.memory_space<semaphore_mem>>
      tpu.enqueue_dma source(%arg6 : memref<128x128xf32, #tpu.memory_space<hbm>>) target(%arg8 : memref<128x128xf32, #tpu.memory_space<vmem>>) target_semaphore(%run_scoped3A_98 : memref<!tpu.dma_semaphore, #tpu.memory_space<semaphore_mem>>)
      tpu.wait_dma2 semaphore(%run_scoped3A_98 : memref<!tpu.dma_semaphore, #tpu.memory_space<semaphore_mem>>) src(%arg6 : memref<128x128xf32, #tpu.memory_space<hbm>>) dst(%arg8 : memref<128x128xf32, #tpu.memory_space<vmem>>)
      tpu.yield
    }) : () -> ()
    %mul3A_1 = arith.constant 640 : i32
    %mul3A_2 = arith.muli %arg1, %mul3A_1 : i32
    %add3A_3 = arith.constant 0 : i32
    %add3A_4 = arith.addi %mul3A_2, %add3A_3 : i32
    "tpu.region"() ({
      %run_scoped3A_98 = tpu.sem_alloc : memref<!tpu.dma_semaphore, #tpu.memory_space<semaphore_mem>>
      %dma_start3A_99 = arith.constant 0 : i32
      %dma_start3A_100 = tpu.memref_slice %arg12[%add3A_4, %dma_start3A_99] : memref<10240x128xf32, #tpu.memory_space<vmem_shared>> -> memref<128x128xf32, #tpu.memory_space<vmem_shared>>
      %dma_start3A_101 = arith.constant 0 : i32
      %dma_start3A_102 = tpu.memref_slice %arg12[%add3A_4, %dma_start3A_101] : memref<10240x128xf32, #tpu.memory_space<vmem_shared>> -> memref<128x128xf32, #tpu.memory_space<vmem_shared>>
      tpu.enqueue_dma source(%arg8 : memref<128x128xf32, #tpu.memory_space<vmem>>) target(%dma_start3A_102 : memref<128x128xf32, #tpu.memory_space<vmem_shared>>) target_semaphore(%run_scoped3A_98 : memref<!tpu.dma_semaphore, #tpu.memory_space<semaphore_mem>>)
      %dma_wait3A_103 = arith.constant 0 : i32
      %dma_wait3A_104 = tpu.memref_slice %arg12[%add3A_4, %dma_wait3A_103] : memref<10240x128xf32, #tpu.memory_space<vmem_shared>> -> memref<128x128xf32, #tpu.memory_space<vmem_shared>>
      %dma_wait3A_105 = arith.constant 0 : i32
      %dma_wait3A_106 = tpu.memref_slice %arg12[%add3A_4, %dma_wait3A_105] : memref<10240x128xf32, #tpu.memory_space<vmem_shared>> -> memref<128x128xf32, #tpu.memory_space<vmem_shared>>
      tpu.wait_dma2 semaphore(%run_scoped3A_98 : memref<!tpu.dma_semaphore, #tpu.memory_space<semaphore_mem>>) src(%arg8 : memref<128x128xf32, #tpu.memory_space<vmem>>) dst(%dma_wait3A_106 : memref<128x128xf32, #tpu.memory_space<vmem_shared>>)
      tpu.yield
    }) : () -> ()
    %mul3A_5 = arith.constant 640 : i32
    %mul3A_6 = arith.muli %arg1, %mul3A_5 : i32
    %add3A_7 = arith.constant 128 : i32
    %add3A_8 = arith.addi %mul3A_6, %add3A_7 : i32
    "tpu.region"() ({
      %run_scoped3A_98 = tpu.sem_alloc : memref<!tpu.dma_semaphore, #tpu.memory_space<semaphore_mem>>
      %dma_start3A_99 = arith.constant 0 : i32
      %dma_start3A_100 = tpu.memref_slice %arg12[%add3A_8, %dma_start3A_99] : memref<10240x128xf32, #tpu.memory_space<vmem_shared>> -> memref<128x128xf32, #tpu.memory_space<vmem_shared>>
      %dma_start3A_101 = arith.constant 0 : i32
      %dma_start3A_102 = tpu.memref_slice %arg12[%add3A_8, %dma_start3A_101] : memref<10240x128xf32, #tpu.memory_space<vmem_shared>> -> memref<128x128xf32, #tpu.memory_space<vmem_shared>>
      tpu.enqueue_dma source(%arg8 : memref<128x128xf32, #tpu.memory_space<vmem>>) target(%dma_start3A_102 : memref<128x128xf32, #tpu.memory_space<vmem_shared>>) target_semaphore(%run_scoped3A_98 : memref<!tpu.dma_semaphore, #tpu.memory_space<semaphore_mem>>)
      %dma_wait3A_103 = arith.constant 0 : i32
      %dma_wait3A_104 = tpu.memref_slice %arg12[%add3A_8, %dma_wait3A_103] : memref<10240x128xf32, #tpu.memory_space<vmem_shared>> -> memref<128x128xf32, #tpu.memory_space<vmem_shared>>
      %dma_wait3A_105 = arith.constant 0 : i32
      %dma_wait3A_106 = tpu.memref_slice %arg12[%add3A_8, %dma_wait3A_105] : memref<10240x128xf32, #tpu.memory_space<vmem_shared>> -> memref<128x128xf32, #tpu.memory_space<vmem_shared>>
      tpu.wait_dma2 semaphore(%run_scoped3A_98 : memref<!tpu.dma_semaphore, #tpu.memory_space<semaphore_mem>>) src(%arg8 : memref<128x128xf32, #tpu.memory_space<vmem>>) dst(%dma_wait3A_106 : memref<128x128xf32, #tpu.memory_space<vmem_shared>>)
      tpu.yield
    }) : () -> ()
    %mul3A_9 = arith.constant 640 : i32
    %mul3A_10 = arith.muli %arg1, %mul3A_9 : i32
    %add3A_11 = arith.constant 256 : i32
    %add3A_12 = arith.addi %mul3A_10, %add3A_11 : i32
    "tpu.region"() ({
      %run_scoped3A_98 = tpu.sem_alloc : memref<!tpu.dma_semaphore, #tpu.memory_space<semaphore_mem>>
      %dma_start3A_99 = arith.constant 0 : i32
      %dma_start3A_100 = tpu.memref_slice %arg12[%add3A_12, %dma_start3A_99] : memref<10240x128xf32, #tpu.memory_space<vmem_shared>> -> memref<128x128xf32, #tpu.memory_space<vmem_shared>>
      %dma_start3A_101 = arith.constant 0 : i32
      %dma_start3A_102 = tpu.memref_slice %arg12[%add3A_12, %dma_start3A_101] : memref<10240x128xf32, #tpu.memory_space<vmem_shared>> -> memref<128x128xf32, #tpu.memory_space<vmem_shared>>
      tpu.enqueue_dma source(%arg8 : memref<128x128xf32, #tpu.memory_space<vmem>>) target(%dma_start3A_102 : memref<128x128xf32, #tpu.memory_space<vmem_shared>>) target_semaphore(%run_scoped3A_98 : memref<!tpu.dma_semaphore, #tpu.memory_space<semaphore_mem>>)
      %dma_wait3A_103 = arith.constant 0 : i32
      %dma_wait3A_104 = tpu.memref_slice %arg12[%add3A_12, %dma_wait3A_103] : memref<10240x128xf32, #tpu.memory_space<vmem_shared>> -> memref<128x128xf32, #tpu.memory_space<vmem_shared>>
      %dma_wait3A_105 = arith.constant 0 : i32
      %dma_wait3A_106 = tpu.memref_slice %arg12[%add3A_12, %dma_wait3A_105] : memref<10240x128xf32, #tpu.memory_space<vmem_shared>> -> memref<128x128xf32, #tpu.memory_space<vmem_shared>>
      tpu.wait_dma2 semaphore(%run_scoped3A_98 : memref<!tpu.dma_semaphore, #tpu.memory_space<semaphore_mem>>) src(%arg8 : memref<128x128xf32, #tpu.memory_space<vmem>>) dst(%dma_wait3A_106 : memref<128x128xf32, #tpu.memory_space<vmem_shared>>)
      tpu.yield
    }) : () -> ()
    %mul3A_13 = arith.constant 640 : i32
    %mul3A_14 = arith.muli %arg1, %mul3A_13 : i32
    %add3A_15 = arith.constant 384 : i32
    %add3A_16 = arith.addi %mul3A_14, %add3A_15 : i32
    "tpu.region"() ({
      %run_scoped3A_98 = tpu.sem_alloc : memref<!tpu.dma_semaphore, #tpu.memory_space<semaphore_mem>>
      %dma_start3A_99 = arith.constant 0 : i32
      %dma_start3A_100 = tpu.memref_slice %arg12[%add3A_16, %dma_start3A_99] : memref<10240x128xf32, #tpu.memory_space<vmem_shared>> -> memref<128x128xf32, #tpu.memory_space<vmem_shared>>
      %dma_start3A_101 = arith.constant 0 : i32
      %dma_start3A_102 = tpu.memref_slice %arg12[%add3A_16, %dma_start3A_101] : memref<10240x128xf32, #tpu.memory_space<vmem_shared>> -> memref<128x128xf32, #tpu.memory_space<vmem_shared>>
      tpu.enqueue_dma source(%arg8 : memref<128x128xf32, #tpu.memory_space<vmem>>) target(%dma_start3A_102 : memref<128x128xf32, #tpu.memory_space<vmem_shared>>) target_semaphore(%run_scoped3A_98 : memref<!tpu.dma_semaphore, #tpu.memory_space<semaphore_mem>>)
      %dma_wait3A_103 = arith.constant 0 : i32
      %dma_wait3A_104 = tpu.memref_slice %arg12[%add3A_16, %dma_wait3A_103] : memref<10240x128xf32, #tpu.memory_space<vmem_shared>> -> memref<128x128xf32, #tpu.memory_space<vmem_shared>>
      %dma_wait3A_105 = arith.constant 0 : i32
      %dma_wait3A_106 = tpu.memref_slice %arg12[%add3A_16, %dma_wait3A_105] : memref<10240x128xf32, #tpu.memory_space<vmem_shared>> -> memref<128x128xf32, #tpu.memory_space<vmem_shared>>
      tpu.wait_dma2 semaphore(%run_scoped3A_98 : memref<!tpu.dma_semaphore, #tpu.memory_space<semaphore_mem>>) src(%arg8 : memref<128x128xf32, #tpu.memory_space<vmem>>) dst(%dma_wait3A_106 : memref<128x128xf32, #tpu.memory_space<vmem_shared>>)
      tpu.yield
    }) : () -> ()
    %mul3A_17 = arith.constant 640 : i32
    %mul3A_18 = arith.muli %arg1, %mul3A_17 : i32
    %add3A_19 = arith.constant 512 : i32
    %add3A_20 = arith.addi %mul3A_18, %add3A_19 : i32
    "tpu.region"() ({
      %run_scoped3A_98 = tpu.sem_alloc : memref<!tpu.dma_semaphore, #tpu.memory_space<semaphore_mem>>
      %dma_start3A_99 = arith.constant 0 : i32
      %dma_start3A_100 = tpu.memref_slice %arg12[%add3A_20, %dma_start3A_99] : memref<10240x128xf32, #tpu.memory_space<vmem_shared>> -> memref<128x128xf32, #tpu.memory_space<vmem_shared>>
      %dma_start3A_101 = arith.constant 0 : i32
      %dma_start3A_102 = tpu.memref_slice %arg12[%add3A_20, %dma_start3A_101] : memref<10240x128xf32, #tpu.memory_space<vmem_shared>> -> memref<128x128xf32, #tpu.memory_space<vmem_shared>>
      tpu.enqueue_dma source(%arg8 : memref<128x128xf32, #tpu.memory_space<vmem>>) target(%dma_start3A_102 : memref<128x128xf32, #tpu.memory_space<vmem_shared>>) target_semaphore(%run_scoped3A_98 : memref<!tpu.dma_semaphore, #tpu.memory_space<semaphore_mem>>)
      %dma_wait3A_103 = arith.constant 0 : i32
      %dma_wait3A_104 = tpu.memref_slice %arg12[%add3A_20, %dma_wait3A_103] : memref<10240x128xf32, #tpu.memory_space<vmem_shared>> -> memref<128x128xf32, #tpu.memory_space<vmem_shared>>
      %dma_wait3A_105 = arith.constant 0 : i32
      %dma_wait3A_106 = tpu.memref_slice %arg12[%add3A_20, %dma_wait3A_105] : memref<10240x128xf32, #tpu.memory_space<vmem_shared>> -> memref<128x128xf32, #tpu.memory_space<vmem_shared>>
      tpu.wait_dma2 semaphore(%run_scoped3A_98 : memref<!tpu.dma_semaphore, #tpu.memory_space<semaphore_mem>>) src(%arg8 : memref<128x128xf32, #tpu.memory_space<vmem>>) dst(%dma_wait3A_106 : memref<128x128xf32, #tpu.memory_space<vmem_shared>>)
      tpu.yield
    }) : () -> ()
    "tpu.region"() ({
      %run_scoped3A_98 = tpu.sem_alloc : memref<!tpu.dma_semaphore, #tpu.memory_space<semaphore_mem>>
      %dma_start3A_99 = arith.constant 0 : i32
      %dma_start3A_100 = arith.constant 0 : i32
      %dma_start3A_101 = tpu.memref_slice %arg4[%add3A, %dma_start3A_99, %dma_start3A_100] : memref<32x3x128xi32, #tpu.memory_space<hbm>> -> memref<1x3x128xi32, #tpu.memory_space<hbm>>
      %dma_start3A_102 = tpu.memref_squeeze %dma_start3A_101 : memref<1x3x128xi32, #tpu.memory_space<hbm>> -> memref<3x128xi32, #tpu.memory_space<hbm>>
      %dma_start3A_103 = arith.constant 0 : i32
      %dma_start3A_104 = arith.constant 0 : i32
      %dma_start3A_105 = tpu.memref_slice %arg4[%add3A, %dma_start3A_103, %dma_start3A_104] : memref<32x3x128xi32, #tpu.memory_space<hbm>> -> memref<1x3x128xi32, #tpu.memory_space<hbm>>
      %dma_start3A_106 = tpu.memref_squeeze %dma_start3A_105 : memref<1x3x128xi32, #tpu.memory_space<hbm>> -> memref<3x128xi32, #tpu.memory_space<hbm>>
      tpu.enqueue_dma source(%dma_start3A_106 : memref<3x128xi32, #tpu.memory_space<hbm>>) target(%arg10 : memref<3x128xi32, #tpu.memory_space<vmem>>) target_semaphore(%run_scoped3A_98 : memref<!tpu.dma_semaphore, #tpu.memory_space<semaphore_mem>>)
      %dma_wait3A_107 = arith.constant 0 : i32
      %dma_wait3A_108 = arith.constant 0 : i32
      %dma_wait3A_109 = tpu.memref_slice %arg4[%add3A, %dma_wait3A_107, %dma_wait3A_108] : memref<32x3x128xi32, #tpu.memory_space<hbm>> -> memref<1x3x128xi32, #tpu.memory_space<hbm>>
      %dma_wait3A_110 = tpu.memref_squeeze %dma_wait3A_109 : memref<1x3x128xi32, #tpu.memory_space<hbm>> -> memref<3x128xi32, #tpu.memory_space<hbm>>
      %dma_wait3A_111 = arith.constant 0 : i32
      %dma_wait3A_112 = arith.constant 0 : i32
      %dma_wait3A_113 = tpu.memref_slice %arg4[%add3A, %dma_wait3A_111, %dma_wait3A_112] : memref<32x3x128xi32, #tpu.memory_space<hbm>> -> memref<1x3x128xi32, #tpu.memory_space<hbm>>
      %dma_wait3A_114 = tpu.memref_squeeze %dma_wait3A_113 : memref<1x3x128xi32, #tpu.memory_space<hbm>> -> memref<3x128xi32, #tpu.memory_space<hbm>>
      tpu.wait_dma2 semaphore(%run_scoped3A_98 : memref<!tpu.dma_semaphore, #tpu.memory_space<semaphore_mem>>) src(%dma_wait3A_114 : memref<3x128xi32, #tpu.memory_space<hbm>>) dst(%arg10 : memref<3x128xi32, #tpu.memory_space<vmem>>)
      tpu.yield
    }) : () -> ()
    "tpu.region"() ({
      %run_scoped3A_98 = tpu.sem_alloc : memref<!tpu.dma_semaphore, #tpu.memory_space<semaphore_mem>>
      %dma_start3A_99 = arith.constant 0 : i32
      %dma_start3A_100 = arith.constant 0 : i32
      %dma_start3A_101 = tpu.memref_slice %arg5[%add3A, %dma_start3A_99, %dma_start3A_100] : memref<32x2x128xi32, #tpu.memory_space<hbm>> -> memref<1x2x128xi32, #tpu.memory_space<hbm>>
      %dma_start3A_102 = tpu.memref_squeeze %dma_start3A_101 : memref<1x2x128xi32, #tpu.memory_space<hbm>> -> memref<2x128xi32, #tpu.memory_space<hbm>>
      %dma_start3A_103 = arith.constant 0 : i32
      %dma_start3A_104 = arith.constant 0 : i32
      %dma_start3A_105 = tpu.memref_slice %arg5[%add3A, %dma_start3A_103, %dma_start3A_104] : memref<32x2x128xi32, #tpu.memory_space<hbm>> -> memref<1x2x128xi32, #tpu.memory_space<hbm>>
      %dma_start3A_106 = tpu.memref_squeeze %dma_start3A_105 : memref<1x2x128xi32, #tpu.memory_space<hbm>> -> memref<2x128xi32, #tpu.memory_space<hbm>>
      tpu.enqueue_dma source(%dma_start3A_106 : memref<2x128xi32, #tpu.memory_space<hbm>>) target(%arg11 : memref<2x128xi32, #tpu.memory_space<vmem>>) target_semaphore(%run_scoped3A_98 : memref<!tpu.dma_semaphore, #tpu.memory_space<semaphore_mem>>)
      %dma_wait3A_107 = arith.constant 0 : i32
      %dma_wait3A_108 = arith.constant 0 : i32
      %dma_wait3A_109 = tpu.memref_slice %arg5[%add3A, %dma_wait3A_107, %dma_wait3A_108] : memref<32x2x128xi32, #tpu.memory_space<hbm>> -> memref<1x2x128xi32, #tpu.memory_space<hbm>>
      %dma_wait3A_110 = tpu.memref_squeeze %dma_wait3A_109 : memref<1x2x128xi32, #tpu.memory_space<hbm>> -> memref<2x128xi32, #tpu.memory_space<hbm>>
      %dma_wait3A_111 = arith.constant 0 : i32
      %dma_wait3A_112 = arith.constant 0 : i32
      %dma_wait3A_113 = tpu.memref_slice %arg5[%add3A, %dma_wait3A_111, %dma_wait3A_112] : memref<32x2x128xi32, #tpu.memory_space<hbm>> -> memref<1x2x128xi32, #tpu.memory_space<hbm>>
      %dma_wait3A_114 = tpu.memref_squeeze %dma_wait3A_113 : memref<1x2x128xi32, #tpu.memory_space<hbm>> -> memref<2x128xi32, #tpu.memory_space<hbm>>
      tpu.wait_dma2 semaphore(%run_scoped3A_98 : memref<!tpu.dma_semaphore, #tpu.memory_space<semaphore_mem>>) src(%dma_wait3A_114 : memref<2x128xi32, #tpu.memory_space<hbm>>) dst(%arg11 : memref<2x128xi32, #tpu.memory_space<vmem>>)
      tpu.yield
    }) : () -> ()
    %mul3A_21 = arith.constant 3 : i32
    %mul3A_22 = arith.muli %add3A, %mul3A_21 : i32
    %mul3A_23 = arith.constant 128 : i32
    %mul3A_24 = arith.muli %mul3A_22, %mul3A_23 : i32
    %add3A_25 = arith.constant 0 : i32
    %add3A_26 = arith.addi %mul3A_24, %add3A_25 : i32
    %dma_start3A = arith.constant 0 : i32
    %dma_start3A_27 = tpu.memref_slice %arg2[%add3A_26, %dma_start3A] : memref<12288x128xf32, #tpu.memory_space<hbm>> -> memref<128x128xf32, #tpu.memory_space<hbm>>
    %dma_start3A_28 = arith.constant 0 : i32
    %dma_start3A_29 = tpu.memref_slice %arg2[%add3A_26, %dma_start3A_28] : memref<12288x128xf32, #tpu.memory_space<hbm>> -> memref<128x128xf32, #tpu.memory_space<hbm>>
    tpu.enqueue_dma source(%dma_start3A_29 : memref<128x128xf32, #tpu.memory_space<hbm>>) target(%arg8 : memref<128x128xf32, #tpu.memory_space<vmem>>) target_semaphore(%arg13 : memref<!tpu.dma_semaphore, #tpu.memory_space<semaphore_mem>>)
    %barrier3A = arith.constant 0 : index
    tpu.barrier barrier_id(%barrier3A)
    %mul3A_30 = arith.constant 3 : i32
    %mul3A_31 = arith.muli %add3A, %mul3A_30 : i32
    %mul3A_32 = arith.constant 128 : i32
    %mul3A_33 = arith.muli %mul3A_31, %mul3A_32 : i32
    %add3A_34 = arith.constant 128 : i32
    %add3A_35 = arith.addi %mul3A_33, %add3A_34 : i32
    %dma_start3A_36 = arith.constant 0 : i32
    %dma_start3A_37 = tpu.memref_slice %arg2[%add3A_35, %dma_start3A_36] : memref<12288x128xf32, #tpu.memory_space<hbm>> -> memref<128x128xf32, #tpu.memory_space<hbm>>
    %dma_start3A_38 = arith.constant 0 : i32
    %dma_start3A_39 = tpu.memref_slice %arg2[%add3A_35, %dma_start3A_38] : memref<12288x128xf32, #tpu.memory_space<hbm>> -> memref<128x128xf32, #tpu.memory_space<hbm>>
    tpu.enqueue_dma source(%dma_start3A_39 : memref<128x128xf32, #tpu.memory_space<hbm>>) target(%arg9 : memref<128x128xf32, #tpu.memory_space<vmem>>) target_semaphore(%arg14 : memref<!tpu.dma_semaphore, #tpu.memory_space<semaphore_mem>>)
    %dma_wait3A = arith.constant 0 : i32
    %dma_wait3A_40 = tpu.memref_slice %arg2[%add3A_26, %dma_wait3A] : memref<12288x128xf32, #tpu.memory_space<hbm>> -> memref<128x128xf32, #tpu.memory_space<hbm>>
    %dma_wait3A_41 = arith.constant 0 : i32
    %dma_wait3A_42 = tpu.memref_slice %arg2[%add3A_26, %dma_wait3A_41] : memref<12288x128xf32, #tpu.memory_space<hbm>> -> memref<128x128xf32, #tpu.memory_space<hbm>>
    tpu.wait_dma2 semaphore(%arg13 : memref<!tpu.dma_semaphore, #tpu.memory_space<semaphore_mem>>) src(%dma_wait3A_42 : memref<128x128xf32, #tpu.memory_space<hbm>>) dst(%arg8 : memref<128x128xf32, #tpu.memory_space<vmem>>)
    %run_scoped3A = arith.constant 0 : i32
    "tpu.region"() ({
      %run_scoped3A_98 = tpu.sem_alloc : memref<!tpu.dma_semaphore, #tpu.memory_space<semaphore_mem>>
      %dma_start3A_99 = arith.constant 0 : i32
      %dma_start3A_100 = tpu.memref_slice %arg10[%run_scoped3A, %dma_start3A_99] : memref<3x128xi32, #tpu.memory_space<vmem>> -> memref<1x128xi32, #tpu.memory_space<vmem>>
      %dma_start3A_101 = tpu.memref_squeeze %dma_start3A_100 : memref<1x128xi32, #tpu.memory_space<vmem>> -> memref<128xi32, #tpu.memory_space<vmem>>
      %dma_start3A_102 = arith.constant 0 : i32
      %dma_start3A_103 = arith.constant 0 : i32
      %dma_start3A_104 = tpu.memref_slice %arg12[%dma_start3A_102, %dma_start3A_103] : memref<10240x128xf32, #tpu.memory_space<vmem_shared>> -> memref<10240x128xf32, #tpu.memory_space<vmem_shared>>
      tpu.enqueue_indirect_dma source(%arg8 : memref<128x128xf32, #tpu.memory_space<vmem>>) target(%dma_start3A_104 : memref<10240x128xf32, #tpu.memory_space<vmem_shared>>) offsets(%dma_start3A_101 : memref<128xi32, #tpu.memory_space<vmem>>) semaphore(%run_scoped3A_98 : memref<!tpu.dma_semaphore, #tpu.memory_space<semaphore_mem>>) {add = true}
      %dma_wait3A_105 = arith.constant 0 : i32
      %dma_wait3A_106 = tpu.memref_slice %arg10[%run_scoped3A, %dma_wait3A_105] : memref<3x128xi32, #tpu.memory_space<vmem>> -> memref<1x128xi32, #tpu.memory_space<vmem>>
      %dma_wait3A_107 = tpu.memref_squeeze %dma_wait3A_106 : memref<1x128xi32, #tpu.memory_space<vmem>> -> memref<128xi32, #tpu.memory_space<vmem>>
      %dma_wait3A_108 = arith.constant 0 : i32
      %dma_wait3A_109 = arith.constant 0 : i32
      %dma_wait3A_110 = tpu.memref_slice %arg12[%dma_wait3A_108, %dma_wait3A_109] : memref<10240x128xf32, #tpu.memory_space<vmem_shared>> -> memref<10240x128xf32, #tpu.memory_space<vmem_shared>>
      tpu.wait_indirect_dma semaphore(%run_scoped3A_98 : memref<!tpu.dma_semaphore, #tpu.memory_space<semaphore_mem>>) src(%arg8 : memref<128x128xf32, #tpu.memory_space<vmem>>) dst(%dma_wait3A_110 : memref<10240x128xf32, #tpu.memory_space<vmem_shared>>)
      tpu.yield
    }) : () -> ()
    %mul3A_43 = arith.constant 3 : i32
    %mul3A_44 = arith.muli %add3A, %mul3A_43 : i32
    %mul3A_45 = arith.constant 128 : i32
    %mul3A_46 = arith.muli %mul3A_44, %mul3A_45 : i32
    %add3A_47 = arith.constant 256 : i32
    %add3A_48 = arith.addi %mul3A_46, %add3A_47 : i32
    %dma_start3A_49 = arith.constant 0 : i32
    %dma_start3A_50 = tpu.memref_slice %arg2[%add3A_48, %dma_start3A_49] : memref<12288x128xf32, #tpu.memory_space<hbm>> -> memref<128x128xf32, #tpu.memory_space<hbm>>
    %dma_start3A_51 = arith.constant 0 : i32
    %dma_start3A_52 = tpu.memref_slice %arg2[%add3A_48, %dma_start3A_51] : memref<12288x128xf32, #tpu.memory_space<hbm>> -> memref<128x128xf32, #tpu.memory_space<hbm>>
    tpu.enqueue_dma source(%dma_start3A_52 : memref<128x128xf32, #tpu.memory_space<hbm>>) target(%arg8 : memref<128x128xf32, #tpu.memory_space<vmem>>) target_semaphore(%arg13 : memref<!tpu.dma_semaphore, #tpu.memory_space<semaphore_mem>>)
    %dma_wait3A_53 = arith.constant 0 : i32
    %dma_wait3A_54 = tpu.memref_slice %arg2[%add3A_35, %dma_wait3A_53] : memref<12288x128xf32, #tpu.memory_space<hbm>> -> memref<128x128xf32, #tpu.memory_space<hbm>>
    %dma_wait3A_55 = arith.constant 0 : i32
    %dma_wait3A_56 = tpu.memref_slice %arg2[%add3A_35, %dma_wait3A_55] : memref<12288x128xf32, #tpu.memory_space<hbm>> -> memref<128x128xf32, #tpu.memory_space<hbm>>
    tpu.wait_dma2 semaphore(%arg14 : memref<!tpu.dma_semaphore, #tpu.memory_space<semaphore_mem>>) src(%dma_wait3A_56 : memref<128x128xf32, #tpu.memory_space<hbm>>) dst(%arg9 : memref<128x128xf32, #tpu.memory_space<vmem>>)
    %run_scoped3A_57 = arith.constant 1 : i32
    "tpu.region"() ({
      %run_scoped3A_98 = tpu.sem_alloc : memref<!tpu.dma_semaphore, #tpu.memory_space<semaphore_mem>>
      %dma_start3A_99 = arith.constant 0 : i32
      %dma_start3A_100 = tpu.memref_slice %arg10[%run_scoped3A_57, %dma_start3A_99] : memref<3x128xi32, #tpu.memory_space<vmem>> -> memref<1x128xi32, #tpu.memory_space<vmem>>
      %dma_start3A_101 = tpu.memref_squeeze %dma_start3A_100 : memref<1x128xi32, #tpu.memory_space<vmem>> -> memref<128xi32, #tpu.memory_space<vmem>>
      %dma_start3A_102 = arith.constant 0 : i32
      %dma_start3A_103 = arith.constant 0 : i32
      %dma_start3A_104 = tpu.memref_slice %arg12[%dma_start3A_102, %dma_start3A_103] : memref<10240x128xf32, #tpu.memory_space<vmem_shared>> -> memref<10240x128xf32, #tpu.memory_space<vmem_shared>>
      tpu.enqueue_indirect_dma source(%arg9 : memref<128x128xf32, #tpu.memory_space<vmem>>) target(%dma_start3A_104 : memref<10240x128xf32, #tpu.memory_space<vmem_shared>>) offsets(%dma_start3A_101 : memref<128xi32, #tpu.memory_space<vmem>>) semaphore(%run_scoped3A_98 : memref<!tpu.dma_semaphore, #tpu.memory_space<semaphore_mem>>) {add = true}
      %dma_wait3A_105 = arith.constant 0 : i32
      %dma_wait3A_106 = tpu.memref_slice %arg10[%run_scoped3A_57, %dma_wait3A_105] : memref<3x128xi32, #tpu.memory_space<vmem>> -> memref<1x128xi32, #tpu.memory_space<vmem>>
      %dma_wait3A_107 = tpu.memref_squeeze %dma_wait3A_106 : memref<1x128xi32, #tpu.memory_space<vmem>> -> memref<128xi32, #tpu.memory_space<vmem>>
      %dma_wait3A_108 = arith.constant 0 : i32
      %dma_wait3A_109 = arith.constant 0 : i32
      %dma_wait3A_110 = tpu.memref_slice %arg12[%dma_wait3A_108, %dma_wait3A_109] : memref<10240x128xf32, #tpu.memory_space<vmem_shared>> -> memref<10240x128xf32, #tpu.memory_space<vmem_shared>>
      tpu.wait_indirect_dma semaphore(%run_scoped3A_98 : memref<!tpu.dma_semaphore, #tpu.memory_space<semaphore_mem>>) src(%arg9 : memref<128x128xf32, #tpu.memory_space<vmem>>) dst(%dma_wait3A_110 : memref<10240x128xf32, #tpu.memory_space<vmem_shared>>)
      tpu.yield
    }) : () -> ()
    %mul3A_58 = arith.constant 2 : i32
    %mul3A_59 = arith.muli %add3A, %mul3A_58 : i32
    %mul3A_60 = arith.constant 128 : i32
    %mul3A_61 = arith.muli %mul3A_59, %mul3A_60 : i32
    %add3A_62 = arith.constant 0 : i32
    %add3A_63 = arith.addi %mul3A_61, %add3A_62 : i32
    %dma_start3A_64 = arith.constant 0 : i32
    %dma_start3A_65 = tpu.memref_slice %arg3[%add3A_63, %dma_start3A_64] : memref<8192x128xf32, #tpu.memory_space<hbm>> -> memref<128x128xf32, #tpu.memory_space<hbm>>
    %dma_start3A_66 = arith.constant 0 : i32
    %dma_start3A_67 = tpu.memref_slice %arg3[%add3A_63, %dma_start3A_66] : memref<8192x128xf32, #tpu.memory_space<hbm>> -> memref<128x128xf32, #tpu.memory_space<hbm>>
    tpu.enqueue_dma source(%dma_start3A_67 : memref<128x128xf32, #tpu.memory_space<hbm>>) target(%arg9 : memref<128x128xf32, #tpu.memory_space<vmem>>) target_semaphore(%arg14 : memref<!tpu.dma_semaphore, #tpu.memory_space<semaphore_mem>>)
    %dma_wait3A_68 = arith.constant 0 : i32
    %dma_wait3A_69 = tpu.memref_slice %arg2[%add3A_48, %dma_wait3A_68] : memref<12288x128xf32, #tpu.memory_space<hbm>> -> memref<128x128xf32, #tpu.memory_space<hbm>>
    %dma_wait3A_70 = arith.constant 0 : i32
    %dma_wait3A_71 = tpu.memref_slice %arg2[%add3A_48, %dma_wait3A_70] : memref<12288x128xf32, #tpu.memory_space<hbm>> -> memref<128x128xf32, #tpu.memory_space<hbm>>
    tpu.wait_dma2 semaphore(%arg13 : memref<!tpu.dma_semaphore, #tpu.memory_space<semaphore_mem>>) src(%dma_wait3A_71 : memref<128x128xf32, #tpu.memory_space<hbm>>) dst(%arg8 : memref<128x128xf32, #tpu.memory_space<vmem>>)
    %run_scoped3A_72 = arith.constant 2 : i32
    "tpu.region"() ({
      %run_scoped3A_98 = tpu.sem_alloc : memref<!tpu.dma_semaphore, #tpu.memory_space<semaphore_mem>>
      %dma_start3A_99 = arith.constant 0 : i32
      %dma_start3A_100 = tpu.memref_slice %arg10[%run_scoped3A_72, %dma_start3A_99] : memref<3x128xi32, #tpu.memory_space<vmem>> -> memref<1x128xi32, #tpu.memory_space<vmem>>
      %dma_start3A_101 = tpu.memref_squeeze %dma_start3A_100 : memref<1x128xi32, #tpu.memory_space<vmem>> -> memref<128xi32, #tpu.memory_space<vmem>>
      %dma_start3A_102 = arith.constant 0 : i32
      %dma_start3A_103 = arith.constant 0 : i32
      %dma_start3A_104 = tpu.memref_slice %arg12[%dma_start3A_102, %dma_start3A_103] : memref<10240x128xf32, #tpu.memory_space<vmem_shared>> -> memref<10240x128xf32, #tpu.memory_space<vmem_shared>>
      tpu.enqueue_indirect_dma source(%arg8 : memref<128x128xf32, #tpu.memory_space<vmem>>) target(%dma_start3A_104 : memref<10240x128xf32, #tpu.memory_space<vmem_shared>>) offsets(%dma_start3A_101 : memref<128xi32, #tpu.memory_space<vmem>>) semaphore(%run_scoped3A_98 : memref<!tpu.dma_semaphore, #tpu.memory_space<semaphore_mem>>) {add = true}
      %dma_wait3A_105 = arith.constant 0 : i32
      %dma_wait3A_106 = tpu.memref_slice %arg10[%run_scoped3A_72, %dma_wait3A_105] : memref<3x128xi32, #tpu.memory_space<vmem>> -> memref<1x128xi32, #tpu.memory_space<vmem>>
      %dma_wait3A_107 = tpu.memref_squeeze %dma_wait3A_106 : memref<1x128xi32, #tpu.memory_space<vmem>> -> memref<128xi32, #tpu.memory_space<vmem>>
      %dma_wait3A_108 = arith.constant 0 : i32
      %dma_wait3A_109 = arith.constant 0 : i32
      %dma_wait3A_110 = tpu.memref_slice %arg12[%dma_wait3A_108, %dma_wait3A_109] : memref<10240x128xf32, #tpu.memory_space<vmem_shared>> -> memref<10240x128xf32, #tpu.memory_space<vmem_shared>>
      tpu.wait_indirect_dma semaphore(%run_scoped3A_98 : memref<!tpu.dma_semaphore, #tpu.memory_space<semaphore_mem>>) src(%arg8 : memref<128x128xf32, #tpu.memory_space<vmem>>) dst(%dma_wait3A_110 : memref<10240x128xf32, #tpu.memory_space<vmem_shared>>)
      tpu.yield
    }) : () -> ()
    %mul3A_73 = arith.constant 2 : i32
    %mul3A_74 = arith.muli %add3A, %mul3A_73 : i32
    %mul3A_75 = arith.constant 128 : i32
    %mul3A_76 = arith.muli %mul3A_74, %mul3A_75 : i32
    %add3A_77 = arith.constant 128 : i32
    %add3A_78 = arith.addi %mul3A_76, %add3A_77 : i32
    %dma_start3A_79 = arith.constant 0 : i32
    %dma_start3A_80 = tpu.memref_slice %arg3[%add3A_78, %dma_start3A_79] : memref<8192x128xf32, #tpu.memory_space<hbm>> -> memref<128x128xf32, #tpu.memory_space<hbm>>
    %dma_start3A_81 = arith.constant 0 : i32
    %dma_start3A_82 = tpu.memref_slice %arg3[%add3A_78, %dma_start3A_81] : memref<8192x128xf32, #tpu.memory_space<hbm>> -> memref<128x128xf32, #tpu.memory_space<hbm>>
    tpu.enqueue_dma source(%dma_start3A_82 : memref<128x128xf32, #tpu.memory_space<hbm>>) target(%arg8 : memref<128x128xf32, #tpu.memory_space<vmem>>) target_semaphore(%arg13 : memref<!tpu.dma_semaphore, #tpu.memory_space<semaphore_mem>>)
    %dma_wait3A_83 = arith.constant 0 : i32
    %dma_wait3A_84 = tpu.memref_slice %arg3[%add3A_63, %dma_wait3A_83] : memref<8192x128xf32, #tpu.memory_space<hbm>> -> memref<128x128xf32, #tpu.memory_space<hbm>>
    %dma_wait3A_85 = arith.constant 0 : i32
    %dma_wait3A_86 = tpu.memref_slice %arg3[%add3A_63, %dma_wait3A_85] : memref<8192x128xf32, #tpu.memory_space<hbm>> -> memref<128x128xf32, #tpu.memory_space<hbm>>
    tpu.wait_dma2 semaphore(%arg14 : memref<!tpu.dma_semaphore, #tpu.memory_space<semaphore_mem>>) src(%dma_wait3A_86 : memref<128x128xf32, #tpu.memory_space<hbm>>) dst(%arg9 : memref<128x128xf32, #tpu.memory_space<vmem>>)
    %run_scoped3A_87 = arith.constant 0 : i32
    "tpu.region"() ({
      %run_scoped3A_98 = tpu.sem_alloc : memref<!tpu.dma_semaphore, #tpu.memory_space<semaphore_mem>>
      %dma_start3A_99 = arith.constant 0 : i32
      %dma_start3A_100 = tpu.memref_slice %arg11[%run_scoped3A_87, %dma_start3A_99] : memref<2x128xi32, #tpu.memory_space<vmem>> -> memref<1x128xi32, #tpu.memory_space<vmem>>
      %dma_start3A_101 = tpu.memref_squeeze %dma_start3A_100 : memref<1x128xi32, #tpu.memory_space<vmem>> -> memref<128xi32, #tpu.memory_space<vmem>>
      %dma_start3A_102 = arith.constant 0 : i32
      %dma_start3A_103 = arith.constant 0 : i32
      %dma_start3A_104 = tpu.memref_slice %arg12[%dma_start3A_102, %dma_start3A_103] : memref<10240x128xf32, #tpu.memory_space<vmem_shared>> -> memref<10240x128xf32, #tpu.memory_space<vmem_shared>>
      tpu.enqueue_indirect_dma source(%arg9 : memref<128x128xf32, #tpu.memory_space<vmem>>) target(%dma_start3A_104 : memref<10240x128xf32, #tpu.memory_space<vmem_shared>>) offsets(%dma_start3A_101 : memref<128xi32, #tpu.memory_space<vmem>>) semaphore(%run_scoped3A_98 : memref<!tpu.dma_semaphore, #tpu.memory_space<semaphore_mem>>) {add = true}
      %dma_wait3A_105 = arith.constant 0 : i32
      %dma_wait3A_106 = tpu.memref_slice %arg11[%run_scoped3A_87, %dma_wait3A_105] : memref<2x128xi32, #tpu.memory_space<vmem>> -> memref<1x128xi32, #tpu.memory_space<vmem>>
      %dma_wait3A_107 = tpu.memref_squeeze %dma_wait3A_106 : memref<1x128xi32, #tpu.memory_space<vmem>> -> memref<128xi32, #tpu.memory_space<vmem>>
      %dma_wait3A_108 = arith.constant 0 : i32
      %dma_wait3A_109 = arith.constant 0 : i32
      %dma_wait3A_110 = tpu.memref_slice %arg12[%dma_wait3A_108, %dma_wait3A_109] : memref<10240x128xf32, #tpu.memory_space<vmem_shared>> -> memref<10240x128xf32, #tpu.memory_space<vmem_shared>>
      tpu.wait_indirect_dma semaphore(%run_scoped3A_98 : memref<!tpu.dma_semaphore, #tpu.memory_space<semaphore_mem>>) src(%arg9 : memref<128x128xf32, #tpu.memory_space<vmem>>) dst(%dma_wait3A_110 : memref<10240x128xf32, #tpu.memory_space<vmem_shared>>)
      tpu.yield
    }) : () -> ()
    %dma_wait3A_88 = arith.constant 0 : i32
    %dma_wait3A_89 = tpu.memref_slice %arg3[%add3A_78, %dma_wait3A_88] : memref<8192x128xf32, #tpu.memory_space<hbm>> -> memref<128x128xf32, #tpu.memory_space<hbm>>
    %dma_wait3A_90 = arith.constant 0 : i32
    %dma_wait3A_91 = tpu.memref_slice %arg3[%add3A_78, %dma_wait3A_90] : memref<8192x128xf32, #tpu.memory_space<hbm>> -> memref<128x128xf32, #tpu.memory_space<hbm>>
    tpu.wait_dma2 semaphore(%arg13 : memref<!tpu.dma_semaphore, #tpu.memory_space<semaphore_mem>>) src(%dma_wait3A_91 : memref<128x128xf32, #tpu.memory_space<hbm>>) dst(%arg8 : memref<128x128xf32, #tpu.memory_space<vmem>>)
    %run_scoped3A_92 = arith.constant 1 : i32
    "tpu.region"() ({
      %run_scoped3A_98 = tpu.sem_alloc : memref<!tpu.dma_semaphore, #tpu.memory_space<semaphore_mem>>
      %dma_start3A_99 = arith.constant 0 : i32
      %dma_start3A_100 = tpu.memref_slice %arg11[%run_scoped3A_92, %dma_start3A_99] : memref<2x128xi32, #tpu.memory_space<vmem>> -> memref<1x128xi32, #tpu.memory_space<vmem>>
      %dma_start3A_101 = tpu.memref_squeeze %dma_start3A_100 : memref<1x128xi32, #tpu.memory_space<vmem>> -> memref<128xi32, #tpu.memory_space<vmem>>
      %dma_start3A_102 = arith.constant 0 : i32
      %dma_start3A_103 = arith.constant 0 : i32
      %dma_start3A_104 = tpu.memref_slice %arg12[%dma_start3A_102, %dma_start3A_103] : memref<10240x128xf32, #tpu.memory_space<vmem_shared>> -> memref<10240x128xf32, #tpu.memory_space<vmem_shared>>
      tpu.enqueue_indirect_dma source(%arg8 : memref<128x128xf32, #tpu.memory_space<vmem>>) target(%dma_start3A_104 : memref<10240x128xf32, #tpu.memory_space<vmem_shared>>) offsets(%dma_start3A_101 : memref<128xi32, #tpu.memory_space<vmem>>) semaphore(%run_scoped3A_98 : memref<!tpu.dma_semaphore, #tpu.memory_space<semaphore_mem>>) {add = true}
      %dma_wait3A_105 = arith.constant 0 : i32
      %dma_wait3A_106 = tpu.memref_slice %arg11[%run_scoped3A_92, %dma_wait3A_105] : memref<2x128xi32, #tpu.memory_space<vmem>> -> memref<1x128xi32, #tpu.memory_space<vmem>>
      %dma_wait3A_107 = tpu.memref_squeeze %dma_wait3A_106 : memref<1x128xi32, #tpu.memory_space<vmem>> -> memref<128xi32, #tpu.memory_space<vmem>>
      %dma_wait3A_108 = arith.constant 0 : i32
      %dma_wait3A_109 = arith.constant 0 : i32
      %dma_wait3A_110 = tpu.memref_slice %arg12[%dma_wait3A_108, %dma_wait3A_109] : memref<10240x128xf32, #tpu.memory_space<vmem_shared>> -> memref<10240x128xf32, #tpu.memory_space<vmem_shared>>
      tpu.wait_indirect_dma semaphore(%run_scoped3A_98 : memref<!tpu.dma_semaphore, #tpu.memory_space<semaphore_mem>>) src(%arg8 : memref<128x128xf32, #tpu.memory_space<vmem>>) dst(%dma_wait3A_110 : memref<10240x128xf32, #tpu.memory_space<vmem_shared>>)
      tpu.yield
    }) : () -> ()
    %barrier3A_93 = arith.constant 0 : index
    tpu.barrier barrier_id(%barrier3A_93)
    %mul3A_94 = arith.constant 640 : i32
    %mul3A_95 = arith.muli %arg1, %mul3A_94 : i32
    %mul3A_96 = arith.constant 640 : i32
    %mul3A_97 = arith.muli %arg1, %mul3A_96 : i32
    "tpu.region"() ({
      %run_scoped3A_98 = tpu.sem_alloc : memref<!tpu.dma_semaphore, #tpu.memory_space<semaphore_mem>>
      %dma_start3A_99 = arith.constant 0 : i32
      %dma_start3A_100 = tpu.memref_slice %arg7[%arg0, %mul3A_97, %dma_start3A_99] : memref<2x10240x128xf32, #tpu.memory_space<hbm>> -> memref<1x640x128xf32, #tpu.memory_space<hbm>>
      %dma_start3A_101 = tpu.memref_squeeze %dma_start3A_100 : memref<1x640x128xf32, #tpu.memory_space<hbm>> -> memref<640x128xf32, #tpu.memory_space<hbm>>
      %dma_start3A_102 = arith.constant 0 : i32
      %dma_start3A_103 = tpu.memref_slice %arg12[%mul3A_95, %dma_start3A_102] : memref<10240x128xf32, #tpu.memory_space<vmem_shared>> -> memref<640x128xf32, #tpu.memory_space<vmem_shared>>
      tpu.enqueue_dma source(%dma_start3A_103 : memref<640x128xf32, #tpu.memory_space<vmem_shared>>) target(%dma_start3A_101 : memref<640x128xf32, #tpu.memory_space<hbm>>) target_semaphore(%run_scoped3A_98 : memref<!tpu.dma_semaphore, #tpu.memory_space<semaphore_mem>>)
      %dma_wait3A_104 = arith.constant 0 : i32
      %dma_wait3A_105 = tpu.memref_slice %arg7[%arg0, %mul3A_97, %dma_wait3A_104] : memref<2x10240x128xf32, #tpu.memory_space<hbm>> -> memref<1x640x128xf32, #tpu.memory_space<hbm>>
      %dma_wait3A_106 = tpu.memref_squeeze %dma_wait3A_105 : memref<1x640x128xf32, #tpu.memory_space<hbm>> -> memref<640x128xf32, #tpu.memory_space<hbm>>
      %dma_wait3A_107 = arith.constant 0 : i32
      %dma_wait3A_108 = tpu.memref_slice %arg12[%mul3A_95, %dma_wait3A_107] : memref<10240x128xf32, #tpu.memory_space<vmem_shared>> -> memref<640x128xf32, #tpu.memory_space<vmem_shared>>
      tpu.wait_dma2 semaphore(%run_scoped3A_98 : memref<!tpu.dma_semaphore, #tpu.memory_space<semaphore_mem>>) src(%dma_wait3A_108 : memref<640x128xf32, #tpu.memory_space<vmem_shared>>) dst(%dma_wait3A_106 : memref<640x128xf32, #tpu.memory_space<hbm>>)
      tpu.yield
    }) : () -> ()
    return
  }
}

#map = affine_map<(d0, d1) -> (0, 0)>
#map1 = affine_map<(d0, d1) -> (0, 0, 0)>
module attributes {stable_mosaic.version = 14 : i64} {
  func.func @_readout_body(%arg0: i32, %arg1: i32, %arg2: memref<10240x64xf32, #tpu.memory_space<hbm>>, %arg3: memref<10240x64xf32, #tpu.memory_space<hbm>>, %arg4: memref<32x320xi32, #tpu.memory_space<hbm>>, %arg5: memref<256x64xf32, #tpu.memory_space<hbm>>, %arg6: memref<256x64xf32, #tpu.memory_space<hbm>>, %arg7: memref<32x256x64xf32, #tpu.memory_space<hbm>>, %arg8: memref<32x256x64xf32, #tpu.memory_space<hbm>>, %arg9: memref<320x64xf32, #tpu.memory_space<vmem>>, %arg10: memref<320x64xf32, #tpu.memory_space<vmem>>, %arg11: memref<336xi32, #tpu.memory_space<vmem>>, %arg12: memref<256x64xf32, #tpu.memory_space<vmem>>, %arg13: memref<256x64xf32, #tpu.memory_space<vmem>>) attributes {dimension_semantics = [#tpu.dimension_semantics<core_parallel>, #tpu.dimension_semantics<subcore_parallel>], iteration_bounds = array<i64: 2, 16>, scalar_prefetch = 0 : i64, scratch_operands = 5 : i64, tpu.core_type = #tpu.core_type<sc_vector_subcore>, window_params = [{transform_indices = #map}, {transform_indices = #map}, {transform_indices = #map}, {transform_indices = #map}, {transform_indices = #map}, {transform_indices = #map1}, {transform_indices = #map1}]} {
    %mul3A = arith.constant 2 : i32
    %mul3A_0 = arith.muli %arg1, %mul3A : i32
    %add3A = arith.addi %mul3A_0, %arg0 : i32
    %mul3A_1 = arith.constant 320 : i32
    %mul3A_2 = arith.muli %add3A, %mul3A_1 : i32
    "tpu.region"() ({
      %run_scoped3A = tpu.sem_alloc : memref<!tpu.dma_semaphore, #tpu.memory_space<semaphore_mem>>
      %dma_start3A = arith.constant 0 : i32
      %dma_start3A_10 = tpu.memref_slice %arg2[%mul3A_2, %dma_start3A] : memref<10240x64xf32, #tpu.memory_space<hbm>> -> memref<320x64xf32, #tpu.memory_space<hbm>>
      %dma_start3A_11 = arith.constant 0 : i32
      %dma_start3A_12 = tpu.memref_slice %arg2[%mul3A_2, %dma_start3A_11] : memref<10240x64xf32, #tpu.memory_space<hbm>> -> memref<320x64xf32, #tpu.memory_space<hbm>>
      tpu.enqueue_dma source(%dma_start3A_12 : memref<320x64xf32, #tpu.memory_space<hbm>>) target(%arg9 : memref<320x64xf32, #tpu.memory_space<vmem>>) target_semaphore(%run_scoped3A : memref<!tpu.dma_semaphore, #tpu.memory_space<semaphore_mem>>)
      %dma_wait3A = arith.constant 0 : i32
      %dma_wait3A_13 = tpu.memref_slice %arg2[%mul3A_2, %dma_wait3A] : memref<10240x64xf32, #tpu.memory_space<hbm>> -> memref<320x64xf32, #tpu.memory_space<hbm>>
      %dma_wait3A_14 = arith.constant 0 : i32
      %dma_wait3A_15 = tpu.memref_slice %arg2[%mul3A_2, %dma_wait3A_14] : memref<10240x64xf32, #tpu.memory_space<hbm>> -> memref<320x64xf32, #tpu.memory_space<hbm>>
      tpu.wait_dma2 semaphore(%run_scoped3A : memref<!tpu.dma_semaphore, #tpu.memory_space<semaphore_mem>>) src(%dma_wait3A_15 : memref<320x64xf32, #tpu.memory_space<hbm>>) dst(%arg9 : memref<320x64xf32, #tpu.memory_space<vmem>>)
      tpu.yield
    }) : () -> ()
    %mul3A_3 = arith.constant 320 : i32
    %mul3A_4 = arith.muli %add3A, %mul3A_3 : i32
    "tpu.region"() ({
      %run_scoped3A = tpu.sem_alloc : memref<!tpu.dma_semaphore, #tpu.memory_space<semaphore_mem>>
      %dma_start3A = arith.constant 0 : i32
      %dma_start3A_10 = tpu.memref_slice %arg3[%mul3A_4, %dma_start3A] : memref<10240x64xf32, #tpu.memory_space<hbm>> -> memref<320x64xf32, #tpu.memory_space<hbm>>
      %dma_start3A_11 = arith.constant 0 : i32
      %dma_start3A_12 = tpu.memref_slice %arg3[%mul3A_4, %dma_start3A_11] : memref<10240x64xf32, #tpu.memory_space<hbm>> -> memref<320x64xf32, #tpu.memory_space<hbm>>
      tpu.enqueue_dma source(%dma_start3A_12 : memref<320x64xf32, #tpu.memory_space<hbm>>) target(%arg10 : memref<320x64xf32, #tpu.memory_space<vmem>>) target_semaphore(%run_scoped3A : memref<!tpu.dma_semaphore, #tpu.memory_space<semaphore_mem>>)
      %dma_wait3A = arith.constant 0 : i32
      %dma_wait3A_13 = tpu.memref_slice %arg3[%mul3A_4, %dma_wait3A] : memref<10240x64xf32, #tpu.memory_space<hbm>> -> memref<320x64xf32, #tpu.memory_space<hbm>>
      %dma_wait3A_14 = arith.constant 0 : i32
      %dma_wait3A_15 = tpu.memref_slice %arg3[%mul3A_4, %dma_wait3A_14] : memref<10240x64xf32, #tpu.memory_space<hbm>> -> memref<320x64xf32, #tpu.memory_space<hbm>>
      tpu.wait_dma2 semaphore(%run_scoped3A : memref<!tpu.dma_semaphore, #tpu.memory_space<semaphore_mem>>) src(%dma_wait3A_15 : memref<320x64xf32, #tpu.memory_space<hbm>>) dst(%arg10 : memref<320x64xf32, #tpu.memory_space<vmem>>)
      tpu.yield
    }) : () -> ()
    "tpu.region"() ({
      %run_scoped3A = tpu.sem_alloc : memref<!tpu.dma_semaphore, #tpu.memory_space<semaphore_mem>>
      %dma_start3A = arith.constant 0 : i32
      %dma_start3A_10 = tpu.memref_slice %arg11[%dma_start3A] : memref<336xi32, #tpu.memory_space<vmem>> -> memref<320xi32, #tpu.memory_space<vmem>>
      %dma_start3A_11 = arith.constant 0 : i32
      %dma_start3A_12 = tpu.memref_slice %arg4[%add3A, %dma_start3A_11] : memref<32x320xi32, #tpu.memory_space<hbm>> -> memref<1x320xi32, #tpu.memory_space<hbm>>
      %dma_start3A_13 = tpu.memref_squeeze %dma_start3A_12 : memref<1x320xi32, #tpu.memory_space<hbm>> -> memref<320xi32, #tpu.memory_space<hbm>>
      %dma_start3A_14 = arith.constant 0 : i32
      %dma_start3A_15 = tpu.memref_slice %arg11[%dma_start3A_14] : memref<336xi32, #tpu.memory_space<vmem>> -> memref<320xi32, #tpu.memory_space<vmem>>
      %dma_start3A_16 = arith.constant 0 : i32
      %dma_start3A_17 = tpu.memref_slice %arg4[%add3A, %dma_start3A_16] : memref<32x320xi32, #tpu.memory_space<hbm>> -> memref<1x320xi32, #tpu.memory_space<hbm>>
      %dma_start3A_18 = tpu.memref_squeeze %dma_start3A_17 : memref<1x320xi32, #tpu.memory_space<hbm>> -> memref<320xi32, #tpu.memory_space<hbm>>
      tpu.enqueue_dma source(%dma_start3A_18 : memref<320xi32, #tpu.memory_space<hbm>>) target(%dma_start3A_15 : memref<320xi32, #tpu.memory_space<vmem>>) target_semaphore(%run_scoped3A : memref<!tpu.dma_semaphore, #tpu.memory_space<semaphore_mem>>)
      %dma_wait3A = arith.constant 0 : i32
      %dma_wait3A_19 = tpu.memref_slice %arg11[%dma_wait3A] : memref<336xi32, #tpu.memory_space<vmem>> -> memref<320xi32, #tpu.memory_space<vmem>>
      %dma_wait3A_20 = arith.constant 0 : i32
      %dma_wait3A_21 = tpu.memref_slice %arg4[%add3A, %dma_wait3A_20] : memref<32x320xi32, #tpu.memory_space<hbm>> -> memref<1x320xi32, #tpu.memory_space<hbm>>
      %dma_wait3A_22 = tpu.memref_squeeze %dma_wait3A_21 : memref<1x320xi32, #tpu.memory_space<hbm>> -> memref<320xi32, #tpu.memory_space<hbm>>
      %dma_wait3A_23 = arith.constant 0 : i32
      %dma_wait3A_24 = tpu.memref_slice %arg11[%dma_wait3A_23] : memref<336xi32, #tpu.memory_space<vmem>> -> memref<320xi32, #tpu.memory_space<vmem>>
      %dma_wait3A_25 = arith.constant 0 : i32
      %dma_wait3A_26 = tpu.memref_slice %arg4[%add3A, %dma_wait3A_25] : memref<32x320xi32, #tpu.memory_space<hbm>> -> memref<1x320xi32, #tpu.memory_space<hbm>>
      %dma_wait3A_27 = tpu.memref_squeeze %dma_wait3A_26 : memref<1x320xi32, #tpu.memory_space<hbm>> -> memref<320xi32, #tpu.memory_space<hbm>>
      tpu.wait_dma2 semaphore(%run_scoped3A : memref<!tpu.dma_semaphore, #tpu.memory_space<semaphore_mem>>) src(%dma_wait3A_27 : memref<320xi32, #tpu.memory_space<hbm>>) dst(%dma_wait3A_24 : memref<320xi32, #tpu.memory_space<vmem>>)
      tpu.yield
    }) : () -> ()
    "tpu.region"() ({
      %run_scoped3A = tpu.sem_alloc : memref<!tpu.dma_semaphore, #tpu.memory_space<semaphore_mem>>
      tpu.enqueue_dma source(%arg5 : memref<256x64xf32, #tpu.memory_space<hbm>>) target(%arg12 : memref<256x64xf32, #tpu.memory_space<vmem>>) target_semaphore(%run_scoped3A : memref<!tpu.dma_semaphore, #tpu.memory_space<semaphore_mem>>)
      tpu.wait_dma2 semaphore(%run_scoped3A : memref<!tpu.dma_semaphore, #tpu.memory_space<semaphore_mem>>) src(%arg5 : memref<256x64xf32, #tpu.memory_space<hbm>>) dst(%arg12 : memref<256x64xf32, #tpu.memory_space<vmem>>)
      tpu.yield
    }) : () -> ()
    "tpu.region"() ({
      %run_scoped3A = tpu.sem_alloc : memref<!tpu.dma_semaphore, #tpu.memory_space<semaphore_mem>>
      tpu.enqueue_dma source(%arg6 : memref<256x64xf32, #tpu.memory_space<hbm>>) target(%arg13 : memref<256x64xf32, #tpu.memory_space<vmem>>) target_semaphore(%run_scoped3A : memref<!tpu.dma_semaphore, #tpu.memory_space<semaphore_mem>>)
      tpu.wait_dma2 semaphore(%run_scoped3A : memref<!tpu.dma_semaphore, #tpu.memory_space<semaphore_mem>>) src(%arg6 : memref<256x64xf32, #tpu.memory_space<hbm>>) dst(%arg13 : memref<256x64xf32, #tpu.memory_space<vmem>>)
      tpu.yield
    }) : () -> ()
    %scan3A = arith.constant 0 : i32
    %scan3A_5 = arith.constant 0 : i32
    %scan3A_6 = arith.constant 320 : i32
    %scan3A_7 = arith.addi %scan3A_5, %scan3A_6 : i32
    %scan3A_8 = arith.constant 1 : i32
    scf.for %scan3A_10 = %scan3A_5 to %scan3A_7 step %scan3A_8  : i32 {
      %get3A = arith.index_cast %scan3A_10 : i32 to index
      %get3A_11 = tpu.vector_load %arg11[%get3A] {strides = array<i32>} : memref<336xi32, #tpu.memory_space<vmem>>, vector<16xi32>,
      %get3A_12 = vector.shape_cast %get3A_11 : vector<16xi32> to vector<16xi32>
      %slice3A = vector.extract_strided_slice %get3A_12 {offsets = [0], sizes = [1], strides = [1]} : vector<16xi32> to vector<1xi32>
      %squeeze3A = vector.extract %slice3A[0] : i32 from vector<1xi32>
      %get3A_13 = arith.index_cast %squeeze3A : i32 to index
      %get3A_14 = arith.constant 0 : index
      %get3A_15 = tpu.vector_load %arg12[%get3A_13, %get3A_14] {strides = array<i32>} : memref<256x64xf32, #tpu.memory_space<vmem>>, vector<1x16xf32>,
      %get3A_16 = vector.shape_cast %get3A_15 : vector<1x16xf32> to vector<16xf32>
      %get3A_17 = arith.index_cast %scan3A_10 : i32 to index
      %get3A_18 = arith.constant 0 : index
      %get3A_19 = tpu.vector_load %arg9[%get3A_17, %get3A_18] {strides = array<i32>} : memref<320x64xf32, #tpu.memory_space<vmem>>, vector<1x16xf32>,
      %get3A_20 = vector.shape_cast %get3A_19 : vector<1x16xf32> to vector<16xf32>
      %add3A_21 = arith.addf %get3A_16, %get3A_20 : vector<16xf32>
      %swap3A = arith.index_cast %squeeze3A : i32 to index
      %swap3A_22 = arith.constant 0 : index
      %swap3A_23 = tpu.vector_load %arg12[%swap3A, %swap3A_22] {strides = array<i32>} : memref<256x64xf32, #tpu.memory_space<vmem>>, vector<1x16xf32>,
      %swap3A_24 = vector.shape_cast %swap3A_23 : vector<1x16xf32> to vector<16xf32>
      %swap3A_25 = vector.shape_cast %add3A_21 : vector<16xf32> to vector<1x16xf32>
      tpu.vector_store %arg12[%swap3A, %swap3A_22], %swap3A_25 {strides = array<i32>} : memref<256x64xf32, #tpu.memory_space<vmem>>, vector<1x16xf32>,
      %get3A_26 = arith.index_cast %squeeze3A : i32 to index
      %get3A_27 = arith.constant 0 : index
      %get3A_28 = tpu.vector_load %arg13[%get3A_26, %get3A_27] {strides = array<i32>} : memref<256x64xf32, #tpu.memory_space<vmem>>, vector<1x16xf32>,
      %get3A_29 = vector.shape_cast %get3A_28 : vector<1x16xf32> to vector<16xf32>
      %get3A_30 = arith.index_cast %scan3A_10 : i32 to index
      %get3A_31 = arith.constant 0 : index
      %get3A_32 = tpu.vector_load %arg10[%get3A_30, %get3A_31] {strides = array<i32>} : memref<320x64xf32, #tpu.memory_space<vmem>>, vector<1x16xf32>,
      %get3A_33 = vector.shape_cast %get3A_32 : vector<1x16xf32> to vector<16xf32>
      %max3A = arith.maximumf %get3A_29, %get3A_33 : vector<16xf32>
      %swap3A_34 = arith.index_cast %squeeze3A : i32 to index
      %swap3A_35 = arith.constant 0 : index
      %swap3A_36 = tpu.vector_load %arg13[%swap3A_34, %swap3A_35] {strides = array<i32>} : memref<256x64xf32, #tpu.memory_space<vmem>>, vector<1x16xf32>,
      %swap3A_37 = vector.shape_cast %swap3A_36 : vector<1x16xf32> to vector<16xf32>
      %swap3A_38 = vector.shape_cast %max3A : vector<16xf32> to vector<1x16xf32>
      tpu.vector_store %arg13[%swap3A_34, %swap3A_35], %swap3A_38 {strides = array<i32>} : memref<256x64xf32, #tpu.memory_space<vmem>>, vector<1x16xf32>,
      %get3A_39 = arith.index_cast %squeeze3A : i32 to index
      %get3A_40 = arith.constant 16 : index
      %get3A_41 = tpu.vector_load %arg12[%get3A_39, %get3A_40] {strides = array<i32>} : memref<256x64xf32, #tpu.memory_space<vmem>>, vector<1x16xf32>,
      %get3A_42 = vector.shape_cast %get3A_41 : vector<1x16xf32> to vector<16xf32>
      %get3A_43 = arith.index_cast %scan3A_10 : i32 to index
      %get3A_44 = arith.constant 16 : index
      %get3A_45 = tpu.vector_load %arg9[%get3A_43, %get3A_44] {strides = array<i32>} : memref<320x64xf32, #tpu.memory_space<vmem>>, vector<1x16xf32>,
      %get3A_46 = vector.shape_cast %get3A_45 : vector<1x16xf32> to vector<16xf32>
      %add3A_47 = arith.addf %get3A_42, %get3A_46 : vector<16xf32>
      %swap3A_48 = arith.index_cast %squeeze3A : i32 to index
      %swap3A_49 = arith.constant 16 : index
      %swap3A_50 = tpu.vector_load %arg12[%swap3A_48, %swap3A_49] {strides = array<i32>} : memref<256x64xf32, #tpu.memory_space<vmem>>, vector<1x16xf32>,
      %swap3A_51 = vector.shape_cast %swap3A_50 : vector<1x16xf32> to vector<16xf32>
      %swap3A_52 = vector.shape_cast %add3A_47 : vector<16xf32> to vector<1x16xf32>
      tpu.vector_store %arg12[%swap3A_48, %swap3A_49], %swap3A_52 {strides = array<i32>} : memref<256x64xf32, #tpu.memory_space<vmem>>, vector<1x16xf32>,
      %get3A_53 = arith.index_cast %squeeze3A : i32 to index
      %get3A_54 = arith.constant 16 : index
      %get3A_55 = tpu.vector_load %arg13[%get3A_53, %get3A_54] {strides = array<i32>} : memref<256x64xf32, #tpu.memory_space<vmem>>, vector<1x16xf32>,
      %get3A_56 = vector.shape_cast %get3A_55 : vector<1x16xf32> to vector<16xf32>
      %get3A_57 = arith.index_cast %scan3A_10 : i32 to index
      %get3A_58 = arith.constant 16 : index
      %get3A_59 = tpu.vector_load %arg10[%get3A_57, %get3A_58] {strides = array<i32>} : memref<320x64xf32, #tpu.memory_space<vmem>>, vector<1x16xf32>,
      %get3A_60 = vector.shape_cast %get3A_59 : vector<1x16xf32> to vector<16xf32>
      %max3A_61 = arith.maximumf %get3A_56, %get3A_60 : vector<16xf32>
      %swap3A_62 = arith.index_cast %squeeze3A : i32 to index
      %swap3A_63 = arith.constant 16 : index
      %swap3A_64 = tpu.vector_load %arg13[%swap3A_62, %swap3A_63] {strides = array<i32>} : memref<256x64xf32, #tpu.memory_space<vmem>>, vector<1x16xf32>,
      %swap3A_65 = vector.shape_cast %swap3A_64 : vector<1x16xf32> to vector<16xf32>
      %swap3A_66 = vector.shape_cast %max3A_61 : vector<16xf32> to vector<1x16xf32>
      tpu.vector_store %arg13[%swap3A_62, %swap3A_63], %swap3A_66 {strides = array<i32>} : memref<256x64xf32, #tpu.memory_space<vmem>>, vector<1x16xf32>,
      %get3A_67 = arith.index_cast %squeeze3A : i32 to index
      %get3A_68 = arith.constant 32 : index
      %get3A_69 = tpu.vector_load %arg12[%get3A_67, %get3A_68] {strides = array<i32>} : memref<256x64xf32, #tpu.memory_space<vmem>>, vector<1x16xf32>,
      %get3A_70 = vector.shape_cast %get3A_69 : vector<1x16xf32> to vector<16xf32>
      %get3A_71 = arith.index_cast %scan3A_10 : i32 to index
      %get3A_72 = arith.constant 32 : index
      %get3A_73 = tpu.vector_load %arg9[%get3A_71, %get3A_72] {strides = array<i32>} : memref<320x64xf32, #tpu.memory_space<vmem>>, vector<1x16xf32>,
      %get3A_74 = vector.shape_cast %get3A_73 : vector<1x16xf32> to vector<16xf32>
      %add3A_75 = arith.addf %get3A_70, %get3A_74 : vector<16xf32>
      %swap3A_76 = arith.index_cast %squeeze3A : i32 to index
      %swap3A_77 = arith.constant 32 : index
      %swap3A_78 = tpu.vector_load %arg12[%swap3A_76, %swap3A_77] {strides = array<i32>} : memref<256x64xf32, #tpu.memory_space<vmem>>, vector<1x16xf32>,
      %swap3A_79 = vector.shape_cast %swap3A_78 : vector<1x16xf32> to vector<16xf32>
      %swap3A_80 = vector.shape_cast %add3A_75 : vector<16xf32> to vector<1x16xf32>
      tpu.vector_store %arg12[%swap3A_76, %swap3A_77], %swap3A_80 {strides = array<i32>} : memref<256x64xf32, #tpu.memory_space<vmem>>, vector<1x16xf32>,
      %get3A_81 = arith.index_cast %squeeze3A : i32 to index
      %get3A_82 = arith.constant 32 : index
      %get3A_83 = tpu.vector_load %arg13[%get3A_81, %get3A_82] {strides = array<i32>} : memref<256x64xf32, #tpu.memory_space<vmem>>, vector<1x16xf32>,
      %get3A_84 = vector.shape_cast %get3A_83 : vector<1x16xf32> to vector<16xf32>
      %get3A_85 = arith.index_cast %scan3A_10 : i32 to index
      %get3A_86 = arith.constant 32 : index
      %get3A_87 = tpu.vector_load %arg10[%get3A_85, %get3A_86] {strides = array<i32>} : memref<320x64xf32, #tpu.memory_space<vmem>>, vector<1x16xf32>,
      %get3A_88 = vector.shape_cast %get3A_87 : vector<1x16xf32> to vector<16xf32>
      %max3A_89 = arith.maximumf %get3A_84, %get3A_88 : vector<16xf32>
      %swap3A_90 = arith.index_cast %squeeze3A : i32 to index
      %swap3A_91 = arith.constant 32 : index
      %swap3A_92 = tpu.vector_load %arg13[%swap3A_90, %swap3A_91] {strides = array<i32>} : memref<256x64xf32, #tpu.memory_space<vmem>>, vector<1x16xf32>,
      %swap3A_93 = vector.shape_cast %swap3A_92 : vector<1x16xf32> to vector<16xf32>
      %swap3A_94 = vector.shape_cast %max3A_89 : vector<16xf32> to vector<1x16xf32>
      tpu.vector_store %arg13[%swap3A_90, %swap3A_91], %swap3A_94 {strides = array<i32>} : memref<256x64xf32, #tpu.memory_space<vmem>>, vector<1x16xf32>,
      %get3A_95 = arith.index_cast %squeeze3A : i32 to index
      %get3A_96 = arith.constant 48 : index
      %get3A_97 = tpu.vector_load %arg12[%get3A_95, %get3A_96] {strides = array<i32>} : memref<256x64xf32, #tpu.memory_space<vmem>>, vector<1x16xf32>,
      %get3A_98 = vector.shape_cast %get3A_97 : vector<1x16xf32> to vector<16xf32>
      %get3A_99 = arith.index_cast %scan3A_10 : i32 to index
      %get3A_100 = arith.constant 48 : index
      %get3A_101 = tpu.vector_load %arg9[%get3A_99, %get3A_100] {strides = array<i32>} : memref<320x64xf32, #tpu.memory_space<vmem>>, vector<1x16xf32>,
      %get3A_102 = vector.shape_cast %get3A_101 : vector<1x16xf32> to vector<16xf32>
      %add3A_103 = arith.addf %get3A_98, %get3A_102 : vector<16xf32>
      %swap3A_104 = arith.index_cast %squeeze3A : i32 to index
      %swap3A_105 = arith.constant 48 : index
      %swap3A_106 = tpu.vector_load %arg12[%swap3A_104, %swap3A_105] {strides = array<i32>} : memref<256x64xf32, #tpu.memory_space<vmem>>, vector<1x16xf32>,
      %swap3A_107 = vector.shape_cast %swap3A_106 : vector<1x16xf32> to vector<16xf32>
      %swap3A_108 = vector.shape_cast %add3A_103 : vector<16xf32> to vector<1x16xf32>
      tpu.vector_store %arg12[%swap3A_104, %swap3A_105], %swap3A_108 {strides = array<i32>} : memref<256x64xf32, #tpu.memory_space<vmem>>, vector<1x16xf32>,
      %get3A_109 = arith.index_cast %squeeze3A : i32 to index
      %get3A_110 = arith.constant 48 : index
      %get3A_111 = tpu.vector_load %arg13[%get3A_109, %get3A_110] {strides = array<i32>} : memref<256x64xf32, #tpu.memory_space<vmem>>, vector<1x16xf32>,
      %get3A_112 = vector.shape_cast %get3A_111 : vector<1x16xf32> to vector<16xf32>
      %get3A_113 = arith.index_cast %scan3A_10 : i32 to index
      %get3A_114 = arith.constant 48 : index
      %get3A_115 = tpu.vector_load %arg10[%get3A_113, %get3A_114] {strides = array<i32>} : memref<320x64xf32, #tpu.memory_space<vmem>>, vector<1x16xf32>,
      %get3A_116 = vector.shape_cast %get3A_115 : vector<1x16xf32> to vector<16xf32>
      %max3A_117 = arith.maximumf %get3A_112, %get3A_116 : vector<16xf32>
      %swap3A_118 = arith.index_cast %squeeze3A : i32 to index
      %swap3A_119 = arith.constant 48 : index
      %swap3A_120 = tpu.vector_load %arg13[%swap3A_118, %swap3A_119] {strides = array<i32>} : memref<256x64xf32, #tpu.memory_space<vmem>>, vector<1x16xf32>,
      %swap3A_121 = vector.shape_cast %swap3A_120 : vector<1x16xf32> to vector<16xf32>
      %swap3A_122 = vector.shape_cast %max3A_117 : vector<16xf32> to vector<1x16xf32>
      tpu.vector_store %arg13[%swap3A_118, %swap3A_119], %swap3A_122 {strides = array<i32>} : memref<256x64xf32, #tpu.memory_space<vmem>>, vector<1x16xf32>,
    }
    %scan3A_9 = arith.constant 320 : i32
    "tpu.region"() ({
      %run_scoped3A = tpu.sem_alloc : memref<!tpu.dma_semaphore, #tpu.memory_space<semaphore_mem>>
      %dma_start3A = arith.constant 0 : i32
      %dma_start3A_10 = arith.constant 0 : i32
      %dma_start3A_11 = tpu.memref_slice %arg7[%add3A, %dma_start3A, %dma_start3A_10] : memref<32x256x64xf32, #tpu.memory_space<hbm>> -> memref<1x256x64xf32, #tpu.memory_space<hbm>>
      %dma_start3A_12 = tpu.memref_squeeze %dma_start3A_11 : memref<1x256x64xf32, #tpu.memory_space<hbm>> -> memref<256x64xf32, #tpu.memory_space<hbm>>
      %dma_start3A_13 = arith.constant 0 : i32
      %dma_start3A_14 = arith.constant 0 : i32
      %dma_start3A_15 = tpu.memref_slice %arg7[%add3A, %dma_start3A_13, %dma_start3A_14] : memref<32x256x64xf32, #tpu.memory_space<hbm>> -> memref<1x256x64xf32, #tpu.memory_space<hbm>>
      %dma_start3A_16 = tpu.memref_squeeze %dma_start3A_15 : memref<1x256x64xf32, #tpu.memory_space<hbm>> -> memref<256x64xf32, #tpu.memory_space<hbm>>
      tpu.enqueue_dma source(%arg12 : memref<256x64xf32, #tpu.memory_space<vmem>>) target(%dma_start3A_16 : memref<256x64xf32, #tpu.memory_space<hbm>>) target_semaphore(%run_scoped3A : memref<!tpu.dma_semaphore, #tpu.memory_space<semaphore_mem>>)
      %dma_wait3A = arith.constant 0 : i32
      %dma_wait3A_17 = arith.constant 0 : i32
      %dma_wait3A_18 = tpu.memref_slice %arg7[%add3A, %dma_wait3A, %dma_wait3A_17] : memref<32x256x64xf32, #tpu.memory_space<hbm>> -> memref<1x256x64xf32, #tpu.memory_space<hbm>>
      %dma_wait3A_19 = tpu.memref_squeeze %dma_wait3A_18 : memref<1x256x64xf32, #tpu.memory_space<hbm>> -> memref<256x64xf32, #tpu.memory_space<hbm>>
      %dma_wait3A_20 = arith.constant 0 : i32
      %dma_wait3A_21 = arith.constant 0 : i32
      %dma_wait3A_22 = tpu.memref_slice %arg7[%add3A, %dma_wait3A_20, %dma_wait3A_21] : memref<32x256x64xf32, #tpu.memory_space<hbm>> -> memref<1x256x64xf32, #tpu.memory_space<hbm>>
      %dma_wait3A_23 = tpu.memref_squeeze %dma_wait3A_22 : memref<1x256x64xf32, #tpu.memory_space<hbm>> -> memref<256x64xf32, #tpu.memory_space<hbm>>
      tpu.wait_dma2 semaphore(%run_scoped3A : memref<!tpu.dma_semaphore, #tpu.memory_space<semaphore_mem>>) src(%arg12 : memref<256x64xf32, #tpu.memory_space<vmem>>) dst(%dma_wait3A_23 : memref<256x64xf32, #tpu.memory_space<hbm>>)
      tpu.yield
    }) : () -> ()
    "tpu.region"() ({
      %run_scoped3A = tpu.sem_alloc : memref<!tpu.dma_semaphore, #tpu.memory_space<semaphore_mem>>
      %dma_start3A = arith.constant 0 : i32
      %dma_start3A_10 = arith.constant 0 : i32
      %dma_start3A_11 = tpu.memref_slice %arg8[%add3A, %dma_start3A, %dma_start3A_10] : memref<32x256x64xf32, #tpu.memory_space<hbm>> -> memref<1x256x64xf32, #tpu.memory_space<hbm>>
      %dma_start3A_12 = tpu.memref_squeeze %dma_start3A_11 : memref<1x256x64xf32, #tpu.memory_space<hbm>> -> memref<256x64xf32, #tpu.memory_space<hbm>>
      %dma_start3A_13 = arith.constant 0 : i32
      %dma_start3A_14 = arith.constant 0 : i32
      %dma_start3A_15 = tpu.memref_slice %arg8[%add3A, %dma_start3A_13, %dma_start3A_14] : memref<32x256x64xf32, #tpu.memory_space<hbm>> -> memref<1x256x64xf32, #tpu.memory_space<hbm>>
      %dma_start3A_16 = tpu.memref_squeeze %dma_start3A_15 : memref<1x256x64xf32, #tpu.memory_space<hbm>> -> memref<256x64xf32, #tpu.memory_space<hbm>>
      tpu.enqueue_dma source(%arg13 : memref<256x64xf32, #tpu.memory_space<vmem>>) target(%dma_start3A_16 : memref<256x64xf32, #tpu.memory_space<hbm>>) target_semaphore(%run_scoped3A : memref<!tpu.dma_semaphore, #tpu.memory_space<semaphore_mem>>)
      %dma_wait3A = arith.constant 0 : i32
      %dma_wait3A_17 = arith.constant 0 : i32
      %dma_wait3A_18 = tpu.memref_slice %arg8[%add3A, %dma_wait3A, %dma_wait3A_17] : memref<32x256x64xf32, #tpu.memory_space<hbm>> -> memref<1x256x64xf32, #tpu.memory_space<hbm>>
      %dma_wait3A_19 = tpu.memref_squeeze %dma_wait3A_18 : memref<1x256x64xf32, #tpu.memory_space<hbm>> -> memref<256x64xf32, #tpu.memory_space<hbm>>
      %dma_wait3A_20 = arith.constant 0 : i32
      %dma_wait3A_21 = arith.constant 0 : i32
      %dma_wait3A_22 = tpu.memref_slice %arg8[%add3A, %dma_wait3A_20, %dma_wait3A_21] : memref<32x256x64xf32, #tpu.memory_space<hbm>> -> memref<1x256x64xf32, #tpu.memory_space<hbm>>
      %dma_wait3A_23 = tpu.memref_squeeze %dma_wait3A_22 : memref<1x256x64xf32, #tpu.memory_space<hbm>> -> memref<256x64xf32, #tpu.memory_space<hbm>>
      tpu.wait_dma2 semaphore(%run_scoped3A : memref<!tpu.dma_semaphore, #tpu.memory_space<semaphore_mem>>) src(%arg13 : memref<256x64xf32, #tpu.memory_space<vmem>>) dst(%dma_wait3A_23 : memref<256x64xf32, #tpu.memory_space<hbm>>)
      tpu.yield
    }) : () -> ()
    return
  }
}

module attributes {stable_mosaic.version = 14 : i64} {
  func.func @_proj_body(%arg0: i32, %arg1: memref<2048x74xf32, #tpu.memory_space<vmem>>, %arg2: memref<74x128xbf16, #tpu.memory_space<vmem>>, %arg3: memref<1x128xf32, #tpu.memory_space<vmem>>, %arg4: memref<2048x128xf32, #tpu.memory_space<vmem>>) attributes {dimension_semantics = [#tpu.dimension_semantics<arbitrary>], iteration_bounds = array<i64: 5>, scalar_prefetch = 0 : i64, scratch_operands = 0 : i64, tpu.core_type = #tpu.core_type<tc>, window_params = [{transform_indices = @transform_0, window_bounds = array<i64: 2048, 74>}, {pipeline_mode = #tpu.pipeline_mode<synchronous>, transform_indices = @transform_1, window_bounds = array<i64: 74, 128>}, {pipeline_mode = #tpu.pipeline_mode<synchronous>, transform_indices = @transform_2, window_bounds = array<i64: 1, 128>}, {transform_indices = @transform_3, window_bounds = array<i64: 2048, 128>}]} {
    %get3A = arith.constant 0 : index
    %get3A_0 = arith.constant 0 : index
    %get3A_1 = vector.load %arg1[%get3A, %get3A_0] : memref<2048x74xf32, #tpu.memory_space<vmem>>, vector<2048x74xf32>
    %convert_element_type3A = arith.truncf %get3A_1 : vector<2048x74xf32> to vector<2048x74xbf16>
    %get3A_2 = arith.constant 0 : index
    %get3A_3 = arith.constant 0 : index
    %get3A_4 = vector.load %arg2[%get3A_2, %get3A_3] : memref<74x128xbf16, #tpu.memory_space<vmem>>, vector<74x128xbf16>
    %dot_general3A = arith.constant dense<0.000000e+00> : vector<2048x128xf32>
    %dot_general3A_5 = tpu.matmul %convert_element_type3A, %get3A_4, %dot_general3A {dimension_numbers = #tpu.dot_dimension_numbers<[1], [0], [0], [1], [0, 0, 1, 1], [], []>, transpose_lhs_hint = false} : vector<2048x74xbf16>, vector<74x128xbf16>, vector<2048x128xf32> -> vector<2048x128xf32>
    %get3A_6 = arith.constant 0 : index
    %get3A_7 = arith.constant 0 : index
    %get3A_8 = vector.load %arg3[%get3A_6, %get3A_7] : memref<1x128xf32, #tpu.memory_space<vmem>>, vector<1x128xf32>
    %add3A = vector.broadcast %get3A_8 : vector<1x128xf32> to vector<2048x128xf32>
    %add3A_9 = arith.addf %dot_general3A_5, %add3A : vector<2048x128xf32>
    %max3A = arith.constant 0.000000e+00 : f32
    %max3A_10 = vector.broadcast %max3A : f32 to vector<2048x128xf32>
    %max3A_11 = arith.maximumf %add3A_9, %max3A_10 : vector<2048x128xf32>
    %mul3A = arith.constant 2048 : i32
    %mul3A_12 = arith.muli %arg0, %mul3A : i32
    %iota3A = tpu.iota {dimensions = array<i32: 0>} : vector<2048x1xi32>
    %add3A_13 = vector.broadcast %mul3A_12 : i32 to vector<2048x1xi32>
    %add3A_14 = arith.addi %add3A_13, %iota3A : vector<2048x1xi32>
    %lt3A = arith.constant 10000 : i32
    %lt3A_15 = vector.broadcast %lt3A : i32 to vector<2048x1xi32>
    %lt3A_16 = arith.cmpi slt, %add3A_14, %lt3A_15 : vector<2048x1xi32>
    %jit3A = arith.constant 0.000000e+00 : f32
    %broadcast_in_dim3A = vector.shape_cast %lt3A_16 : vector<2048x1xi1> to vector<2048x1xi1>
    %broadcast_in_dim3A_17 = vector.broadcast %broadcast_in_dim3A : vector<2048x1xi1> to vector<2048x128xi1>
    %broadcast_in_dim3A_18 = vector.broadcast %jit3A : f32 to vector<2048x128xf32>
    %select_n3A = arith.select %broadcast_in_dim3A_17, %max3A_11, %broadcast_in_dim3A_18 : vector<2048x128xi1>, vector<2048x128xf32>
    %swap3A = arith.constant 0 : index
    %swap3A_19 = arith.constant 0 : index
    %swap3A_20 = vector.load %arg4[%swap3A, %swap3A_19] : memref<2048x128xf32, #tpu.memory_space<vmem>>, vector<2048x128xf32>
    tpu.vector_store %arg4[%swap3A, %swap3A_19], %select_n3A {strides = array<i32>} : memref<2048x128xf32, #tpu.memory_space<vmem>>, vector<2048x128xf32>,
    return
  }
  func.func @transform_0(%arg0: i32) -> (i32, i32) {
    %c0_i32 = arith.constant 0 : i32
    %c0_i32_0 = arith.constant 0 : i32
    return %arg0, %c0_i32 : i32, i32
  }
  func.func @transform_1(%arg0: i32) -> (i32, i32) {
    %c0_i32 = arith.constant 0 : i32
    %c0_i32_0 = arith.constant 0 : i32
    %c0_i32_1 = arith.constant 0 : i32
    return %c0_i32, %c0_i32_0 : i32, i32
  }
  func.func @transform_2(%arg0: i32) -> (i32, i32) {
    %c0_i32 = arith.constant 0 : i32
    %c0_i32_0 = arith.constant 0 : i32
    %c0_i32_1 = arith.constant 0 : i32
    return %c0_i32, %c0_i32_0 : i32, i32
  }
  func.func @transform_3(%arg0: i32) -> (i32, i32) {
    %c0_i32 = arith.constant 0 : i32
    %c0_i32_0 = arith.constant 0 : i32
    return %arg0, %c0_i32 : i32, i32
  }
}

module attributes {stable_mosaic.version = 14 : i64} {
  func.func @_proj_body(%arg0: i32, %arg1: memref<2048x12xf32, #tpu.memory_space<vmem>>, %arg2: memref<12x32xbf16, #tpu.memory_space<vmem>>, %arg3: memref<1x32xf32, #tpu.memory_space<vmem>>, %arg4: memref<2048x32xf32, #tpu.memory_space<vmem>>) attributes {dimension_semantics = [#tpu.dimension_semantics<arbitrary>], iteration_bounds = array<i64: 10>, scalar_prefetch = 0 : i64, scratch_operands = 0 : i64, tpu.core_type = #tpu.core_type<tc>, window_params = [{transform_indices = @transform_0, window_bounds = array<i64: 2048, 12>}, {pipeline_mode = #tpu.pipeline_mode<synchronous>, transform_indices = @transform_1, window_bounds = array<i64: 12, 32>}, {pipeline_mode = #tpu.pipeline_mode<synchronous>, transform_indices = @transform_2, window_bounds = array<i64: 1, 32>}, {transform_indices = @transform_3, window_bounds = array<i64: 2048, 32>}]} {
    %get3A = arith.constant 0 : index
    %get3A_0 = arith.constant 0 : index
    %get3A_1 = vector.load %arg1[%get3A, %get3A_0] : memref<2048x12xf32, #tpu.memory_space<vmem>>, vector<2048x12xf32>
    %convert_element_type3A = arith.truncf %get3A_1 : vector<2048x12xf32> to vector<2048x12xbf16>
    %get3A_2 = arith.constant 0 : index
    %get3A_3 = arith.constant 0 : index
    %get3A_4 = vector.load %arg2[%get3A_2, %get3A_3] : memref<12x32xbf16, #tpu.memory_space<vmem>>, vector<12x32xbf16>
    %dot_general3A = arith.constant dense<0.000000e+00> : vector<2048x32xf32>
    %dot_general3A_5 = tpu.matmul %convert_element_type3A, %get3A_4, %dot_general3A {dimension_numbers = #tpu.dot_dimension_numbers<[1], [0], [0], [1], [0, 0, 1, 1], [], []>, transpose_lhs_hint = false} : vector<2048x12xbf16>, vector<12x32xbf16>, vector<2048x32xf32> -> vector<2048x32xf32>
    %get3A_6 = arith.constant 0 : index
    %get3A_7 = arith.constant 0 : index
    %get3A_8 = vector.load %arg3[%get3A_6, %get3A_7] : memref<1x32xf32, #tpu.memory_space<vmem>>, vector<1x32xf32>
    %add3A = vector.broadcast %get3A_8 : vector<1x32xf32> to vector<2048x32xf32>
    %add3A_9 = arith.addf %dot_general3A_5, %add3A : vector<2048x32xf32>
    %max3A = arith.constant 0.000000e+00 : f32
    %max3A_10 = vector.broadcast %max3A : f32 to vector<2048x32xf32>
    %max3A_11 = arith.maximumf %add3A_9, %max3A_10 : vector<2048x32xf32>
    %mul3A = arith.constant 2048 : i32
    %mul3A_12 = arith.muli %arg0, %mul3A : i32
    %iota3A = tpu.iota {dimensions = array<i32: 0>} : vector<2048x1xi32>
    %add3A_13 = vector.broadcast %mul3A_12 : i32 to vector<2048x1xi32>
    %add3A_14 = arith.addi %add3A_13, %iota3A : vector<2048x1xi32>
    %lt3A = arith.constant 20000 : i32
    %lt3A_15 = vector.broadcast %lt3A : i32 to vector<2048x1xi32>
    %lt3A_16 = arith.cmpi slt, %add3A_14, %lt3A_15 : vector<2048x1xi32>
    %jit3A = arith.constant 0.000000e+00 : f32
    %broadcast_in_dim3A = vector.shape_cast %lt3A_16 : vector<2048x1xi1> to vector<2048x1xi1>
    %broadcast_in_dim3A_17 = vector.broadcast %broadcast_in_dim3A : vector<2048x1xi1> to vector<2048x32xi1>
    %broadcast_in_dim3A_18 = vector.broadcast %jit3A : f32 to vector<2048x32xf32>
    %select_n3A = arith.select %broadcast_in_dim3A_17, %max3A_11, %broadcast_in_dim3A_18 : vector<2048x32xi1>, vector<2048x32xf32>
    %swap3A = arith.constant 0 : index
    %swap3A_19 = arith.constant 0 : index
    %swap3A_20 = vector.load %arg4[%swap3A, %swap3A_19] : memref<2048x32xf32, #tpu.memory_space<vmem>>, vector<2048x32xf32>
    tpu.vector_store %arg4[%swap3A, %swap3A_19], %select_n3A {strides = array<i32>} : memref<2048x32xf32, #tpu.memory_space<vmem>>, vector<2048x32xf32>,
    return
  }
  func.func @transform_0(%arg0: i32) -> (i32, i32) {
    %c0_i32 = arith.constant 0 : i32
    %c0_i32_0 = arith.constant 0 : i32
    return %arg0, %c0_i32 : i32, i32
  }
  func.func @transform_1(%arg0: i32) -> (i32, i32) {
    %c0_i32 = arith.constant 0 : i32
    %c0_i32_0 = arith.constant 0 : i32
    %c0_i32_1 = arith.constant 0 : i32
    return %c0_i32, %c0_i32_0 : i32, i32
  }
  func.func @transform_2(%arg0: i32) -> (i32, i32) {
    %c0_i32 = arith.constant 0 : i32
    %c0_i32_0 = arith.constant 0 : i32
    %c0_i32_1 = arith.constant 0 : i32
    return %c0_i32, %c0_i32_0 : i32, i32
  }
  func.func @transform_3(%arg0: i32) -> (i32, i32) {
    %c0_i32 = arith.constant 0 : i32
    %c0_i32_0 = arith.constant 0 : i32
    return %arg0, %c0_i32 : i32, i32
  }
}

module attributes {stable_mosaic.version = 14 : i64} {
  func.func @_msg_body(%arg0: i32, %arg1: memref<512x128xf32, #tpu.memory_space<vmem>>, %arg2: memref<512x32xf32, #tpu.memory_space<vmem>>, %arg3: memref<128x2048xbf16, #tpu.memory_space<vmem>>, %arg4: memref<32x2048xbf16, #tpu.memory_space<vmem>>, %arg5: memref<128x64xbf16, #tpu.memory_space<vmem>>, %arg6: memref<512x128xf32, #tpu.memory_space<vmem>>) attributes {dimension_semantics = [#tpu.dimension_semantics<arbitrary>], iteration_bounds = array<i64: 24>, scalar_prefetch = 0 : i64, scratch_operands = 0 : i64, tpu.core_type = #tpu.core_type<tc>, window_params = [{transform_indices = @transform_0, window_bounds = array<i64: 512, 128>}, {transform_indices = @transform_1, window_bounds = array<i64: 512, 32>}, {pipeline_mode = #tpu.pipeline_mode<synchronous>, transform_indices = @transform_2, window_bounds = array<i64: 128, 2048>}, {pipeline_mode = #tpu.pipeline_mode<synchronous>, transform_indices = @transform_3, window_bounds = array<i64: 32, 2048>}, {pipeline_mode = #tpu.pipeline_mode<synchronous>, transform_indices = @transform_4, window_bounds = array<i64: 128, 64>}, {transform_indices = @transform_5, window_bounds = array<i64: 512, 128>}]} {
    %get3A = arith.constant 0 : index
    %get3A_0 = arith.constant 0 : index
    %get3A_1 = vector.load %arg1[%get3A, %get3A_0] : memref<512x128xf32, #tpu.memory_space<vmem>>, vector<512x128xf32>
    %convert_element_type3A = arith.truncf %get3A_1 : vector<512x128xf32> to vector<512x128xbf16>
    %get3A_2 = arith.constant 0 : index
    %get3A_3 = arith.constant 0 : index
    %get3A_4 = vector.load %arg2[%get3A_2, %get3A_3] : memref<512x32xf32, #tpu.memory_space<vmem>>, vector<512x32xf32>
    %convert_element_type3A_5 = arith.truncf %get3A_4 : vector<512x32xf32> to vector<512x32xbf16>
    %broadcast_in_dim3A = arith.constant 0.000000e+00 : f32
    %broadcast_in_dim3A_6 = vector.broadcast %broadcast_in_dim3A : f32 to vector<512x256xf32>
    %get3A_7 = arith.constant 0 : index
    %get3A_8 = arith.constant 0 : index
    %get3A_9 = vector.load %arg3[%get3A_7, %get3A_8] : memref<128x2048xbf16, #tpu.memory_space<vmem>>, vector<128x256xbf16>
    %dot_general3A = arith.constant dense<0.000000e+00> : vector<512x256xf32>
    %dot_general3A_10 = tpu.matmul %convert_element_type3A, %get3A_9, %dot_general3A {dimension_numbers = #tpu.dot_dimension_numbers<[1], [0], [0], [1], [0, 0, 1, 1], [], []>, transpose_lhs_hint = false} : vector<512x128xbf16>, vector<128x256xbf16>, vector<512x256xf32> -> vector<512x256xf32>
    %get3A_11 = arith.constant 0 : index
    %get3A_12 = arith.constant 0 : index
    %get3A_13 = vector.load %arg4[%get3A_11, %get3A_12] : memref<32x2048xbf16, #tpu.memory_space<vmem>>, vector<32x256xbf16>
    %dot_general3A_14 = arith.constant dense<0.000000e+00> : vector<512x256xf32>
    %dot_general3A_15 = tpu.matmul %convert_element_type3A_5, %get3A_13, %dot_general3A_14 {dimension_numbers = #tpu.dot_dimension_numbers<[1], [0], [0], [1], [0, 0, 1, 1], [], []>, transpose_lhs_hint = false} : vector<512x32xbf16>, vector<32x256xbf16>, vector<512x256xf32> -> vector<512x256xf32>
    %mul3A = arith.mulf %dot_general3A_10, %dot_general3A_15 : vector<512x256xf32>
    %add3A = arith.addf %broadcast_in_dim3A_6, %mul3A : vector<512x256xf32>
    %get3A_16 = arith.constant 0 : index
    %get3A_17 = arith.constant 256 : index
    %get3A_18 = vector.load %arg3[%get3A_16, %get3A_17] : memref<128x2048xbf16, #tpu.memory_space<vmem>>, vector<128x256xbf16>
    %dot_general3A_19 = arith.constant dense<0.000000e+00> : vector<512x256xf32>
    %dot_general3A_20 = tpu.matmul %convert_element_type3A, %get3A_18, %dot_general3A_19 {dimension_numbers = #tpu.dot_dimension_numbers<[1], [0], [0], [1], [0, 0, 1, 1], [], []>, transpose_lhs_hint = false} : vector<512x128xbf16>, vector<128x256xbf16>, vector<512x256xf32> -> vector<512x256xf32>
    %get3A_21 = arith.constant 0 : index
    %get3A_22 = arith.constant 256 : index
    %get3A_23 = vector.load %arg4[%get3A_21, %get3A_22] : memref<32x2048xbf16, #tpu.memory_space<vmem>>, vector<32x256xbf16>
    %dot_general3A_24 = arith.constant dense<0.000000e+00> : vector<512x256xf32>
    %dot_general3A_25 = tpu.matmul %convert_element_type3A_5, %get3A_23, %dot_general3A_24 {dimension_numbers = #tpu.dot_dimension_numbers<[1], [0], [0], [1], [0, 0, 1, 1], [], []>, transpose_lhs_hint = false} : vector<512x32xbf16>, vector<32x256xbf16>, vector<512x256xf32> -> vector<512x256xf32>
    %mul3A_26 = arith.mulf %dot_general3A_20, %dot_general3A_25 : vector<512x256xf32>
    %add3A_27 = arith.addf %add3A, %mul3A_26 : vector<512x256xf32>
    %get3A_28 = arith.constant 0 : index
    %get3A_29 = arith.constant 512 : index
    %get3A_30 = vector.load %arg3[%get3A_28, %get3A_29] : memref<128x2048xbf16, #tpu.memory_space<vmem>>, vector<128x256xbf16>
    %dot_general3A_31 = arith.constant dense<0.000000e+00> : vector<512x256xf32>
    %dot_general3A_32 = tpu.matmul %convert_element_type3A, %get3A_30, %dot_general3A_31 {dimension_numbers = #tpu.dot_dimension_numbers<[1], [0], [0], [1], [0, 0, 1, 1], [], []>, transpose_lhs_hint = false} : vector<512x128xbf16>, vector<128x256xbf16>, vector<512x256xf32> -> vector<512x256xf32>
    %get3A_33 = arith.constant 0 : index
    %get3A_34 = arith.constant 512 : index
    %get3A_35 = vector.load %arg4[%get3A_33, %get3A_34] : memref<32x2048xbf16, #tpu.memory_space<vmem>>, vector<32x256xbf16>
    %dot_general3A_36 = arith.constant dense<0.000000e+00> : vector<512x256xf32>
    %dot_general3A_37 = tpu.matmul %convert_element_type3A_5, %get3A_35, %dot_general3A_36 {dimension_numbers = #tpu.dot_dimension_numbers<[1], [0], [0], [1], [0, 0, 1, 1], [], []>, transpose_lhs_hint = false} : vector<512x32xbf16>, vector<32x256xbf16>, vector<512x256xf32> -> vector<512x256xf32>
    %mul3A_38 = arith.mulf %dot_general3A_32, %dot_general3A_37 : vector<512x256xf32>
    %add3A_39 = arith.addf %add3A_27, %mul3A_38 : vector<512x256xf32>
    %get3A_40 = arith.constant 0 : index
    %get3A_41 = arith.constant 768 : index
    %get3A_42 = vector.load %arg3[%get3A_40, %get3A_41] : memref<128x2048xbf16, #tpu.memory_space<vmem>>, vector<128x256xbf16>
    %dot_general3A_43 = arith.constant dense<0.000000e+00> : vector<512x256xf32>
    %dot_general3A_44 = tpu.matmul %convert_element_type3A, %get3A_42, %dot_general3A_43 {dimension_numbers = #tpu.dot_dimension_numbers<[1], [0], [0], [1], [0, 0, 1, 1], [], []>, transpose_lhs_hint = false} : vector<512x128xbf16>, vector<128x256xbf16>, vector<512x256xf32> -> vector<512x256xf32>
    %get3A_45 = arith.constant 0 : index
    %get3A_46 = arith.constant 768 : index
    %get3A_47 = vector.load %arg4[%get3A_45, %get3A_46] : memref<32x2048xbf16, #tpu.memory_space<vmem>>, vector<32x256xbf16>
    %dot_general3A_48 = arith.constant dense<0.000000e+00> : vector<512x256xf32>
    %dot_general3A_49 = tpu.matmul %convert_element_type3A_5, %get3A_47, %dot_general3A_48 {dimension_numbers = #tpu.dot_dimension_numbers<[1], [0], [0], [1], [0, 0, 1, 1], [], []>, transpose_lhs_hint = false} : vector<512x32xbf16>, vector<32x256xbf16>, vector<512x256xf32> -> vector<512x256xf32>
    %mul3A_50 = arith.mulf %dot_general3A_44, %dot_general3A_49 : vector<512x256xf32>
    %add3A_51 = arith.addf %add3A_39, %mul3A_50 : vector<512x256xf32>
    %get3A_52 = arith.constant 0 : index
    %get3A_53 = arith.constant 1024 : index
    %get3A_54 = vector.load %arg3[%get3A_52, %get3A_53] : memref<128x2048xbf16, #tpu.memory_space<vmem>>, vector<128x256xbf16>
    %dot_general3A_55 = arith.constant dense<0.000000e+00> : vector<512x256xf32>
    %dot_general3A_56 = tpu.matmul %convert_element_type3A, %get3A_54, %dot_general3A_55 {dimension_numbers = #tpu.dot_dimension_numbers<[1], [0], [0], [1], [0, 0, 1, 1], [], []>, transpose_lhs_hint = false} : vector<512x128xbf16>, vector<128x256xbf16>, vector<512x256xf32> -> vector<512x256xf32>
    %get3A_57 = arith.constant 0 : index
    %get3A_58 = arith.constant 1024 : index
    %get3A_59 = vector.load %arg4[%get3A_57, %get3A_58] : memref<32x2048xbf16, #tpu.memory_space<vmem>>, vector<32x256xbf16>
    %dot_general3A_60 = arith.constant dense<0.000000e+00> : vector<512x256xf32>
    %dot_general3A_61 = tpu.matmul %convert_element_type3A_5, %get3A_59, %dot_general3A_60 {dimension_numbers = #tpu.dot_dimension_numbers<[1], [0], [0], [1], [0, 0, 1, 1], [], []>, transpose_lhs_hint = false} : vector<512x32xbf16>, vector<32x256xbf16>, vector<512x256xf32> -> vector<512x256xf32>
    %mul3A_62 = arith.mulf %dot_general3A_56, %dot_general3A_61 : vector<512x256xf32>
    %add3A_63 = arith.addf %add3A_51, %mul3A_62 : vector<512x256xf32>
    %get3A_64 = arith.constant 0 : index
    %get3A_65 = arith.constant 1280 : index
    %get3A_66 = vector.load %arg3[%get3A_64, %get3A_65] : memref<128x2048xbf16, #tpu.memory_space<vmem>>, vector<128x256xbf16>
    %dot_general3A_67 = arith.constant dense<0.000000e+00> : vector<512x256xf32>
    %dot_general3A_68 = tpu.matmul %convert_element_type3A, %get3A_66, %dot_general3A_67 {dimension_numbers = #tpu.dot_dimension_numbers<[1], [0], [0], [1], [0, 0, 1, 1], [], []>, transpose_lhs_hint = false} : vector<512x128xbf16>, vector<128x256xbf16>, vector<512x256xf32> -> vector<512x256xf32>
    %get3A_69 = arith.constant 0 : index
    %get3A_70 = arith.constant 1280 : index
    %get3A_71 = vector.load %arg4[%get3A_69, %get3A_70] : memref<32x2048xbf16, #tpu.memory_space<vmem>>, vector<32x256xbf16>
    %dot_general3A_72 = arith.constant dense<0.000000e+00> : vector<512x256xf32>
    %dot_general3A_73 = tpu.matmul %convert_element_type3A_5, %get3A_71, %dot_general3A_72 {dimension_numbers = #tpu.dot_dimension_numbers<[1], [0], [0], [1], [0, 0, 1, 1], [], []>, transpose_lhs_hint = false} : vector<512x32xbf16>, vector<32x256xbf16>, vector<512x256xf32> -> vector<512x256xf32>
    %mul3A_74 = arith.mulf %dot_general3A_68, %dot_general3A_73 : vector<512x256xf32>
    %add3A_75 = arith.addf %add3A_63, %mul3A_74 : vector<512x256xf32>
    %get3A_76 = arith.constant 0 : index
    %get3A_77 = arith.constant 1536 : index
    %get3A_78 = vector.load %arg3[%get3A_76, %get3A_77] : memref<128x2048xbf16, #tpu.memory_space<vmem>>, vector<128x256xbf16>
    %dot_general3A_79 = arith.constant dense<0.000000e+00> : vector<512x256xf32>
    %dot_general3A_80 = tpu.matmul %convert_element_type3A, %get3A_78, %dot_general3A_79 {dimension_numbers = #tpu.dot_dimension_numbers<[1], [0], [0], [1], [0, 0, 1, 1], [], []>, transpose_lhs_hint = false} : vector<512x128xbf16>, vector<128x256xbf16>, vector<512x256xf32> -> vector<512x256xf32>
    %get3A_81 = arith.constant 0 : index
    %get3A_82 = arith.constant 1536 : index
    %get3A_83 = vector.load %arg4[%get3A_81, %get3A_82] : memref<32x2048xbf16, #tpu.memory_space<vmem>>, vector<32x256xbf16>
    %dot_general3A_84 = arith.constant dense<0.000000e+00> : vector<512x256xf32>
    %dot_general3A_85 = tpu.matmul %convert_element_type3A_5, %get3A_83, %dot_general3A_84 {dimension_numbers = #tpu.dot_dimension_numbers<[1], [0], [0], [1], [0, 0, 1, 1], [], []>, transpose_lhs_hint = false} : vector<512x32xbf16>, vector<32x256xbf16>, vector<512x256xf32> -> vector<512x256xf32>
    %mul3A_86 = arith.mulf %dot_general3A_80, %dot_general3A_85 : vector<512x256xf32>
    %add3A_87 = arith.addf %add3A_75, %mul3A_86 : vector<512x256xf32>
    %get3A_88 = arith.constant 0 : index
    %get3A_89 = arith.constant 1792 : index
    %get3A_90 = vector.load %arg3[%get3A_88, %get3A_89] : memref<128x2048xbf16, #tpu.memory_space<vmem>>, vector<128x256xbf16>
    %dot_general3A_91 = arith.constant dense<0.000000e+00> : vector<512x256xf32>
    %dot_general3A_92 = tpu.matmul %convert_element_type3A, %get3A_90, %dot_general3A_91 {dimension_numbers = #tpu.dot_dimension_numbers<[1], [0], [0], [1], [0, 0, 1, 1], [], []>, transpose_lhs_hint = false} : vector<512x128xbf16>, vector<128x256xbf16>, vector<512x256xf32> -> vector<512x256xf32>
    %get3A_93 = arith.constant 0 : index
    %get3A_94 = arith.constant 1792 : index
    %get3A_95 = vector.load %arg4[%get3A_93, %get3A_94] : memref<32x2048xbf16, #tpu.memory_space<vmem>>, vector<32x256xbf16>
    %dot_general3A_96 = arith.constant dense<0.000000e+00> : vector<512x256xf32>
    %dot_general3A_97 = tpu.matmul %convert_element_type3A_5, %get3A_95, %dot_general3A_96 {dimension_numbers = #tpu.dot_dimension_numbers<[1], [0], [0], [1], [0, 0, 1, 1], [], []>, transpose_lhs_hint = false} : vector<512x32xbf16>, vector<32x256xbf16>, vector<512x256xf32> -> vector<512x256xf32>
    %mul3A_98 = arith.mulf %dot_general3A_92, %dot_general3A_97 : vector<512x256xf32>
    %add3A_99 = arith.addf %add3A_87, %mul3A_98 : vector<512x256xf32>
    %slice3A = vector.extract_strided_slice %add3A_99 {offsets = [0, 0], sizes = [512, 128], strides = [1, 1]} : vector<512x256xf32> to vector<512x128xf32>
    %slice3A_100 = vector.extract_strided_slice %add3A_99 {offsets = [0, 128], sizes = [512, 128], strides = [1, 1]} : vector<512x256xf32> to vector<512x128xf32>
    %add3A_101 = arith.addf %slice3A, %slice3A_100 : vector<512x128xf32>
    %slice3A_102 = vector.extract_strided_slice %add3A_101 {offsets = [0, 0], sizes = [512, 64], strides = [1, 1]} : vector<512x128xf32> to vector<512x64xf32>
    %slice3A_103 = vector.extract_strided_slice %add3A_101 {offsets = [0, 64], sizes = [512, 64], strides = [1, 1]} : vector<512x128xf32> to vector<512x64xf32>
    %add3A_104 = arith.addf %slice3A_102, %slice3A_103 : vector<512x64xf32>
    %get3A_105 = arith.constant 0 : index
    %get3A_106 = arith.constant 0 : index
    %get3A_107 = vector.load %arg5[%get3A_105, %get3A_106] : memref<128x64xbf16, #tpu.memory_space<vmem>>, vector<128x64xbf16>
    %dot_general3A_108 = arith.constant dense<0.000000e+00> : vector<512x64xf32>
    %dot_general3A_109 = tpu.matmul %convert_element_type3A, %get3A_107, %dot_general3A_108 {dimension_numbers = #tpu.dot_dimension_numbers<[1], [0], [0], [1], [0, 0, 1, 1], [], []>, transpose_lhs_hint = false} : vector<512x128xbf16>, vector<128x64xbf16>, vector<512x64xf32> -> vector<512x64xf32>
    %add3A_110 = arith.addf %add3A_104, %dot_general3A_109 : vector<512x64xf32>
    %broadcast_in_dim3A_111 = arith.constant 0.000000e+00 : f32
    %broadcast_in_dim3A_112 = vector.broadcast %broadcast_in_dim3A_111 : f32 to vector<512x64xf32>
    %concatenate3A = tpu.concatenate %add3A_110, %broadcast_in_dim3A_112 in 1 : vector<512x64xf32>, vector<512x64xf32> -> vector<512x128xf32>
    %swap3A = arith.constant 0 : index
    %swap3A_113 = arith.constant 0 : index
    %swap3A_114 = vector.load %arg6[%swap3A, %swap3A_113] : memref<512x128xf32, #tpu.memory_space<vmem>>, vector<512x128xf32>
    tpu.vector_store %arg6[%swap3A, %swap3A_113], %concatenate3A {strides = array<i32>} : memref<512x128xf32, #tpu.memory_space<vmem>>, vector<512x128xf32>,
    return
  }
  func.func @transform_0(%arg0: i32) -> (i32, i32) {
    %c0_i32 = arith.constant 0 : i32
    %c0_i32_0 = arith.constant 0 : i32
    return %arg0, %c0_i32 : i32, i32
  }
  func.func @transform_1(%arg0: i32) -> (i32, i32) {
    %add3A = arith.constant 0 : i32
    %add3A_0 = arith.addi %arg0, %add3A : i32
    %c0_i32 = arith.constant 0 : i32
    %c0_i32_1 = arith.constant 0 : i32
    return %add3A_0, %c0_i32 : i32, i32
  }
  func.func @transform_2(%arg0: i32) -> (i32, i32) {
    %c0_i32 = arith.constant 0 : i32
    %c0_i32_0 = arith.constant 0 : i32
    %c0_i32_1 = arith.constant 0 : i32
    return %c0_i32, %c0_i32_0 : i32, i32
  }
  func.func @transform_3(%arg0: i32) -> (i32, i32) {
    %c0_i32 = arith.constant 0 : i32
    %c0_i32_0 = arith.constant 0 : i32
    %c0_i32_1 = arith.constant 0 : i32
    return %c0_i32, %c0_i32_0 : i32, i32
  }
  func.func @transform_4(%arg0: i32) -> (i32, i32) {
    %c0_i32 = arith.constant 0 : i32
    %c0_i32_0 = arith.constant 0 : i32
    %c0_i32_1 = arith.constant 0 : i32
    return %c0_i32, %c0_i32_0 : i32, i32
  }
  func.func @transform_5(%arg0: i32) -> (i32, i32) {
    %c0_i32 = arith.constant 0 : i32
    %c0_i32_0 = arith.constant 0 : i32
    return %arg0, %c0_i32 : i32, i32
  }
}

module attributes {stable_mosaic.version = 14 : i64} {
  func.func @_msg_body(%arg0: i32, %arg1: memref<512x128xf32, #tpu.memory_space<vmem>>, %arg2: memref<512x32xf32, #tpu.memory_space<vmem>>, %arg3: memref<128x2048xbf16, #tpu.memory_space<vmem>>, %arg4: memref<32x2048xbf16, #tpu.memory_space<vmem>>, %arg5: memref<128x64xbf16, #tpu.memory_space<vmem>>, %arg6: memref<512x128xf32, #tpu.memory_space<vmem>>) attributes {dimension_semantics = [#tpu.dimension_semantics<arbitrary>], iteration_bounds = array<i64: 16>, scalar_prefetch = 0 : i64, scratch_operands = 0 : i64, tpu.core_type = #tpu.core_type<tc>, window_params = [{transform_indices = @transform_0, window_bounds = array<i64: 512, 128>}, {transform_indices = @transform_1, window_bounds = array<i64: 512, 32>}, {pipeline_mode = #tpu.pipeline_mode<synchronous>, transform_indices = @transform_2, window_bounds = array<i64: 128, 2048>}, {pipeline_mode = #tpu.pipeline_mode<synchronous>, transform_indices = @transform_3, window_bounds = array<i64: 32, 2048>}, {pipeline_mode = #tpu.pipeline_mode<synchronous>, transform_indices = @transform_4, window_bounds = array<i64: 128, 64>}, {transform_indices = @transform_5, window_bounds = array<i64: 512, 128>}]} {
    %get3A = arith.constant 0 : index
    %get3A_0 = arith.constant 0 : index
    %get3A_1 = vector.load %arg1[%get3A, %get3A_0] : memref<512x128xf32, #tpu.memory_space<vmem>>, vector<512x128xf32>
    %convert_element_type3A = arith.truncf %get3A_1 : vector<512x128xf32> to vector<512x128xbf16>
    %get3A_2 = arith.constant 0 : index
    %get3A_3 = arith.constant 0 : index
    %get3A_4 = vector.load %arg2[%get3A_2, %get3A_3] : memref<512x32xf32, #tpu.memory_space<vmem>>, vector<512x32xf32>
    %convert_element_type3A_5 = arith.truncf %get3A_4 : vector<512x32xf32> to vector<512x32xbf16>
    %broadcast_in_dim3A = arith.constant 0.000000e+00 : f32
    %broadcast_in_dim3A_6 = vector.broadcast %broadcast_in_dim3A : f32 to vector<512x256xf32>
    %get3A_7 = arith.constant 0 : index
    %get3A_8 = arith.constant 0 : index
    %get3A_9 = vector.load %arg3[%get3A_7, %get3A_8] : memref<128x2048xbf16, #tpu.memory_space<vmem>>, vector<128x256xbf16>
    %dot_general3A = arith.constant dense<0.000000e+00> : vector<512x256xf32>
    %dot_general3A_10 = tpu.matmul %convert_element_type3A, %get3A_9, %dot_general3A {dimension_numbers = #tpu.dot_dimension_numbers<[1], [0], [0], [1], [0, 0, 1, 1], [], []>, transpose_lhs_hint = false} : vector<512x128xbf16>, vector<128x256xbf16>, vector<512x256xf32> -> vector<512x256xf32>
    %get3A_11 = arith.constant 0 : index
    %get3A_12 = arith.constant 0 : index
    %get3A_13 = vector.load %arg4[%get3A_11, %get3A_12] : memref<32x2048xbf16, #tpu.memory_space<vmem>>, vector<32x256xbf16>
    %dot_general3A_14 = arith.constant dense<0.000000e+00> : vector<512x256xf32>
    %dot_general3A_15 = tpu.matmul %convert_element_type3A_5, %get3A_13, %dot_general3A_14 {dimension_numbers = #tpu.dot_dimension_numbers<[1], [0], [0], [1], [0, 0, 1, 1], [], []>, transpose_lhs_hint = false} : vector<512x32xbf16>, vector<32x256xbf16>, vector<512x256xf32> -> vector<512x256xf32>
    %mul3A = arith.mulf %dot_general3A_10, %dot_general3A_15 : vector<512x256xf32>
    %add3A = arith.addf %broadcast_in_dim3A_6, %mul3A : vector<512x256xf32>
    %get3A_16 = arith.constant 0 : index
    %get3A_17 = arith.constant 256 : index
    %get3A_18 = vector.load %arg3[%get3A_16, %get3A_17] : memref<128x2048xbf16, #tpu.memory_space<vmem>>, vector<128x256xbf16>
    %dot_general3A_19 = arith.constant dense<0.000000e+00> : vector<512x256xf32>
    %dot_general3A_20 = tpu.matmul %convert_element_type3A, %get3A_18, %dot_general3A_19 {dimension_numbers = #tpu.dot_dimension_numbers<[1], [0], [0], [1], [0, 0, 1, 1], [], []>, transpose_lhs_hint = false} : vector<512x128xbf16>, vector<128x256xbf16>, vector<512x256xf32> -> vector<512x256xf32>
    %get3A_21 = arith.constant 0 : index
    %get3A_22 = arith.constant 256 : index
    %get3A_23 = vector.load %arg4[%get3A_21, %get3A_22] : memref<32x2048xbf16, #tpu.memory_space<vmem>>, vector<32x256xbf16>
    %dot_general3A_24 = arith.constant dense<0.000000e+00> : vector<512x256xf32>
    %dot_general3A_25 = tpu.matmul %convert_element_type3A_5, %get3A_23, %dot_general3A_24 {dimension_numbers = #tpu.dot_dimension_numbers<[1], [0], [0], [1], [0, 0, 1, 1], [], []>, transpose_lhs_hint = false} : vector<512x32xbf16>, vector<32x256xbf16>, vector<512x256xf32> -> vector<512x256xf32>
    %mul3A_26 = arith.mulf %dot_general3A_20, %dot_general3A_25 : vector<512x256xf32>
    %add3A_27 = arith.addf %add3A, %mul3A_26 : vector<512x256xf32>
    %get3A_28 = arith.constant 0 : index
    %get3A_29 = arith.constant 512 : index
    %get3A_30 = vector.load %arg3[%get3A_28, %get3A_29] : memref<128x2048xbf16, #tpu.memory_space<vmem>>, vector<128x256xbf16>
    %dot_general3A_31 = arith.constant dense<0.000000e+00> : vector<512x256xf32>
    %dot_general3A_32 = tpu.matmul %convert_element_type3A, %get3A_30, %dot_general3A_31 {dimension_numbers = #tpu.dot_dimension_numbers<[1], [0], [0], [1], [0, 0, 1, 1], [], []>, transpose_lhs_hint = false} : vector<512x128xbf16>, vector<128x256xbf16>, vector<512x256xf32> -> vector<512x256xf32>
    %get3A_33 = arith.constant 0 : index
    %get3A_34 = arith.constant 512 : index
    %get3A_35 = vector.load %arg4[%get3A_33, %get3A_34] : memref<32x2048xbf16, #tpu.memory_space<vmem>>, vector<32x256xbf16>
    %dot_general3A_36 = arith.constant dense<0.000000e+00> : vector<512x256xf32>
    %dot_general3A_37 = tpu.matmul %convert_element_type3A_5, %get3A_35, %dot_general3A_36 {dimension_numbers = #tpu.dot_dimension_numbers<[1], [0], [0], [1], [0, 0, 1, 1], [], []>, transpose_lhs_hint = false} : vector<512x32xbf16>, vector<32x256xbf16>, vector<512x256xf32> -> vector<512x256xf32>
    %mul3A_38 = arith.mulf %dot_general3A_32, %dot_general3A_37 : vector<512x256xf32>
    %add3A_39 = arith.addf %add3A_27, %mul3A_38 : vector<512x256xf32>
    %get3A_40 = arith.constant 0 : index
    %get3A_41 = arith.constant 768 : index
    %get3A_42 = vector.load %arg3[%get3A_40, %get3A_41] : memref<128x2048xbf16, #tpu.memory_space<vmem>>, vector<128x256xbf16>
    %dot_general3A_43 = arith.constant dense<0.000000e+00> : vector<512x256xf32>
    %dot_general3A_44 = tpu.matmul %convert_element_type3A, %get3A_42, %dot_general3A_43 {dimension_numbers = #tpu.dot_dimension_numbers<[1], [0], [0], [1], [0, 0, 1, 1], [], []>, transpose_lhs_hint = false} : vector<512x128xbf16>, vector<128x256xbf16>, vector<512x256xf32> -> vector<512x256xf32>
    %get3A_45 = arith.constant 0 : index
    %get3A_46 = arith.constant 768 : index
    %get3A_47 = vector.load %arg4[%get3A_45, %get3A_46] : memref<32x2048xbf16, #tpu.memory_space<vmem>>, vector<32x256xbf16>
    %dot_general3A_48 = arith.constant dense<0.000000e+00> : vector<512x256xf32>
    %dot_general3A_49 = tpu.matmul %convert_element_type3A_5, %get3A_47, %dot_general3A_48 {dimension_numbers = #tpu.dot_dimension_numbers<[1], [0], [0], [1], [0, 0, 1, 1], [], []>, transpose_lhs_hint = false} : vector<512x32xbf16>, vector<32x256xbf16>, vector<512x256xf32> -> vector<512x256xf32>
    %mul3A_50 = arith.mulf %dot_general3A_44, %dot_general3A_49 : vector<512x256xf32>
    %add3A_51 = arith.addf %add3A_39, %mul3A_50 : vector<512x256xf32>
    %get3A_52 = arith.constant 0 : index
    %get3A_53 = arith.constant 1024 : index
    %get3A_54 = vector.load %arg3[%get3A_52, %get3A_53] : memref<128x2048xbf16, #tpu.memory_space<vmem>>, vector<128x256xbf16>
    %dot_general3A_55 = arith.constant dense<0.000000e+00> : vector<512x256xf32>
    %dot_general3A_56 = tpu.matmul %convert_element_type3A, %get3A_54, %dot_general3A_55 {dimension_numbers = #tpu.dot_dimension_numbers<[1], [0], [0], [1], [0, 0, 1, 1], [], []>, transpose_lhs_hint = false} : vector<512x128xbf16>, vector<128x256xbf16>, vector<512x256xf32> -> vector<512x256xf32>
    %get3A_57 = arith.constant 0 : index
    %get3A_58 = arith.constant 1024 : index
    %get3A_59 = vector.load %arg4[%get3A_57, %get3A_58] : memref<32x2048xbf16, #tpu.memory_space<vmem>>, vector<32x256xbf16>
    %dot_general3A_60 = arith.constant dense<0.000000e+00> : vector<512x256xf32>
    %dot_general3A_61 = tpu.matmul %convert_element_type3A_5, %get3A_59, %dot_general3A_60 {dimension_numbers = #tpu.dot_dimension_numbers<[1], [0], [0], [1], [0, 0, 1, 1], [], []>, transpose_lhs_hint = false} : vector<512x32xbf16>, vector<32x256xbf16>, vector<512x256xf32> -> vector<512x256xf32>
    %mul3A_62 = arith.mulf %dot_general3A_56, %dot_general3A_61 : vector<512x256xf32>
    %add3A_63 = arith.addf %add3A_51, %mul3A_62 : vector<512x256xf32>
    %get3A_64 = arith.constant 0 : index
    %get3A_65 = arith.constant 1280 : index
    %get3A_66 = vector.load %arg3[%get3A_64, %get3A_65] : memref<128x2048xbf16, #tpu.memory_space<vmem>>, vector<128x256xbf16>
    %dot_general3A_67 = arith.constant dense<0.000000e+00> : vector<512x256xf32>
    %dot_general3A_68 = tpu.matmul %convert_element_type3A, %get3A_66, %dot_general3A_67 {dimension_numbers = #tpu.dot_dimension_numbers<[1], [0], [0], [1], [0, 0, 1, 1], [], []>, transpose_lhs_hint = false} : vector<512x128xbf16>, vector<128x256xbf16>, vector<512x256xf32> -> vector<512x256xf32>
    %get3A_69 = arith.constant 0 : index
    %get3A_70 = arith.constant 1280 : index
    %get3A_71 = vector.load %arg4[%get3A_69, %get3A_70] : memref<32x2048xbf16, #tpu.memory_space<vmem>>, vector<32x256xbf16>
    %dot_general3A_72 = arith.constant dense<0.000000e+00> : vector<512x256xf32>
    %dot_general3A_73 = tpu.matmul %convert_element_type3A_5, %get3A_71, %dot_general3A_72 {dimension_numbers = #tpu.dot_dimension_numbers<[1], [0], [0], [1], [0, 0, 1, 1], [], []>, transpose_lhs_hint = false} : vector<512x32xbf16>, vector<32x256xbf16>, vector<512x256xf32> -> vector<512x256xf32>
    %mul3A_74 = arith.mulf %dot_general3A_68, %dot_general3A_73 : vector<512x256xf32>
    %add3A_75 = arith.addf %add3A_63, %mul3A_74 : vector<512x256xf32>
    %get3A_76 = arith.constant 0 : index
    %get3A_77 = arith.constant 1536 : index
    %get3A_78 = vector.load %arg3[%get3A_76, %get3A_77] : memref<128x2048xbf16, #tpu.memory_space<vmem>>, vector<128x256xbf16>
    %dot_general3A_79 = arith.constant dense<0.000000e+00> : vector<512x256xf32>
    %dot_general3A_80 = tpu.matmul %convert_element_type3A, %get3A_78, %dot_general3A_79 {dimension_numbers = #tpu.dot_dimension_numbers<[1], [0], [0], [1], [0, 0, 1, 1], [], []>, transpose_lhs_hint = false} : vector<512x128xbf16>, vector<128x256xbf16>, vector<512x256xf32> -> vector<512x256xf32>
    %get3A_81 = arith.constant 0 : index
    %get3A_82 = arith.constant 1536 : index
    %get3A_83 = vector.load %arg4[%get3A_81, %get3A_82] : memref<32x2048xbf16, #tpu.memory_space<vmem>>, vector<32x256xbf16>
    %dot_general3A_84 = arith.constant dense<0.000000e+00> : vector<512x256xf32>
    %dot_general3A_85 = tpu.matmul %convert_element_type3A_5, %get3A_83, %dot_general3A_84 {dimension_numbers = #tpu.dot_dimension_numbers<[1], [0], [0], [1], [0, 0, 1, 1], [], []>, transpose_lhs_hint = false} : vector<512x32xbf16>, vector<32x256xbf16>, vector<512x256xf32> -> vector<512x256xf32>
    %mul3A_86 = arith.mulf %dot_general3A_80, %dot_general3A_85 : vector<512x256xf32>
    %add3A_87 = arith.addf %add3A_75, %mul3A_86 : vector<512x256xf32>
    %get3A_88 = arith.constant 0 : index
    %get3A_89 = arith.constant 1792 : index
    %get3A_90 = vector.load %arg3[%get3A_88, %get3A_89] : memref<128x2048xbf16, #tpu.memory_space<vmem>>, vector<128x256xbf16>
    %dot_general3A_91 = arith.constant dense<0.000000e+00> : vector<512x256xf32>
    %dot_general3A_92 = tpu.matmul %convert_element_type3A, %get3A_90, %dot_general3A_91 {dimension_numbers = #tpu.dot_dimension_numbers<[1], [0], [0], [1], [0, 0, 1, 1], [], []>, transpose_lhs_hint = false} : vector<512x128xbf16>, vector<128x256xbf16>, vector<512x256xf32> -> vector<512x256xf32>
    %get3A_93 = arith.constant 0 : index
    %get3A_94 = arith.constant 1792 : index
    %get3A_95 = vector.load %arg4[%get3A_93, %get3A_94] : memref<32x2048xbf16, #tpu.memory_space<vmem>>, vector<32x256xbf16>
    %dot_general3A_96 = arith.constant dense<0.000000e+00> : vector<512x256xf32>
    %dot_general3A_97 = tpu.matmul %convert_element_type3A_5, %get3A_95, %dot_general3A_96 {dimension_numbers = #tpu.dot_dimension_numbers<[1], [0], [0], [1], [0, 0, 1, 1], [], []>, transpose_lhs_hint = false} : vector<512x32xbf16>, vector<32x256xbf16>, vector<512x256xf32> -> vector<512x256xf32>
    %mul3A_98 = arith.mulf %dot_general3A_92, %dot_general3A_97 : vector<512x256xf32>
    %add3A_99 = arith.addf %add3A_87, %mul3A_98 : vector<512x256xf32>
    %slice3A = vector.extract_strided_slice %add3A_99 {offsets = [0, 0], sizes = [512, 128], strides = [1, 1]} : vector<512x256xf32> to vector<512x128xf32>
    %slice3A_100 = vector.extract_strided_slice %add3A_99 {offsets = [0, 128], sizes = [512, 128], strides = [1, 1]} : vector<512x256xf32> to vector<512x128xf32>
    %add3A_101 = arith.addf %slice3A, %slice3A_100 : vector<512x128xf32>
    %slice3A_102 = vector.extract_strided_slice %add3A_101 {offsets = [0, 0], sizes = [512, 64], strides = [1, 1]} : vector<512x128xf32> to vector<512x64xf32>
    %slice3A_103 = vector.extract_strided_slice %add3A_101 {offsets = [0, 64], sizes = [512, 64], strides = [1, 1]} : vector<512x128xf32> to vector<512x64xf32>
    %add3A_104 = arith.addf %slice3A_102, %slice3A_103 : vector<512x64xf32>
    %get3A_105 = arith.constant 0 : index
    %get3A_106 = arith.constant 0 : index
    %get3A_107 = vector.load %arg5[%get3A_105, %get3A_106] : memref<128x64xbf16, #tpu.memory_space<vmem>>, vector<128x64xbf16>
    %dot_general3A_108 = arith.constant dense<0.000000e+00> : vector<512x64xf32>
    %dot_general3A_109 = tpu.matmul %convert_element_type3A, %get3A_107, %dot_general3A_108 {dimension_numbers = #tpu.dot_dimension_numbers<[1], [0], [0], [1], [0, 0, 1, 1], [], []>, transpose_lhs_hint = false} : vector<512x128xbf16>, vector<128x64xbf16>, vector<512x64xf32> -> vector<512x64xf32>
    %add3A_110 = arith.addf %add3A_104, %dot_general3A_109 : vector<512x64xf32>
    %broadcast_in_dim3A_111 = arith.constant 0.000000e+00 : f32
    %broadcast_in_dim3A_112 = vector.broadcast %broadcast_in_dim3A_111 : f32 to vector<512x64xf32>
    %concatenate3A = tpu.concatenate %add3A_110, %broadcast_in_dim3A_112 in 1 : vector<512x64xf32>, vector<512x64xf32> -> vector<512x128xf32>
    %mul3A_113 = arith.constant 512 : i32
    %mul3A_114 = arith.muli %arg0, %mul3A_113 : i32
    %iota3A = tpu.iota {dimensions = array<i32: 0>} : vector<512x1xi32>
    %add3A_115 = vector.broadcast %mul3A_114 : i32 to vector<512x1xi32>
    %add3A_116 = arith.addi %add3A_115, %iota3A : vector<512x1xi32>
    %lt3A = arith.constant 7712 : i32
    %lt3A_117 = vector.broadcast %lt3A : i32 to vector<512x1xi32>
    %lt3A_118 = arith.cmpi slt, %add3A_116, %lt3A_117 : vector<512x1xi32>
    %jit3A = arith.constant 0.000000e+00 : f32
    %broadcast_in_dim3A_119 = vector.shape_cast %lt3A_118 : vector<512x1xi1> to vector<512x1xi1>
    %broadcast_in_dim3A_120 = vector.broadcast %broadcast_in_dim3A_119 : vector<512x1xi1> to vector<512x128xi1>
    %broadcast_in_dim3A_121 = vector.broadcast %jit3A : f32 to vector<512x128xf32>
    %select_n3A = arith.select %broadcast_in_dim3A_120, %concatenate3A, %broadcast_in_dim3A_121 : vector<512x128xi1>, vector<512x128xf32>
    %swap3A = arith.constant 0 : index
    %swap3A_122 = arith.constant 0 : index
    %swap3A_123 = vector.load %arg6[%swap3A, %swap3A_122] : memref<512x128xf32, #tpu.memory_space<vmem>>, vector<512x128xf32>
    tpu.vector_store %arg6[%swap3A, %swap3A_122], %select_n3A {strides = array<i32>} : memref<512x128xf32, #tpu.memory_space<vmem>>, vector<512x128xf32>,
    return
  }
  func.func @transform_0(%arg0: i32) -> (i32, i32) {
    %c0_i32 = arith.constant 0 : i32
    %c0_i32_0 = arith.constant 0 : i32
    return %arg0, %c0_i32 : i32, i32
  }
  func.func @transform_1(%arg0: i32) -> (i32, i32) {
    %add3A = arith.constant 24 : i32
    %add3A_0 = arith.addi %arg0, %add3A : i32
    %c0_i32 = arith.constant 0 : i32
    %c0_i32_1 = arith.constant 0 : i32
    return %add3A_0, %c0_i32 : i32, i32
  }
  func.func @transform_2(%arg0: i32) -> (i32, i32) {
    %c0_i32 = arith.constant 0 : i32
    %c0_i32_0 = arith.constant 0 : i32
    %c0_i32_1 = arith.constant 0 : i32
    return %c0_i32, %c0_i32_0 : i32, i32
  }
  func.func @transform_3(%arg0: i32) -> (i32, i32) {
    %c0_i32 = arith.constant 0 : i32
    %c0_i32_0 = arith.constant 0 : i32
    %c0_i32_1 = arith.constant 0 : i32
    return %c0_i32, %c0_i32_0 : i32, i32
  }
  func.func @transform_4(%arg0: i32) -> (i32, i32) {
    %c0_i32 = arith.constant 0 : i32
    %c0_i32_0 = arith.constant 0 : i32
    %c0_i32_1 = arith.constant 0 : i32
    return %c0_i32, %c0_i32_0 : i32, i32
  }
  func.func @transform_5(%arg0: i32) -> (i32, i32) {
    %c0_i32 = arith.constant 0 : i32
    %c0_i32_0 = arith.constant 0 : i32
    return %arg0, %c0_i32 : i32, i32
  }
}

module attributes {stable_mosaic.version = 14 : i64} {
  func.func @_gru_body(%arg0: i32, %arg1: memref<2x1024x128xf32, #tpu.memory_space<vmem>>, %arg2: memref<1024x128xf32, #tpu.memory_space<vmem>>, %arg3: memref<128x384xbf16, #tpu.memory_space<vmem>>, %arg4: memref<128x384xbf16, #tpu.memory_space<vmem>>, %arg5: memref<1x384xf32, #tpu.memory_space<vmem>>, %arg6: memref<1x64xf32, #tpu.memory_space<vmem>>, %arg7: memref<1x128xf32, #tpu.memory_space<vmem>>, %arg8: memref<64x1xbf16, #tpu.memory_space<vmem>>, %arg9: memref<1x1xf32, #tpu.memory_space<vmem>>, %arg10: memref<1024x128xf32, #tpu.memory_space<vmem>>) attributes {dimension_semantics = [#tpu.dimension_semantics<arbitrary>], iteration_bounds = array<i64: 10>, scalar_prefetch = 0 : i64, scratch_operands = 0 : i64, tpu.core_type = #tpu.core_type<tc>, window_params = [{transform_indices = @transform_0, window_bounds = array<i64: 2, 1024, 128>}, {transform_indices = @transform_1, window_bounds = array<i64: 1024, 128>}, {pipeline_mode = #tpu.pipeline_mode<synchronous>, transform_indices = @transform_2, window_bounds = array<i64: 128, 384>}, {pipeline_mode = #tpu.pipeline_mode<synchronous>, transform_indices = @transform_3, window_bounds = array<i64: 128, 384>}, {pipeline_mode = #tpu.pipeline_mode<synchronous>, transform_indices = @transform_4, window_bounds = array<i64: 1, 384>}, {pipeline_mode = #tpu.pipeline_mode<synchronous>, transform_indices = @transform_5, window_bounds = array<i64: 1, 64>}, {pipeline_mode = #tpu.pipeline_mode<synchronous>, transform_indices = @transform_6, window_bounds = array<i64: 1, 128>}, {pipeline_mode = #tpu.pipeline_mode<synchronous>, transform_indices = @transform_7, window_bounds = array<i64: 64, 1>}, {pipeline_mode = #tpu.pipeline_mode<synchronous>, transform_indices = @transform_8, window_bounds = array<i64: 1, 1>}, {transform_indices = @transform_9, window_bounds = array<i64: 1024, 128>}]} {
    %get3A = arith.constant 0 : index
    %get3A_0 = arith.constant 0 : index
    %get3A_1 = vector.load %arg2[%get3A, %get3A_0] : memref<1024x128xf32, #tpu.memory_space<vmem>>, vector<1024x64xf32>
    %get3A_2 = arith.constant 0 : index
    %get3A_3 = arith.constant 0 : index
    %get3A_4 = arith.constant 0 : index
    %get3A_5 = vector.load %arg1[%get3A_2, %get3A_3, %get3A_4] : memref<2x1024x128xf32, #tpu.memory_space<vmem>>, vector<1x1024x128xf32>
    %get3A_6 = vector.shape_cast %get3A_5 : vector<1x1024x128xf32> to vector<1024x128xf32>
    %get3A_7 = arith.constant 1 : index
    %get3A_8 = arith.constant 0 : index
    %get3A_9 = arith.constant 0 : index
    %get3A_10 = vector.load %arg1[%get3A_7, %get3A_8, %get3A_9] : memref<2x1024x128xf32, #tpu.memory_space<vmem>>, vector<1x1024x128xf32>
    %get3A_11 = vector.shape_cast %get3A_10 : vector<1x1024x128xf32> to vector<1024x128xf32>
    %add3A = arith.addf %get3A_6, %get3A_11 : vector<1024x128xf32>
    %get3A_12 = arith.constant 0 : index
    %get3A_13 = arith.constant 0 : index
    %get3A_14 = vector.load %arg7[%get3A_12, %get3A_13] : memref<1x128xf32, #tpu.memory_space<vmem>>, vector<1x128xf32>
    %add3A_15 = vector.broadcast %get3A_14 : vector<1x128xf32> to vector<1024x128xf32>
    %add3A_16 = arith.addf %add3A, %add3A_15 : vector<1024x128xf32>
    %max3A = arith.constant 0.000000e+00 : f32
    %max3A_17 = vector.broadcast %max3A : f32 to vector<1024x128xf32>
    %max3A_18 = arith.maximumf %add3A_16, %max3A_17 : vector<1024x128xf32>
    %convert_element_type3A = arith.truncf %max3A_18 : vector<1024x128xf32> to vector<1024x128xbf16>
    %get3A_19 = arith.constant 0 : index
    %get3A_20 = arith.constant 0 : index
    %get3A_21 = vector.load %arg3[%get3A_19, %get3A_20] : memref<128x384xbf16, #tpu.memory_space<vmem>>, vector<128x384xbf16>
    %dot_general3A = arith.constant dense<0.000000e+00> : vector<1024x384xf32>
    %dot_general3A_22 = tpu.matmul %convert_element_type3A, %get3A_21, %dot_general3A {dimension_numbers = #tpu.dot_dimension_numbers<[1], [0], [0], [1], [0, 0, 1, 1], [], []>, transpose_lhs_hint = false} : vector<1024x128xbf16>, vector<128x384xbf16>, vector<1024x384xf32> -> vector<1024x384xf32>
    %get3A_23 = arith.constant 0 : index
    %get3A_24 = arith.constant 0 : index
    %get3A_25 = vector.load %arg2[%get3A_23, %get3A_24] : memref<1024x128xf32, #tpu.memory_space<vmem>>, vector<1024x128xf32>
    %convert_element_type3A_26 = arith.truncf %get3A_25 : vector<1024x128xf32> to vector<1024x128xbf16>
    %get3A_27 = arith.constant 0 : index
    %get3A_28 = arith.constant 0 : index
    %get3A_29 = vector.load %arg4[%get3A_27, %get3A_28] : memref<128x384xbf16, #tpu.memory_space<vmem>>, vector<128x384xbf16>
    %dot_general3A_30 = arith.constant dense<0.000000e+00> : vector<1024x384xf32>
    %dot_general3A_31 = tpu.matmul %convert_element_type3A_26, %get3A_29, %dot_general3A_30 {dimension_numbers = #tpu.dot_dimension_numbers<[1], [0], [0], [1], [0, 0, 1, 1], [], []>, transpose_lhs_hint = false} : vector<1024x128xbf16>, vector<128x384xbf16>, vector<1024x384xf32> -> vector<1024x384xf32>
    %add3A_32 = arith.addf %dot_general3A_22, %dot_general3A_31 : vector<1024x384xf32>
    %get3A_33 = arith.constant 0 : index
    %get3A_34 = arith.constant 0 : index
    %get3A_35 = vector.load %arg5[%get3A_33, %get3A_34] : memref<1x384xf32, #tpu.memory_space<vmem>>, vector<1x384xf32>
    %add3A_36 = vector.broadcast %get3A_35 : vector<1x384xf32> to vector<1024x384xf32>
    %add3A_37 = arith.addf %add3A_32, %add3A_36 : vector<1024x384xf32>
    %get3A_38 = arith.constant 0 : index
    %get3A_39 = arith.constant 0 : index
    %get3A_40 = vector.load %arg2[%get3A_38, %get3A_39] : memref<1024x128xf32, #tpu.memory_space<vmem>>, vector<1024x128xf32>
    %convert_element_type3A_41 = arith.truncf %get3A_40 : vector<1024x128xf32> to vector<1024x128xbf16>
    %get3A_42 = arith.constant 0 : index
    %get3A_43 = arith.constant 256 : index
    %get3A_44 = vector.load %arg4[%get3A_42, %get3A_43] : memref<128x384xbf16, #tpu.memory_space<vmem>>, vector<128x64xbf16>
    %dot_general3A_45 = arith.constant dense<0.000000e+00> : vector<1024x64xf32>
    %dot_general3A_46 = tpu.matmul %convert_element_type3A_41, %get3A_44, %dot_general3A_45 {dimension_numbers = #tpu.dot_dimension_numbers<[1], [0], [0], [1], [0, 0, 1, 1], [], []>, transpose_lhs_hint = false} : vector<1024x128xbf16>, vector<128x64xbf16>, vector<1024x64xf32> -> vector<1024x64xf32>
    %get3A_47 = arith.constant 0 : index
    %get3A_48 = arith.constant 0 : index
    %get3A_49 = vector.load %arg6[%get3A_47, %get3A_48] : memref<1x64xf32, #tpu.memory_space<vmem>>, vector<1x64xf32>
    %add3A_50 = vector.broadcast %get3A_49 : vector<1x64xf32> to vector<1024x64xf32>
    %add3A_51 = arith.addf %dot_general3A_46, %add3A_50 : vector<1024x64xf32>
    %slice3A = vector.extract_strided_slice %add3A_37 {offsets = [0, 0], sizes = [1024, 64], strides = [1, 1]} : vector<1024x384xf32> to vector<1024x64xf32>
    %logistic3A = arith.negf %slice3A : vector<1024x64xf32>
    %logistic3A_52 = math.exp %logistic3A : vector<1024x64xf32>
    %logistic3A_53 = arith.constant 1.000000e+00 : f32
    %logistic3A_54 = vector.broadcast %logistic3A_53 : f32 to vector<1024x64xf32>
    %logistic3A_55 = arith.addf %logistic3A_54, %logistic3A_52 : vector<1024x64xf32>
    %logistic3A_56 = arith.divf %logistic3A_54, %logistic3A_55 : vector<1024x64xf32>
    %slice3A_57 = vector.extract_strided_slice %add3A_37 {offsets = [0, 128], sizes = [1024, 64], strides = [1, 1]} : vector<1024x384xf32> to vector<1024x64xf32>
    %logistic3A_58 = arith.negf %slice3A_57 : vector<1024x64xf32>
    %logistic3A_59 = math.exp %logistic3A_58 : vector<1024x64xf32>
    %logistic3A_60 = arith.constant 1.000000e+00 : f32
    %logistic3A_61 = vector.broadcast %logistic3A_60 : f32 to vector<1024x64xf32>
    %logistic3A_62 = arith.addf %logistic3A_61, %logistic3A_59 : vector<1024x64xf32>
    %logistic3A_63 = arith.divf %logistic3A_61, %logistic3A_62 : vector<1024x64xf32>
    %slice3A_64 = vector.extract_strided_slice %add3A_37 {offsets = [0, 256], sizes = [1024, 64], strides = [1, 1]} : vector<1024x384xf32> to vector<1024x64xf32>
    %sub3A = arith.subf %slice3A_64, %add3A_51 : vector<1024x64xf32>
    %mul3A = arith.mulf %logistic3A_56, %add3A_51 : vector<1024x64xf32>
    %add3A_65 = arith.addf %sub3A, %mul3A : vector<1024x64xf32>
    %tanh3A = math.tanh %add3A_65 : vector<1024x64xf32>
    %sub3A_66 = arith.constant 1.000000e+00 : f32
    %sub3A_67 = vector.broadcast %sub3A_66 : f32 to vector<1024x64xf32>
    %sub3A_68 = arith.subf %sub3A_67, %logistic3A_63 : vector<1024x64xf32>
    %mul3A_69 = arith.mulf %sub3A_68, %tanh3A : vector<1024x64xf32>
    %mul3A_70 = arith.mulf %logistic3A_63, %get3A_1 : vector<1024x64xf32>
    %add3A_71 = arith.addf %mul3A_69, %mul3A_70 : vector<1024x64xf32>
    %mul3A_72 = arith.constant 1024 : i32
    %mul3A_73 = arith.muli %arg0, %mul3A_72 : i32
    %iota3A = tpu.iota {dimensions = array<i32: 0>} : vector<1024x1xi32>
    %add3A_74 = vector.broadcast %mul3A_73 : i32 to vector<1024x1xi32>
    %add3A_75 = arith.addi %add3A_74, %iota3A : vector<1024x1xi32>
    %lt3A = arith.constant 10000 : i32
    %lt3A_76 = vector.broadcast %lt3A : i32 to vector<1024x1xi32>
    %lt3A_77 = arith.cmpi slt, %add3A_75, %lt3A_76 : vector<1024x1xi32>
    %jit3A = arith.constant 0.000000e+00 : f32
    %broadcast_in_dim3A = vector.shape_cast %lt3A_77 : vector<1024x1xi1> to vector<1024x1xi1>
    %broadcast_in_dim3A_78 = vector.broadcast %broadcast_in_dim3A : vector<1024x1xi1> to vector<1024x64xi1>
    %broadcast_in_dim3A_79 = vector.broadcast %jit3A : f32 to vector<1024x64xf32>
    %select_n3A = arith.select %broadcast_in_dim3A_78, %add3A_71, %broadcast_in_dim3A_79 : vector<1024x64xi1>, vector<1024x64xf32>
    %broadcast_in_dim3A_80 = arith.constant 0.000000e+00 : f32
    %broadcast_in_dim3A_81 = vector.broadcast %broadcast_in_dim3A_80 : f32 to vector<1024x64xf32>
    %concatenate3A = tpu.concatenate %select_n3A, %broadcast_in_dim3A_81 in 1 : vector<1024x64xf32>, vector<1024x64xf32> -> vector<1024x128xf32>
    %swap3A = arith.constant 0 : index
    %swap3A_82 = arith.constant 0 : index
    %swap3A_83 = vector.load %arg10[%swap3A, %swap3A_82] : memref<1024x128xf32, #tpu.memory_space<vmem>>, vector<1024x128xf32>
    tpu.vector_store %arg10[%swap3A, %swap3A_82], %concatenate3A {strides = array<i32>} : memref<1024x128xf32, #tpu.memory_space<vmem>>, vector<1024x128xf32>,
    return
  }
  func.func @transform_0(%arg0: i32) -> (i32, i32, i32) {
    %c0_i32 = arith.constant 0 : i32
    %c0_i32_0 = arith.constant 0 : i32
    %c0_i32_1 = arith.constant 0 : i32
    return %c0_i32, %arg0, %c0_i32_0 : i32, i32, i32
  }
  func.func @transform_1(%arg0: i32) -> (i32, i32) {
    %c0_i32 = arith.constant 0 : i32
    %c0_i32_0 = arith.constant 0 : i32
    return %arg0, %c0_i32 : i32, i32
  }
  func.func @transform_2(%arg0: i32) -> (i32, i32) {
    %c0_i32 = arith.constant 0 : i32
    %c0_i32_0 = arith.constant 0 : i32
    %c0_i32_1 = arith.constant 0 : i32
    return %c0_i32, %c0_i32_0 : i32, i32
  }
  func.func @transform_3(%arg0: i32) -> (i32, i32) {
    %c0_i32 = arith.constant 0 : i32
    %c0_i32_0 = arith.constant 0 : i32
    %c0_i32_1 = arith.constant 0 : i32
    return %c0_i32, %c0_i32_0 : i32, i32
  }
  func.func @transform_4(%arg0: i32) -> (i32, i32) {
    %c0_i32 = arith.constant 0 : i32
    %c0_i32_0 = arith.constant 0 : i32
    %c0_i32_1 = arith.constant 0 : i32
    return %c0_i32, %c0_i32_0 : i32, i32
  }
  func.func @transform_5(%arg0: i32) -> (i32, i32) {
    %c0_i32 = arith.constant 0 : i32
    %c0_i32_0 = arith.constant 0 : i32
    %c0_i32_1 = arith.constant 0 : i32
    return %c0_i32, %c0_i32_0 : i32, i32
  }
  func.func @transform_6(%arg0: i32) -> (i32, i32) {
    %c0_i32 = arith.constant 0 : i32
    %c0_i32_0 = arith.constant 0 : i32
    %c0_i32_1 = arith.constant 0 : i32
    return %c0_i32, %c0_i32_0 : i32, i32
  }
  func.func @transform_7(%arg0: i32) -> (i32, i32) {
    %c0_i32 = arith.constant 0 : i32
    %c0_i32_0 = arith.constant 0 : i32
    %c0_i32_1 = arith.constant 0 : i32
    return %c0_i32, %c0_i32_0 : i32, i32
  }
  func.func @transform_8(%arg0: i32) -> (i32, i32) {
    %c0_i32 = arith.constant 0 : i32
    %c0_i32_0 = arith.constant 0 : i32
    %c0_i32_1 = arith.constant 0 : i32
    return %c0_i32, %c0_i32_0 : i32, i32
  }
  func.func @transform_9(%arg0: i32) -> (i32, i32) {
    %c0_i32 = arith.constant 0 : i32
    %c0_i32_0 = arith.constant 0 : i32
    return %arg0, %c0_i32 : i32, i32
  }
}

module attributes {stable_mosaic.version = 14 : i64} {
  func.func @_gru_body(%arg0: i32, %arg1: memref<2x1024x128xf32, #tpu.memory_space<vmem>>, %arg2: memref<1024x128xf32, #tpu.memory_space<vmem>>, %arg3: memref<128x384xbf16, #tpu.memory_space<vmem>>, %arg4: memref<128x384xbf16, #tpu.memory_space<vmem>>, %arg5: memref<1x384xf32, #tpu.memory_space<vmem>>, %arg6: memref<1x64xf32, #tpu.memory_space<vmem>>, %arg7: memref<1x128xf32, #tpu.memory_space<vmem>>, %arg8: memref<64x1xbf16, #tpu.memory_space<vmem>>, %arg9: memref<1x1xf32, #tpu.memory_space<vmem>>, %arg10: memref<1024x128xf32, #tpu.memory_space<vmem>>, %arg11: memref<1024x64xf32, #tpu.memory_space<vmem>>, %arg12: memref<1024x64xf32, #tpu.memory_space<vmem>>) attributes {dimension_semantics = [#tpu.dimension_semantics<arbitrary>], iteration_bounds = array<i64: 10>, scalar_prefetch = 0 : i64, scratch_operands = 0 : i64, tpu.core_type = #tpu.core_type<tc>, window_params = [{transform_indices = @transform_0, window_bounds = array<i64: 2, 1024, 128>}, {transform_indices = @transform_1, window_bounds = array<i64: 1024, 128>}, {pipeline_mode = #tpu.pipeline_mode<synchronous>, transform_indices = @transform_2, window_bounds = array<i64: 128, 384>}, {pipeline_mode = #tpu.pipeline_mode<synchronous>, transform_indices = @transform_3, window_bounds = array<i64: 128, 384>}, {pipeline_mode = #tpu.pipeline_mode<synchronous>, transform_indices = @transform_4, window_bounds = array<i64: 1, 384>}, {pipeline_mode = #tpu.pipeline_mode<synchronous>, transform_indices = @transform_5, window_bounds = array<i64: 1, 64>}, {pipeline_mode = #tpu.pipeline_mode<synchronous>, transform_indices = @transform_6, window_bounds = array<i64: 1, 128>}, {pipeline_mode = #tpu.pipeline_mode<synchronous>, transform_indices = @transform_7, window_bounds = array<i64: 64, 1>}, {pipeline_mode = #tpu.pipeline_mode<synchronous>, transform_indices = @transform_8, window_bounds = array<i64: 1, 1>}, {transform_indices = @transform_9, window_bounds = array<i64: 1024, 128>}, {transform_indices = @transform_10, window_bounds = array<i64: 1024, 64>}, {transform_indices = @transform_11, window_bounds = array<i64: 1024, 64>}]} {
    %get3A = arith.constant 0 : index
    %get3A_0 = arith.constant 0 : index
    %get3A_1 = vector.load %arg2[%get3A, %get3A_0] : memref<1024x128xf32, #tpu.memory_space<vmem>>, vector<1024x64xf32>
    %get3A_2 = arith.constant 0 : index
    %get3A_3 = arith.constant 0 : index
    %get3A_4 = arith.constant 0 : index
    %get3A_5 = vector.load %arg1[%get3A_2, %get3A_3, %get3A_4] : memref<2x1024x128xf32, #tpu.memory_space<vmem>>, vector<1x1024x128xf32>
    %get3A_6 = vector.shape_cast %get3A_5 : vector<1x1024x128xf32> to vector<1024x128xf32>
    %get3A_7 = arith.constant 1 : index
    %get3A_8 = arith.constant 0 : index
    %get3A_9 = arith.constant 0 : index
    %get3A_10 = vector.load %arg1[%get3A_7, %get3A_8, %get3A_9] : memref<2x1024x128xf32, #tpu.memory_space<vmem>>, vector<1x1024x128xf32>
    %get3A_11 = vector.shape_cast %get3A_10 : vector<1x1024x128xf32> to vector<1024x128xf32>
    %add3A = arith.addf %get3A_6, %get3A_11 : vector<1024x128xf32>
    %get3A_12 = arith.constant 0 : index
    %get3A_13 = arith.constant 0 : index
    %get3A_14 = vector.load %arg7[%get3A_12, %get3A_13] : memref<1x128xf32, #tpu.memory_space<vmem>>, vector<1x128xf32>
    %add3A_15 = vector.broadcast %get3A_14 : vector<1x128xf32> to vector<1024x128xf32>
    %add3A_16 = arith.addf %add3A, %add3A_15 : vector<1024x128xf32>
    %max3A = arith.constant 0.000000e+00 : f32
    %max3A_17 = vector.broadcast %max3A : f32 to vector<1024x128xf32>
    %max3A_18 = arith.maximumf %add3A_16, %max3A_17 : vector<1024x128xf32>
    %convert_element_type3A = arith.truncf %max3A_18 : vector<1024x128xf32> to vector<1024x128xbf16>
    %get3A_19 = arith.constant 0 : index
    %get3A_20 = arith.constant 0 : index
    %get3A_21 = vector.load %arg3[%get3A_19, %get3A_20] : memref<128x384xbf16, #tpu.memory_space<vmem>>, vector<128x384xbf16>
    %dot_general3A = arith.constant dense<0.000000e+00> : vector<1024x384xf32>
    %dot_general3A_22 = tpu.matmul %convert_element_type3A, %get3A_21, %dot_general3A {dimension_numbers = #tpu.dot_dimension_numbers<[1], [0], [0], [1], [0, 0, 1, 1], [], []>, transpose_lhs_hint = false} : vector<1024x128xbf16>, vector<128x384xbf16>, vector<1024x384xf32> -> vector<1024x384xf32>
    %get3A_23 = arith.constant 0 : index
    %get3A_24 = arith.constant 0 : index
    %get3A_25 = vector.load %arg2[%get3A_23, %get3A_24] : memref<1024x128xf32, #tpu.memory_space<vmem>>, vector<1024x128xf32>
    %convert_element_type3A_26 = arith.truncf %get3A_25 : vector<1024x128xf32> to vector<1024x128xbf16>
    %get3A_27 = arith.constant 0 : index
    %get3A_28 = arith.constant 0 : index
    %get3A_29 = vector.load %arg4[%get3A_27, %get3A_28] : memref<128x384xbf16, #tpu.memory_space<vmem>>, vector<128x384xbf16>
    %dot_general3A_30 = arith.constant dense<0.000000e+00> : vector<1024x384xf32>
    %dot_general3A_31 = tpu.matmul %convert_element_type3A_26, %get3A_29, %dot_general3A_30 {dimension_numbers = #tpu.dot_dimension_numbers<[1], [0], [0], [1], [0, 0, 1, 1], [], []>, transpose_lhs_hint = false} : vector<1024x128xbf16>, vector<128x384xbf16>, vector<1024x384xf32> -> vector<1024x384xf32>
    %add3A_32 = arith.addf %dot_general3A_22, %dot_general3A_31 : vector<1024x384xf32>
    %get3A_33 = arith.constant 0 : index
    %get3A_34 = arith.constant 0 : index
    %get3A_35 = vector.load %arg5[%get3A_33, %get3A_34] : memref<1x384xf32, #tpu.memory_space<vmem>>, vector<1x384xf32>
    %add3A_36 = vector.broadcast %get3A_35 : vector<1x384xf32> to vector<1024x384xf32>
    %add3A_37 = arith.addf %add3A_32, %add3A_36 : vector<1024x384xf32>
    %get3A_38 = arith.constant 0 : index
    %get3A_39 = arith.constant 0 : index
    %get3A_40 = vector.load %arg2[%get3A_38, %get3A_39] : memref<1024x128xf32, #tpu.memory_space<vmem>>, vector<1024x128xf32>
    %convert_element_type3A_41 = arith.truncf %get3A_40 : vector<1024x128xf32> to vector<1024x128xbf16>
    %get3A_42 = arith.constant 0 : index
    %get3A_43 = arith.constant 256 : index
    %get3A_44 = vector.load %arg4[%get3A_42, %get3A_43] : memref<128x384xbf16, #tpu.memory_space<vmem>>, vector<128x64xbf16>
    %dot_general3A_45 = arith.constant dense<0.000000e+00> : vector<1024x64xf32>
    %dot_general3A_46 = tpu.matmul %convert_element_type3A_41, %get3A_44, %dot_general3A_45 {dimension_numbers = #tpu.dot_dimension_numbers<[1], [0], [0], [1], [0, 0, 1, 1], [], []>, transpose_lhs_hint = false} : vector<1024x128xbf16>, vector<128x64xbf16>, vector<1024x64xf32> -> vector<1024x64xf32>
    %get3A_47 = arith.constant 0 : index
    %get3A_48 = arith.constant 0 : index
    %get3A_49 = vector.load %arg6[%get3A_47, %get3A_48] : memref<1x64xf32, #tpu.memory_space<vmem>>, vector<1x64xf32>
    %add3A_50 = vector.broadcast %get3A_49 : vector<1x64xf32> to vector<1024x64xf32>
    %add3A_51 = arith.addf %dot_general3A_46, %add3A_50 : vector<1024x64xf32>
    %slice3A = vector.extract_strided_slice %add3A_37 {offsets = [0, 0], sizes = [1024, 64], strides = [1, 1]} : vector<1024x384xf32> to vector<1024x64xf32>
    %logistic3A = arith.negf %slice3A : vector<1024x64xf32>
    %logistic3A_52 = math.exp %logistic3A : vector<1024x64xf32>
    %logistic3A_53 = arith.constant 1.000000e+00 : f32
    %logistic3A_54 = vector.broadcast %logistic3A_53 : f32 to vector<1024x64xf32>
    %logistic3A_55 = arith.addf %logistic3A_54, %logistic3A_52 : vector<1024x64xf32>
    %logistic3A_56 = arith.divf %logistic3A_54, %logistic3A_55 : vector<1024x64xf32>
    %slice3A_57 = vector.extract_strided_slice %add3A_37 {offsets = [0, 128], sizes = [1024, 64], strides = [1, 1]} : vector<1024x384xf32> to vector<1024x64xf32>
    %logistic3A_58 = arith.negf %slice3A_57 : vector<1024x64xf32>
    %logistic3A_59 = math.exp %logistic3A_58 : vector<1024x64xf32>
    %logistic3A_60 = arith.constant 1.000000e+00 : f32
    %logistic3A_61 = vector.broadcast %logistic3A_60 : f32 to vector<1024x64xf32>
    %logistic3A_62 = arith.addf %logistic3A_61, %logistic3A_59 : vector<1024x64xf32>
    %logistic3A_63 = arith.divf %logistic3A_61, %logistic3A_62 : vector<1024x64xf32>
    %slice3A_64 = vector.extract_strided_slice %add3A_37 {offsets = [0, 256], sizes = [1024, 64], strides = [1, 1]} : vector<1024x384xf32> to vector<1024x64xf32>
    %sub3A = arith.subf %slice3A_64, %add3A_51 : vector<1024x64xf32>
    %mul3A = arith.mulf %logistic3A_56, %add3A_51 : vector<1024x64xf32>
    %add3A_65 = arith.addf %sub3A, %mul3A : vector<1024x64xf32>
    %tanh3A = math.tanh %add3A_65 : vector<1024x64xf32>
    %sub3A_66 = arith.constant 1.000000e+00 : f32
    %sub3A_67 = vector.broadcast %sub3A_66 : f32 to vector<1024x64xf32>
    %sub3A_68 = arith.subf %sub3A_67, %logistic3A_63 : vector<1024x64xf32>
    %mul3A_69 = arith.mulf %sub3A_68, %tanh3A : vector<1024x64xf32>
    %mul3A_70 = arith.mulf %logistic3A_63, %get3A_1 : vector<1024x64xf32>
    %add3A_71 = arith.addf %mul3A_69, %mul3A_70 : vector<1024x64xf32>
    %mul3A_72 = arith.constant 1024 : i32
    %mul3A_73 = arith.muli %arg0, %mul3A_72 : i32
    %iota3A = tpu.iota {dimensions = array<i32: 0>} : vector<1024x1xi32>
    %add3A_74 = vector.broadcast %mul3A_73 : i32 to vector<1024x1xi32>
    %add3A_75 = arith.addi %add3A_74, %iota3A : vector<1024x1xi32>
    %lt3A = arith.constant 10000 : i32
    %lt3A_76 = vector.broadcast %lt3A : i32 to vector<1024x1xi32>
    %lt3A_77 = arith.cmpi slt, %add3A_75, %lt3A_76 : vector<1024x1xi32>
    %jit3A = arith.constant 0.000000e+00 : f32
    %broadcast_in_dim3A = vector.shape_cast %lt3A_77 : vector<1024x1xi1> to vector<1024x1xi1>
    %broadcast_in_dim3A_78 = vector.broadcast %broadcast_in_dim3A : vector<1024x1xi1> to vector<1024x64xi1>
    %broadcast_in_dim3A_79 = vector.broadcast %jit3A : f32 to vector<1024x64xf32>
    %select_n3A = arith.select %broadcast_in_dim3A_78, %add3A_71, %broadcast_in_dim3A_79 : vector<1024x64xi1>, vector<1024x64xf32>
    %broadcast_in_dim3A_80 = arith.constant 0.000000e+00 : f32
    %broadcast_in_dim3A_81 = vector.broadcast %broadcast_in_dim3A_80 : f32 to vector<1024x64xf32>
    %concatenate3A = tpu.concatenate %select_n3A, %broadcast_in_dim3A_81 in 1 : vector<1024x64xf32>, vector<1024x64xf32> -> vector<1024x128xf32>
    %swap3A = arith.constant 0 : index
    %swap3A_82 = arith.constant 0 : index
    %swap3A_83 = vector.load %arg10[%swap3A, %swap3A_82] : memref<1024x128xf32, #tpu.memory_space<vmem>>, vector<1024x128xf32>
    tpu.vector_store %arg10[%swap3A, %swap3A_82], %concatenate3A {strides = array<i32>} : memref<1024x128xf32, #tpu.memory_space<vmem>>, vector<1024x128xf32>,
    %convert_element_type3A_84 = arith.truncf %select_n3A : vector<1024x64xf32> to vector<1024x64xbf16>
    %get3A_85 = arith.constant 0 : index
    %get3A_86 = arith.constant 0 : index
    %get3A_87 = vector.load %arg8[%get3A_85, %get3A_86] : memref<64x1xbf16, #tpu.memory_space<vmem>>, vector<64x1xbf16>
    %dot_general3A_88 = arith.constant dense<0.000000e+00> : vector<1024x1xf32>
    %dot_general3A_89 = tpu.matmul %convert_element_type3A_84, %get3A_87, %dot_general3A_88 {dimension_numbers = #tpu.dot_dimension_numbers<[1], [0], [0], [1], [0, 0, 1, 1], [], []>, transpose_lhs_hint = false} : vector<1024x64xbf16>, vector<64x1xbf16>, vector<1024x1xf32> -> vector<1024x1xf32>
    %get3A_90 = arith.constant 0 : index
    %get3A_91 = arith.constant 0 : index
    %get3A_92 = vector.load %arg9[%get3A_90, %get3A_91] : memref<1x1xf32, #tpu.memory_space<vmem>>, vector<1x1xf32>
    %add3A_93 = vector.broadcast %get3A_92 : vector<1x1xf32> to vector<1024x1xf32>
    %add3A_94 = arith.addf %dot_general3A_89, %add3A_93 : vector<1024x1xf32>
    %logistic3A_95 = arith.negf %add3A_94 : vector<1024x1xf32>
    %logistic3A_96 = math.exp %logistic3A_95 : vector<1024x1xf32>
    %logistic3A_97 = arith.constant 1.000000e+00 : f32
    %logistic3A_98 = vector.broadcast %logistic3A_97 : f32 to vector<1024x1xf32>
    %logistic3A_99 = arith.addf %logistic3A_98, %logistic3A_96 : vector<1024x1xf32>
    %logistic3A_100 = arith.divf %logistic3A_98, %logistic3A_99 : vector<1024x1xf32>
    %mul3A_101 = vector.broadcast %logistic3A_100 : vector<1024x1xf32> to vector<1024x64xf32>
    %mul3A_102 = arith.mulf %select_n3A, %mul3A_101 : vector<1024x64xf32>
    %jit3A_103 = arith.constant 0.000000e+00 : f32
    %broadcast_in_dim3A_104 = vector.shape_cast %lt3A_77 : vector<1024x1xi1> to vector<1024x1xi1>
    %broadcast_in_dim3A_105 = vector.broadcast %broadcast_in_dim3A_104 : vector<1024x1xi1> to vector<1024x64xi1>
    %broadcast_in_dim3A_106 = vector.broadcast %jit3A_103 : f32 to vector<1024x64xf32>
    %select_n3A_107 = arith.select %broadcast_in_dim3A_105, %mul3A_102, %broadcast_in_dim3A_106 : vector<1024x64xi1>, vector<1024x64xf32>
    %swap3A_108 = arith.constant 0 : index
    %swap3A_109 = arith.constant 0 : index
    %swap3A_110 = vector.load %arg11[%swap3A_108, %swap3A_109] : memref<1024x64xf32, #tpu.memory_space<vmem>>, vector<1024x64xf32>
    tpu.vector_store %arg11[%swap3A_108, %swap3A_109], %select_n3A_107 {strides = array<i32>} : memref<1024x64xf32, #tpu.memory_space<vmem>>, vector<1024x64xf32>,
    %jit3A_111 = arith.constant 0xFF800000 : f32
    %broadcast_in_dim3A_112 = vector.shape_cast %lt3A_77 : vector<1024x1xi1> to vector<1024x1xi1>
    %broadcast_in_dim3A_113 = vector.broadcast %broadcast_in_dim3A_112 : vector<1024x1xi1> to vector<1024x64xi1>
    %broadcast_in_dim3A_114 = vector.broadcast %jit3A_111 : f32 to vector<1024x64xf32>
    %select_n3A_115 = arith.select %broadcast_in_dim3A_113, %select_n3A, %broadcast_in_dim3A_114 : vector<1024x64xi1>, vector<1024x64xf32>
    %swap3A_116 = arith.constant 0 : index
    %swap3A_117 = arith.constant 0 : index
    %swap3A_118 = vector.load %arg12[%swap3A_116, %swap3A_117] : memref<1024x64xf32, #tpu.memory_space<vmem>>, vector<1024x64xf32>
    tpu.vector_store %arg12[%swap3A_116, %swap3A_117], %select_n3A_115 {strides = array<i32>} : memref<1024x64xf32, #tpu.memory_space<vmem>>, vector<1024x64xf32>,
    return
  }
  func.func @transform_0(%arg0: i32) -> (i32, i32, i32) {
    %c0_i32 = arith.constant 0 : i32
    %c0_i32_0 = arith.constant 0 : i32
    %c0_i32_1 = arith.constant 0 : i32
    return %c0_i32, %arg0, %c0_i32_0 : i32, i32, i32
  }
  func.func @transform_1(%arg0: i32) -> (i32, i32) {
    %c0_i32 = arith.constant 0 : i32
    %c0_i32_0 = arith.constant 0 : i32
    return %arg0, %c0_i32 : i32, i32
  }
  func.func @transform_2(%arg0: i32) -> (i32, i32) {
    %c0_i32 = arith.constant 0 : i32
    %c0_i32_0 = arith.constant 0 : i32
    %c0_i32_1 = arith.constant 0 : i32
    return %c0_i32, %c0_i32_0 : i32, i32
  }
  func.func @transform_3(%arg0: i32) -> (i32, i32) {
    %c0_i32 = arith.constant 0 : i32
    %c0_i32_0 = arith.constant 0 : i32
    %c0_i32_1 = arith.constant 0 : i32
    return %c0_i32, %c0_i32_0 : i32, i32
  }
  func.func @transform_4(%arg0: i32) -> (i32, i32) {
    %c0_i32 = arith.constant 0 : i32
    %c0_i32_0 = arith.constant 0 : i32
    %c0_i32_1 = arith.constant 0 : i32
    return %c0_i32, %c0_i32_0 : i32, i32
  }
  func.func @transform_5(%arg0: i32) -> (i32, i32) {
    %c0_i32 = arith.constant 0 : i32
    %c0_i32_0 = arith.constant 0 : i32
    %c0_i32_1 = arith.constant 0 : i32
    return %c0_i32, %c0_i32_0 : i32, i32
  }
  func.func @transform_6(%arg0: i32) -> (i32, i32) {
    %c0_i32 = arith.constant 0 : i32
    %c0_i32_0 = arith.constant 0 : i32
    %c0_i32_1 = arith.constant 0 : i32
    return %c0_i32, %c0_i32_0 : i32, i32
  }
  func.func @transform_7(%arg0: i32) -> (i32, i32) {
    %c0_i32 = arith.constant 0 : i32
    %c0_i32_0 = arith.constant 0 : i32
    %c0_i32_1 = arith.constant 0 : i32
    return %c0_i32, %c0_i32_0 : i32, i32
  }
  func.func @transform_8(%arg0: i32) -> (i32, i32) {
    %c0_i32 = arith.constant 0 : i32
    %c0_i32_0 = arith.constant 0 : i32
    %c0_i32_1 = arith.constant 0 : i32
    return %c0_i32, %c0_i32_0 : i32, i32
  }
  func.func @transform_9(%arg0: i32) -> (i32, i32) {
    %c0_i32 = arith.constant 0 : i32
    %c0_i32_0 = arith.constant 0 : i32
    return %arg0, %c0_i32 : i32, i32
  }
  func.func @transform_10(%arg0: i32) -> (i32, i32) {
    %c0_i32 = arith.constant 0 : i32
    %c0_i32_0 = arith.constant 0 : i32
    return %arg0, %c0_i32 : i32, i32
  }
  func.func @transform_11(%arg0: i32) -> (i32, i32) {
    %c0_i32 = arith.constant 0 : i32
    %c0_i32_0 = arith.constant 0 : i32
    return %arg0, %c0_i32 : i32, i32
  }
}

module attributes {stable_mosaic.version = 14 : i64} {
  func.func @_final_body(%arg0: memref<32x256x64xf32, #tpu.memory_space<vmem>>, %arg1: memref<32x256x64xf32, #tpu.memory_space<vmem>>, %arg2: memref<64x100xbf16, #tpu.memory_space<vmem>>, %arg3: memref<64x100xbf16, #tpu.memory_space<vmem>>, %arg4: memref<1x100xf32, #tpu.memory_space<vmem>>, %arg5: memref<256x100xf32, #tpu.memory_space<vmem>>) attributes {dimension_semantics = [], scalar_prefetch = 0 : i64, scratch_operands = 0 : i64, tpu.core_type = #tpu.core_type<tc>} {
    %get3A = arith.constant 0 : index
    %get3A_0 = arith.constant 0 : index
    %get3A_1 = arith.constant 0 : index
    %get3A_2 = vector.load %arg0[%get3A, %get3A_0, %get3A_1] : memref<32x256x64xf32, #tpu.memory_space<vmem>>, vector<1x256x64xf32>
    %get3A_3 = vector.shape_cast %get3A_2 : vector<1x256x64xf32> to vector<256x64xf32>
    %get3A_4 = arith.constant 0 : index
    %get3A_5 = arith.constant 0 : index
    %get3A_6 = arith.constant 0 : index
    %get3A_7 = vector.load %arg1[%get3A_4, %get3A_5, %get3A_6] : memref<32x256x64xf32, #tpu.memory_space<vmem>>, vector<1x256x64xf32>
    %get3A_8 = vector.shape_cast %get3A_7 : vector<1x256x64xf32> to vector<256x64xf32>
    %get3A_9 = arith.constant 1 : index
    %get3A_10 = arith.constant 0 : index
    %get3A_11 = arith.constant 0 : index
    %get3A_12 = vector.load %arg0[%get3A_9, %get3A_10, %get3A_11] : memref<32x256x64xf32, #tpu.memory_space<vmem>>, vector<1x256x64xf32>
    %get3A_13 = vector.shape_cast %get3A_12 : vector<1x256x64xf32> to vector<256x64xf32>
    %add3A = arith.addf %get3A_3, %get3A_13 : vector<256x64xf32>
    %get3A_14 = arith.constant 1 : index
    %get3A_15 = arith.constant 0 : index
    %get3A_16 = arith.constant 0 : index
    %get3A_17 = vector.load %arg1[%get3A_14, %get3A_15, %get3A_16] : memref<32x256x64xf32, #tpu.memory_space<vmem>>, vector<1x256x64xf32>
    %get3A_18 = vector.shape_cast %get3A_17 : vector<1x256x64xf32> to vector<256x64xf32>
    %max3A = arith.maximumf %get3A_8, %get3A_18 : vector<256x64xf32>
    %get3A_19 = arith.constant 2 : index
    %get3A_20 = arith.constant 0 : index
    %get3A_21 = arith.constant 0 : index
    %get3A_22 = vector.load %arg0[%get3A_19, %get3A_20, %get3A_21] : memref<32x256x64xf32, #tpu.memory_space<vmem>>, vector<1x256x64xf32>
    %get3A_23 = vector.shape_cast %get3A_22 : vector<1x256x64xf32> to vector<256x64xf32>
    %add3A_24 = arith.addf %add3A, %get3A_23 : vector<256x64xf32>
    %get3A_25 = arith.constant 2 : index
    %get3A_26 = arith.constant 0 : index
    %get3A_27 = arith.constant 0 : index
    %get3A_28 = vector.load %arg1[%get3A_25, %get3A_26, %get3A_27] : memref<32x256x64xf32, #tpu.memory_space<vmem>>, vector<1x256x64xf32>
    %get3A_29 = vector.shape_cast %get3A_28 : vector<1x256x64xf32> to vector<256x64xf32>
    %max3A_30 = arith.maximumf %max3A, %get3A_29 : vector<256x64xf32>
    %get3A_31 = arith.constant 3 : index
    %get3A_32 = arith.constant 0 : index
    %get3A_33 = arith.constant 0 : index
    %get3A_34 = vector.load %arg0[%get3A_31, %get3A_32, %get3A_33] : memref<32x256x64xf32, #tpu.memory_space<vmem>>, vector<1x256x64xf32>
    %get3A_35 = vector.shape_cast %get3A_34 : vector<1x256x64xf32> to vector<256x64xf32>
    %add3A_36 = arith.addf %add3A_24, %get3A_35 : vector<256x64xf32>
    %get3A_37 = arith.constant 3 : index
    %get3A_38 = arith.constant 0 : index
    %get3A_39 = arith.constant 0 : index
    %get3A_40 = vector.load %arg1[%get3A_37, %get3A_38, %get3A_39] : memref<32x256x64xf32, #tpu.memory_space<vmem>>, vector<1x256x64xf32>
    %get3A_41 = vector.shape_cast %get3A_40 : vector<1x256x64xf32> to vector<256x64xf32>
    %max3A_42 = arith.maximumf %max3A_30, %get3A_41 : vector<256x64xf32>
    %get3A_43 = arith.constant 4 : index
    %get3A_44 = arith.constant 0 : index
    %get3A_45 = arith.constant 0 : index
    %get3A_46 = vector.load %arg0[%get3A_43, %get3A_44, %get3A_45] : memref<32x256x64xf32, #tpu.memory_space<vmem>>, vector<1x256x64xf32>
    %get3A_47 = vector.shape_cast %get3A_46 : vector<1x256x64xf32> to vector<256x64xf32>
    %add3A_48 = arith.addf %add3A_36, %get3A_47 : vector<256x64xf32>
    %get3A_49 = arith.constant 4 : index
    %get3A_50 = arith.constant 0 : index
    %get3A_51 = arith.constant 0 : index
    %get3A_52 = vector.load %arg1[%get3A_49, %get3A_50, %get3A_51] : memref<32x256x64xf32, #tpu.memory_space<vmem>>, vector<1x256x64xf32>
    %get3A_53 = vector.shape_cast %get3A_52 : vector<1x256x64xf32> to vector<256x64xf32>
    %max3A_54 = arith.maximumf %max3A_42, %get3A_53 : vector<256x64xf32>
    %get3A_55 = arith.constant 5 : index
    %get3A_56 = arith.constant 0 : index
    %get3A_57 = arith.constant 0 : index
    %get3A_58 = vector.load %arg0[%get3A_55, %get3A_56, %get3A_57] : memref<32x256x64xf32, #tpu.memory_space<vmem>>, vector<1x256x64xf32>
    %get3A_59 = vector.shape_cast %get3A_58 : vector<1x256x64xf32> to vector<256x64xf32>
    %add3A_60 = arith.addf %add3A_48, %get3A_59 : vector<256x64xf32>
    %get3A_61 = arith.constant 5 : index
    %get3A_62 = arith.constant 0 : index
    %get3A_63 = arith.constant 0 : index
    %get3A_64 = vector.load %arg1[%get3A_61, %get3A_62, %get3A_63] : memref<32x256x64xf32, #tpu.memory_space<vmem>>, vector<1x256x64xf32>
    %get3A_65 = vector.shape_cast %get3A_64 : vector<1x256x64xf32> to vector<256x64xf32>
    %max3A_66 = arith.maximumf %max3A_54, %get3A_65 : vector<256x64xf32>
    %get3A_67 = arith.constant 6 : index
    %get3A_68 = arith.constant 0 : index
    %get3A_69 = arith.constant 0 : index
    %get3A_70 = vector.load %arg0[%get3A_67, %get3A_68, %get3A_69] : memref<32x256x64xf32, #tpu.memory_space<vmem>>, vector<1x256x64xf32>
    %get3A_71 = vector.shape_cast %get3A_70 : vector<1x256x64xf32> to vector<256x64xf32>
    %add3A_72 = arith.addf %add3A_60, %get3A_71 : vector<256x64xf32>
    %get3A_73 = arith.constant 6 : index
    %get3A_74 = arith.constant 0 : index
    %get3A_75 = arith.constant 0 : index
    %get3A_76 = vector.load %arg1[%get3A_73, %get3A_74, %get3A_75] : memref<32x256x64xf32, #tpu.memory_space<vmem>>, vector<1x256x64xf32>
    %get3A_77 = vector.shape_cast %get3A_76 : vector<1x256x64xf32> to vector<256x64xf32>
    %max3A_78 = arith.maximumf %max3A_66, %get3A_77 : vector<256x64xf32>
    %get3A_79 = arith.constant 7 : index
    %get3A_80 = arith.constant 0 : index
    %get3A_81 = arith.constant 0 : index
    %get3A_82 = vector.load %arg0[%get3A_79, %get3A_80, %get3A_81] : memref<32x256x64xf32, #tpu.memory_space<vmem>>, vector<1x256x64xf32>
    %get3A_83 = vector.shape_cast %get3A_82 : vector<1x256x64xf32> to vector<256x64xf32>
    %add3A_84 = arith.addf %add3A_72, %get3A_83 : vector<256x64xf32>
    %get3A_85 = arith.constant 7 : index
    %get3A_86 = arith.constant 0 : index
    %get3A_87 = arith.constant 0 : index
    %get3A_88 = vector.load %arg1[%get3A_85, %get3A_86, %get3A_87] : memref<32x256x64xf32, #tpu.memory_space<vmem>>, vector<1x256x64xf32>
    %get3A_89 = vector.shape_cast %get3A_88 : vector<1x256x64xf32> to vector<256x64xf32>
    %max3A_90 = arith.maximumf %max3A_78, %get3A_89 : vector<256x64xf32>
    %get3A_91 = arith.constant 8 : index
    %get3A_92 = arith.constant 0 : index
    %get3A_93 = arith.constant 0 : index
    %get3A_94 = vector.load %arg0[%get3A_91, %get3A_92, %get3A_93] : memref<32x256x64xf32, #tpu.memory_space<vmem>>, vector<1x256x64xf32>
    %get3A_95 = vector.shape_cast %get3A_94 : vector<1x256x64xf32> to vector<256x64xf32>
    %add3A_96 = arith.addf %add3A_84, %get3A_95 : vector<256x64xf32>
    %get3A_97 = arith.constant 8 : index
    %get3A_98 = arith.constant 0 : index
    %get3A_99 = arith.constant 0 : index
    %get3A_100 = vector.load %arg1[%get3A_97, %get3A_98, %get3A_99] : memref<32x256x64xf32, #tpu.memory_space<vmem>>, vector<1x256x64xf32>
    %get3A_101 = vector.shape_cast %get3A_100 : vector<1x256x64xf32> to vector<256x64xf32>
    %max3A_102 = arith.maximumf %max3A_90, %get3A_101 : vector<256x64xf32>
    %get3A_103 = arith.constant 9 : index
    %get3A_104 = arith.constant 0 : index
    %get3A_105 = arith.constant 0 : index
    %get3A_106 = vector.load %arg0[%get3A_103, %get3A_104, %get3A_105] : memref<32x256x64xf32, #tpu.memory_space<vmem>>, vector<1x256x64xf32>
    %get3A_107 = vector.shape_cast %get3A_106 : vector<1x256x64xf32> to vector<256x64xf32>
    %add3A_108 = arith.addf %add3A_96, %get3A_107 : vector<256x64xf32>
    %get3A_109 = arith.constant 9 : index
    %get3A_110 = arith.constant 0 : index
    %get3A_111 = arith.constant 0 : index
    %get3A_112 = vector.load %arg1[%get3A_109, %get3A_110, %get3A_111] : memref<32x256x64xf32, #tpu.memory_space<vmem>>, vector<1x256x64xf32>
    %get3A_113 = vector.shape_cast %get3A_112 : vector<1x256x64xf32> to vector<256x64xf32>
    %max3A_114 = arith.maximumf %max3A_102, %get3A_113 : vector<256x64xf32>
    %get3A_115 = arith.constant 10 : index
    %get3A_116 = arith.constant 0 : index
    %get3A_117 = arith.constant 0 : index
    %get3A_118 = vector.load %arg0[%get3A_115, %get3A_116, %get3A_117] : memref<32x256x64xf32, #tpu.memory_space<vmem>>, vector<1x256x64xf32>
    %get3A_119 = vector.shape_cast %get3A_118 : vector<1x256x64xf32> to vector<256x64xf32>
    %add3A_120 = arith.addf %add3A_108, %get3A_119 : vector<256x64xf32>
    %get3A_121 = arith.constant 10 : index
    %get3A_122 = arith.constant 0 : index
    %get3A_123 = arith.constant 0 : index
    %get3A_124 = vector.load %arg1[%get3A_121, %get3A_122, %get3A_123] : memref<32x256x64xf32, #tpu.memory_space<vmem>>, vector<1x256x64xf32>
    %get3A_125 = vector.shape_cast %get3A_124 : vector<1x256x64xf32> to vector<256x64xf32>
    %max3A_126 = arith.maximumf %max3A_114, %get3A_125 : vector<256x64xf32>
    %get3A_127 = arith.constant 11 : index
    %get3A_128 = arith.constant 0 : index
    %get3A_129 = arith.constant 0 : index
    %get3A_130 = vector.load %arg0[%get3A_127, %get3A_128, %get3A_129] : memref<32x256x64xf32, #tpu.memory_space<vmem>>, vector<1x256x64xf32>
    %get3A_131 = vector.shape_cast %get3A_130 : vector<1x256x64xf32> to vector<256x64xf32>
    %add3A_132 = arith.addf %add3A_120, %get3A_131 : vector<256x64xf32>
    %get3A_133 = arith.constant 11 : index
    %get3A_134 = arith.constant 0 : index
    %get3A_135 = arith.constant 0 : index
    %get3A_136 = vector.load %arg1[%get3A_133, %get3A_134, %get3A_135] : memref<32x256x64xf32, #tpu.memory_space<vmem>>, vector<1x256x64xf32>
    %get3A_137 = vector.shape_cast %get3A_136 : vector<1x256x64xf32> to vector<256x64xf32>
    %max3A_138 = arith.maximumf %max3A_126, %get3A_137 : vector<256x64xf32>
    %get3A_139 = arith.constant 12 : index
    %get3A_140 = arith.constant 0 : index
    %get3A_141 = arith.constant 0 : index
    %get3A_142 = vector.load %arg0[%get3A_139, %get3A_140, %get3A_141] : memref<32x256x64xf32, #tpu.memory_space<vmem>>, vector<1x256x64xf32>
    %get3A_143 = vector.shape_cast %get3A_142 : vector<1x256x64xf32> to vector<256x64xf32>
    %add3A_144 = arith.addf %add3A_132, %get3A_143 : vector<256x64xf32>
    %get3A_145 = arith.constant 12 : index
    %get3A_146 = arith.constant 0 : index
    %get3A_147 = arith.constant 0 : index
    %get3A_148 = vector.load %arg1[%get3A_145, %get3A_146, %get3A_147] : memref<32x256x64xf32, #tpu.memory_space<vmem>>, vector<1x256x64xf32>
    %get3A_149 = vector.shape_cast %get3A_148 : vector<1x256x64xf32> to vector<256x64xf32>
    %max3A_150 = arith.maximumf %max3A_138, %get3A_149 : vector<256x64xf32>
    %get3A_151 = arith.constant 13 : index
    %get3A_152 = arith.constant 0 : index
    %get3A_153 = arith.constant 0 : index
    %get3A_154 = vector.load %arg0[%get3A_151, %get3A_152, %get3A_153] : memref<32x256x64xf32, #tpu.memory_space<vmem>>, vector<1x256x64xf32>
    %get3A_155 = vector.shape_cast %get3A_154 : vector<1x256x64xf32> to vector<256x64xf32>
    %add3A_156 = arith.addf %add3A_144, %get3A_155 : vector<256x64xf32>
    %get3A_157 = arith.constant 13 : index
    %get3A_158 = arith.constant 0 : index
    %get3A_159 = arith.constant 0 : index
    %get3A_160 = vector.load %arg1[%get3A_157, %get3A_158, %get3A_159] : memref<32x256x64xf32, #tpu.memory_space<vmem>>, vector<1x256x64xf32>
    %get3A_161 = vector.shape_cast %get3A_160 : vector<1x256x64xf32> to vector<256x64xf32>
    %max3A_162 = arith.maximumf %max3A_150, %get3A_161 : vector<256x64xf32>
    %get3A_163 = arith.constant 14 : index
    %get3A_164 = arith.constant 0 : index
    %get3A_165 = arith.constant 0 : index
    %get3A_166 = vector.load %arg0[%get3A_163, %get3A_164, %get3A_165] : memref<32x256x64xf32, #tpu.memory_space<vmem>>, vector<1x256x64xf32>
    %get3A_167 = vector.shape_cast %get3A_166 : vector<1x256x64xf32> to vector<256x64xf32>
    %add3A_168 = arith.addf %add3A_156, %get3A_167 : vector<256x64xf32>
    %get3A_169 = arith.constant 14 : index
    %get3A_170 = arith.constant 0 : index
    %get3A_171 = arith.constant 0 : index
    %get3A_172 = vector.load %arg1[%get3A_169, %get3A_170, %get3A_171] : memref<32x256x64xf32, #tpu.memory_space<vmem>>, vector<1x256x64xf32>
    %get3A_173 = vector.shape_cast %get3A_172 : vector<1x256x64xf32> to vector<256x64xf32>
    %max3A_174 = arith.maximumf %max3A_162, %get3A_173 : vector<256x64xf32>
    %get3A_175 = arith.constant 15 : index
    %get3A_176 = arith.constant 0 : index
    %get3A_177 = arith.constant 0 : index
    %get3A_178 = vector.load %arg0[%get3A_175, %get3A_176, %get3A_177] : memref<32x256x64xf32, #tpu.memory_space<vmem>>, vector<1x256x64xf32>
    %get3A_179 = vector.shape_cast %get3A_178 : vector<1x256x64xf32> to vector<256x64xf32>
    %add3A_180 = arith.addf %add3A_168, %get3A_179 : vector<256x64xf32>
    %get3A_181 = arith.constant 15 : index
    %get3A_182 = arith.constant 0 : index
    %get3A_183 = arith.constant 0 : index
    %get3A_184 = vector.load %arg1[%get3A_181, %get3A_182, %get3A_183] : memref<32x256x64xf32, #tpu.memory_space<vmem>>, vector<1x256x64xf32>
    %get3A_185 = vector.shape_cast %get3A_184 : vector<1x256x64xf32> to vector<256x64xf32>
    %max3A_186 = arith.maximumf %max3A_174, %get3A_185 : vector<256x64xf32>
    %get3A_187 = arith.constant 16 : index
    %get3A_188 = arith.constant 0 : index
    %get3A_189 = arith.constant 0 : index
    %get3A_190 = vector.load %arg0[%get3A_187, %get3A_188, %get3A_189] : memref<32x256x64xf32, #tpu.memory_space<vmem>>, vector<1x256x64xf32>
    %get3A_191 = vector.shape_cast %get3A_190 : vector<1x256x64xf32> to vector<256x64xf32>
    %add3A_192 = arith.addf %add3A_180, %get3A_191 : vector<256x64xf32>
    %get3A_193 = arith.constant 16 : index
    %get3A_194 = arith.constant 0 : index
    %get3A_195 = arith.constant 0 : index
    %get3A_196 = vector.load %arg1[%get3A_193, %get3A_194, %get3A_195] : memref<32x256x64xf32, #tpu.memory_space<vmem>>, vector<1x256x64xf32>
    %get3A_197 = vector.shape_cast %get3A_196 : vector<1x256x64xf32> to vector<256x64xf32>
    %max3A_198 = arith.maximumf %max3A_186, %get3A_197 : vector<256x64xf32>
    %get3A_199 = arith.constant 17 : index
    %get3A_200 = arith.constant 0 : index
    %get3A_201 = arith.constant 0 : index
    %get3A_202 = vector.load %arg0[%get3A_199, %get3A_200, %get3A_201] : memref<32x256x64xf32, #tpu.memory_space<vmem>>, vector<1x256x64xf32>
    %get3A_203 = vector.shape_cast %get3A_202 : vector<1x256x64xf32> to vector<256x64xf32>
    %add3A_204 = arith.addf %add3A_192, %get3A_203 : vector<256x64xf32>
    %get3A_205 = arith.constant 17 : index
    %get3A_206 = arith.constant 0 : index
    %get3A_207 = arith.constant 0 : index
    %get3A_208 = vector.load %arg1[%get3A_205, %get3A_206, %get3A_207] : memref<32x256x64xf32, #tpu.memory_space<vmem>>, vector<1x256x64xf32>
    %get3A_209 = vector.shape_cast %get3A_208 : vector<1x256x64xf32> to vector<256x64xf32>
    %max3A_210 = arith.maximumf %max3A_198, %get3A_209 : vector<256x64xf32>
    %get3A_211 = arith.constant 18 : index
    %get3A_212 = arith.constant 0 : index
    %get3A_213 = arith.constant 0 : index
    %get3A_214 = vector.load %arg0[%get3A_211, %get3A_212, %get3A_213] : memref<32x256x64xf32, #tpu.memory_space<vmem>>, vector<1x256x64xf32>
    %get3A_215 = vector.shape_cast %get3A_214 : vector<1x256x64xf32> to vector<256x64xf32>
    %add3A_216 = arith.addf %add3A_204, %get3A_215 : vector<256x64xf32>
    %get3A_217 = arith.constant 18 : index
    %get3A_218 = arith.constant 0 : index
    %get3A_219 = arith.constant 0 : index
    %get3A_220 = vector.load %arg1[%get3A_217, %get3A_218, %get3A_219] : memref<32x256x64xf32, #tpu.memory_space<vmem>>, vector<1x256x64xf32>
    %get3A_221 = vector.shape_cast %get3A_220 : vector<1x256x64xf32> to vector<256x64xf32>
    %max3A_222 = arith.maximumf %max3A_210, %get3A_221 : vector<256x64xf32>
    %get3A_223 = arith.constant 19 : index
    %get3A_224 = arith.constant 0 : index
    %get3A_225 = arith.constant 0 : index
    %get3A_226 = vector.load %arg0[%get3A_223, %get3A_224, %get3A_225] : memref<32x256x64xf32, #tpu.memory_space<vmem>>, vector<1x256x64xf32>
    %get3A_227 = vector.shape_cast %get3A_226 : vector<1x256x64xf32> to vector<256x64xf32>
    %add3A_228 = arith.addf %add3A_216, %get3A_227 : vector<256x64xf32>
    %get3A_229 = arith.constant 19 : index
    %get3A_230 = arith.constant 0 : index
    %get3A_231 = arith.constant 0 : index
    %get3A_232 = vector.load %arg1[%get3A_229, %get3A_230, %get3A_231] : memref<32x256x64xf32, #tpu.memory_space<vmem>>, vector<1x256x64xf32>
    %get3A_233 = vector.shape_cast %get3A_232 : vector<1x256x64xf32> to vector<256x64xf32>
    %max3A_234 = arith.maximumf %max3A_222, %get3A_233 : vector<256x64xf32>
    %get3A_235 = arith.constant 20 : index
    %get3A_236 = arith.constant 0 : index
    %get3A_237 = arith.constant 0 : index
    %get3A_238 = vector.load %arg0[%get3A_235, %get3A_236, %get3A_237] : memref<32x256x64xf32, #tpu.memory_space<vmem>>, vector<1x256x64xf32>
    %get3A_239 = vector.shape_cast %get3A_238 : vector<1x256x64xf32> to vector<256x64xf32>
    %add3A_240 = arith.addf %add3A_228, %get3A_239 : vector<256x64xf32>
    %get3A_241 = arith.constant 20 : index
    %get3A_242 = arith.constant 0 : index
    %get3A_243 = arith.constant 0 : index
    %get3A_244 = vector.load %arg1[%get3A_241, %get3A_242, %get3A_243] : memref<32x256x64xf32, #tpu.memory_space<vmem>>, vector<1x256x64xf32>
    %get3A_245 = vector.shape_cast %get3A_244 : vector<1x256x64xf32> to vector<256x64xf32>
    %max3A_246 = arith.maximumf %max3A_234, %get3A_245 : vector<256x64xf32>
    %get3A_247 = arith.constant 21 : index
    %get3A_248 = arith.constant 0 : index
    %get3A_249 = arith.constant 0 : index
    %get3A_250 = vector.load %arg0[%get3A_247, %get3A_248, %get3A_249] : memref<32x256x64xf32, #tpu.memory_space<vmem>>, vector<1x256x64xf32>
    %get3A_251 = vector.shape_cast %get3A_250 : vector<1x256x64xf32> to vector<256x64xf32>
    %add3A_252 = arith.addf %add3A_240, %get3A_251 : vector<256x64xf32>
    %get3A_253 = arith.constant 21 : index
    %get3A_254 = arith.constant 0 : index
    %get3A_255 = arith.constant 0 : index
    %get3A_256 = vector.load %arg1[%get3A_253, %get3A_254, %get3A_255] : memref<32x256x64xf32, #tpu.memory_space<vmem>>, vector<1x256x64xf32>
    %get3A_257 = vector.shape_cast %get3A_256 : vector<1x256x64xf32> to vector<256x64xf32>
    %max3A_258 = arith.maximumf %max3A_246, %get3A_257 : vector<256x64xf32>
    %get3A_259 = arith.constant 22 : index
    %get3A_260 = arith.constant 0 : index
    %get3A_261 = arith.constant 0 : index
    %get3A_262 = vector.load %arg0[%get3A_259, %get3A_260, %get3A_261] : memref<32x256x64xf32, #tpu.memory_space<vmem>>, vector<1x256x64xf32>
    %get3A_263 = vector.shape_cast %get3A_262 : vector<1x256x64xf32> to vector<256x64xf32>
    %add3A_264 = arith.addf %add3A_252, %get3A_263 : vector<256x64xf32>
    %get3A_265 = arith.constant 22 : index
    %get3A_266 = arith.constant 0 : index
    %get3A_267 = arith.constant 0 : index
    %get3A_268 = vector.load %arg1[%get3A_265, %get3A_266, %get3A_267] : memref<32x256x64xf32, #tpu.memory_space<vmem>>, vector<1x256x64xf32>
    %get3A_269 = vector.shape_cast %get3A_268 : vector<1x256x64xf32> to vector<256x64xf32>
    %max3A_270 = arith.maximumf %max3A_258, %get3A_269 : vector<256x64xf32>
    %get3A_271 = arith.constant 23 : index
    %get3A_272 = arith.constant 0 : index
    %get3A_273 = arith.constant 0 : index
    %get3A_274 = vector.load %arg0[%get3A_271, %get3A_272, %get3A_273] : memref<32x256x64xf32, #tpu.memory_space<vmem>>, vector<1x256x64xf32>
    %get3A_275 = vector.shape_cast %get3A_274 : vector<1x256x64xf32> to vector<256x64xf32>
    %add3A_276 = arith.addf %add3A_264, %get3A_275 : vector<256x64xf32>
    %get3A_277 = arith.constant 23 : index
    %get3A_278 = arith.constant 0 : index
    %get3A_279 = arith.constant 0 : index
    %get3A_280 = vector.load %arg1[%get3A_277, %get3A_278, %get3A_279] : memref<32x256x64xf32, #tpu.memory_space<vmem>>, vector<1x256x64xf32>
    %get3A_281 = vector.shape_cast %get3A_280 : vector<1x256x64xf32> to vector<256x64xf32>
    %max3A_282 = arith.maximumf %max3A_270, %get3A_281 : vector<256x64xf32>
    %get3A_283 = arith.constant 24 : index
    %get3A_284 = arith.constant 0 : index
    %get3A_285 = arith.constant 0 : index
    %get3A_286 = vector.load %arg0[%get3A_283, %get3A_284, %get3A_285] : memref<32x256x64xf32, #tpu.memory_space<vmem>>, vector<1x256x64xf32>
    %get3A_287 = vector.shape_cast %get3A_286 : vector<1x256x64xf32> to vector<256x64xf32>
    %add3A_288 = arith.addf %add3A_276, %get3A_287 : vector<256x64xf32>
    %get3A_289 = arith.constant 24 : index
    %get3A_290 = arith.constant 0 : index
    %get3A_291 = arith.constant 0 : index
    %get3A_292 = vector.load %arg1[%get3A_289, %get3A_290, %get3A_291] : memref<32x256x64xf32, #tpu.memory_space<vmem>>, vector<1x256x64xf32>
    %get3A_293 = vector.shape_cast %get3A_292 : vector<1x256x64xf32> to vector<256x64xf32>
    %max3A_294 = arith.maximumf %max3A_282, %get3A_293 : vector<256x64xf32>
    %get3A_295 = arith.constant 25 : index
    %get3A_296 = arith.constant 0 : index
    %get3A_297 = arith.constant 0 : index
    %get3A_298 = vector.load %arg0[%get3A_295, %get3A_296, %get3A_297] : memref<32x256x64xf32, #tpu.memory_space<vmem>>, vector<1x256x64xf32>
    %get3A_299 = vector.shape_cast %get3A_298 : vector<1x256x64xf32> to vector<256x64xf32>
    %add3A_300 = arith.addf %add3A_288, %get3A_299 : vector<256x64xf32>
    %get3A_301 = arith.constant 25 : index
    %get3A_302 = arith.constant 0 : index
    %get3A_303 = arith.constant 0 : index
    %get3A_304 = vector.load %arg1[%get3A_301, %get3A_302, %get3A_303] : memref<32x256x64xf32, #tpu.memory_space<vmem>>, vector<1x256x64xf32>
    %get3A_305 = vector.shape_cast %get3A_304 : vector<1x256x64xf32> to vector<256x64xf32>
    %max3A_306 = arith.maximumf %max3A_294, %get3A_305 : vector<256x64xf32>
    %get3A_307 = arith.constant 26 : index
    %get3A_308 = arith.constant 0 : index
    %get3A_309 = arith.constant 0 : index
    %get3A_310 = vector.load %arg0[%get3A_307, %get3A_308, %get3A_309] : memref<32x256x64xf32, #tpu.memory_space<vmem>>, vector<1x256x64xf32>
    %get3A_311 = vector.shape_cast %get3A_310 : vector<1x256x64xf32> to vector<256x64xf32>
    %add3A_312 = arith.addf %add3A_300, %get3A_311 : vector<256x64xf32>
    %get3A_313 = arith.constant 26 : index
    %get3A_314 = arith.constant 0 : index
    %get3A_315 = arith.constant 0 : index
    %get3A_316 = vector.load %arg1[%get3A_313, %get3A_314, %get3A_315] : memref<32x256x64xf32, #tpu.memory_space<vmem>>, vector<1x256x64xf32>
    %get3A_317 = vector.shape_cast %get3A_316 : vector<1x256x64xf32> to vector<256x64xf32>
    %max3A_318 = arith.maximumf %max3A_306, %get3A_317 : vector<256x64xf32>
    %get3A_319 = arith.constant 27 : index
    %get3A_320 = arith.constant 0 : index
    %get3A_321 = arith.constant 0 : index
    %get3A_322 = vector.load %arg0[%get3A_319, %get3A_320, %get3A_321] : memref<32x256x64xf32, #tpu.memory_space<vmem>>, vector<1x256x64xf32>
    %get3A_323 = vector.shape_cast %get3A_322 : vector<1x256x64xf32> to vector<256x64xf32>
    %add3A_324 = arith.addf %add3A_312, %get3A_323 : vector<256x64xf32>
    %get3A_325 = arith.constant 27 : index
    %get3A_326 = arith.constant 0 : index
    %get3A_327 = arith.constant 0 : index
    %get3A_328 = vector.load %arg1[%get3A_325, %get3A_326, %get3A_327] : memref<32x256x64xf32, #tpu.memory_space<vmem>>, vector<1x256x64xf32>
    %get3A_329 = vector.shape_cast %get3A_328 : vector<1x256x64xf32> to vector<256x64xf32>
    %max3A_330 = arith.maximumf %max3A_318, %get3A_329 : vector<256x64xf32>
    %get3A_331 = arith.constant 28 : index
    %get3A_332 = arith.constant 0 : index
    %get3A_333 = arith.constant 0 : index
    %get3A_334 = vector.load %arg0[%get3A_331, %get3A_332, %get3A_333] : memref<32x256x64xf32, #tpu.memory_space<vmem>>, vector<1x256x64xf32>
    %get3A_335 = vector.shape_cast %get3A_334 : vector<1x256x64xf32> to vector<256x64xf32>
    %add3A_336 = arith.addf %add3A_324, %get3A_335 : vector<256x64xf32>
    %get3A_337 = arith.constant 28 : index
    %get3A_338 = arith.constant 0 : index
    %get3A_339 = arith.constant 0 : index
    %get3A_340 = vector.load %arg1[%get3A_337, %get3A_338, %get3A_339] : memref<32x256x64xf32, #tpu.memory_space<vmem>>, vector<1x256x64xf32>
    %get3A_341 = vector.shape_cast %get3A_340 : vector<1x256x64xf32> to vector<256x64xf32>
    %max3A_342 = arith.maximumf %max3A_330, %get3A_341 : vector<256x64xf32>
    %get3A_343 = arith.constant 29 : index
    %get3A_344 = arith.constant 0 : index
    %get3A_345 = arith.constant 0 : index
    %get3A_346 = vector.load %arg0[%get3A_343, %get3A_344, %get3A_345] : memref<32x256x64xf32, #tpu.memory_space<vmem>>, vector<1x256x64xf32>
    %get3A_347 = vector.shape_cast %get3A_346 : vector<1x256x64xf32> to vector<256x64xf32>
    %add3A_348 = arith.addf %add3A_336, %get3A_347 : vector<256x64xf32>
    %get3A_349 = arith.constant 29 : index
    %get3A_350 = arith.constant 0 : index
    %get3A_351 = arith.constant 0 : index
    %get3A_352 = vector.load %arg1[%get3A_349, %get3A_350, %get3A_351] : memref<32x256x64xf32, #tpu.memory_space<vmem>>, vector<1x256x64xf32>
    %get3A_353 = vector.shape_cast %get3A_352 : vector<1x256x64xf32> to vector<256x64xf32>
    %max3A_354 = arith.maximumf %max3A_342, %get3A_353 : vector<256x64xf32>
    %get3A_355 = arith.constant 30 : index
    %get3A_356 = arith.constant 0 : index
    %get3A_357 = arith.constant 0 : index
    %get3A_358 = vector.load %arg0[%get3A_355, %get3A_356, %get3A_357] : memref<32x256x64xf32, #tpu.memory_space<vmem>>, vector<1x256x64xf32>
    %get3A_359 = vector.shape_cast %get3A_358 : vector<1x256x64xf32> to vector<256x64xf32>
    %add3A_360 = arith.addf %add3A_348, %get3A_359 : vector<256x64xf32>
    %get3A_361 = arith.constant 30 : index
    %get3A_362 = arith.constant 0 : index
    %get3A_363 = arith.constant 0 : index
    %get3A_364 = vector.load %arg1[%get3A_361, %get3A_362, %get3A_363] : memref<32x256x64xf32, #tpu.memory_space<vmem>>, vector<1x256x64xf32>
    %get3A_365 = vector.shape_cast %get3A_364 : vector<1x256x64xf32> to vector<256x64xf32>
    %max3A_366 = arith.maximumf %max3A_354, %get3A_365 : vector<256x64xf32>
    %get3A_367 = arith.constant 31 : index
    %get3A_368 = arith.constant 0 : index
    %get3A_369 = arith.constant 0 : index
    %get3A_370 = vector.load %arg0[%get3A_367, %get3A_368, %get3A_369] : memref<32x256x64xf32, #tpu.memory_space<vmem>>, vector<1x256x64xf32>
    %get3A_371 = vector.shape_cast %get3A_370 : vector<1x256x64xf32> to vector<256x64xf32>
    %add3A_372 = arith.addf %add3A_360, %get3A_371 : vector<256x64xf32>
    %get3A_373 = arith.constant 31 : index
    %get3A_374 = arith.constant 0 : index
    %get3A_375 = arith.constant 0 : index
    %get3A_376 = vector.load %arg1[%get3A_373, %get3A_374, %get3A_375] : memref<32x256x64xf32, #tpu.memory_space<vmem>>, vector<1x256x64xf32>
    %get3A_377 = vector.shape_cast %get3A_376 : vector<1x256x64xf32> to vector<256x64xf32>
    %max3A_378 = arith.maximumf %max3A_366, %get3A_377 : vector<256x64xf32>
    %convert_element_type3A = arith.truncf %add3A_372 : vector<256x64xf32> to vector<256x64xbf16>
    %get3A_379 = arith.constant 0 : index
    %get3A_380 = arith.constant 0 : index
    %get3A_381 = vector.load %arg2[%get3A_379, %get3A_380] : memref<64x100xbf16, #tpu.memory_space<vmem>>, vector<64x100xbf16>
    %dot_general3A = arith.constant dense<0.000000e+00> : vector<256x100xf32>
    %dot_general3A_382 = tpu.matmul %convert_element_type3A, %get3A_381, %dot_general3A {dimension_numbers = #tpu.dot_dimension_numbers<[1], [0], [0], [1], [0, 0, 1, 1], [], []>, transpose_lhs_hint = false} : vector<256x64xbf16>, vector<64x100xbf16>, vector<256x100xf32> -> vector<256x100xf32>
    %convert_element_type3A_383 = arith.truncf %max3A_378 : vector<256x64xf32> to vector<256x64xbf16>
    %get3A_384 = arith.constant 0 : index
    %get3A_385 = arith.constant 0 : index
    %get3A_386 = vector.load %arg3[%get3A_384, %get3A_385] : memref<64x100xbf16, #tpu.memory_space<vmem>>, vector<64x100xbf16>
    %dot_general3A_387 = arith.constant dense<0.000000e+00> : vector<256x100xf32>
    %dot_general3A_388 = tpu.matmul %convert_element_type3A_383, %get3A_386, %dot_general3A_387 {dimension_numbers = #tpu.dot_dimension_numbers<[1], [0], [0], [1], [0, 0, 1, 1], [], []>, transpose_lhs_hint = false} : vector<256x64xbf16>, vector<64x100xbf16>, vector<256x100xf32> -> vector<256x100xf32>
    %add3A_389 = arith.addf %dot_general3A_382, %dot_general3A_388 : vector<256x100xf32>
    %get3A_390 = arith.constant 0 : index
    %get3A_391 = arith.constant 0 : index
    %get3A_392 = vector.load %arg4[%get3A_390, %get3A_391] : memref<1x100xf32, #tpu.memory_space<vmem>>, vector<1x100xf32>
    %add3A_393 = vector.broadcast %get3A_392 : vector<1x100xf32> to vector<256x100xf32>
    %add3A_394 = arith.addf %add3A_389, %add3A_393 : vector<256x100xf32>
    %swap3A = arith.constant 0 : index
    %swap3A_395 = arith.constant 0 : index
    %swap3A_396 = vector.load %arg5[%swap3A, %swap3A_395] : memref<256x100xf32, #tpu.memory_space<vmem>>, vector<256x100xf32>
    tpu.vector_store %arg5[%swap3A, %swap3A_395], %add3A_394 {strides = array<i32>} : memref<256x100xf32, #tpu.memory_space<vmem>>, vector<256x100xf32>,
    return
  }
}

</mosaic_0001>

<sc_bundles>
// kernel: kernel.24.cloned.1.call-start
scs
__scs_entry_jumppad:
0x0: {  	(pc) =	sbr.rel $0x88, $3  }
0x1: {  	(tag) =	ssettag $0x0;
	lr =	simm.s32 $0x1  }
0x2: {  	[smem:$0x3F8E] =	sst lr;
	_ =	strace $0xD0000000  }
0x3: {  	_ = 	snop  }
0x4: {  	_ = 	snop  }
0x5: {  	_ = 	snop  }
0x6: {  	_ = 	snop  }
0x7: {  	_ = 	snop  }
__scs_overlays_trampoline_lowered:
0x8: {  	[smem:$0x3F9D] =	sst s0  }
0x9: {  	[smem:$0x3F9E] =	sst s1  }
0xa: {  	[smem:$0x3F9F] =	sst s2  }
0xb: {  	[smem:$0x3FA0] =	sst s3  }
0xc: {  	[smem:$0x3FA1] =	sst s4  }
0xd: {  	[smem:$0x3FA2] =	sst s5  }
0xe: {  	[smem:$0x3FA3] =	sst s6  }
0xf: {  	[smem:$0x3FA4] =	sst s7  }
0x10: {  	[smem:$0x3FA5] =	sst s8  }
0x11: {  	[smem:$0x3FA6] =	sst s9;
	s0 =	simm.s32 @!p0 $0x0  }
0x12: {  	s1 =	sld [smem:$0x3F8C];
	s0 =	simm.s32 @p0 $0x1  }
0x13: {  	[smem:$0x3FA7] =	sst s0;
	s0 =	simm.s32 @!p1 $0x0  }
0x14: {  	s2 =	sld [smem:$0x3F8B];
	s0 =	simm.s32 @p1 $0x1  }
0x15: {  	[smem:$0x3FA8] =	sst s0;
	s0 =	simm.s32 @!p2 $0x0  }
0x16: {  	s3 =	sld [smem:$0x3FDB];
	s0 =	simm.s32 @p2 $0x1  }
0x17: {  	s4 =	simm.s32 $0x1BF5;
	[smem:$0x3FAA] =	sst s0  }
0x18: {  	s0 =	sld [smem:$0x3F8D];
	_ =	swait.ge [sflag:s4], $0x0  }
0x19: {  	s7 =	sld [smem:$0x3F8E]  }
0x1a: {  	s8 =	sadd.s32 $0xFFFFE003, lr  }
0x1b: {  	s9 =	sadd.s32 $0xFFFFFEF7, lr;
	s5 =	simm.s32 $0xFFFFFFFF;
	p2 =	slt.u32 s8, $0xFFFFF086  }
0x1c: {  	p1 =	slt.u32 s9, $0xF7A;
	s5 =	simm.s32 @!p2 $0x0  }
0x1d: {  	s5 =	simm.s32 @p1 $0x1;
	p0 =	seq.s32 s7, s2  }
0x1e: {  	s7 =	smul.u32 @!p0 $0xF7A, s2;
	p2 =	seq.s32 @!p0 s5, $0x0  }
0x1f: {  	s9 =	smul.u32 $0xF7A, s1;
	s8 =	simm.s32 @!p0 $0x1BF5;
	p2 =	por !p2, p0  }
0x20: {  	[sflag:s8] =	ssyncset.s32 @!p0 $0xFFFFF086;
	s6 =	sadd.s32 @!p0 s3, s7;
	s7 =	simm.s32 @!p0 $0x108  }
0x21: {  	s3 =	sadd.s32 s3, s9;
	s6 =	sadd.s32 @!p0 $0x88, s6;
	s7 =	simm.s32 @p2 $0x1082  }
0x22: {  	[simem:s7], [sflag:s8] =	dma.local @!p0 [hbm:s6], $0xF7A  }
0x23: {  	s9 =	sor.u32 $0xD0000000, s2;
	s6 =	simm.s32 $0x108;
	_ =	swait.ge @!p0 [sflag:s8], $0x0  }
0x24: {  	s3 =	sadd.s32 $0x88, s3;
	s6 =	simm.s32 @!p1 $0x1082;
	[sflag:s4] =	ssyncset.s32 $0xFFFFF086  }
0x25: {  	[simem:s6], [sflag:s4] =	dma.local [hbm:s3], $0xF7A  }
0x26: {  	[smem:$0x3F8E] =	sst s1;
	(tag) =	ssettag s2;
	_ =	strace s9  }
0x27: {  	s1 =	sld [smem:$0x3F9E]  }
0x28: {  	s2 =	sld [smem:$0x3F9F]  }
0x29: {  	s4 =	sld [smem:$0x3FA1]  }
0x2a: {  	p0 =	seq.s32 s5, $0x0;
	s5 =	sld [smem:$0x3FA2]  }
0x2b: {  	s6 =	sld [smem:$0x3FA3]  }
0x2c: {  	s7 =	sld [smem:$0x3FA4]  }
0x2d: {  	s3 =	simm.s32 $0x108;
	s8 =	sld [smem:$0x3FA5]  }
0x2e: {  	s3 =	simm.s32 @!p0 $0x1082;
	s9 =	sld [smem:$0x3FA6]  }
0x2f: {  	lr =	sadd.s32 s0, s3;
	s0 =	sld [smem:$0x3F9D]  }
0x30: {  	s3 =	sld [smem:$0x3FA0]  }
0x31: {  	[smem:$0x3FA9] =	sst s10  }
0x32: {  	s10 =	sld [smem:$0x3FA7];
	_ =	sdelay $0x3  }
0x33: {  	p0 =	seq.s32 s10, $0x1;
	s10 =	sld [smem:$0x3FA9];
	_ =	sdelay $0x3  }
0x34: {  	[smem:$0x3FA9] =	sst s10  }
0x35: {  	s10 =	sld [smem:$0x3FA8];
	_ =	sdelay $0x3  }
0x36: {  	p1 =	seq.s32 s10, $0x1;
	s10 =	sld [smem:$0x3FA9];
	_ =	sdelay $0x3  }
0x37: {  	[smem:$0x3FA9] =	sst s10  }
0x38: {  	s10 =	sld [smem:$0x3FAA]  }
0x39: {  	_ = 	snop;
	(pc) =	sbr.ind lr, $3  }
0x3a: {  	_ = 	snop  }
0x3b: {  	_ = 	snop  }
0x3c: {  	p2 =	seq.s32 s10, $0x1;
	s10 =	sld [smem:$0x3FA9]  }
0x3d: {  	_ =	shalt  }
0x3e: {  	_ =	shalt  }
0x3f: {  	_ =	shalt  }
0x40: {  	_ =	shalt  }
0x41: {  	_ =	shalt  }
0x42: {  	_ =	shalt  }
0x43: {  	_ =	shalt  }
0x44: {  	_ =	shalt  }
0x45: {  	_ =	shalt  }
0x46: {  	_ =	shalt  }
0x47: {  	_ =	shalt  }
0x48: {  	_ =	shalt  }
0x49: {  	_ =	shalt  }
0x4a: {  	_ =	shalt  }
0x4b: {  	_ =	shalt  }
0x4c: {  	_ =	shalt  }
0x4d: {  	_ =	shalt  }
0x4e: {  	_ =	shalt  }
0x4f: {  	_ =	shalt  }
0x50: {  	_ =	shalt  }
0x51: {  	_ =	shalt  }
0x52: {  	_ =	shalt  }
0x53: {  	_ =	shalt  }
0x54: {  	_ =	shalt  }
0x55: {  	_ =	shalt  }
0x56: {  	_ =	shalt  }
0x57: {  	_ =	shalt  }
0x58: {  	_ =	shalt  }
0x59: {  	_ =	shalt  }
0x5a: {  	_ =	shalt  }
0x5b: {  	_ =	shalt  }
0x5c: {  	_ =	shalt  }
0x5d: {  	_ =	shalt  }
0x5e: {  	_ =	shalt  }
0x5f: {  	_ =	shalt  }
0x60: {  	_ =	shalt  }
0x61: {  	_ =	shalt  }
0x62: {  	_ =	shalt  }
0x63: {  	_ =	shalt  }
0x64: {  	_ =	shalt  }
0x65: {  	_ =	shalt  }
0x66: {  	_ =	shalt  }
0x67: {  	_ =	shalt  }
0x68: {  	_ =	shalt  }
0x69: {  	_ =	shalt  }
0x6a: {  	_ =	shalt  }
0x6b: {  	_ =	shalt  }
0x6c: {  	_ =	shalt  }
0x6d: {  	_ =	shalt  }
0x6e: {  	_ =	shalt  }
0x6f: {  	_ =	shalt  }
0x70: {  	_ =	shalt  }
0x71: {  	_ =	shalt  }
0x72: {  	_ =	shalt  }
0x73: {  	_ =	shalt  }
0x74: {  	_ =	shalt  }
0x75: {  	_ =	shalt  }
0x76: {  	_ =	shalt  }
0x77: {  	_ =	shalt  }
0x78: {  	_ =	shalt  }
0x79: {  	_ =	shalt  }
0x7a: {  	_ =	shalt  }
0x7b: {  	_ =	shalt  }
0x7c: {  	_ =	shalt  }
0x7d: {  	_ =	shalt  }
0x7e: {  	_ =	shalt  }
0x7f: {  	_ =	shalt  }
0x80: {  	_ =	shalt  }
0x81: {  	_ =	shalt  }
0x82: {  	_ =	shalt  }
0x83: {  	_ =	shalt  }
0x84: {  	_ =	shalt  }
0x85: {  	_ =	shalt  }
0x86: {  	_ =	shalt  }
0x87: {  	_ =	shalt  }
.Lfunc_end0:
.L_simem_size_0:
called_computation_lowered:
.L_overlay_start_0:
0x88: {  	s2 =	sld [smem:$0x3FD9]  }
0x89: {  	s3 =	sld [smem:$0x3FFE];
	_ =	sdelay $0x1  }
0x8a: {  	s1 =	srdreg.scid  }
0x8b: {  	s0 =	sand.u32 $0x1, s1  }
0x8c: {  	s17 =	sshll.u32 s0, $0xA;
	s2 =	sadd.s32 s3, s2  }
0x8d: {  	s2 =	sadd.s32 s2, s17  }
0x8e: {  	[smem:$0x3FB5] =	sst s2  }
0x8f: {  	_ = 	snop  }
0x90: {  	s2 =	sld [smem:$0x3FD0];
	(tm) =	ssettm $0x1  }
0x91: {  	s18 =	sld [smem:$0x3FFB];
	_ =	sdelay $0x3  }
0x92: {  	_ =	strace s18  }
0x93: {  	s3 =	sld [smem:$0x3FFC];
	_ =	sdelay $0x3  }
0x94: {  	_ =	strace s3  }
0x95: {  	s3 =	sld [smem:$0x3FFD];
	_ =	sdelay $0x3  }
0x96: {  	_ =	strace s3  }
0x97: {  	_ =	strace $0x8FFFFFFF  }
0x98: {  	s19 =	sld [smem:$0x3FDB];
	_ =	sdelay $0x1  }
0x99: {  	s4 =	simm.s32 $_scs_section_size  }
0x9a: {  	s5 =	simm.s32 $_size__tile_overlayer_lowered;
	s6 =	simm.s32 $_tile_overlayer_lowered  }
0x9b: {  	s22 =	simm.s32 $0x1BFF;
	s21 =	sshll.u32 s6, $0x1;
	s3 =	sadd.s32 s4, s19  }
0x9c: {  	s7 =	simm.s32 $0x0;
	s20 =	sshll.u32 s5, $0x1;
	s5 =	sadd.s32 s21, s3  }
0x9d: {  	[timem:s7], [sflag:s22] =	dma.local [hbm:s5], s20  }
0x9e: {  	_ =	swait.ge [sflag:s22], s20  }
0x9f: {  	s4 =	ssub.s32 $0x0, s20;
	[sflag:s22] =	ssyncset.done $0x0  }
0xa0: {  	[sflag:s22] =	ssyncadd.s32 s4;
	_ =	sdelay $0x1  }
0xa1: {  	s23 =	simm.s32 $0x1B8B  }
0xa2: {  	_ =	swait.ge [sflag:s23], $0x1  }
0xa3: {  	[sflag:s23] =	ssyncset.done $0x0  }
0xa4: {  	s25 =	simm.s32 $0x1B8E;
	s24 =	sld [smem:$0x3FFE];
	[sflag:s23] =	ssyncadd.s32 $0xFFFFFFFF  }
0xa5: {  	s26 =	simm.s32 $execute0_lowered;
	[smem:$0x3FD2] =	sst s25  }
0xa6: {  	s5 =	sshll.u32 s26, $0x1;
	_ =	strace $0x80000046;
	[dreg:$0x1] =	wrdreg $0xFFFFFFFF  }
0xa7: {  	s28 =	simm.s32 $_size_execute0_lowered;
	s3 =	sadd.s32 s3, s5;
	[dreg:$0x0] =	wrdreg $0x0  }
0xa8: {  	s5 =	sshll.u32 s28, $0x1;
	[dreg:$0x2] =	wrdreg s3  }
0xa9: {  	[dreg:$0x3] =	wrdreg s5  }
0xaa: {  	[dreg:$0x4] =	wrdreg $0xC0  }
0xab: {  	_ =	task [dreg:s7], $0x5FFFF  }
0xac: {  	[dreg:$0x1] =	wrdreg $0xFFFFFFFF  }
0xad: {  	[dreg:$0x0] =	wrdreg $0x60  }
0xae: {  	[dreg:$0x2] =	wrdreg s24  }
0xaf: {  	[dreg:$0x3] =	wrdreg s2  }
0xb0: {  	[dreg:$0x4] =	wrdreg $0x9  }
0xb1: {  	_ =	task.clear_ibuf [dreg:s7], $0x5FFFF;
	_ =	strace $0x90000046  }
0xb2: {  	s29 =	simm.s32 $0x9;
	_ =	strace $0x80000048  }
0xb3: {  	_ =	swait.ge [sflag:s29], $0x1  }
0xb4: {  	[sflag:s29] =	ssyncadd.s32 $0xFFFFFFFF  }
0xb5: {  	_ =	strace $0x90000048  }
0xb6: {  	_ =	sfence  }
0xb7: {  	s30 =	sld [smem:$0x0];
	_ =	sdelay $0x2  }
0xb8: {  	s31 =	sshll.u32 s1, $0xD;
	s1 =	sshrl.u32 s1, $0x2  }
0xb9: {  	s3 =	sand.u32 $0x4000, s31;
	s1 =	sadd.s32 s1, s30  }
0xba: {  	s0 =	sor.u32 s3, s0;
	s1 =	sshll.u32 s1, $0x11  }
0xbb: {  	s0 =	sor.u32 s1, s0  }
0xbc: {  	s0 =	sadd.s32 $0x8F2B, s0  }
0xbd: {  	[sflag:s0] =	ssyncadd.remote.s32 $0x1  }
0xbe: {  	_ =	sfence.sel $0xFFFF  }
0xbf: {  	[dreg:$0x0] =	wrdreg $0xFFFFFFFF;
	(pc) =	sbr.abs _section_cstart, $3  }
0xc0: {  	[dreg:$0x1] =	wrdreg $0xFFFFFFFF  }
0xc1: {  	_ =	task.clear_ibuf [dreg:s7], $0x2FFFF;
	_ =	strace $0x9FFFFFFF  }
0xc2: {  	(tm) =	ssettm $0x7FFFFFFF  }
0xc3: {  	_ =	shalt  }
tec
execute0_lowered:
.L_overlay_start_1:
0x0: {  	(tag) =	ssettag $0x1  }
0x1: {  	s12 =	rddreg [dreg:$0x0]  }
0x2: {  	s1 =	srdreg.scid;
	s0 =	stileid.u32  }
0x3: {  	s3 =	rddreg [dreg:$0x1];
	s13 =	sand.u32 $0x1, s1;
	s4 =	sshll.u32 s0, $0x1  }
0x4: {  	s2 =	simm.s32 $0x0;
	s1 =	rddreg [dreg:$0x2];
	s14 =	sor.u32 s13, s4  }
0x5: {  	[smem:$0x7FF] =	sst s2;
	s4 =	sshll.u32 s14, $0x6  }
0x6: {  	_ =	strace $0x80000047;
	s4 =	sadd.s32 s3, s4;
	s3 =	simm.s32 $0x2  }
0x7: {  	[tilespmem:s2], [sflag:$0x2] =	stream.linear.gather [hbm4b:s4+s2], $0x180, $0x38;
	[tilespmem:$0xC200] =	vst v63  }
0x8: {  	_ =	swait.ge [sflag:s3], $0x180  }
0x9: {  	s6 =	simm.s32 $0x80;
	[sflag:s3] =	ssyncset.done $0x0  }
0xa: {  	s7 =	simm.s32 $0x200;
	s5 =	sadd.s32 $0x8000, s12;
	[sflag:s3] =	ssyncadd.s32 $0xFFFFFE80  }
0xb: {  	[tilespmem:s7], [sflag:$0x1] =	stream.indirect.gather [hbm4b:s5+s6], $0x80, s2, s6, $0xb8;
	[tilespmem:$0xC200] =	vst v63  }
0xc: {  	s8 =	simm.s32 $0x4200  }
0xd: {  	[tilespmem:s8], [sflag:$0x1] =	stream.indirect.gather [hbm4b:s5+s6], $0x80, s6, s6, $0xb8;
	[tilespmem:$0xC200] =	vst v63  }
0xe: {  	s9 =	simm.s32 $0x100;
	s10 =	simm.s32 $0x8200;
	s11 =	simm.s32 $0x1  }
0xf: {  	[tilespmem:s10], [sflag:$0x1] =	stream.indirect.gather [hbm4b:s5+s6], $0x80, s9, s6, $0xb8;
	[tilespmem:$0xC200] =	vst v63  }
0x10: {  	_ =	swait.ge [sflag:s11], $0x4000  }
0x11: {  	[sflag:s11] =	ssyncset.done $0x0  }
0x12: {  	s13 =	ssub.s32 $0x2, s13;
	[sflag:s11] =	ssyncadd.s32 $0xFFFFC000  }
0x13: {  	s15 =	sshrl.u32 s13, $0x1;
	_ =	swait.ge [sflag:s11], $0x4000  }
0x14: {  	s13 =	ssub.s32 s13, s15;
	[sflag:s11] =	ssyncset.done $0x0  }
0x15: {  	s14 =	smul.u32 $0x1800, s14;
	s13 =	smax.u32 s13, $0x1;
	[sflag:s11] =	ssyncadd.s32 $0xFFFFC000  }
0x16: {  	p0 =	sne.s32 s13, $0x1;
	_ =	swait.ge [sflag:s11], $0x4000  }
.Ltmp0:
0x17: {  	s12 =	sadd.s32 s14, s12;
	[sflag:s11] =	ssyncset.done $0x0;
	(pc) =	sbr.rel @!p0 .LBB2_2-.Ltmp0, $4  }
0x18: {  	s12 =	sadd.s32 $0x30000, s12;
	[sflag:s11] =	ssyncadd.s32 $0xFFFFC000  }
0x19: {  	[hbm4b:s12+s2] =	stream.linear.scatter [tilespmem:s7], [sflag:$0x2], $0xC000, $0x38;
	[tilespmem:$0xC200] =	vst v63  }
0x1a: {  	_ =	swait.ge [sflag:s3], $0xC000  }
0x1b: {  	s13 =	sadd.s32 $0xFFFFFFFF, s13;
	[sflag:s3] =	ssyncset.done $0x0  }
.LBB2_1:
0x1c: {  	p0 =	sne.s32 s13, $0x1;
	s13 =	sadd.s32 $0xFFFFFFFF, s13;
	[sflag:s3] =	ssyncadd.s32 $0xFFFF4000  }
0x1d: {  	[tilespmem:s2], [sflag:$0x2] =	stream.linear.gather [hbm4b:s4+s2], $0x180, $0x38;
	[tilespmem:$0xC200] =	vst v63  }
0x1e: {  	_ =	swait.ge [sflag:s3], $0x180  }
0x1f: {  	[sflag:s3] =	ssyncset.done $0x0  }
0x20: {  	[sflag:s3] =	ssyncadd.s32 $0xFFFFFE80  }
0x21: {  	[tilespmem:s7], [sflag:$0x1] =	stream.indirect.gather [hbm4b:s5+s6], $0x80, s2, s6, $0xb8;
	[tilespmem:$0xC200] =	vst v63  }
0x22: {  	_ = 	snop  }
0x23: {  	[tilespmem:s8], [sflag:$0x1] =	stream.indirect.gather [hbm4b:s5+s6], $0x80, s6, s6, $0xb8;
	[tilespmem:$0xC200] =	vst v63  }
0x24: {  	_ = 	snop  }
0x25: {  	[tilespmem:s10], [sflag:$0x1] =	stream.indirect.gather [hbm4b:s5+s6], $0x80, s9, s6, $0xb8;
	[tilespmem:$0xC200] =	vst v63  }
0x26: {  	_ =	swait.ge [sflag:s11], $0x4000  }
0x27: {  	[sflag:s11] =	ssyncset.done $0x0  }
0x28: {  	[sflag:s11] =	ssyncadd.s32 $0xFFFFC000  }
0x29: {  	_ =	swait.ge [sflag:s11], $0x4000  }
0x2a: {  	[sflag:s11] =	ssyncset.done $0x0  }
0x2b: {  	[sflag:s11] =	ssyncadd.s32 $0xFFFFC000  }
0x2c: {  	_ =	swait.ge [sflag:s11], $0x4000  }
.Ltmp1:
0x2d: {  	[sflag:s11] =	ssyncset.done $0x0;
	(pc) =	sbr.rel @p0 .LBB2_1-.Ltmp1, $4  }
0x2e: {  	[sflag:s11] =	ssyncadd.s32 $0xFFFFC000  }
0x2f: {  	[hbm4b:s12+s2] =	stream.linear.scatter [tilespmem:s7], [sflag:$0x2], $0xC000, $0x38;
	[tilespmem:$0xC200] =	vst v63  }
0x30: {  	_ =	swait.ge [sflag:s3], $0xC000  }
0x31: {  	[sflag:s3] =	ssyncset.done $0x0  }
.LBB2_2:
0x32: {  	[sflag:s3] =	ssyncadd.s32 $0xFFFF4000  }
0x33: {  	_ =	sfence.sel $0x180000  }
0x34: {  	[bflag:$0x0] =	sbarrier.arrive $0xFFFF  }
0x35: {  	p0 =	sne.s32 s0, $0x0;
	_ =	strace $0x90000047  }
0x36: {  	s0 =	sadd.s32 @!p0 $0x100000, s1;
	[bflag:$0x2] =	sbarrier.arrive $0xFFFF  }
0x37: {  	[sflag:s0] =	ssyncadd.tile.s32 @!p0 $0x1;
	_ =	shalt  }
.Lfunc_end2:
_tile_overlayer_lowered:
.L_overlay_start_2:
0x38: {  	(tag) =	ssettag $0x2  }
0x39: {  	s0 =	rddreg [dreg:$0x0];
	s2 =	stileid.u32  }
0x3a: {  	s1 =	rddreg [dreg:$0x1];
	p0 =	sne.s32 s2, $0x0  }
0x3b: {  	s3 =	rddreg [dreg:$0x2];
	[bflag:$0x3] =	sbarrier.arrive $0xFFFF;
	s2 =	simm.s32 @!p0 $0x1C02  }
0x3c: {  	[timem:s3], [sflag:s2] =	dma.local @!p0 [hbm:s0], s1  }
0x3d: {  	s0 =	simm.s32 @!p0 $0x2  }
0x3e: {  	_ =	swait.ge @!p0 [sflag:s0], s1  }
0x3f: {  	s1 =	ssub.s32 @!p0 $0x0, s1;
	[sflag:s0] =	ssyncset.done @!p0 $0x0  }
0x40: {  	[sflag:s0] =	ssyncadd.s32 @!p0 s1  }
0x41: {  	[bflag:$0x3] =	sbarrier.arrive $0xFFFF  }
0x42: {  	_ =	shalt  }

// kernel: kernel.27.cloned.1.call-start
scs
__scs_entry_jumppad:
0x0: {  	(pc) =	sbr.rel $0x88, $3  }
0x1: {  	(tag) =	ssettag $0x0;
	lr =	simm.s32 $0x1  }
0x2: {  	[smem:$0x3F8E] =	sst lr;
	_ =	strace $0xD0000000  }
0x3: {  	_ = 	snop  }
0x4: {  	_ = 	snop  }
0x5: {  	_ = 	snop  }
0x6: {  	_ = 	snop  }
0x7: {  	_ = 	snop  }
__scs_overlays_trampoline_lowered:
0x8: {  	[smem:$0x3F9D] =	sst s0  }
0x9: {  	[smem:$0x3F9E] =	sst s1  }
0xa: {  	[smem:$0x3F9F] =	sst s2  }
0xb: {  	[smem:$0x3FA0] =	sst s3  }
0xc: {  	[smem:$0x3FA1] =	sst s4  }
0xd: {  	[smem:$0x3FA2] =	sst s5  }
0xe: {  	[smem:$0x3FA3] =	sst s6  }
0xf: {  	[smem:$0x3FA4] =	sst s7  }
0x10: {  	[smem:$0x3FA5] =	sst s8  }
0x11: {  	[smem:$0x3FA6] =	sst s9;
	s0 =	simm.s32 @!p0 $0x0  }
0x12: {  	s1 =	sld [smem:$0x3F8C];
	s0 =	simm.s32 @p0 $0x1  }
0x13: {  	[smem:$0x3FA7] =	sst s0;
	s0 =	simm.s32 @!p1 $0x0  }
0x14: {  	s2 =	sld [smem:$0x3F8B];
	s0 =	simm.s32 @p1 $0x1  }
0x15: {  	[smem:$0x3FA8] =	sst s0;
	s0 =	simm.s32 @!p2 $0x0  }
0x16: {  	s3 =	sld [smem:$0x3FDB];
	s0 =	simm.s32 @p2 $0x1  }
0x17: {  	s4 =	simm.s32 $0x1BF5;
	[smem:$0x3FAA] =	sst s0  }
0x18: {  	s0 =	sld [smem:$0x3F8D];
	_ =	swait.ge [sflag:s4], $0x0  }
0x19: {  	s7 =	sld [smem:$0x3F8E]  }
0x1a: {  	s8 =	sadd.s32 $0xFFFFE003, lr  }
0x1b: {  	s9 =	sadd.s32 $0xFFFFFEF7, lr;
	s5 =	simm.s32 $0xFFFFFFFF;
	p2 =	slt.u32 s8, $0xFFFFF086  }
0x1c: {  	p1 =	slt.u32 s9, $0xF7A;
	s5 =	simm.s32 @!p2 $0x0  }
0x1d: {  	s5 =	simm.s32 @p1 $0x1;
	p0 =	seq.s32 s7, s2  }
0x1e: {  	s7 =	smul.u32 @!p0 $0xF7A, s2;
	p2 =	seq.s32 @!p0 s5, $0x0  }
0x1f: {  	s9 =	smul.u32 $0xF7A, s1;
	s8 =	simm.s32 @!p0 $0x1BF5;
	p2 =	por !p2, p0  }
0x20: {  	[sflag:s8] =	ssyncset.s32 @!p0 $0xFFFFF086;
	s6 =	sadd.s32 @!p0 s3, s7;
	s7 =	simm.s32 @!p0 $0x108  }
0x21: {  	s3 =	sadd.s32 s3, s9;
	s6 =	sadd.s32 @!p0 $0x88, s6;
	s7 =	simm.s32 @p2 $0x1082  }
0x22: {  	[simem:s7], [sflag:s8] =	dma.local @!p0 [hbm:s6], $0xF7A  }
0x23: {  	s9 =	sor.u32 $0xD0000000, s2;
	s6 =	simm.s32 $0x108;
	_ =	swait.ge @!p0 [sflag:s8], $0x0  }
0x24: {  	s3 =	sadd.s32 $0x88, s3;
	s6 =	simm.s32 @!p1 $0x1082;
	[sflag:s4] =	ssyncset.s32 $0xFFFFF086  }
0x25: {  	[simem:s6], [sflag:s4] =	dma.local [hbm:s3], $0xF7A  }
0x26: {  	[smem:$0x3F8E] =	sst s1;
	(tag) =	ssettag s2;
	_ =	strace s9  }
0x27: {  	s1 =	sld [smem:$0x3F9E]  }
0x28: {  	s2 =	sld [smem:$0x3F9F]  }
0x29: {  	s4 =	sld [smem:$0x3FA1]  }
0x2a: {  	p0 =	seq.s32 s5, $0x0;
	s5 =	sld [smem:$0x3FA2]  }
0x2b: {  	s6 =	sld [smem:$0x3FA3]  }
0x2c: {  	s7 =	sld [smem:$0x3FA4]  }
0x2d: {  	s3 =	simm.s32 $0x108;
	s8 =	sld [smem:$0x3FA5]  }
0x2e: {  	s3 =	simm.s32 @!p0 $0x1082;
	s9 =	sld [smem:$0x3FA6]  }
0x2f: {  	lr =	sadd.s32 s0, s3;
	s0 =	sld [smem:$0x3F9D]  }
0x30: {  	s3 =	sld [smem:$0x3FA0]  }
0x31: {  	[smem:$0x3FA9] =	sst s10  }
0x32: {  	s10 =	sld [smem:$0x3FA7];
	_ =	sdelay $0x3  }
0x33: {  	p0 =	seq.s32 s10, $0x1;
	s10 =	sld [smem:$0x3FA9];
	_ =	sdelay $0x3  }
0x34: {  	[smem:$0x3FA9] =	sst s10  }
0x35: {  	s10 =	sld [smem:$0x3FA8];
	_ =	sdelay $0x3  }
0x36: {  	p1 =	seq.s32 s10, $0x1;
	s10 =	sld [smem:$0x3FA9];
	_ =	sdelay $0x3  }
0x37: {  	[smem:$0x3FA9] =	sst s10  }
0x38: {  	s10 =	sld [smem:$0x3FAA]  }
0x39: {  	_ = 	snop;
	(pc) =	sbr.ind lr, $3  }
0x3a: {  	_ = 	snop  }
0x3b: {  	_ = 	snop  }
0x3c: {  	p2 =	seq.s32 s10, $0x1;
	s10 =	sld [smem:$0x3FA9]  }
0x3d: {  	_ =	shalt  }
0x3e: {  	_ =	shalt  }
0x3f: {  	_ =	shalt  }
0x40: {  	_ =	shalt  }
0x41: {  	_ =	shalt  }
0x42: {  	_ =	shalt  }
0x43: {  	_ =	shalt  }
0x44: {  	_ =	shalt  }
0x45: {  	_ =	shalt  }
0x46: {  	_ =	shalt  }
0x47: {  	_ =	shalt  }
0x48: {  	_ =	shalt  }
0x49: {  	_ =	shalt  }
0x4a: {  	_ =	shalt  }
0x4b: {  	_ =	shalt  }
0x4c: {  	_ =	shalt  }
0x4d: {  	_ =	shalt  }
0x4e: {  	_ =	shalt  }
0x4f: {  	_ =	shalt  }
0x50: {  	_ =	shalt  }
0x51: {  	_ =	shalt  }
0x52: {  	_ =	shalt  }
0x53: {  	_ =	shalt  }
0x54: {  	_ =	shalt  }
0x55: {  	_ =	shalt  }
0x56: {  	_ =	shalt  }
0x57: {  	_ =	shalt  }
0x58: {  	_ =	shalt  }
0x59: {  	_ =	shalt  }
0x5a: {  	_ =	shalt  }
0x5b: {  	_ =	shalt  }
0x5c: {  	_ =	shalt  }
0x5d: {  	_ =	shalt  }
0x5e: {  	_ =	shalt  }
0x5f: {  	_ =	shalt  }
0x60: {  	_ =	shalt  }
0x61: {  	_ =	shalt  }
0x62: {  	_ =	shalt  }
0x63: {  	_ =	shalt  }
0x64: {  	_ =	shalt  }
0x65: {  	_ =	shalt  }
0x66: {  	_ =	shalt  }
0x67: {  	_ =	shalt  }
0x68: {  	_ =	shalt  }
0x69: {  	_ =	shalt  }
0x6a: {  	_ =	shalt  }
0x6b: {  	_ =	shalt  }
0x6c: {  	_ =	shalt  }
0x6d: {  	_ =	shalt  }
0x6e: {  	_ =	shalt  }
0x6f: {  	_ =	shalt  }
0x70: {  	_ =	shalt  }
0x71: {  	_ =	shalt  }
0x72: {  	_ =	shalt  }
0x73: {  	_ =	shalt  }
0x74: {  	_ =	shalt  }
0x75: {  	_ =	shalt  }
0x76: {  	_ =	shalt  }
0x77: {  	_ =	shalt  }
0x78: {  	_ =	shalt  }
0x79: {  	_ =	shalt  }
0x7a: {  	_ =	shalt  }
0x7b: {  	_ =	shalt  }
0x7c: {  	_ =	shalt  }
0x7d: {  	_ =	shalt  }
0x7e: {  	_ =	shalt  }
0x7f: {  	_ =	shalt  }
0x80: {  	_ =	shalt  }
0x81: {  	_ =	shalt  }
0x82: {  	_ =	shalt  }
0x83: {  	_ =	shalt  }
0x84: {  	_ =	shalt  }
0x85: {  	_ =	shalt  }
0x86: {  	_ =	shalt  }
0x87: {  	_ =	shalt  }
.Lfunc_end0:
.L_simem_size_0:
called_computation.1_lowered:
.L_overlay_start_0:
0x88: {  	s2 =	sld [smem:$0x3FD9]  }
0x89: {  	s3 =	sld [smem:$0x3FFE];
	_ =	sdelay $0x1  }
0x8a: {  	s1 =	srdreg.scid  }
0x8b: {  	s0 =	sand.u32 $0x1, s1  }
0x8c: {  	s17 =	sshll.u32 s0, $0xA;
	s2 =	sadd.s32 s3, s2  }
0x8d: {  	s2 =	sadd.s32 s2, s17  }
0x8e: {  	[smem:$0x3FB5] =	sst s2  }
0x8f: {  	_ = 	snop  }
0x90: {  	(tm) =	ssettm $0x1  }
0x91: {  	s18 =	sld [smem:$0x3FFB];
	_ =	sdelay $0x3  }
0x92: {  	_ =	strace s18  }
0x93: {  	s2 =	sld [smem:$0x3FFC];
	_ =	sdelay $0x3  }
0x94: {  	_ =	strace s2  }
0x95: {  	s2 =	sld [smem:$0x3FFD];
	_ =	sdelay $0x3  }
0x96: {  	_ =	strace s2  }
0x97: {  	_ =	strace $0x8FFFFFFF  }
0x98: {  	s19 =	sld [smem:$0x3FDB];
	_ =	sdelay $0x1  }
0x99: {  	s20 =	simm.s32 $_scs_section_size  }
0x9a: {  	s4 =	simm.s32 $_size__tile_overlayer_lowered;
	s5 =	simm.s32 $_tile_overlayer_lowered  }
0x9b: {  	s6 =	simm.s32 $0x1BFF;
	s21 =	sshll.u32 s5, $0x1;
	s3 =	sadd.s32 s20, s19  }
0x9c: {  	s22 =	simm.s32 $0x0;
	s4 =	sshll.u32 s4, $0x1;
	s5 =	sadd.s32 s21, s3  }
0x9d: {  	[timem:s22], [sflag:s6] =	dma.local [hbm:s5], s4  }
0x9e: {  	_ =	swait.ge [sflag:s6], s4  }
0x9f: {  	s4 =	ssub.s32 $0x0, s4;
	[sflag:s6] =	ssyncset.done $0x0  }
0xa0: {  	[sflag:s6] =	ssyncadd.s32 s4;
	_ =	sdelay $0x1  }
0xa1: {  	s23 =	simm.s32 $0x1B8B  }
0xa2: {  	_ =	swait.ge [sflag:s23], $0x1  }
0xa3: {  	[sflag:s23] =	ssyncset.done $0x0  }
0xa4: {  	[sflag:s23] =	ssyncadd.s32 $0xFFFFFFFF  }
0xa5: {  	s4 =	sld [smem:$0x0]  }
0xa6: {  	s5 =	sand.u32 $0xFFFFFFFE, s1  }
0xa7: {  	p0 =	sne.s32 s1, s5  }
0xa8: {  	s5 =	sshll.u32 @p0 s5, $0xE  }
0xa9: {  	s5 =	sadd.s32 @p0 $0x11B8D, s5;
	s6 =	sshll.u32 @p0 s4, $0x11  }
0xaa: {  	s5 =	sor.u32 @p0 s6, s5  }
0xab: {  	[sflag:s5] =	ssyncadd.remote.s32 @p0 $0x1;
	_ =	sdelay $0x1  }
0xac: {  	s5 =	simm.s32 @p0 $0x1B8D  }
0xad: {  	_ =	swait.eq @p0 [sflag:s5], $0x1  }
0xae: {  	[sflag:s5] =	ssyncadd.s32 @p0 $0xFFFFFFFF  }
0xaf: {  	s6 =	sshll.u32 @!p0 s1, $0xE  }
0xb0: {  	s6 =	sor.u32 @!p0 $0x4000, s6;
	s5 =	simm.s32 @!p0 $0x1B8D  }
0xb1: {  	s4 =	sshll.u32 @!p0 s4, $0x11;
	s6 =	sadd.s32 @!p0 $0x11B8D, s6;
	_ =	swait.eq @!p0 [sflag:s5], $0x1  }
0xb2: {  	s4 =	sor.u32 @!p0 s4, s6;
	[sflag:s5] =	ssyncadd.s32 @!p0 $0xFFFFFFFF  }
0xb3: {  	s25 =	simm.s32 $0x1B8E;
	s24 =	sld [smem:$0x3FFE];
	[sflag:s4] =	ssyncadd.remote.s32 @!p0 $0x1  }
0xb4: {  	s26 =	simm.s32 $execute0_lowered;
	[smem:$0x3FD2] =	sst s25  }
0xb5: {  	s5 =	sshll.u32 s26, $0x1;
	_ =	strace $0x80000049;
	[dreg:$0x1] =	wrdreg $0xFFFFFFFF  }
0xb6: {  	s28 =	simm.s32 $_size_execute0_lowered;
	s3 =	sadd.s32 s3, s5;
	[dreg:$0x0] =	wrdreg $0x0  }
0xb7: {  	s5 =	sshll.u32 s28, $0x1;
	[dreg:$0x2] =	wrdreg s3  }
0xb8: {  	[dreg:$0x3] =	wrdreg s5  }
0xb9: {  	[dreg:$0x4] =	wrdreg $0xC0  }
0xba: {  	_ =	task [dreg:s22], $0x5FFFF  }
0xbb: {  	[dreg:$0x1] =	wrdreg $0xFFFFFFFF  }
0xbc: {  	[dreg:$0x0] =	wrdreg $0x60  }
0xbd: {  	[dreg:$0x2] =	wrdreg s24  }
0xbe: {  	[dreg:$0x3] =	wrdreg $0xA  }
0xbf: {  	_ =	task.clear_ibuf [dreg:s22], $0x4FFFF;
	_ =	strace $0x90000049  }
0xc0: {  	s29 =	simm.s32 $0xA;
	_ =	strace $0x8000004B  }
0xc1: {  	_ =	swait.ge [sflag:s29], $0x1  }
0xc2: {  	[sflag:s29] =	ssyncadd.s32 $0xFFFFFFFF  }
0xc3: {  	_ =	strace $0x9000004B  }
0xc4: {  	_ =	sfence  }
0xc5: {  	s30 =	sld [smem:$0x0];
	_ =	sdelay $0x2  }
0xc6: {  	s31 =	sshll.u32 s1, $0xD;
	s1 =	sshrl.u32 s1, $0x2  }
0xc7: {  	s4 =	sand.u32 $0x4000, s31;
	s1 =	sadd.s32 s1, s30  }
0xc8: {  	s0 =	sor.u32 s4, s0;
	s1 =	sshll.u32 s1, $0x11  }
0xc9: {  	s0 =	sor.u32 s1, s0  }
0xca: {  	s0 =	sadd.s32 $0x8F2B, s0  }
0xcb: {  	[sflag:s0] =	ssyncadd.remote.s32 $0x1  }
0xcc: {  	_ =	sfence.sel $0xFFFF  }
0xcd: {  	[dreg:$0x0] =	wrdreg $0xFFFFFFFF;
	(pc) =	sbr.abs _section_cstart, $3  }
0xce: {  	[dreg:$0x1] =	wrdreg $0xFFFFFFFF  }
0xcf: {  	_ =	task.clear_ibuf [dreg:s22], $0x2FFFF;
	_ =	strace $0x9FFFFFFF  }
0xd0: {  	(tm) =	ssettm $0x7FFFFFFF  }
0xd1: {  	_ =	shalt  }
tec
execute0_lowered:
.L_overlay_start_1:
0x0: {  	(tag) =	ssettag $0x1  }
0x1: {  	s1 =	srdreg.scid  }
0x2: {  	s0 =	stileid.u32;
	s10 =	sand.u32 $0x1, s1  }
0x3: {  	s29 =	sshll.u32 s0, $0x9;
	s2 =	sshll.u32 s10, $0x8  }
0x4: {  	s11 =	rddreg [dreg:$0x0];
	s12 =	sor.u32 s2, s29  }
0x5: {  	s1 =	rddreg [dreg:$0x1];
	s2 =	simm.s32 $0x0;
	s3 =	sshrl.u32 s12, $0x3  }
0x6: {  	[smem:$0x7FF] =	sst s2;
	s3 =	sadd.s32 s3, s11  }
0x7: {  	_ =	strace $0x8000004A;
	s4 =	sadd.s32 $0x60000, s3;
	s3 =	simm.s32 $0x2  }
0x8: {  	[tilespmem:s2], [sflag:$0x2] =	stream.linear.gather [hbm4b:s4+s2], $0x100, $0x38;
	[tilespmem:$0x8100] =	vst v63  }
0x9: {  	_ =	swait.ge [sflag:s3], $0x100  }
0xa: {  	s6 =	simm.s32 $0x80;
	[sflag:s3] =	ssyncset.done $0x0  }
0xb: {  	s7 =	simm.s32 $0x100;
	s5 =	sadd.s32 $0x8000, s11;
	[sflag:s3] =	ssyncadd.s32 $0xFFFFFF00  }
0xc: {  	[tilespmem:s7], [sflag:$0x1] =	stream.indirect.gather [hbm4b:s5+s6], $0x80, s2, s6, $0xb8;
	[tilespmem:$0x8100] =	vst v63  }
0xd: {  	s8 =	simm.s32 $0x4100;
	s9 =	simm.s32 $0x1;
	s10 =	ssub.s32 $0x2, s10  }
0xe: {  	[tilespmem:s8], [sflag:$0x1] =	stream.indirect.gather [hbm4b:s5+s6], $0x80, s6, s6, $0xb8;
	[tilespmem:$0x8100] =	vst v63  }
0xf: {  	s13 =	sshrl.u32 s10, $0x1;
	_ =	swait.ge [sflag:s9], $0x4000  }
0x10: {  	s30 =	ssub.s32 s10, s13;
	[sflag:s9] =	ssyncset.done $0x0  }
0x11: {  	s31 =	smax.u32 s30, $0x1;
	[sflag:s9] =	ssyncadd.s32 $0xFFFFC000  }
0x12: {  	s12 =	sshll.u32 s12, $0x4;
	p0 =	sne.s32 s31, $0x1;
	_ =	swait.ge [sflag:s9], $0x4000  }
.Ltmp0:
0x13: {  	s11 =	sadd.s32 s12, s11;
	[sflag:s9] =	ssyncset.done $0x0;
	(pc) =	sbr.rel @!p0 .LBB2_2-.Ltmp0, $4  }
0x14: {  	s10 =	sadd.s32 $0x60400, s11;
	[sflag:s9] =	ssyncadd.s32 $0xFFFFC000  }
0x15: {  	[hbm4b:s10+s2] =	stream.linear.scatter [tilespmem:s7], [sflag:$0x2], $0x8000, $0x38;
	[tilespmem:$0x8100] =	vst v63  }
0x16: {  	_ =	swait.ge [sflag:s3], $0x8000  }
0x17: {  	s11 =	sadd.s32 $0xFFFFFFFF, s31;
	[sflag:s3] =	ssyncset.done $0x0  }
.LBB2_1:
0x18: {  	p0 =	sne.s32 s11, $0x1;
	s11 =	sadd.s32 $0xFFFFFFFF, s11;
	[sflag:s3] =	ssyncadd.s32 $0xFFFF8000  }
0x19: {  	[tilespmem:s2], [sflag:$0x2] =	stream.linear.gather [hbm4b:s4+s2], $0x100, $0x38;
	[tilespmem:$0x8100] =	vst v63  }
0x1a: {  	_ =	swait.ge [sflag:s3], $0x100  }
0x1b: {  	[sflag:s3] =	ssyncset.done $0x0  }
0x1c: {  	[sflag:s3] =	ssyncadd.s32 $0xFFFFFF00  }
0x1d: {  	[tilespmem:s7], [sflag:$0x1] =	stream.indirect.gather [hbm4b:s5+s6], $0x80, s2, s6, $0xb8;
	[tilespmem:$0x8100] =	vst v63  }
0x1e: {  	_ = 	snop  }
0x1f: {  	[tilespmem:s8], [sflag:$0x1] =	stream.indirect.gather [hbm4b:s5+s6], $0x80, s6, s6, $0xb8;
	[tilespmem:$0x8100] =	vst v63  }
0x20: {  	_ =	swait.ge [sflag:s9], $0x4000  }
0x21: {  	[sflag:s9] =	ssyncset.done $0x0  }
0x22: {  	[sflag:s9] =	ssyncadd.s32 $0xFFFFC000  }
0x23: {  	_ =	swait.ge [sflag:s9], $0x4000  }
.Ltmp1:
0x24: {  	[sflag:s9] =	ssyncset.done $0x0;
	(pc) =	sbr.rel @p0 .LBB2_1-.Ltmp1, $4  }
0x25: {  	[sflag:s9] =	ssyncadd.s32 $0xFFFFC000  }
0x26: {  	[hbm4b:s10+s2] =	stream.linear.scatter [tilespmem:s7], [sflag:$0x2], $0x8000, $0x38;
	[tilespmem:$0x8100] =	vst v63  }
0x27: {  	_ =	swait.ge [sflag:s3], $0x8000  }
0x28: {  	[sflag:s3] =	ssyncset.done $0x0  }
.LBB2_2:
0x29: {  	[sflag:s3] =	ssyncadd.s32 $0xFFFF8000  }
0x2a: {  	_ =	sfence.sel $0x180000  }
0x2b: {  	[bflag:$0x0] =	sbarrier.arrive $0xFFFF  }
0x2c: {  	p0 =	sne.s32 s0, $0x0;
	_ =	strace $0x9000004A  }
0x2d: {  	s0 =	sadd.s32 @!p0 $0x100000, s1;
	[bflag:$0x2] =	sbarrier.arrive $0xFFFF  }
0x2e: {  	[sflag:s0] =	ssyncadd.tile.s32 @!p0 $0x1;
	_ =	shalt  }
.Lfunc_end2:
_tile_overlayer_lowered:
.L_overlay_start_2:
0x2f: {  	(tag) =	ssettag $0x2  }
0x30: {  	s0 =	rddreg [dreg:$0x0];
	s2 =	stileid.u32  }
0x31: {  	s1 =	rddreg [dreg:$0x1];
	p0 =	sne.s32 s2, $0x0  }
0x32: {  	s3 =	rddreg [dreg:$0x2];
	[bflag:$0x3] =	sbarrier.arrive $0xFFFF;
	s2 =	simm.s32 @!p0 $0x1C02  }
0x33: {  	[timem:s3], [sflag:s2] =	dma.local @!p0 [hbm:s0], s1  }
0x34: {  	s0 =	simm.s32 @!p0 $0x2  }
0x35: {  	_ =	swait.ge @!p0 [sflag:s0], s1  }
0x36: {  	s1 =	ssub.s32 @!p0 $0x0, s1;
	[sflag:s0] =	ssyncset.done @!p0 $0x0  }
0x37: {  	[sflag:s0] =	ssyncadd.s32 @!p0 s1  }
0x38: {  	[bflag:$0x3] =	sbarrier.arrive $0xFFFF  }
0x39: {  	_ =	shalt  }

// kernel: kernel.30.cloned.1.call-start
scs
__scs_entry_jumppad:
0x0: {  	(pc) =	sbr.rel $0x88, $3  }
0x1: {  	(tag) =	ssettag $0x0;
	lr =	simm.s32 $0x1  }
0x2: {  	[smem:$0x3F8E] =	sst lr;
	_ =	strace $0xD0000000  }
0x3: {  	_ = 	snop  }
0x4: {  	_ = 	snop  }
0x5: {  	_ = 	snop  }
0x6: {  	_ = 	snop  }
0x7: {  	_ = 	snop  }
__scs_overlays_trampoline_lowered:
0x8: {  	[smem:$0x3F9D] =	sst s0  }
0x9: {  	[smem:$0x3F9E] =	sst s1  }
0xa: {  	[smem:$0x3F9F] =	sst s2  }
0xb: {  	[smem:$0x3FA0] =	sst s3  }
0xc: {  	[smem:$0x3FA1] =	sst s4  }
0xd: {  	[smem:$0x3FA2] =	sst s5  }
0xe: {  	[smem:$0x3FA3] =	sst s6  }
0xf: {  	[smem:$0x3FA4] =	sst s7  }
0x10: {  	[smem:$0x3FA5] =	sst s8  }
0x11: {  	[smem:$0x3FA6] =	sst s9;
	s0 =	simm.s32 @!p0 $0x0  }
0x12: {  	s1 =	sld [smem:$0x3F8C];
	s0 =	simm.s32 @p0 $0x1  }
0x13: {  	[smem:$0x3FA7] =	sst s0;
	s0 =	simm.s32 @!p1 $0x0  }
0x14: {  	s2 =	sld [smem:$0x3F8B];
	s0 =	simm.s32 @p1 $0x1  }
0x15: {  	[smem:$0x3FA8] =	sst s0;
	s0 =	simm.s32 @!p2 $0x0  }
0x16: {  	s3 =	sld [smem:$0x3FDB];
	s0 =	simm.s32 @p2 $0x1  }
0x17: {  	s4 =	simm.s32 $0x1BF5;
	[smem:$0x3FAA] =	sst s0  }
0x18: {  	s0 =	sld [smem:$0x3F8D];
	_ =	swait.ge [sflag:s4], $0x0  }
0x19: {  	s7 =	sld [smem:$0x3F8E]  }
0x1a: {  	s8 =	sadd.s32 $0xFFFFE003, lr  }
0x1b: {  	s9 =	sadd.s32 $0xFFFFFEF7, lr;
	s5 =	simm.s32 $0xFFFFFFFF;
	p2 =	slt.u32 s8, $0xFFFFF086  }
0x1c: {  	p1 =	slt.u32 s9, $0xF7A;
	s5 =	simm.s32 @!p2 $0x0  }
0x1d: {  	s5 =	simm.s32 @p1 $0x1;
	p0 =	seq.s32 s7, s2  }
0x1e: {  	s7 =	smul.u32 @!p0 $0xF7A, s2;
	p2 =	seq.s32 @!p0 s5, $0x0  }
0x1f: {  	s9 =	smul.u32 $0xF7A, s1;
	s8 =	simm.s32 @!p0 $0x1BF5;
	p2 =	por !p2, p0  }
0x20: {  	[sflag:s8] =	ssyncset.s32 @!p0 $0xFFFFF086;
	s6 =	sadd.s32 @!p0 s3, s7;
	s7 =	simm.s32 @!p0 $0x108  }
0x21: {  	s3 =	sadd.s32 s3, s9;
	s6 =	sadd.s32 @!p0 $0x88, s6;
	s7 =	simm.s32 @p2 $0x1082  }
0x22: {  	[simem:s7], [sflag:s8] =	dma.local @!p0 [hbm:s6], $0xF7A  }
0x23: {  	s9 =	sor.u32 $0xD0000000, s2;
	s6 =	simm.s32 $0x108;
	_ =	swait.ge @!p0 [sflag:s8], $0x0  }
0x24: {  	s3 =	sadd.s32 $0x88, s3;
	s6 =	simm.s32 @!p1 $0x1082;
	[sflag:s4] =	ssyncset.s32 $0xFFFFF086  }
0x25: {  	[simem:s6], [sflag:s4] =	dma.local [hbm:s3], $0xF7A  }
0x26: {  	[smem:$0x3F8E] =	sst s1;
	(tag) =	ssettag s2;
	_ =	strace s9  }
0x27: {  	s1 =	sld [smem:$0x3F9E]  }
0x28: {  	s2 =	sld [smem:$0x3F9F]  }
0x29: {  	s4 =	sld [smem:$0x3FA1]  }
0x2a: {  	p0 =	seq.s32 s5, $0x0;
	s5 =	sld [smem:$0x3FA2]  }
0x2b: {  	s6 =	sld [smem:$0x3FA3]  }
0x2c: {  	s7 =	sld [smem:$0x3FA4]  }
0x2d: {  	s3 =	simm.s32 $0x108;
	s8 =	sld [smem:$0x3FA5]  }
0x2e: {  	s3 =	simm.s32 @!p0 $0x1082;
	s9 =	sld [smem:$0x3FA6]  }
0x2f: {  	lr =	sadd.s32 s0, s3;
	s0 =	sld [smem:$0x3F9D]  }
0x30: {  	s3 =	sld [smem:$0x3FA0]  }
0x31: {  	[smem:$0x3FA9] =	sst s10  }
0x32: {  	s10 =	sld [smem:$0x3FA7];
	_ =	sdelay $0x3  }
0x33: {  	p0 =	seq.s32 s10, $0x1;
	s10 =	sld [smem:$0x3FA9];
	_ =	sdelay $0x3  }
0x34: {  	[smem:$0x3FA9] =	sst s10  }
0x35: {  	s10 =	sld [smem:$0x3FA8];
	_ =	sdelay $0x3  }
0x36: {  	p1 =	seq.s32 s10, $0x1;
	s10 =	sld [smem:$0x3FA9];
	_ =	sdelay $0x3  }
0x37: {  	[smem:$0x3FA9] =	sst s10  }
0x38: {  	s10 =	sld [smem:$0x3FAA]  }
0x39: {  	_ = 	snop;
	(pc) =	sbr.ind lr, $3  }
0x3a: {  	_ = 	snop  }
0x3b: {  	_ = 	snop  }
0x3c: {  	p2 =	seq.s32 s10, $0x1;
	s10 =	sld [smem:$0x3FA9]  }
0x3d: {  	_ =	shalt  }
0x3e: {  	_ =	shalt  }
0x3f: {  	_ =	shalt  }
0x40: {  	_ =	shalt  }
0x41: {  	_ =	shalt  }
0x42: {  	_ =	shalt  }
0x43: {  	_ =	shalt  }
0x44: {  	_ =	shalt  }
0x45: {  	_ =	shalt  }
0x46: {  	_ =	shalt  }
0x47: {  	_ =	shalt  }
0x48: {  	_ =	shalt  }
0x49: {  	_ =	shalt  }
0x4a: {  	_ =	shalt  }
0x4b: {  	_ =	shalt  }
0x4c: {  	_ =	shalt  }
0x4d: {  	_ =	shalt  }
0x4e: {  	_ =	shalt  }
0x4f: {  	_ =	shalt  }
0x50: {  	_ =	shalt  }
0x51: {  	_ =	shalt  }
0x52: {  	_ =	shalt  }
0x53: {  	_ =	shalt  }
0x54: {  	_ =	shalt  }
0x55: {  	_ =	shalt  }
0x56: {  	_ =	shalt  }
0x57: {  	_ =	shalt  }
0x58: {  	_ =	shalt  }
0x59: {  	_ =	shalt  }
0x5a: {  	_ =	shalt  }
0x5b: {  	_ =	shalt  }
0x5c: {  	_ =	shalt  }
0x5d: {  	_ =	shalt  }
0x5e: {  	_ =	shalt  }
0x5f: {  	_ =	shalt  }
0x60: {  	_ =	shalt  }
0x61: {  	_ =	shalt  }
0x62: {  	_ =	shalt  }
0x63: {  	_ =	shalt  }
0x64: {  	_ =	shalt  }
0x65: {  	_ =	shalt  }
0x66: {  	_ =	shalt  }
0x67: {  	_ =	shalt  }
0x68: {  	_ =	shalt  }
0x69: {  	_ =	shalt  }
0x6a: {  	_ =	shalt  }
0x6b: {  	_ =	shalt  }
0x6c: {  	_ =	shalt  }
0x6d: {  	_ =	shalt  }
0x6e: {  	_ =	shalt  }
0x6f: {  	_ =	shalt  }
0x70: {  	_ =	shalt  }
0x71: {  	_ =	shalt  }
0x72: {  	_ =	shalt  }
0x73: {  	_ =	shalt  }
0x74: {  	_ =	shalt  }
0x75: {  	_ =	shalt  }
0x76: {  	_ =	shalt  }
0x77: {  	_ =	shalt  }
0x78: {  	_ =	shalt  }
0x79: {  	_ =	shalt  }
0x7a: {  	_ =	shalt  }
0x7b: {  	_ =	shalt  }
0x7c: {  	_ =	shalt  }
0x7d: {  	_ =	shalt  }
0x7e: {  	_ =	shalt  }
0x7f: {  	_ =	shalt  }
0x80: {  	_ =	shalt  }
0x81: {  	_ =	shalt  }
0x82: {  	_ =	shalt  }
0x83: {  	_ =	shalt  }
0x84: {  	_ =	shalt  }
0x85: {  	_ =	shalt  }
0x86: {  	_ =	shalt  }
0x87: {  	_ =	shalt  }
.Lfunc_end0:
.L_simem_size_0:
called_computation.2_lowered:
.L_overlay_start_0:
0x88: {  	s2 =	sld [smem:$0x3FD9]  }
0x89: {  	s3 =	sld [smem:$0x3FFE];
	_ =	sdelay $0x1  }
0x8a: {  	s1 =	srdreg.scid  }
0x8b: {  	s0 =	sand.u32 $0x1, s1  }
0x8c: {  	s16 =	sshll.u32 s0, $0xA;
	s2 =	sadd.s32 s3, s2  }
0x8d: {  	s2 =	sadd.s32 s2, s16  }
0x8e: {  	[smem:$0x3FB5] =	sst s2  }
0x8f: {  	_ = 	snop  }
0x90: {  	(tm) =	ssettm $0x1  }
0x91: {  	s17 =	sld [smem:$0x3FFB];
	_ =	sdelay $0x3  }
0x92: {  	_ =	strace s17  }
0x93: {  	s2 =	sld [smem:$0x3FFC];
	_ =	sdelay $0x3  }
0x94: {  	_ =	strace s2  }
0x95: {  	s2 =	sld [smem:$0x3FFD];
	_ =	sdelay $0x3  }
0x96: {  	_ =	strace s2  }
0x97: {  	_ =	strace $0x8FFFFFFF  }
0x98: {  	s18 =	sld [smem:$0x3FDB];
	_ =	sdelay $0x1  }
0x99: {  	s19 =	simm.s32 $_scs_section_size  }
0x9a: {  	s4 =	simm.s32 $_size__tile_overlayer_lowered;
	s5 =	simm.s32 $_tile_overlayer_lowered  }
0x9b: {  	s22 =	simm.s32 $0x1BFF;
	s21 =	sshll.u32 s5, $0x1;
	s2 =	sadd.s32 s19, s18  }
0x9c: {  	s6 =	simm.s32 $0x0;
	s20 =	sshll.u32 s4, $0x1;
	s4 =	sadd.s32 s21, s2  }
0x9d: {  	[timem:s6], [sflag:s22] =	dma.local [hbm:s4], s20  }
0x9e: {  	_ =	swait.ge [sflag:s22], s20  }
0x9f: {  	s3 =	ssub.s32 $0x0, s20;
	[sflag:s22] =	ssyncset.done $0x0  }
0xa0: {  	[sflag:s22] =	ssyncadd.s32 s3;
	_ =	sdelay $0x1  }
0xa1: {  	s23 =	simm.s32 $0x1B8B  }
0xa2: {  	_ =	swait.ge [sflag:s23], $0x1  }
0xa3: {  	[sflag:s23] =	ssyncset.done $0x0  }
0xa4: {  	s25 =	simm.s32 $0x1B8E;
	s24 =	sld [smem:$0x3FFE];
	[sflag:s23] =	ssyncadd.s32 $0xFFFFFFFF  }
0xa5: {  	s26 =	simm.s32 $execute0_lowered;
	[smem:$0x3FD2] =	sst s25  }
0xa6: {  	s4 =	sshll.u32 s26, $0x1;
	_ =	strace $0x8000004C;
	[dreg:$0x1] =	wrdreg $0xFFFFFFFF  }
0xa7: {  	s28 =	simm.s32 $_size_execute0_lowered;
	s2 =	sadd.s32 s2, s4;
	[dreg:$0x0] =	wrdreg $0x0  }
0xa8: {  	s4 =	sshll.u32 s28, $0x1;
	[dreg:$0x2] =	wrdreg s2  }
0xa9: {  	[dreg:$0x3] =	wrdreg s4  }
0xaa: {  	[dreg:$0x4] =	wrdreg $0xC0  }
0xab: {  	_ =	task [dreg:s6], $0x5FFFF  }
0xac: {  	[dreg:$0x1] =	wrdreg $0xFFFFFFFF  }
0xad: {  	[dreg:$0x0] =	wrdreg $0x60  }
0xae: {  	[dreg:$0x2] =	wrdreg s24  }
0xaf: {  	[dreg:$0x3] =	wrdreg $0x83000  }
0xb0: {  	[dreg:$0x4] =	wrdreg $0x9  }
0xb1: {  	_ =	task.clear_ibuf [dreg:s6], $0x5FFFF;
	_ =	strace $0x9000004C  }
0xb2: {  	s29 =	simm.s32 $0x9;
	_ =	strace $0x8000004E  }
0xb3: {  	_ =	swait.ge [sflag:s29], $0x1  }
0xb4: {  	[sflag:s29] =	ssyncadd.s32 $0xFFFFFFFF  }
0xb5: {  	_ =	strace $0x9000004E  }
0xb6: {  	_ =	sfence  }
0xb7: {  	s30 =	sld [smem:$0x0];
	_ =	sdelay $0x2  }
0xb8: {  	s31 =	sshll.u32 s1, $0xD;
	s1 =	sshrl.u32 s1, $0x2  }
0xb9: {  	s3 =	sand.u32 $0x4000, s31;
	s1 =	sadd.s32 s1, s30  }
0xba: {  	s0 =	sor.u32 s3, s0;
	s1 =	sshll.u32 s1, $0x11  }
0xbb: {  	s0 =	sor.u32 s1, s0  }
0xbc: {  	s0 =	sadd.s32 $0x8F2B, s0  }
0xbd: {  	[sflag:s0] =	ssyncadd.remote.s32 $0x1  }
0xbe: {  	_ =	sfence.sel $0xFFFF  }
0xbf: {  	[dreg:$0x0] =	wrdreg $0xFFFFFFFF;
	(pc) =	sbr.abs _section_cstart, $3  }
0xc0: {  	[dreg:$0x1] =	wrdreg $0xFFFFFFFF  }
0xc1: {  	_ =	task.clear_ibuf [dreg:s6], $0x2FFFF;
	_ =	strace $0x9FFFFFFF  }
0xc2: {  	(tm) =	ssettm $0x7FFFFFFF  }
0xc3: {  	_ =	shalt  }
tec
execute0_lowered:
.L_overlay_start_1:
0x0: {  	(tag) =	ssettag $0x1  }
0x1: {  	s26 =	rddreg [dreg:$0x0]  }
0x2: {  	s1 =	rddreg [dreg:$0x1]  }
0x3: {  	s0 =	rddreg [dreg:$0x2];
	s3 =	simm.s32 $0x0  }
0x4: {  	[smem:$0x7FF] =	sst s3;
	s2 =	sadd.s32 $0xD1000, s26  }
0x5: {  	_ =	strace $0x8000004D;
	[dreg:$0x3] =	wrdreg s2;
	s2 =	stileid.u32  }
0x6: {  	s4 =	simm.s32 $0x3;
	s5 =	rddreg [dreg:$0x3];
	s6 =	smul.u32 $0x50000, s2  }
0x7: {  	[tilespmem:s3], [sflag:$0x3] =	stream.linear.gather [hbm4b:s5+s3], $0x4000, $0x38;
	[tilespmem:$0x1C300] =	vst v63  }
0x8: {  	_ =	swait.ge [sflag:s4], $0x4000  }
0x9: {  	s25 =	sshrl.u32 s6, $0x2;
	[sflag:s4] =	ssyncset.done $0x0  }
0xa: {  	s5 =	sadd.s32 s25, s1;
	[sflag:s4] =	ssyncadd.s32 $0xFFFFC000  }
0xb: {  	[spmem:s5] =	stream.linear.scatter [tilespmem:s3], [sflag:$0x3], $0x4000, $0x38;
	[tilespmem:$0x1C300] =	vst v63  }
0xc: {  	_ =	swait.ge [sflag:s4], $0x4000  }
0xd: {  	[sflag:s4] =	ssyncset.done $0x0  }
0xe: {  	s6 =	sadd.s32 $0x4000, s5;
	[sflag:s4] =	ssyncadd.s32 $0xFFFFC000  }
0xf: {  	[spmem:s6] =	stream.linear.scatter [tilespmem:s3], [sflag:$0x3], $0x4000, $0x38;
	[tilespmem:$0x1C300] =	vst v63  }
0x10: {  	_ =	swait.ge [sflag:s4], $0x4000  }
0x11: {  	[sflag:s4] =	ssyncset.done $0x0  }
0x12: {  	s7 =	sadd.s32 $0x8000, s5;
	[sflag:s4] =	ssyncadd.s32 $0xFFFFC000  }
0x13: {  	[spmem:s7] =	stream.linear.scatter [tilespmem:s3], [sflag:$0x3], $0x4000, $0x38;
	[tilespmem:$0x1C300] =	vst v63  }
0x14: {  	_ =	swait.ge [sflag:s4], $0x4000  }
0x15: {  	[sflag:s4] =	ssyncset.done $0x0  }
0x16: {  	s8 =	sadd.s32 $0xC000, s5;
	[sflag:s4] =	ssyncadd.s32 $0xFFFFC000  }
0x17: {  	[spmem:s8] =	stream.linear.scatter [tilespmem:s3], [sflag:$0x3], $0x4000, $0x38;
	[tilespmem:$0x1C300] =	vst v63  }
0x18: {  	s9 =	srdreg.scid;
	_ =	swait.ge [sflag:s4], $0x4000  }
0x19: {  	s31 =	sshll.u32 s2, $0x1;
	s25 =	sand.u32 $0x1, s9;
	[sflag:s4] =	ssyncset.done $0x0  }
0x1a: {  	s22 =	sor.u32 s25, s31;
	s9 =	sadd.s32 $0x10000, s5;
	[sflag:s4] =	ssyncadd.s32 $0xFFFFC000  }
0x1b: {  	[spmem:s9] =	stream.linear.scatter [tilespmem:s3], [sflag:$0x3], $0x4000, $0x38;
	[tilespmem:$0x1C300] =	vst v63  }
0x1c: {  	s10 =	sshll.u32 s22, $0x6;
	_ =	swait.ge [sflag:s4], $0x4000  }
0x1d: {  	s10 =	sadd.s32 s10, s26;
	[sflag:s4] =	ssyncset.done $0x0  }
0x1e: {  	s11 =	simm.s32 $0x8000;
	s10 =	sadd.s32 $0x80800, s10;
	[sflag:s4] =	ssyncadd.s32 $0xFFFFC000  }
0x1f: {  	[tilespmem:s11], [sflag:$0x3] =	stream.linear.gather [hbm4b:s10+s3], $0x180, $0x38;
	[tilespmem:$0x1C300] =	vst v63  }
0x20: {  	s12 =	sshll.u32 s22, $0x5;
	_ =	swait.ge [sflag:s4], $0x180  }
0x21: {  	s13 =	simm.s32 $0x8200;
	s12 =	sadd.s32 s12, s26;
	[sflag:s4] =	ssyncset.done $0x0  }
0x22: {  	s15 =	smul.u32 $0xC000, s22;
	s12 =	sadd.s32 $0x80400, s12;
	[sflag:s4] =	ssyncadd.s32 $0xFFFFFE80  }
0x23: {  	[tilespmem:s13], [sflag:$0x3] =	stream.linear.gather [hbm4b:s12+s3], $0x100, $0x38;
	[tilespmem:$0x1C300] =	vst v63  }
0x24: {  	s17 =	simm.s32 $0x1;
	s16 =	smul.u32 $0x1800, s22;
	_ =	swait.ge [sflag:s4], $0x100  }
0x25: {  	s14 =	sadd.s32 $0x30000, s26;
	s15 =	sshrl.u32 s15, $0x3;
	[sflag:s4] =	ssyncset.done $0x0  }
0x26: {  	s19 =	sadd.s32 s14, s15;
	s14 =	sadd.s32 s14, s16;
	[sflag:s4] =	ssyncadd.s32 $0xFFFFFF00  }
0x27: {  	[tilespmem:s3], [sflag:$0x1] =	stream.linear.gather [hbm4b:s14+s3], $0x4000, $0x38;
	[tilespmem:$0x1C300] =	vst v63  }
0x28: {  	s16 =	simm.s32 $0x4000;
	s15 =	sadd.s32 $0x800, s19;
	[bflag:$0x0] =	sbarrier.arrive $0xFFFF  }
0x29: {  	[tilespmem:s16], [sflag:$0x2] =	stream.linear.gather [hbm4b:s15+s3], $0x4000, $0x38;
	[tilespmem:$0x1C300] =	vst v63  }
0x2a: {  	_ =	swait.ge [sflag:s17], $0x4000  }
0x2b: {  	[sflag:s17] =	ssyncset.done $0x0  }
0x2c: {  	s18 =	simm.s32 $0x80;
	[sflag:s17] =	ssyncadd.s32 $0xFFFFC000  }
0x2d: {  	[spmem:s1] =	stream.indirect.scatter.add.f32 [tilespmem:s3], [sflag:$0x3], $0x80, s11, s18, $0xb8;
	[tilespmem:$0x1C300] =	vst v63  }
0x2e: {  	_ =	swait.ge [sflag:s4], $0x4000  }
0x2f: {  	[sflag:s4] =	ssyncset.done $0x0  }
0x30: {  	s20 =	simm.s32 $0x2;
	s19 =	sadd.s32 $0x1000, s19;
	[sflag:s4] =	ssyncadd.s32 $0xFFFFC000  }
0x31: {  	[tilespmem:s3], [sflag:$0x1] =	stream.linear.gather [hbm4b:s19+s3], $0x4000, $0x38;
	[tilespmem:$0x1C300] =	vst v63  }
0x32: {  	_ =	swait.ge [sflag:s20], $0x4000  }
0x33: {  	[sflag:s20] =	ssyncset.done $0x0  }
0x34: {  	s21 =	simm.s32 $0x8080;
	[sflag:s20] =	ssyncadd.s32 $0xFFFFC000  }
0x35: {  	[spmem:s1] =	stream.indirect.scatter.add.f32 [tilespmem:s16], [sflag:$0x3], $0x80, s21, s18, $0xb8;
	[tilespmem:$0x1C300] =	vst v63  }
0x36: {  	s22 =	sshll.u32 s22, $0xC;
	_ =	swait.ge [sflag:s4], $0x4000  }
0x37: {  	s24 =	sadd.s32 s22, s26;
	[sflag:s4] =	ssyncset.done $0x0  }
0x38: {  	s22 =	sadd.s32 $0x60400, s24;
	[sflag:s4] =	ssyncadd.s32 $0xFFFFC000  }
0x39: {  	[tilespmem:s16], [sflag:$0x2] =	stream.linear.gather [hbm4b:s22+s3], $0x4000, $0x38;
	[tilespmem:$0x1C300] =	vst v63  }
0x3a: {  	_ =	swait.ge [sflag:s17], $0x4000  }
0x3b: {  	[sflag:s17] =	ssyncset.done $0x0  }
0x3c: {  	s23 =	simm.s32 $0x8100;
	[sflag:s17] =	ssyncadd.s32 $0xFFFFC000  }
0x3d: {  	[spmem:s1] =	stream.indirect.scatter.add.f32 [tilespmem:s3], [sflag:$0x3], $0x80, s23, s18, $0xb8;
	[tilespmem:$0x1C300] =	vst v63  }
0x3e: {  	_ =	swait.ge [sflag:s4], $0x4000  }
0x3f: {  	[sflag:s4] =	ssyncset.done $0x0  }
0x40: {  	s24 =	sadd.s32 $0x60C00, s24;
	[sflag:s4] =	ssyncadd.s32 $0xFFFFC000  }
0x41: {  	[tilespmem:s3], [sflag:$0x1] =	stream.linear.gather [hbm4b:s24+s3], $0x4000, $0x38;
	[tilespmem:$0x1C300] =	vst v63  }
0x42: {  	_ =	swait.ge [sflag:s20], $0x4000  }
0x43: {  	s29 =	smul.u32 $0x14000, s2;
	[sflag:s20] =	ssyncset.done $0x0  }
0x44: {  	s28 =	smul.u32 $0x140000, s25;
	[sflag:s20] =	ssyncadd.s32 $0xFFFFC000  }
0x45: {  	[spmem:s1] =	stream.indirect.scatter.add.f32 [tilespmem:s16], [sflag:$0x3], $0x80, s13, s18, $0xb8;
	[tilespmem:$0x1C300] =	vst v63  }
0x46: {  	_ =	swait.ge [sflag:s4], $0x4000  }
0x47: {  	s28 =	sadd.s32 s29, s28;
	[sflag:s4] =	ssyncset.done $0x0  }
0x48: {  	s29 =	ssub.s32 $0x2, s25;
	s28 =	sshrl.u32 s28, $0x3;
	[sflag:s4] =	ssyncadd.s32 $0xFFFFC000  }
0x49: {  	s26 =	sadd.s32 s28, s26;
	s28 =	sshrl.u32 s29, $0x1;
	_ =	swait.ge [sflag:s17], $0x4000  }
0x4a: {  	s28 =	ssub.s32 s29, s28;
	[sflag:s17] =	ssyncset.done $0x0  }
0x4b: {  	s25 =	simm.s32 $0x8280;
	s30 =	smax.u32 s28, $0x1;
	[sflag:s17] =	ssyncadd.s32 $0xFFFFC000  }
0x4c: {  	[spmem:s1] =	stream.indirect.scatter.add.f32 [tilespmem:s3], [sflag:$0x3], $0x80, s25, s18, $0xb8;
	[tilespmem:$0x1C300] =	vst v63  }
0x4d: {  	p0 =	sne.s32 s30, $0x1;
	_ =	swait.ge [sflag:s4], $0x4000  }
.Ltmp0:
0x4e: {  	[sflag:s4] =	ssyncset.done $0x0;
	(pc) =	sbr.rel @!p0 .LBB2_2-.Ltmp0, $4  }
0x4f: {  	s26 =	sadd.s32 $0xD1800, s26;
	s28 =	sshll.u32 s2, $0x6;
	[sflag:s4] =	ssyncadd.s32 $0xFFFFC000  }
0x50: {  	s29 =	sshrl.u32 s5, $0x3;
	s28 =	sor.u32 $0x1C03, s28;
	[bflag:$0x0] =	sbarrier.arrive $0xFFFF  }
0x51: {  	[hbm:s26], [sflag:s28] =	dma.local [spmem:s29], $0x2800  }
0x52: {  	s30 =	sadd.s32 $0xFFFFFFFF, s30;
	_ =	swait.ge [sflag:s4], $0x2800  }
.LBB2_1:
0x53: {  	[sflag:s4] =	ssyncset.done $0x0  }
0x54: {  	s31 =	rddreg [dreg:$0x3];
	[sflag:s4] =	ssyncadd.s32 $0xFFFFD800  }
0x55: {  	[tilespmem:s3], [sflag:$0x3] =	stream.linear.gather [hbm4b:s31+s3], $0x4000, $0x38;
	[tilespmem:$0x1C300] =	vst v63  }
0x56: {  	_ =	swait.ge [sflag:s4], $0x4000  }
0x57: {  	[sflag:s4] =	ssyncset.done $0x0  }
0x58: {  	[sflag:s4] =	ssyncadd.s32 $0xFFFFC000  }
0x59: {  	[spmem:s5] =	stream.linear.scatter [tilespmem:s3], [sflag:$0x3], $0x4000, $0x38;
	[tilespmem:$0x1C300] =	vst v63  }
0x5a: {  	_ =	swait.ge [sflag:s4], $0x4000  }
0x5b: {  	[sflag:s4] =	ssyncset.done $0x0  }
0x5c: {  	[sflag:s4] =	ssyncadd.s32 $0xFFFFC000  }
0x5d: {  	[spmem:s6] =	stream.linear.scatter [tilespmem:s3], [sflag:$0x3], $0x4000, $0x38;
	[tilespmem:$0x1C300] =	vst v63  }
0x5e: {  	_ =	swait.ge [sflag:s4], $0x4000  }
0x5f: {  	[sflag:s4] =	ssyncset.done $0x0  }
0x60: {  	[sflag:s4] =	ssyncadd.s32 $0xFFFFC000  }
0x61: {  	[spmem:s7] =	stream.linear.scatter [tilespmem:s3], [sflag:$0x3], $0x4000, $0x38;
	[tilespmem:$0x1C300] =	vst v63  }
0x62: {  	_ =	swait.ge [sflag:s4], $0x4000  }
0x63: {  	[sflag:s4] =	ssyncset.done $0x0  }
0x64: {  	[sflag:s4] =	ssyncadd.s32 $0xFFFFC000  }
0x65: {  	[spmem:s8] =	stream.linear.scatter [tilespmem:s3], [sflag:$0x3], $0x4000, $0x38;
	[tilespmem:$0x1C300] =	vst v63  }
0x66: {  	_ =	swait.ge [sflag:s4], $0x4000  }
0x67: {  	[sflag:s4] =	ssyncset.done $0x0  }
0x68: {  	[sflag:s4] =	ssyncadd.s32 $0xFFFFC000  }
0x69: {  	[spmem:s9] =	stream.linear.scatter [tilespmem:s3], [sflag:$0x3], $0x4000, $0x38;
	[tilespmem:$0x1C300] =	vst v63  }
0x6a: {  	_ =	swait.ge [sflag:s4], $0x4000  }
0x6b: {  	[sflag:s4] =	ssyncset.done $0x0  }
0x6c: {  	[sflag:s4] =	ssyncadd.s32 $0xFFFFC000  }
0x6d: {  	[tilespmem:s11], [sflag:$0x3] =	stream.linear.gather [hbm4b:s10+s3], $0x180, $0x38;
	[tilespmem:$0x1C300] =	vst v63  }
0x6e: {  	_ =	swait.ge [sflag:s4], $0x180  }
0x6f: {  	[sflag:s4] =	ssyncset.done $0x0  }
0x70: {  	[sflag:s4] =	ssyncadd.s32 $0xFFFFFE80  }
0x71: {  	[tilespmem:s13], [sflag:$0x3] =	stream.linear.gather [hbm4b:s12+s3], $0x100, $0x38;
	[tilespmem:$0x1C300] =	vst v63  }
0x72: {  	_ =	swait.ge [sflag:s4], $0x100  }
0x73: {  	[sflag:s4] =	ssyncset.done $0x0  }
0x74: {  	[sflag:s4] =	ssyncadd.s32 $0xFFFFFF00  }
0x75: {  	[tilespmem:s3], [sflag:$0x1] =	stream.linear.gather [hbm4b:s14+s3], $0x4000, $0x38;
	[tilespmem:$0x1C300] =	vst v63  }
0x76: {  	[bflag:$0x0] =	sbarrier.arrive $0xFFFF  }
0x77: {  	[tilespmem:s16], [sflag:$0x2] =	stream.linear.gather [hbm4b:s15+s3], $0x4000, $0x38;
	[tilespmem:$0x1C300] =	vst v63  }
0x78: {  	_ =	swait.ge [sflag:s17], $0x4000  }
0x79: {  	[sflag:s17] =	ssyncset.done $0x0  }
0x7a: {  	[sflag:s17] =	ssyncadd.s32 $0xFFFFC000  }
0x7b: {  	[spmem:s1] =	stream.indirect.scatter.add.f32 [tilespmem:s3], [sflag:$0x3], $0x80, s11, s18, $0xb8;
	[tilespmem:$0x1C300] =	vst v63  }
0x7c: {  	_ =	swait.ge [sflag:s4], $0x4000  }
0x7d: {  	[sflag:s4] =	ssyncset.done $0x0  }
0x7e: {  	[sflag:s4] =	ssyncadd.s32 $0xFFFFC000  }
0x7f: {  	[tilespmem:s3], [sflag:$0x1] =	stream.linear.gather [hbm4b:s19+s3], $0x4000, $0x38;
	[tilespmem:$0x1C300] =	vst v63  }
0x80: {  	_ =	swait.ge [sflag:s20], $0x4000  }
0x81: {  	[sflag:s20] =	ssyncset.done $0x0  }
0x82: {  	[sflag:s20] =	ssyncadd.s32 $0xFFFFC000  }
0x83: {  	[spmem:s1] =	stream.indirect.scatter.add.f32 [tilespmem:s16], [sflag:$0x3], $0x80, s21, s18, $0xb8;
	[tilespmem:$0x1C300] =	vst v63  }
0x84: {  	_ =	swait.ge [sflag:s4], $0x4000  }
0x85: {  	[sflag:s4] =	ssyncset.done $0x0  }
0x86: {  	[sflag:s4] =	ssyncadd.s32 $0xFFFFC000  }
0x87: {  	[tilespmem:s16], [sflag:$0x2] =	stream.linear.gather [hbm4b:s22+s3], $0x4000, $0x38;
	[tilespmem:$0x1C300] =	vst v63  }
0x88: {  	_ =	swait.ge [sflag:s17], $0x4000  }
0x89: {  	[sflag:s17] =	ssyncset.done $0x0  }
0x8a: {  	[sflag:s17] =	ssyncadd.s32 $0xFFFFC000  }
0x8b: {  	[spmem:s1] =	stream.indirect.scatter.add.f32 [tilespmem:s3], [sflag:$0x3], $0x80, s23, s18, $0xb8;
	[tilespmem:$0x1C300] =	vst v63  }
0x8c: {  	_ =	swait.ge [sflag:s4], $0x4000  }
0x8d: {  	[sflag:s4] =	ssyncset.done $0x0  }
0x8e: {  	[sflag:s4] =	ssyncadd.s32 $0xFFFFC000  }
0x8f: {  	[tilespmem:s3], [sflag:$0x1] =	stream.linear.gather [hbm4b:s24+s3], $0x4000, $0x38;
	[tilespmem:$0x1C300] =	vst v63  }
0x90: {  	_ =	swait.ge [sflag:s20], $0x4000  }
0x91: {  	[sflag:s20] =	ssyncset.done $0x0  }
0x92: {  	[sflag:s20] =	ssyncadd.s32 $0xFFFFC000  }
0x93: {  	[spmem:s1] =	stream.indirect.scatter.add.f32 [tilespmem:s16], [sflag:$0x3], $0x80, s13, s18, $0xb8;
	[tilespmem:$0x1C300] =	vst v63  }
0x94: {  	_ =	swait.ge [sflag:s4], $0x4000  }
0x95: {  	[sflag:s4] =	ssyncset.done $0x0  }
0x96: {  	[sflag:s4] =	ssyncadd.s32 $0xFFFFC000  }
0x97: {  	_ =	swait.ge [sflag:s17], $0x4000  }
0x98: {  	[sflag:s17] =	ssyncset.done $0x0  }
0x99: {  	[sflag:s17] =	ssyncadd.s32 $0xFFFFC000  }
0x9a: {  	[spmem:s1] =	stream.indirect.scatter.add.f32 [tilespmem:s3], [sflag:$0x3], $0x80, s25, s18, $0xb8;
	[tilespmem:$0x1C300] =	vst v63  }
0x9b: {  	p0 =	sne.s32 s30, $0x1;
	_ =	swait.ge [sflag:s4], $0x4000  }
.Ltmp1:
0x9c: {  	[sflag:s4] =	ssyncset.done $0x0;
	(pc) =	sbr.rel @p0 .LBB2_1-.Ltmp1, $4  }
0x9d: {  	[sflag:s4] =	ssyncadd.s32 $0xFFFFC000  }
0x9e: {  	[bflag:$0x0] =	sbarrier.arrive $0xFFFF  }
0x9f: {  	[hbm:s26], [sflag:s28] =	dma.local [spmem:s29], $0x2800  }
0xa0: {  	s30 =	sadd.s32 $0xFFFFFFFF, s30;
	_ =	swait.ge [sflag:s4], $0x2800  }
.LBB2_2:
0xa1: {  	[sflag:s4] =	ssyncset.done $0x0  }
0xa2: {  	[sflag:s4] =	ssyncadd.s32 $0xFFFFD800  }
0xa3: {  	_ =	sfence.sel $0x180000  }
0xa4: {  	[bflag:$0x0] =	sbarrier.arrive $0xFFFF  }
0xa5: {  	p0 =	sne.s32 s2, $0x0;
	_ =	strace $0x9000004D  }
0xa6: {  	s0 =	sadd.s32 @!p0 $0x100000, s0;
	[bflag:$0x2] =	sbarrier.arrive $0xFFFF  }
0xa7: {  	[sflag:s0] =	ssyncadd.tile.s32 @!p0 $0x1;
	_ =	shalt  }
.Lfunc_end2:
_tile_overlayer_lowered:
.L_overlay_start_2:
0xa8: {  	(tag) =	ssettag $0x2  }
0xa9: {  	s0 =	rddreg [dreg:$0x0];
	s2 =	stileid.u32  }
0xaa: {  	s1 =	rddreg [dreg:$0x1];
	p0 =	sne.s32 s2, $0x0  }
0xab: {  	s3 =	rddreg [dreg:$0x2];
	[bflag:$0x3] =	sbarrier.arrive $0xFFFF;
	s2 =	simm.s32 @!p0 $0x1C03  }
0xac: {  	[timem:s3], [sflag:s2] =	dma.local @!p0 [hbm:s0], s1  }
0xad: {  	s0 =	simm.s32 @!p0 $0x3  }
0xae: {  	_ =	swait.ge @!p0 [sflag:s0], s1  }
0xaf: {  	s1 =	ssub.s32 @!p0 $0x0, s1;
	[sflag:s0] =	ssyncset.done @!p0 $0x0  }
0xb0: {  	[sflag:s0] =	ssyncadd.s32 @!p0 s1  }
0xb1: {  	[bflag:$0x3] =	sbarrier.arrive $0xFFFF  }
0xb2: {  	_ =	shalt  }

// kernel: kernel.33.cloned.1.call-start
scs
__scs_entry_jumppad:
0x0: {  	(pc) =	sbr.rel $0x88, $3  }
0x1: {  	(tag) =	ssettag $0x0;
	lr =	simm.s32 $0x1  }
0x2: {  	[smem:$0x3F8E] =	sst lr;
	_ =	strace $0xD0000000  }
0x3: {  	_ = 	snop  }
0x4: {  	_ = 	snop  }
0x5: {  	_ = 	snop  }
0x6: {  	_ = 	snop  }
0x7: {  	_ = 	snop  }
__scs_overlays_trampoline_lowered:
0x8: {  	[smem:$0x3F9D] =	sst s0  }
0x9: {  	[smem:$0x3F9E] =	sst s1  }
0xa: {  	[smem:$0x3F9F] =	sst s2  }
0xb: {  	[smem:$0x3FA0] =	sst s3  }
0xc: {  	[smem:$0x3FA1] =	sst s4  }
0xd: {  	[smem:$0x3FA2] =	sst s5  }
0xe: {  	[smem:$0x3FA3] =	sst s6  }
0xf: {  	[smem:$0x3FA4] =	sst s7  }
0x10: {  	[smem:$0x3FA5] =	sst s8  }
0x11: {  	[smem:$0x3FA6] =	sst s9;
	s0 =	simm.s32 @!p0 $0x0  }
0x12: {  	s1 =	sld [smem:$0x3F8C];
	s0 =	simm.s32 @p0 $0x1  }
0x13: {  	[smem:$0x3FA7] =	sst s0;
	s0 =	simm.s32 @!p1 $0x0  }
0x14: {  	s2 =	sld [smem:$0x3F8B];
	s0 =	simm.s32 @p1 $0x1  }
0x15: {  	[smem:$0x3FA8] =	sst s0;
	s0 =	simm.s32 @!p2 $0x0  }
0x16: {  	s3 =	sld [smem:$0x3FDB];
	s0 =	simm.s32 @p2 $0x1  }
0x17: {  	s4 =	simm.s32 $0x1BF5;
	[smem:$0x3FAA] =	sst s0  }
0x18: {  	s0 =	sld [smem:$0x3F8D];
	_ =	swait.ge [sflag:s4], $0x0  }
0x19: {  	s7 =	sld [smem:$0x3F8E]  }
0x1a: {  	s8 =	sadd.s32 $0xFFFFE003, lr  }
0x1b: {  	s9 =	sadd.s32 $0xFFFFFEF7, lr;
	s5 =	simm.s32 $0xFFFFFFFF;
	p2 =	slt.u32 s8, $0xFFFFF086  }
0x1c: {  	p1 =	slt.u32 s9, $0xF7A;
	s5 =	simm.s32 @!p2 $0x0  }
0x1d: {  	s5 =	simm.s32 @p1 $0x1;
	p0 =	seq.s32 s7, s2  }
0x1e: {  	s7 =	smul.u32 @!p0 $0xF7A, s2;
	p2 =	seq.s32 @!p0 s5, $0x0  }
0x1f: {  	s9 =	smul.u32 $0xF7A, s1;
	s8 =	simm.s32 @!p0 $0x1BF5;
	p2 =	por !p2, p0  }
0x20: {  	[sflag:s8] =	ssyncset.s32 @!p0 $0xFFFFF086;
	s6 =	sadd.s32 @!p0 s3, s7;
	s7 =	simm.s32 @!p0 $0x108  }
0x21: {  	s3 =	sadd.s32 s3, s9;
	s6 =	sadd.s32 @!p0 $0x88, s6;
	s7 =	simm.s32 @p2 $0x1082  }
0x22: {  	[simem:s7], [sflag:s8] =	dma.local @!p0 [hbm:s6], $0xF7A  }
0x23: {  	s9 =	sor.u32 $0xD0000000, s2;
	s6 =	simm.s32 $0x108;
	_ =	swait.ge @!p0 [sflag:s8], $0x0  }
0x24: {  	s3 =	sadd.s32 $0x88, s3;
	s6 =	simm.s32 @!p1 $0x1082;
	[sflag:s4] =	ssyncset.s32 $0xFFFFF086  }
0x25: {  	[simem:s6], [sflag:s4] =	dma.local [hbm:s3], $0xF7A  }
0x26: {  	[smem:$0x3F8E] =	sst s1;
	(tag) =	ssettag s2;
	_ =	strace s9  }
0x27: {  	s1 =	sld [smem:$0x3F9E]  }
0x28: {  	s2 =	sld [smem:$0x3F9F]  }
0x29: {  	s4 =	sld [smem:$0x3FA1]  }
0x2a: {  	p0 =	seq.s32 s5, $0x0;
	s5 =	sld [smem:$0x3FA2]  }
0x2b: {  	s6 =	sld [smem:$0x3FA3]  }
0x2c: {  	s7 =	sld [smem:$0x3FA4]  }
0x2d: {  	s3 =	simm.s32 $0x108;
	s8 =	sld [smem:$0x3FA5]  }
0x2e: {  	s3 =	simm.s32 @!p0 $0x1082;
	s9 =	sld [smem:$0x3FA6]  }
0x2f: {  	lr =	sadd.s32 s0, s3;
	s0 =	sld [smem:$0x3F9D]  }
0x30: {  	s3 =	sld [smem:$0x3FA0]  }
0x31: {  	[smem:$0x3FA9] =	sst s10  }
0x32: {  	s10 =	sld [smem:$0x3FA7];
	_ =	sdelay $0x3  }
0x33: {  	p0 =	seq.s32 s10, $0x1;
	s10 =	sld [smem:$0x3FA9];
	_ =	sdelay $0x3  }
0x34: {  	[smem:$0x3FA9] =	sst s10  }
0x35: {  	s10 =	sld [smem:$0x3FA8];
	_ =	sdelay $0x3  }
0x36: {  	p1 =	seq.s32 s10, $0x1;
	s10 =	sld [smem:$0x3FA9];
	_ =	sdelay $0x3  }
0x37: {  	[smem:$0x3FA9] =	sst s10  }
0x38: {  	s10 =	sld [smem:$0x3FAA]  }
0x39: {  	_ = 	snop;
	(pc) =	sbr.ind lr, $3  }
0x3a: {  	_ = 	snop  }
0x3b: {  	_ = 	snop  }
0x3c: {  	p2 =	seq.s32 s10, $0x1;
	s10 =	sld [smem:$0x3FA9]  }
0x3d: {  	_ =	shalt  }
0x3e: {  	_ =	shalt  }
0x3f: {  	_ =	shalt  }
0x40: {  	_ =	shalt  }
0x41: {  	_ =	shalt  }
0x42: {  	_ =	shalt  }
0x43: {  	_ =	shalt  }
0x44: {  	_ =	shalt  }
0x45: {  	_ =	shalt  }
0x46: {  	_ =	shalt  }
0x47: {  	_ =	shalt  }
0x48: {  	_ =	shalt  }
0x49: {  	_ =	shalt  }
0x4a: {  	_ =	shalt  }
0x4b: {  	_ =	shalt  }
0x4c: {  	_ =	shalt  }
0x4d: {  	_ =	shalt  }
0x4e: {  	_ =	shalt  }
0x4f: {  	_ =	shalt  }
0x50: {  	_ =	shalt  }
0x51: {  	_ =	shalt  }
0x52: {  	_ =	shalt  }
0x53: {  	_ =	shalt  }
0x54: {  	_ =	shalt  }
0x55: {  	_ =	shalt  }
0x56: {  	_ =	shalt  }
0x57: {  	_ =	shalt  }
0x58: {  	_ =	shalt  }
0x59: {  	_ =	shalt  }
0x5a: {  	_ =	shalt  }
0x5b: {  	_ =	shalt  }
0x5c: {  	_ =	shalt  }
0x5d: {  	_ =	shalt  }
0x5e: {  	_ =	shalt  }
0x5f: {  	_ =	shalt  }
0x60: {  	_ =	shalt  }
0x61: {  	_ =	shalt  }
0x62: {  	_ =	shalt  }
0x63: {  	_ =	shalt  }
0x64: {  	_ =	shalt  }
0x65: {  	_ =	shalt  }
0x66: {  	_ =	shalt  }
0x67: {  	_ =	shalt  }
0x68: {  	_ =	shalt  }
0x69: {  	_ =	shalt  }
0x6a: {  	_ =	shalt  }
0x6b: {  	_ =	shalt  }
0x6c: {  	_ =	shalt  }
0x6d: {  	_ =	shalt  }
0x6e: {  	_ =	shalt  }
0x6f: {  	_ =	shalt  }
0x70: {  	_ =	shalt  }
0x71: {  	_ =	shalt  }
0x72: {  	_ =	shalt  }
0x73: {  	_ =	shalt  }
0x74: {  	_ =	shalt  }
0x75: {  	_ =	shalt  }
0x76: {  	_ =	shalt  }
0x77: {  	_ =	shalt  }
0x78: {  	_ =	shalt  }
0x79: {  	_ =	shalt  }
0x7a: {  	_ =	shalt  }
0x7b: {  	_ =	shalt  }
0x7c: {  	_ =	shalt  }
0x7d: {  	_ =	shalt  }
0x7e: {  	_ =	shalt  }
0x7f: {  	_ =	shalt  }
0x80: {  	_ =	shalt  }
0x81: {  	_ =	shalt  }
0x82: {  	_ =	shalt  }
0x83: {  	_ =	shalt  }
0x84: {  	_ =	shalt  }
0x85: {  	_ =	shalt  }
0x86: {  	_ =	shalt  }
0x87: {  	_ =	shalt  }
.Lfunc_end0:
.L_simem_size_0:
called_computation.3_lowered:
.L_overlay_start_0:
0x88: {  	s2 =	sld [smem:$0x3FD9]  }
0x89: {  	s3 =	sld [smem:$0x3FFE];
	_ =	sdelay $0x1  }
0x8a: {  	s1 =	srdreg.scid  }
0x8b: {  	s0 =	sand.u32 $0x1, s1  }
0x8c: {  	s17 =	sshll.u32 s0, $0xA;
	s2 =	sadd.s32 s3, s2  }
0x8d: {  	s2 =	sadd.s32 s2, s17  }
0x8e: {  	[smem:$0x3FB5] =	sst s2  }
0x8f: {  	_ = 	snop  }
0x90: {  	s18 =	sld [smem:$0x3FD0];
	(tm) =	ssettm $0x1  }
0x91: {  	s19 =	sld [smem:$0x3FFB];
	_ =	sdelay $0x3  }
0x92: {  	_ =	strace s19  }
0x93: {  	s2 =	sld [smem:$0x3FFC];
	_ =	sdelay $0x3  }
0x94: {  	_ =	strace s2  }
0x95: {  	s2 =	sld [smem:$0x3FFD];
	_ =	sdelay $0x3  }
0x96: {  	_ =	strace s2  }
0x97: {  	_ =	strace $0x8FFFFFFF  }
0x98: {  	s20 =	sld [smem:$0x3FDB];
	_ =	sdelay $0x1  }
0x99: {  	s4 =	simm.s32 $_scs_section_size  }
0x9a: {  	s5 =	simm.s32 $_size__tile_overlayer_lowered;
	s6 =	simm.s32 $_tile_overlayer_lowered  }
0x9b: {  	s7 =	simm.s32 $0x1BFF;
	s21 =	sshll.u32 s6, $0x1;
	s4 =	sadd.s32 s4, s20  }
0x9c: {  	s22 =	simm.s32 $0x0;
	s5 =	sshll.u32 s5, $0x1;
	s6 =	sadd.s32 s21, s4  }
0x9d: {  	[timem:s22], [sflag:s7] =	dma.local [hbm:s6], s5  }
0x9e: {  	_ =	swait.ge [sflag:s7], s5  }
0x9f: {  	s5 =	ssub.s32 $0x0, s5;
	[sflag:s7] =	ssyncset.done $0x0  }
0xa0: {  	[sflag:s7] =	ssyncadd.s32 s5;
	_ =	sdelay $0x1  }
0xa1: {  	s23 =	simm.s32 $0x1B8B  }
0xa2: {  	_ =	swait.ge [sflag:s23], $0x1  }
0xa3: {  	[sflag:s23] =	ssyncset.done $0x0  }
0xa4: {  	[sflag:s23] =	ssyncadd.s32 $0xFFFFFFFF  }
0xa5: {  	s5 =	sld [smem:$0x0]  }
0xa6: {  	s6 =	sand.u32 $0xFFFFFFFE, s1  }
0xa7: {  	p0 =	sne.s32 s1, s6  }
0xa8: {  	s6 =	sshll.u32 @p0 s6, $0xE  }
0xa9: {  	s6 =	sadd.s32 @p0 $0x11B8D, s6;
	s7 =	sshll.u32 @p0 s5, $0x11  }
0xaa: {  	s6 =	sor.u32 @p0 s7, s6  }
0xab: {  	[sflag:s6] =	ssyncadd.remote.s32 @p0 $0x1;
	_ =	sdelay $0x1  }
0xac: {  	s6 =	simm.s32 @p0 $0x1B8D  }
0xad: {  	_ =	swait.eq @p0 [sflag:s6], $0x1  }
0xae: {  	[sflag:s6] =	ssyncadd.s32 @p0 $0xFFFFFFFF  }
0xaf: {  	s7 =	sshll.u32 @!p0 s1, $0xE  }
0xb0: {  	s7 =	sor.u32 @!p0 $0x4000, s7;
	s6 =	simm.s32 @!p0 $0x1B8D  }
0xb1: {  	s5 =	sshll.u32 @!p0 s5, $0x11;
	s7 =	sadd.s32 @!p0 $0x11B8D, s7;
	_ =	swait.eq @!p0 [sflag:s6], $0x1  }
0xb2: {  	s5 =	sor.u32 @!p0 s5, s7;
	[sflag:s6] =	ssyncadd.s32 @!p0 $0xFFFFFFFF  }
0xb3: {  	s25 =	simm.s32 $0x1B8E;
	s24 =	sld [smem:$0x3FFE];
	[sflag:s5] =	ssyncadd.remote.s32 @!p0 $0x1  }
0xb4: {  	s26 =	simm.s32 $execute0_lowered;
	[smem:$0x3FD2] =	sst s25  }
0xb5: {  	s6 =	sshll.u32 s26, $0x1;
	_ =	strace $0x80000052;
	[dreg:$0x1] =	wrdreg $0xFFFFFFFF  }
0xb6: {  	s28 =	simm.s32 $_size_execute0_lowered;
	s4 =	sadd.s32 s4, s6;
	[dreg:$0x0] =	wrdreg $0x0  }
0xb7: {  	s6 =	sshll.u32 s28, $0x1;
	[dreg:$0x2] =	wrdreg s4  }
0xb8: {  	[dreg:$0x3] =	wrdreg s6  }
0xb9: {  	[dreg:$0x4] =	wrdreg $0xC0  }
0xba: {  	_ =	task [dreg:s22], $0x5FFFF  }
0xbb: {  	[dreg:$0x1] =	wrdreg $0xFFFFFFFF  }
0xbc: {  	[dreg:$0x0] =	wrdreg $0x60  }
0xbd: {  	[dreg:$0x2] =	wrdreg s24  }
0xbe: {  	[dreg:$0x3] =	wrdreg s18  }
0xbf: {  	[dreg:$0x4] =	wrdreg $0x9  }
0xc0: {  	_ =	task.clear_ibuf [dreg:s22], $0x5FFFF;
	_ =	strace $0x90000052  }
0xc1: {  	s29 =	simm.s32 $0x9;
	_ =	strace $0x80000054  }
0xc2: {  	_ =	swait.ge [sflag:s29], $0x1  }
0xc3: {  	[sflag:s29] =	ssyncadd.s32 $0xFFFFFFFF  }
0xc4: {  	_ =	strace $0x90000054  }
0xc5: {  	_ =	sfence  }
0xc6: {  	s30 =	sld [smem:$0x0];
	_ =	sdelay $0x2  }
0xc7: {  	s31 =	sshll.u32 s1, $0xD;
	s1 =	sshrl.u32 s1, $0x2  }
0xc8: {  	s4 =	sand.u32 $0x4000, s31;
	s1 =	sadd.s32 s1, s30  }
0xc9: {  	s0 =	sor.u32 s4, s0;
	s1 =	sshll.u32 s1, $0x11  }
0xca: {  	s0 =	sor.u32 s1, s0  }
0xcb: {  	s0 =	sadd.s32 $0x8F2B, s0  }
0xcc: {  	[sflag:s0] =	ssyncadd.remote.s32 $0x1  }
0xcd: {  	_ =	sfence.sel $0xFFFF  }
0xce: {  	[dreg:$0x0] =	wrdreg $0xFFFFFFFF;
	(pc) =	sbr.abs _section_cstart, $3  }
0xcf: {  	[dreg:$0x1] =	wrdreg $0xFFFFFFFF  }
0xd0: {  	_ =	task.clear_ibuf [dreg:s22], $0x2FFFF;
	_ =	strace $0x9FFFFFFF  }
0xd1: {  	(tm) =	ssettm $0x7FFFFFFF  }
tec
execute0_lowered:
.L_overlay_start_1:
0x0: {  	(tag) =	ssettag $0x1  }
0x1: {  	s12 =	rddreg [dreg:$0x0]  }
0x2: {  	s1 =	srdreg.scid;
	s0 =	stileid.u32  }
0x3: {  	s3 =	rddreg [dreg:$0x1];
	s13 =	sand.u32 $0x1, s1;
	s4 =	sshll.u32 s0, $0x1  }
0x4: {  	s2 =	simm.s32 $0x0;
	s1 =	rddreg [dreg:$0x2];
	s14 =	sor.u32 s13, s4  }
0x5: {  	[smem:$0x7FF] =	sst s2;
	s4 =	sshll.u32 s14, $0x6  }
0x6: {  	_ =	strace $0x80000053;
	s4 =	sadd.s32 s3, s4;
	s3 =	simm.s32 $0x2  }
0x7: {  	[tilespmem:s2], [sflag:$0x2] =	stream.linear.gather [hbm4b:s4+s2], $0x180, $0x38;
	[tilespmem:$0xC200] =	vst v63  }
0x8: {  	_ =	swait.ge [sflag:s3], $0x180  }
0x9: {  	s6 =	simm.s32 $0x80;
	[sflag:s3] =	ssyncset.done $0x0  }
0xa: {  	s7 =	simm.s32 $0x200;
	s5 =	sadd.s32 $0xD1800, s12;
	[sflag:s3] =	ssyncadd.s32 $0xFFFFFE80  }
0xb: {  	[tilespmem:s7], [sflag:$0x1] =	stream.indirect.gather [hbm4b:s5+s6], $0x80, s2, s6, $0xb8;
	[tilespmem:$0xC200] =	vst v63  }
0xc: {  	s8 =	simm.s32 $0x4200  }
0xd: {  	[tilespmem:s8], [sflag:$0x1] =	stream.indirect.gather [hbm4b:s5+s6], $0x80, s6, s6, $0xb8;
	[tilespmem:$0xC200] =	vst v63  }
0xe: {  	s9 =	simm.s32 $0x100;
	s10 =	simm.s32 $0x8200;
	s11 =	simm.s32 $0x1  }
0xf: {  	[tilespmem:s10], [sflag:$0x1] =	stream.indirect.gather [hbm4b:s5+s6], $0x80, s9, s6, $0xb8;
	[tilespmem:$0xC200] =	vst v63  }
0x10: {  	_ =	swait.ge [sflag:s11], $0x4000  }
0x11: {  	[sflag:s11] =	ssyncset.done $0x0  }
0x12: {  	s13 =	ssub.s32 $0x2, s13;
	[sflag:s11] =	ssyncadd.s32 $0xFFFFC000  }
0x13: {  	s15 =	sshrl.u32 s13, $0x1;
	_ =	swait.ge [sflag:s11], $0x4000  }
0x14: {  	s13 =	ssub.s32 s13, s15;
	[sflag:s11] =	ssyncset.done $0x0  }
0x15: {  	s14 =	smul.u32 $0x1800, s14;
	s13 =	smax.u32 s13, $0x1;
	[sflag:s11] =	ssyncadd.s32 $0xFFFFC000  }
0x16: {  	p0 =	sne.s32 s13, $0x1;
	_ =	swait.ge [sflag:s11], $0x4000  }
.Ltmp0:
0x17: {  	s12 =	sadd.s32 s14, s12;
	[sflag:s11] =	ssyncset.done $0x0;
	(pc) =	sbr.rel @!p0 .LBB2_2-.Ltmp0, $4  }
0x18: {  	s12 =	sadd.s32 $0x8000, s12;
	[sflag:s11] =	ssyncadd.s32 $0xFFFFC000  }
0x19: {  	[hbm4b:s12+s2] =	stream.linear.scatter [tilespmem:s7], [sflag:$0x2], $0xC000, $0x38;
	[tilespmem:$0xC200] =	vst v63  }
0x1a: {  	_ =	swait.ge [sflag:s3], $0xC000  }
0x1b: {  	s13 =	sadd.s32 $0xFFFFFFFF, s13;
	[sflag:s3] =	ssyncset.done $0x0  }
.LBB2_1:
0x1c: {  	p0 =	sne.s32 s13, $0x1;
	s13 =	sadd.s32 $0xFFFFFFFF, s13;
	[sflag:s3] =	ssyncadd.s32 $0xFFFF4000  }
0x1d: {  	[tilespmem:s2], [sflag:$0x2] =	stream.linear.gather [hbm4b:s4+s2], $0x180, $0x38;
	[tilespmem:$0xC200] =	vst v63  }
0x1e: {  	_ =	swait.ge [sflag:s3], $0x180  }
0x1f: {  	[sflag:s3] =	ssyncset.done $0x0  }
0x20: {  	[sflag:s3] =	ssyncadd.s32 $0xFFFFFE80  }
0x21: {  	[tilespmem:s7], [sflag:$0x1] =	stream.indirect.gather [hbm4b:s5+s6], $0x80, s2, s6, $0xb8;
	[tilespmem:$0xC200] =	vst v63  }
0x22: {  	_ = 	snop  }
0x23: {  	[tilespmem:s8], [sflag:$0x1] =	stream.indirect.gather [hbm4b:s5+s6], $0x80, s6, s6, $0xb8;
	[tilespmem:$0xC200] =	vst v63  }
0x24: {  	_ = 	snop  }
0x25: {  	[tilespmem:s10], [sflag:$0x1] =	stream.indirect.gather [hbm4b:s5+s6], $0x80, s9, s6, $0xb8;
	[tilespmem:$0xC200] =	vst v63  }
0x26: {  	_ =	swait.ge [sflag:s11], $0x4000  }
0x27: {  	[sflag:s11] =	ssyncset.done $0x0  }
0x28: {  	[sflag:s11] =	ssyncadd.s32 $0xFFFFC000  }
0x29: {  	_ =	swait.ge [sflag:s11], $0x4000  }
0x2a: {  	[sflag:s11] =	ssyncset.done $0x0  }
0x2b: {  	[sflag:s11] =	ssyncadd.s32 $0xFFFFC000  }
0x2c: {  	_ =	swait.ge [sflag:s11], $0x4000  }
.Ltmp1:
0x2d: {  	[sflag:s11] =	ssyncset.done $0x0;
	(pc) =	sbr.rel @p0 .LBB2_1-.Ltmp1, $4  }
0x2e: {  	[sflag:s11] =	ssyncadd.s32 $0xFFFFC000  }
0x2f: {  	[hbm4b:s12+s2] =	stream.linear.scatter [tilespmem:s7], [sflag:$0x2], $0xC000, $0x38;
	[tilespmem:$0xC200] =	vst v63  }
0x30: {  	_ =	swait.ge [sflag:s3], $0xC000  }
0x31: {  	[sflag:s3] =	ssyncset.done $0x0  }
.LBB2_2:
0x32: {  	[sflag:s3] =	ssyncadd.s32 $0xFFFF4000  }
0x33: {  	_ =	sfence.sel $0x180000  }
0x34: {  	[bflag:$0x0] =	sbarrier.arrive $0xFFFF  }
0x35: {  	p0 =	sne.s32 s0, $0x0;
	_ =	strace $0x90000053  }
0x36: {  	s0 =	sadd.s32 @!p0 $0x100000, s1;
	[bflag:$0x2] =	sbarrier.arrive $0xFFFF  }
0x37: {  	[sflag:s0] =	ssyncadd.tile.s32 @!p0 $0x1;
	_ =	shalt  }
.Lfunc_end2:
_tile_overlayer_lowered:
.L_overlay_start_2:
0x38: {  	(tag) =	ssettag $0x2  }
0x39: {  	s0 =	rddreg [dreg:$0x0];
	s2 =	stileid.u32  }
0x3a: {  	s1 =	rddreg [dreg:$0x1];
	p0 =	sne.s32 s2, $0x0  }
0x3b: {  	s3 =	rddreg [dreg:$0x2];
	[bflag:$0x3] =	sbarrier.arrive $0xFFFF;
	s2 =	simm.s32 @!p0 $0x1C02  }
0x3c: {  	[timem:s3], [sflag:s2] =	dma.local @!p0 [hbm:s0], s1  }
0x3d: {  	s0 =	simm.s32 @!p0 $0x2  }
0x3e: {  	_ =	swait.ge @!p0 [sflag:s0], s1  }
0x3f: {  	s1 =	ssub.s32 @!p0 $0x0, s1;
	[sflag:s0] =	ssyncset.done @!p0 $0x0  }
0x40: {  	[sflag:s0] =	ssyncadd.s32 @!p0 s1  }
0x41: {  	[bflag:$0x3] =	sbarrier.arrive $0xFFFF  }
0x42: {  	_ =	shalt  }

// kernel: kernel.36.cloned.1.call-start
scs
__scs_entry_jumppad:
0x0: {  	(pc) =	sbr.rel $0x88, $3  }
0x1: {  	(tag) =	ssettag $0x0;
	lr =	simm.s32 $0x1  }
0x2: {  	[smem:$0x3F8E] =	sst lr;
	_ =	strace $0xD0000000  }
0x3: {  	_ = 	snop  }
0x4: {  	_ = 	snop  }
0x5: {  	_ = 	snop  }
0x6: {  	_ = 	snop  }
0x7: {  	_ = 	snop  }
__scs_overlays_trampoline_lowered:
0x8: {  	[smem:$0x3F9D] =	sst s0  }
0x9: {  	[smem:$0x3F9E] =	sst s1  }
0xa: {  	[smem:$0x3F9F] =	sst s2  }
0xb: {  	[smem:$0x3FA0] =	sst s3  }
0xc: {  	[smem:$0x3FA1] =	sst s4  }
0xd: {  	[smem:$0x3FA2] =	sst s5  }
0xe: {  	[smem:$0x3FA3] =	sst s6  }
0xf: {  	[smem:$0x3FA4] =	sst s7  }
0x10: {  	[smem:$0x3FA5] =	sst s8  }
0x11: {  	[smem:$0x3FA6] =	sst s9;
	s0 =	simm.s32 @!p0 $0x0  }
0x12: {  	s1 =	sld [smem:$0x3F8C];
	s0 =	simm.s32 @p0 $0x1  }
0x13: {  	[smem:$0x3FA7] =	sst s0;
	s0 =	simm.s32 @!p1 $0x0  }
0x14: {  	s2 =	sld [smem:$0x3F8B];
	s0 =	simm.s32 @p1 $0x1  }
0x15: {  	[smem:$0x3FA8] =	sst s0;
	s0 =	simm.s32 @!p2 $0x0  }
0x16: {  	s3 =	sld [smem:$0x3FDB];
	s0 =	simm.s32 @p2 $0x1  }
0x17: {  	s4 =	simm.s32 $0x1BF5;
	[smem:$0x3FAA] =	sst s0  }
0x18: {  	s0 =	sld [smem:$0x3F8D];
	_ =	swait.ge [sflag:s4], $0x0  }
0x19: {  	s7 =	sld [smem:$0x3F8E]  }
0x1a: {  	s8 =	sadd.s32 $0xFFFFE003, lr  }
0x1b: {  	s9 =	sadd.s32 $0xFFFFFEF7, lr;
	s5 =	simm.s32 $0xFFFFFFFF;
	p2 =	slt.u32 s8, $0xFFFFF086  }
0x1c: {  	p1 =	slt.u32 s9, $0xF7A;
	s5 =	simm.s32 @!p2 $0x0  }
0x1d: {  	s5 =	simm.s32 @p1 $0x1;
	p0 =	seq.s32 s7, s2  }
0x1e: {  	s7 =	smul.u32 @!p0 $0xF7A, s2;
	p2 =	seq.s32 @!p0 s5, $0x0  }
0x1f: {  	s9 =	smul.u32 $0xF7A, s1;
	s8 =	simm.s32 @!p0 $0x1BF5;
	p2 =	por !p2, p0  }
0x20: {  	[sflag:s8] =	ssyncset.s32 @!p0 $0xFFFFF086;
	s6 =	sadd.s32 @!p0 s3, s7;
	s7 =	simm.s32 @!p0 $0x108  }
0x21: {  	s3 =	sadd.s32 s3, s9;
	s6 =	sadd.s32 @!p0 $0x88, s6;
	s7 =	simm.s32 @p2 $0x1082  }
0x22: {  	[simem:s7], [sflag:s8] =	dma.local @!p0 [hbm:s6], $0xF7A  }
0x23: {  	s9 =	sor.u32 $0xD0000000, s2;
	s6 =	simm.s32 $0x108;
	_ =	swait.ge @!p0 [sflag:s8], $0x0  }
0x24: {  	s3 =	sadd.s32 $0x88, s3;
	s6 =	simm.s32 @!p1 $0x1082;
	[sflag:s4] =	ssyncset.s32 $0xFFFFF086  }
0x25: {  	[simem:s6], [sflag:s4] =	dma.local [hbm:s3], $0xF7A  }
0x26: {  	[smem:$0x3F8E] =	sst s1;
	(tag) =	ssettag s2;
	_ =	strace s9  }
0x27: {  	s1 =	sld [smem:$0x3F9E]  }
0x28: {  	s2 =	sld [smem:$0x3F9F]  }
0x29: {  	s4 =	sld [smem:$0x3FA1]  }
0x2a: {  	p0 =	seq.s32 s5, $0x0;
	s5 =	sld [smem:$0x3FA2]  }
0x2b: {  	s6 =	sld [smem:$0x3FA3]  }
0x2c: {  	s7 =	sld [smem:$0x3FA4]  }
0x2d: {  	s3 =	simm.s32 $0x108;
	s8 =	sld [smem:$0x3FA5]  }
0x2e: {  	s3 =	simm.s32 @!p0 $0x1082;
	s9 =	sld [smem:$0x3FA6]  }
0x2f: {  	lr =	sadd.s32 s0, s3;
	s0 =	sld [smem:$0x3F9D]  }
0x30: {  	s3 =	sld [smem:$0x3FA0]  }
0x31: {  	[smem:$0x3FA9] =	sst s10  }
0x32: {  	s10 =	sld [smem:$0x3FA7];
	_ =	sdelay $0x3  }
0x33: {  	p0 =	seq.s32 s10, $0x1;
	s10 =	sld [smem:$0x3FA9];
	_ =	sdelay $0x3  }
0x34: {  	[smem:$0x3FA9] =	sst s10  }
0x35: {  	s10 =	sld [smem:$0x3FA8];
	_ =	sdelay $0x3  }
0x36: {  	p1 =	seq.s32 s10, $0x1;
	s10 =	sld [smem:$0x3FA9];
	_ =	sdelay $0x3  }
0x37: {  	[smem:$0x3FA9] =	sst s10  }
0x38: {  	s10 =	sld [smem:$0x3FAA]  }
0x39: {  	_ = 	snop;
	(pc) =	sbr.ind lr, $3  }
0x3a: {  	_ = 	snop  }
0x3b: {  	_ = 	snop  }
0x3c: {  	p2 =	seq.s32 s10, $0x1;
	s10 =	sld [smem:$0x3FA9]  }
0x3d: {  	_ =	shalt  }
0x3e: {  	_ =	shalt  }
0x3f: {  	_ =	shalt  }
0x40: {  	_ =	shalt  }
0x41: {  	_ =	shalt  }
0x42: {  	_ =	shalt  }
0x43: {  	_ =	shalt  }
0x44: {  	_ =	shalt  }
0x45: {  	_ =	shalt  }
0x46: {  	_ =	shalt  }
0x47: {  	_ =	shalt  }
0x48: {  	_ =	shalt  }
0x49: {  	_ =	shalt  }
0x4a: {  	_ =	shalt  }
0x4b: {  	_ =	shalt  }
0x4c: {  	_ =	shalt  }
0x4d: {  	_ =	shalt  }
0x4e: {  	_ =	shalt  }
0x4f: {  	_ =	shalt  }
0x50: {  	_ =	shalt  }
0x51: {  	_ =	shalt  }
0x52: {  	_ =	shalt  }
0x53: {  	_ =	shalt  }
0x54: {  	_ =	shalt  }
0x55: {  	_ =	shalt  }
0x56: {  	_ =	shalt  }
0x57: {  	_ =	shalt  }
0x58: {  	_ =	shalt  }
0x59: {  	_ =	shalt  }
0x5a: {  	_ =	shalt  }
0x5b: {  	_ =	shalt  }
0x5c: {  	_ =	shalt  }
0x5d: {  	_ =	shalt  }
0x5e: {  	_ =	shalt  }
0x5f: {  	_ =	shalt  }
0x60: {  	_ =	shalt  }
0x61: {  	_ =	shalt  }
0x62: {  	_ =	shalt  }
0x63: {  	_ =	shalt  }
0x64: {  	_ =	shalt  }
0x65: {  	_ =	shalt  }
0x66: {  	_ =	shalt  }
0x67: {  	_ =	shalt  }
0x68: {  	_ =	shalt  }
0x69: {  	_ =	shalt  }
0x6a: {  	_ =	shalt  }
0x6b: {  	_ =	shalt  }
0x6c: {  	_ =	shalt  }
0x6d: {  	_ =	shalt  }
0x6e: {  	_ =	shalt  }
0x6f: {  	_ =	shalt  }
0x70: {  	_ =	shalt  }
0x71: {  	_ =	shalt  }
0x72: {  	_ =	shalt  }
0x73: {  	_ =	shalt  }
0x74: {  	_ =	shalt  }
0x75: {  	_ =	shalt  }
0x76: {  	_ =	shalt  }
0x77: {  	_ =	shalt  }
0x78: {  	_ =	shalt  }
0x79: {  	_ =	shalt  }
0x7a: {  	_ =	shalt  }
0x7b: {  	_ =	shalt  }
0x7c: {  	_ =	shalt  }
0x7d: {  	_ =	shalt  }
0x7e: {  	_ =	shalt  }
0x7f: {  	_ =	shalt  }
0x80: {  	_ =	shalt  }
0x81: {  	_ =	shalt  }
0x82: {  	_ =	shalt  }
0x83: {  	_ =	shalt  }
0x84: {  	_ =	shalt  }
0x85: {  	_ =	shalt  }
0x86: {  	_ =	shalt  }
0x87: {  	_ =	shalt  }
.Lfunc_end0:
.L_simem_size_0:
called_computation.4_lowered:
.L_overlay_start_0:
0x88: {  	s2 =	sld [smem:$0x3FD9]  }
0x89: {  	s3 =	sld [smem:$0x3FFE];
	_ =	sdelay $0x1  }
0x8a: {  	s1 =	srdreg.scid  }
0x8b: {  	s0 =	sand.u32 $0x1, s1  }
0x8c: {  	s16 =	sshll.u32 s0, $0xA;
	s2 =	sadd.s32 s3, s2  }
0x8d: {  	s2 =	sadd.s32 s2, s16  }
0x8e: {  	[smem:$0x3FB5] =	sst s2  }
0x8f: {  	_ = 	snop  }
0x90: {  	(tm) =	ssettm $0x1  }
0x91: {  	s17 =	sld [smem:$0x3FFB];
	_ =	sdelay $0x3  }
0x92: {  	_ =	strace s17  }
0x93: {  	s2 =	sld [smem:$0x3FFC];
	_ =	sdelay $0x3  }
0x94: {  	_ =	strace s2  }
0x95: {  	s2 =	sld [smem:$0x3FFD];
	_ =	sdelay $0x3  }
0x96: {  	_ =	strace s2  }
0x97: {  	_ =	strace $0x8FFFFFFF  }
0x98: {  	s18 =	sld [smem:$0x3FDB];
	_ =	sdelay $0x1  }
0x99: {  	s19 =	simm.s32 $_scs_section_size  }
0x9a: {  	s4 =	simm.s32 $_size__tile_overlayer_lowered;
	s5 =	simm.s32 $_tile_overlayer_lowered  }
0x9b: {  	s22 =	simm.s32 $0x1BFF;
	s21 =	sshll.u32 s5, $0x1;
	s2 =	sadd.s32 s19, s18  }
0x9c: {  	s6 =	simm.s32 $0x0;
	s20 =	sshll.u32 s4, $0x1;
	s4 =	sadd.s32 s21, s2  }
0x9d: {  	[timem:s6], [sflag:s22] =	dma.local [hbm:s4], s20  }
0x9e: {  	_ =	swait.ge [sflag:s22], s20  }
0x9f: {  	s3 =	ssub.s32 $0x0, s20;
	[sflag:s22] =	ssyncset.done $0x0  }
0xa0: {  	[sflag:s22] =	ssyncadd.s32 s3;
	_ =	sdelay $0x1  }
0xa1: {  	s23 =	simm.s32 $0x1B8B  }
0xa2: {  	_ =	swait.ge [sflag:s23], $0x1  }
0xa3: {  	[sflag:s23] =	ssyncset.done $0x0  }
0xa4: {  	s25 =	simm.s32 $0x1B8E;
	s24 =	sld [smem:$0x3FFE];
	[sflag:s23] =	ssyncadd.s32 $0xFFFFFFFF  }
0xa5: {  	s26 =	simm.s32 $execute0_lowered;
	[smem:$0x3FD2] =	sst s25  }
0xa6: {  	s4 =	sshll.u32 s26, $0x1;
	_ =	strace $0x8000004F;
	[dreg:$0x1] =	wrdreg $0xFFFFFFFF  }
0xa7: {  	s28 =	simm.s32 $_size_execute0_lowered;
	s2 =	sadd.s32 s2, s4;
	[dreg:$0x0] =	wrdreg $0x0  }
0xa8: {  	s4 =	sshll.u32 s28, $0x1;
	[dreg:$0x2] =	wrdreg s2  }
0xa9: {  	[dreg:$0x3] =	wrdreg s4  }
0xaa: {  	[dreg:$0x4] =	wrdreg $0xC0  }
0xab: {  	_ =	task [dreg:s6], $0x5FFFF  }
0xac: {  	[dreg:$0x1] =	wrdreg $0xFFFFFFFF  }
0xad: {  	[dreg:$0x0] =	wrdreg $0x60  }
0xae: {  	[dreg:$0x2] =	wrdreg s24  }
0xaf: {  	[dreg:$0x3] =	wrdreg $0xA  }
0xb0: {  	_ =	task.clear_ibuf [dreg:s6], $0x4FFFF;
	_ =	strace $0x9000004F  }
0xb1: {  	s29 =	simm.s32 $0xA;
	_ =	strace $0x80000051  }
0xb2: {  	_ =	swait.ge [sflag:s29], $0x1  }
0xb3: {  	[sflag:s29] =	ssyncadd.s32 $0xFFFFFFFF  }
0xb4: {  	_ =	strace $0x90000051  }
0xb5: {  	_ =	sfence  }
0xb6: {  	s30 =	sld [smem:$0x0];
	_ =	sdelay $0x2  }
0xb7: {  	s31 =	sshll.u32 s1, $0xD;
	s1 =	sshrl.u32 s1, $0x2  }
0xb8: {  	s3 =	sand.u32 $0x4000, s31;
	s1 =	sadd.s32 s1, s30  }
0xb9: {  	s0 =	sor.u32 s3, s0;
	s1 =	sshll.u32 s1, $0x11  }
0xba: {  	s0 =	sor.u32 s1, s0  }
0xbb: {  	s0 =	sadd.s32 $0x8F2B, s0  }
0xbc: {  	[sflag:s0] =	ssyncadd.remote.s32 $0x1  }
0xbd: {  	_ =	sfence.sel $0xFFFF  }
0xbe: {  	[dreg:$0x0] =	wrdreg $0xFFFFFFFF;
	(pc) =	sbr.abs _section_cstart, $3  }
0xbf: {  	[dreg:$0x1] =	wrdreg $0xFFFFFFFF  }
0xc0: {  	_ =	task.clear_ibuf [dreg:s6], $0x2FFFF;
	_ =	strace $0x9FFFFFFF  }
0xc1: {  	(tm) =	ssettm $0x7FFFFFFF  }
tec
execute0_lowered:
.L_overlay_start_1:
0x0: {  	(tag) =	ssettag $0x1  }
0x1: {  	s1 =	srdreg.scid  }
0x2: {  	s0 =	stileid.u32;
	s10 =	sand.u32 $0x1, s1  }
0x3: {  	s29 =	sshll.u32 s0, $0x9;
	s2 =	sshll.u32 s10, $0x8  }
0x4: {  	s11 =	rddreg [dreg:$0x0];
	s12 =	sor.u32 s2, s29  }
0x5: {  	s1 =	rddreg [dreg:$0x1];
	s2 =	simm.s32 $0x0;
	s3 =	sshrl.u32 s12, $0x3  }
0x6: {  	[smem:$0x7FF] =	sst s2;
	s3 =	sadd.s32 s3, s11  }
0x7: {  	_ =	strace $0x80000050;
	s4 =	sadd.s32 $0x60000, s3;
	s3 =	simm.s32 $0x2  }
0x8: {  	[tilespmem:s2], [sflag:$0x2] =	stream.linear.gather [hbm4b:s4+s2], $0x100, $0x38;
	[tilespmem:$0x8100] =	vst v63  }
0x9: {  	_ =	swait.ge [sflag:s3], $0x100  }
0xa: {  	s6 =	simm.s32 $0x80;
	[sflag:s3] =	ssyncset.done $0x0  }
0xb: {  	s7 =	simm.s32 $0x100;
	s5 =	sadd.s32 $0xD1800, s11;
	[sflag:s3] =	ssyncadd.s32 $0xFFFFFF00  }
0xc: {  	[tilespmem:s7], [sflag:$0x1] =	stream.indirect.gather [hbm4b:s5+s6], $0x80, s2, s6, $0xb8;
	[tilespmem:$0x8100] =	vst v63  }
0xd: {  	s8 =	simm.s32 $0x4100;
	s9 =	simm.s32 $0x1;
	s10 =	ssub.s32 $0x2, s10  }
0xe: {  	[tilespmem:s8], [sflag:$0x1] =	stream.indirect.gather [hbm4b:s5+s6], $0x80, s6, s6, $0xb8;
	[tilespmem:$0x8100] =	vst v63  }
0xf: {  	s13 =	sshrl.u32 s10, $0x1;
	_ =	swait.ge [sflag:s9], $0x4000  }
0x10: {  	s30 =	ssub.s32 s10, s13;
	[sflag:s9] =	ssyncset.done $0x0  }
0x11: {  	s31 =	smax.u32 s30, $0x1;
	[sflag:s9] =	ssyncadd.s32 $0xFFFFC000  }
0x12: {  	s12 =	sshll.u32 s12, $0x4;
	p0 =	sne.s32 s31, $0x1;
	_ =	swait.ge [sflag:s9], $0x4000  }
.Ltmp0:
0x13: {  	s11 =	sadd.s32 s12, s11;
	[sflag:s9] =	ssyncset.done $0x0;
	(pc) =	sbr.rel @!p0 .LBB2_2-.Ltmp0, $4  }
0x14: {  	s10 =	sadd.s32 $0x60400, s11;
	[sflag:s9] =	ssyncadd.s32 $0xFFFFC000  }
0x15: {  	[hbm4b:s10+s2] =	stream.linear.scatter [tilespmem:s7], [sflag:$0x2], $0x8000, $0x38;
	[tilespmem:$0x8100] =	vst v63  }
0x16: {  	_ =	swait.ge [sflag:s3], $0x8000  }
0x17: {  	s11 =	sadd.s32 $0xFFFFFFFF, s31;
	[sflag:s3] =	ssyncset.done $0x0  }
.LBB2_1:
0x18: {  	p0 =	sne.s32 s11, $0x1;
	s11 =	sadd.s32 $0xFFFFFFFF, s11;
	[sflag:s3] =	ssyncadd.s32 $0xFFFF8000  }
0x19: {  	[tilespmem:s2], [sflag:$0x2] =	stream.linear.gather [hbm4b:s4+s2], $0x100, $0x38;
	[tilespmem:$0x8100] =	vst v63  }
0x1a: {  	_ =	swait.ge [sflag:s3], $0x100  }
0x1b: {  	[sflag:s3] =	ssyncset.done $0x0  }
0x1c: {  	[sflag:s3] =	ssyncadd.s32 $0xFFFFFF00  }
0x1d: {  	[tilespmem:s7], [sflag:$0x1] =	stream.indirect.gather [hbm4b:s5+s6], $0x80, s2, s6, $0xb8;
	[tilespmem:$0x8100] =	vst v63  }
0x1e: {  	_ = 	snop  }
0x1f: {  	[tilespmem:s8], [sflag:$0x1] =	stream.indirect.gather [hbm4b:s5+s6], $0x80, s6, s6, $0xb8;
	[tilespmem:$0x8100] =	vst v63  }
0x20: {  	_ =	swait.ge [sflag:s9], $0x4000  }
0x21: {  	[sflag:s9] =	ssyncset.done $0x0  }
0x22: {  	[sflag:s9] =	ssyncadd.s32 $0xFFFFC000  }
0x23: {  	_ =	swait.ge [sflag:s9], $0x4000  }
.Ltmp1:
0x24: {  	[sflag:s9] =	ssyncset.done $0x0;
	(pc) =	sbr.rel @p0 .LBB2_1-.Ltmp1, $4  }
0x25: {  	[sflag:s9] =	ssyncadd.s32 $0xFFFFC000  }
0x26: {  	[hbm4b:s10+s2] =	stream.linear.scatter [tilespmem:s7], [sflag:$0x2], $0x8000, $0x38;
	[tilespmem:$0x8100] =	vst v63  }
0x27: {  	_ =	swait.ge [sflag:s3], $0x8000  }
0x28: {  	[sflag:s3] =	ssyncset.done $0x0  }
.LBB2_2:
0x29: {  	[sflag:s3] =	ssyncadd.s32 $0xFFFF8000  }
0x2a: {  	_ =	sfence.sel $0x180000  }
0x2b: {  	[bflag:$0x0] =	sbarrier.arrive $0xFFFF  }
0x2c: {  	p0 =	sne.s32 s0, $0x0;
	_ =	strace $0x90000050  }
0x2d: {  	s0 =	sadd.s32 @!p0 $0x100000, s1;
	[bflag:$0x2] =	sbarrier.arrive $0xFFFF  }
0x2e: {  	[sflag:s0] =	ssyncadd.tile.s32 @!p0 $0x1;
	_ =	shalt  }
.Lfunc_end2:
_tile_overlayer_lowered:
.L_overlay_start_2:
0x2f: {  	(tag) =	ssettag $0x2  }
0x30: {  	s0 =	rddreg [dreg:$0x0];
	s2 =	stileid.u32  }
0x31: {  	s1 =	rddreg [dreg:$0x1];
	p0 =	sne.s32 s2, $0x0  }
0x32: {  	s3 =	rddreg [dreg:$0x2];
	[bflag:$0x3] =	sbarrier.arrive $0xFFFF;
	s2 =	simm.s32 @!p0 $0x1C02  }
0x33: {  	[timem:s3], [sflag:s2] =	dma.local @!p0 [hbm:s0], s1  }
0x34: {  	s0 =	simm.s32 @!p0 $0x2  }
0x35: {  	_ =	swait.ge @!p0 [sflag:s0], s1  }
0x36: {  	s1 =	ssub.s32 @!p0 $0x0, s1;
	[sflag:s0] =	ssyncset.done @!p0 $0x0  }
0x37: {  	[sflag:s0] =	ssyncadd.s32 @!p0 s1  }
0x38: {  	[bflag:$0x3] =	sbarrier.arrive $0xFFFF  }
0x39: {  	_ =	shalt  }

// kernel: kernel.39.cloned.1.call-start
scs
__scs_entry_jumppad:
0x0: {  	(pc) =	sbr.rel $0x88, $3  }
0x1: {  	(tag) =	ssettag $0x0;
	lr =	simm.s32 $0x1  }
0x2: {  	[smem:$0x3F8E] =	sst lr;
	_ =	strace $0xD0000000  }
0x3: {  	_ = 	snop  }
0x4: {  	_ = 	snop  }
0x5: {  	_ = 	snop  }
0x6: {  	_ = 	snop  }
0x7: {  	_ = 	snop  }
__scs_overlays_trampoline_lowered:
0x8: {  	[smem:$0x3F9D] =	sst s0  }
0x9: {  	[smem:$0x3F9E] =	sst s1  }
0xa: {  	[smem:$0x3F9F] =	sst s2  }
0xb: {  	[smem:$0x3FA0] =	sst s3  }
0xc: {  	[smem:$0x3FA1] =	sst s4  }
0xd: {  	[smem:$0x3FA2] =	sst s5  }
0xe: {  	[smem:$0x3FA3] =	sst s6  }
0xf: {  	[smem:$0x3FA4] =	sst s7  }
0x10: {  	[smem:$0x3FA5] =	sst s8  }
0x11: {  	[smem:$0x3FA6] =	sst s9;
	s0 =	simm.s32 @!p0 $0x0  }
0x12: {  	s1 =	sld [smem:$0x3F8C];
	s0 =	simm.s32 @p0 $0x1  }
0x13: {  	[smem:$0x3FA7] =	sst s0;
	s0 =	simm.s32 @!p1 $0x0  }
0x14: {  	s2 =	sld [smem:$0x3F8B];
	s0 =	simm.s32 @p1 $0x1  }
0x15: {  	[smem:$0x3FA8] =	sst s0;
	s0 =	simm.s32 @!p2 $0x0  }
0x16: {  	s3 =	sld [smem:$0x3FDB];
	s0 =	simm.s32 @p2 $0x1  }
0x17: {  	s4 =	simm.s32 $0x1BF5;
	[smem:$0x3FAA] =	sst s0  }
0x18: {  	s0 =	sld [smem:$0x3F8D];
	_ =	swait.ge [sflag:s4], $0x0  }
0x19: {  	s7 =	sld [smem:$0x3F8E]  }
0x1a: {  	s8 =	sadd.s32 $0xFFFFE003, lr  }
0x1b: {  	s9 =	sadd.s32 $0xFFFFFEF7, lr;
	s5 =	simm.s32 $0xFFFFFFFF;
	p2 =	slt.u32 s8, $0xFFFFF086  }
0x1c: {  	p1 =	slt.u32 s9, $0xF7A;
	s5 =	simm.s32 @!p2 $0x0  }
0x1d: {  	s5 =	simm.s32 @p1 $0x1;
	p0 =	seq.s32 s7, s2  }
0x1e: {  	s7 =	smul.u32 @!p0 $0xF7A, s2;
	p2 =	seq.s32 @!p0 s5, $0x0  }
0x1f: {  	s9 =	smul.u32 $0xF7A, s1;
	s8 =	simm.s32 @!p0 $0x1BF5;
	p2 =	por !p2, p0  }
0x20: {  	[sflag:s8] =	ssyncset.s32 @!p0 $0xFFFFF086;
	s6 =	sadd.s32 @!p0 s3, s7;
	s7 =	simm.s32 @!p0 $0x108  }
0x21: {  	s3 =	sadd.s32 s3, s9;
	s6 =	sadd.s32 @!p0 $0x88, s6;
	s7 =	simm.s32 @p2 $0x1082  }
0x22: {  	[simem:s7], [sflag:s8] =	dma.local @!p0 [hbm:s6], $0xF7A  }
0x23: {  	s9 =	sor.u32 $0xD0000000, s2;
	s6 =	simm.s32 $0x108;
	_ =	swait.ge @!p0 [sflag:s8], $0x0  }
0x24: {  	s3 =	sadd.s32 $0x88, s3;
	s6 =	simm.s32 @!p1 $0x1082;
	[sflag:s4] =	ssyncset.s32 $0xFFFFF086  }
0x25: {  	[simem:s6], [sflag:s4] =	dma.local [hbm:s3], $0xF7A  }
0x26: {  	[smem:$0x3F8E] =	sst s1;
	(tag) =	ssettag s2;
	_ =	strace s9  }
0x27: {  	s1 =	sld [smem:$0x3F9E]  }
0x28: {  	s2 =	sld [smem:$0x3F9F]  }
0x29: {  	s4 =	sld [smem:$0x3FA1]  }
0x2a: {  	p0 =	seq.s32 s5, $0x0;
	s5 =	sld [smem:$0x3FA2]  }
0x2b: {  	s6 =	sld [smem:$0x3FA3]  }
0x2c: {  	s7 =	sld [smem:$0x3FA4]  }
0x2d: {  	s3 =	simm.s32 $0x108;
	s8 =	sld [smem:$0x3FA5]  }
0x2e: {  	s3 =	simm.s32 @!p0 $0x1082;
	s9 =	sld [smem:$0x3FA6]  }
0x2f: {  	lr =	sadd.s32 s0, s3;
	s0 =	sld [smem:$0x3F9D]  }
0x30: {  	s3 =	sld [smem:$0x3FA0]  }
0x31: {  	[smem:$0x3FA9] =	sst s10  }
0x32: {  	s10 =	sld [smem:$0x3FA7];
	_ =	sdelay $0x3  }
0x33: {  	p0 =	seq.s32 s10, $0x1;
	s10 =	sld [smem:$0x3FA9];
	_ =	sdelay $0x3  }
0x34: {  	[smem:$0x3FA9] =	sst s10  }
0x35: {  	s10 =	sld [smem:$0x3FA8];
	_ =	sdelay $0x3  }
0x36: {  	p1 =	seq.s32 s10, $0x1;
	s10 =	sld [smem:$0x3FA9];
	_ =	sdelay $0x3  }
0x37: {  	[smem:$0x3FA9] =	sst s10  }
0x38: {  	s10 =	sld [smem:$0x3FAA]  }
0x39: {  	_ = 	snop;
	(pc) =	sbr.ind lr, $3  }
0x3a: {  	_ = 	snop  }
0x3b: {  	_ = 	snop  }
0x3c: {  	p2 =	seq.s32 s10, $0x1;
	s10 =	sld [smem:$0x3FA9]  }
0x3d: {  	_ =	shalt  }
0x3e: {  	_ =	shalt  }
0x3f: {  	_ =	shalt  }
0x40: {  	_ =	shalt  }
0x41: {  	_ =	shalt  }
0x42: {  	_ =	shalt  }
0x43: {  	_ =	shalt  }
0x44: {  	_ =	shalt  }
0x45: {  	_ =	shalt  }
0x46: {  	_ =	shalt  }
0x47: {  	_ =	shalt  }
0x48: {  	_ =	shalt  }
0x49: {  	_ =	shalt  }
0x4a: {  	_ =	shalt  }
0x4b: {  	_ =	shalt  }
0x4c: {  	_ =	shalt  }
0x4d: {  	_ =	shalt  }
0x4e: {  	_ =	shalt  }
0x4f: {  	_ =	shalt  }
0x50: {  	_ =	shalt  }
0x51: {  	_ =	shalt  }
0x52: {  	_ =	shalt  }
0x53: {  	_ =	shalt  }
0x54: {  	_ =	shalt  }
0x55: {  	_ =	shalt  }
0x56: {  	_ =	shalt  }
0x57: {  	_ =	shalt  }
0x58: {  	_ =	shalt  }
0x59: {  	_ =	shalt  }
0x5a: {  	_ =	shalt  }
0x5b: {  	_ =	shalt  }
0x5c: {  	_ =	shalt  }
0x5d: {  	_ =	shalt  }
0x5e: {  	_ =	shalt  }
0x5f: {  	_ =	shalt  }
0x60: {  	_ =	shalt  }
0x61: {  	_ =	shalt  }
0x62: {  	_ =	shalt  }
0x63: {  	_ =	shalt  }
0x64: {  	_ =	shalt  }
0x65: {  	_ =	shalt  }
0x66: {  	_ =	shalt  }
0x67: {  	_ =	shalt  }
0x68: {  	_ =	shalt  }
0x69: {  	_ =	shalt  }
0x6a: {  	_ =	shalt  }
0x6b: {  	_ =	shalt  }
0x6c: {  	_ =	shalt  }
0x6d: {  	_ =	shalt  }
0x6e: {  	_ =	shalt  }
0x6f: {  	_ =	shalt  }
0x70: {  	_ =	shalt  }
0x71: {  	_ =	shalt  }
0x72: {  	_ =	shalt  }
0x73: {  	_ =	shalt  }
0x74: {  	_ =	shalt  }
0x75: {  	_ =	shalt  }
0x76: {  	_ =	shalt  }
0x77: {  	_ =	shalt  }
0x78: {  	_ =	shalt  }
0x79: {  	_ =	shalt  }
0x7a: {  	_ =	shalt  }
0x7b: {  	_ =	shalt  }
0x7c: {  	_ =	shalt  }
0x7d: {  	_ =	shalt  }
0x7e: {  	_ =	shalt  }
0x7f: {  	_ =	shalt  }
0x80: {  	_ =	shalt  }
0x81: {  	_ =	shalt  }
0x82: {  	_ =	shalt  }
0x83: {  	_ =	shalt  }
0x84: {  	_ =	shalt  }
0x85: {  	_ =	shalt  }
0x86: {  	_ =	shalt  }
0x87: {  	_ =	shalt  }
.Lfunc_end0:
.L_simem_size_0:
called_computation.5_lowered:
.L_overlay_start_0:
0x88: {  	s2 =	sld [smem:$0x3FD9]  }
0x89: {  	s3 =	sld [smem:$0x3FFE];
	_ =	sdelay $0x1  }
0x8a: {  	s1 =	srdreg.scid  }
0x8b: {  	s0 =	sand.u32 $0x1, s1  }
0x8c: {  	s16 =	sshll.u32 s0, $0xA;
	s2 =	sadd.s32 s3, s2  }
0x8d: {  	s2 =	sadd.s32 s2, s16  }
0x8e: {  	[smem:$0x3FB5] =	sst s2  }
0x8f: {  	_ = 	snop  }
0x90: {  	(tm) =	ssettm $0x1  }
0x91: {  	s17 =	sld [smem:$0x3FFB];
	_ =	sdelay $0x3  }
0x92: {  	_ =	strace s17  }
0x93: {  	s2 =	sld [smem:$0x3FFC];
	_ =	sdelay $0x3  }
0x94: {  	_ =	strace s2  }
0x95: {  	s2 =	sld [smem:$0x3FFD];
	_ =	sdelay $0x3  }
0x96: {  	_ =	strace s2  }
0x97: {  	_ =	strace $0x8FFFFFFF  }
0x98: {  	s18 =	sld [smem:$0x3FDB];
	_ =	sdelay $0x1  }
0x99: {  	s19 =	simm.s32 $_scs_section_size  }
0x9a: {  	s4 =	simm.s32 $_size__tile_overlayer_lowered;
	s5 =	simm.s32 $_tile_overlayer_lowered  }
0x9b: {  	s22 =	simm.s32 $0x1BFF;
	s21 =	sshll.u32 s5, $0x1;
	s2 =	sadd.s32 s19, s18  }
0x9c: {  	s6 =	simm.s32 $0x0;
	s20 =	sshll.u32 s4, $0x1;
	s4 =	sadd.s32 s21, s2  }
0x9d: {  	[timem:s6], [sflag:s22] =	dma.local [hbm:s4], s20  }
0x9e: {  	_ =	swait.ge [sflag:s22], s20  }
0x9f: {  	s3 =	ssub.s32 $0x0, s20;
	[sflag:s22] =	ssyncset.done $0x0  }
0xa0: {  	[sflag:s22] =	ssyncadd.s32 s3;
	_ =	sdelay $0x1  }
0xa1: {  	s23 =	simm.s32 $0x1B8B  }
0xa2: {  	_ =	swait.ge [sflag:s23], $0x1  }
0xa3: {  	[sflag:s23] =	ssyncset.done $0x0  }
0xa4: {  	s25 =	simm.s32 $0x1B8E;
	s24 =	sld [smem:$0x3FFE];
	[sflag:s23] =	ssyncadd.s32 $0xFFFFFFFF  }
0xa5: {  	s26 =	simm.s32 $execute0_lowered;
	[smem:$0x3FD2] =	sst s25  }
0xa6: {  	s4 =	sshll.u32 s26, $0x1;
	_ =	strace $0x80000055;
	[dreg:$0x1] =	wrdreg $0xFFFFFFFF  }
0xa7: {  	s28 =	simm.s32 $_size_execute0_lowered;
	s2 =	sadd.s32 s2, s4;
	[dreg:$0x0] =	wrdreg $0x0  }
0xa8: {  	s4 =	sshll.u32 s28, $0x1;
	[dreg:$0x2] =	wrdreg s2  }
0xa9: {  	[dreg:$0x3] =	wrdreg s4  }
0xaa: {  	[dreg:$0x4] =	wrdreg $0xC0  }
0xab: {  	_ =	task [dreg:s6], $0x5FFFF  }
0xac: {  	[dreg:$0x1] =	wrdreg $0xFFFFFFFF  }
0xad: {  	[dreg:$0x0] =	wrdreg $0x60  }
0xae: {  	[dreg:$0x2] =	wrdreg s24  }
0xaf: {  	[dreg:$0x3] =	wrdreg $0x83000  }
0xb0: {  	[dreg:$0x4] =	wrdreg $0x9  }
0xb1: {  	_ =	task.clear_ibuf [dreg:s6], $0x5FFFF;
	_ =	strace $0x90000055  }
0xb2: {  	s29 =	simm.s32 $0x9;
	_ =	strace $0x80000057  }
0xb3: {  	_ =	swait.ge [sflag:s29], $0x1  }
0xb4: {  	[sflag:s29] =	ssyncadd.s32 $0xFFFFFFFF  }
0xb5: {  	_ =	strace $0x90000057  }
0xb6: {  	_ =	sfence  }
0xb7: {  	s30 =	sld [smem:$0x0];
	_ =	sdelay $0x2  }
0xb8: {  	s31 =	sshll.u32 s1, $0xD;
	s1 =	sshrl.u32 s1, $0x2  }
0xb9: {  	s3 =	sand.u32 $0x4000, s31;
	s1 =	sadd.s32 s1, s30  }
0xba: {  	s0 =	sor.u32 s3, s0;
	s1 =	sshll.u32 s1, $0x11  }
0xbb: {  	s0 =	sor.u32 s1, s0  }
0xbc: {  	s0 =	sadd.s32 $0x8F2B, s0  }
0xbd: {  	[sflag:s0] =	ssyncadd.remote.s32 $0x1  }
0xbe: {  	_ =	sfence.sel $0xFFFF  }
0xbf: {  	[dreg:$0x0] =	wrdreg $0xFFFFFFFF;
	(pc) =	sbr.abs _section_cstart, $3  }
0xc0: {  	[dreg:$0x1] =	wrdreg $0xFFFFFFFF  }
0xc1: {  	_ =	task.clear_ibuf [dreg:s6], $0x2FFFF;
	_ =	strace $0x9FFFFFFF  }
0xc2: {  	(tm) =	ssettm $0x7FFFFFFF  }
0xc3: {  	_ =	shalt  }
tec
execute0_lowered:
.L_overlay_start_1:
0x0: {  	(tag) =	ssettag $0x1  }
0x1: {  	s26 =	rddreg [dreg:$0x0]  }
0x2: {  	s1 =	rddreg [dreg:$0x1]  }
0x3: {  	s0 =	rddreg [dreg:$0x2];
	s3 =	simm.s32 $0x0  }
0x4: {  	[smem:$0x7FF] =	sst s3;
	s2 =	sadd.s32 $0xD1000, s26  }
0x5: {  	_ =	strace $0x80000056;
	[dreg:$0x3] =	wrdreg s2;
	s2 =	stileid.u32  }
0x6: {  	s4 =	simm.s32 $0x3;
	s5 =	rddreg [dreg:$0x3];
	s6 =	smul.u32 $0x50000, s2  }
0x7: {  	[tilespmem:s3], [sflag:$0x3] =	stream.linear.gather [hbm4b:s5+s3], $0x4000, $0x38;
	[tilespmem:$0x1C300] =	vst v63  }
0x8: {  	_ =	swait.ge [sflag:s4], $0x4000  }
0x9: {  	s25 =	sshrl.u32 s6, $0x2;
	[sflag:s4] =	ssyncset.done $0x0  }
0xa: {  	s5 =	sadd.s32 s25, s1;
	[sflag:s4] =	ssyncadd.s32 $0xFFFFC000  }
0xb: {  	[spmem:s5] =	stream.linear.scatter [tilespmem:s3], [sflag:$0x3], $0x4000, $0x38;
	[tilespmem:$0x1C300] =	vst v63  }
0xc: {  	_ =	swait.ge [sflag:s4], $0x4000  }
0xd: {  	[sflag:s4] =	ssyncset.done $0x0  }
0xe: {  	s6 =	sadd.s32 $0x4000, s5;
	[sflag:s4] =	ssyncadd.s32 $0xFFFFC000  }
0xf: {  	[spmem:s6] =	stream.linear.scatter [tilespmem:s3], [sflag:$0x3], $0x4000, $0x38;
	[tilespmem:$0x1C300] =	vst v63  }
0x10: {  	_ =	swait.ge [sflag:s4], $0x4000  }
0x11: {  	[sflag:s4] =	ssyncset.done $0x0  }
0x12: {  	s7 =	sadd.s32 $0x8000, s5;
	[sflag:s4] =	ssyncadd.s32 $0xFFFFC000  }
0x13: {  	[spmem:s7] =	stream.linear.scatter [tilespmem:s3], [sflag:$0x3], $0x4000, $0x38;
	[tilespmem:$0x1C300] =	vst v63  }
0x14: {  	_ =	swait.ge [sflag:s4], $0x4000  }
0x15: {  	[sflag:s4] =	ssyncset.done $0x0  }
0x16: {  	s8 =	sadd.s32 $0xC000, s5;
	[sflag:s4] =	ssyncadd.s32 $0xFFFFC000  }
0x17: {  	[spmem:s8] =	stream.linear.scatter [tilespmem:s3], [sflag:$0x3], $0x4000, $0x38;
	[tilespmem:$0x1C300] =	vst v63  }
0x18: {  	s9 =	srdreg.scid;
	_ =	swait.ge [sflag:s4], $0x4000  }
0x19: {  	s31 =	sshll.u32 s2, $0x1;
	s25 =	sand.u32 $0x1, s9;
	[sflag:s4] =	ssyncset.done $0x0  }
0x1a: {  	s22 =	sor.u32 s25, s31;
	s9 =	sadd.s32 $0x10000, s5;
	[sflag:s4] =	ssyncadd.s32 $0xFFFFC000  }
0x1b: {  	[spmem:s9] =	stream.linear.scatter [tilespmem:s3], [sflag:$0x3], $0x4000, $0x38;
	[tilespmem:$0x1C300] =	vst v63  }
0x1c: {  	s10 =	sshll.u32 s22, $0x6;
	_ =	swait.ge [sflag:s4], $0x4000  }
0x1d: {  	s10 =	sadd.s32 s10, s26;
	[sflag:s4] =	ssyncset.done $0x0  }
0x1e: {  	s11 =	simm.s32 $0x8000;
	s10 =	sadd.s32 $0x80800, s10;
	[sflag:s4] =	ssyncadd.s32 $0xFFFFC000  }
0x1f: {  	[tilespmem:s11], [sflag:$0x3] =	stream.linear.gather [hbm4b:s10+s3], $0x180, $0x38;
	[tilespmem:$0x1C300] =	vst v63  }
0x20: {  	s12 =	sshll.u32 s22, $0x5;
	_ =	swait.ge [sflag:s4], $0x180  }
0x21: {  	s13 =	simm.s32 $0x8200;
	s12 =	sadd.s32 s12, s26;
	[sflag:s4] =	ssyncset.done $0x0  }
0x22: {  	s15 =	smul.u32 $0xC000, s22;
	s12 =	sadd.s32 $0x80400, s12;
	[sflag:s4] =	ssyncadd.s32 $0xFFFFFE80  }
0x23: {  	[tilespmem:s13], [sflag:$0x3] =	stream.linear.gather [hbm4b:s12+s3], $0x100, $0x38;
	[tilespmem:$0x1C300] =	vst v63  }
0x24: {  	s17 =	simm.s32 $0x1;
	s16 =	smul.u32 $0x1800, s22;
	_ =	swait.ge [sflag:s4], $0x100  }
0x25: {  	s14 =	sadd.s32 $0x8000, s26;
	s15 =	sshrl.u32 s15, $0x3;
	[sflag:s4] =	ssyncset.done $0x0  }
0x26: {  	s19 =	sadd.s32 s14, s15;
	s14 =	sadd.s32 s14, s16;
	[sflag:s4] =	ssyncadd.s32 $0xFFFFFF00  }
0x27: {  	[tilespmem:s3], [sflag:$0x1] =	stream.linear.gather [hbm4b:s14+s3], $0x4000, $0x38;
	[tilespmem:$0x1C300] =	vst v63  }
0x28: {  	s16 =	simm.s32 $0x4000;
	s15 =	sadd.s32 $0x800, s19;
	[bflag:$0x0] =	sbarrier.arrive $0xFFFF  }
0x29: {  	[tilespmem:s16], [sflag:$0x2] =	stream.linear.gather [hbm4b:s15+s3], $0x4000, $0x38;
	[tilespmem:$0x1C300] =	vst v63  }
0x2a: {  	_ =	swait.ge [sflag:s17], $0x4000  }
0x2b: {  	[sflag:s17] =	ssyncset.done $0x0  }
0x2c: {  	s18 =	simm.s32 $0x80;
	[sflag:s17] =	ssyncadd.s32 $0xFFFFC000  }
0x2d: {  	[spmem:s1] =	stream.indirect.scatter.add.f32 [tilespmem:s3], [sflag:$0x3], $0x80, s11, s18, $0xb8;
	[tilespmem:$0x1C300] =	vst v63  }
0x2e: {  	_ =	swait.ge [sflag:s4], $0x4000  }
0x2f: {  	[sflag:s4] =	ssyncset.done $0x0  }
0x30: {  	s20 =	simm.s32 $0x2;
	s19 =	sadd.s32 $0x1000, s19;
	[sflag:s4] =	ssyncadd.s32 $0xFFFFC000  }
0x31: {  	[tilespmem:s3], [sflag:$0x1] =	stream.linear.gather [hbm4b:s19+s3], $0x4000, $0x38;
	[tilespmem:$0x1C300] =	vst v63  }
0x32: {  	_ =	swait.ge [sflag:s20], $0x4000  }
0x33: {  	[sflag:s20] =	ssyncset.done $0x0  }
0x34: {  	s21 =	simm.s32 $0x8080;
	[sflag:s20] =	ssyncadd.s32 $0xFFFFC000  }
0x35: {  	[spmem:s1] =	stream.indirect.scatter.add.f32 [tilespmem:s16], [sflag:$0x3], $0x80, s21, s18, $0xb8;
	[tilespmem:$0x1C300] =	vst v63  }
0x36: {  	s22 =	sshll.u32 s22, $0xC;
	_ =	swait.ge [sflag:s4], $0x4000  }
0x37: {  	s24 =	sadd.s32 s22, s26;
	[sflag:s4] =	ssyncset.done $0x0  }
0x38: {  	s22 =	sadd.s32 $0x60400, s24;
	[sflag:s4] =	ssyncadd.s32 $0xFFFFC000  }
0x39: {  	[tilespmem:s16], [sflag:$0x2] =	stream.linear.gather [hbm4b:s22+s3], $0x4000, $0x38;
	[tilespmem:$0x1C300] =	vst v63  }
0x3a: {  	_ =	swait.ge [sflag:s17], $0x4000  }
0x3b: {  	[sflag:s17] =	ssyncset.done $0x0  }
0x3c: {  	s23 =	simm.s32 $0x8100;
	[sflag:s17] =	ssyncadd.s32 $0xFFFFC000  }
0x3d: {  	[spmem:s1] =	stream.indirect.scatter.add.f32 [tilespmem:s3], [sflag:$0x3], $0x80, s23, s18, $0xb8;
	[tilespmem:$0x1C300] =	vst v63  }
0x3e: {  	_ =	swait.ge [sflag:s4], $0x4000  }
0x3f: {  	[sflag:s4] =	ssyncset.done $0x0  }
0x40: {  	s24 =	sadd.s32 $0x60C00, s24;
	[sflag:s4] =	ssyncadd.s32 $0xFFFFC000  }
0x41: {  	[tilespmem:s3], [sflag:$0x1] =	stream.linear.gather [hbm4b:s24+s3], $0x4000, $0x38;
	[tilespmem:$0x1C300] =	vst v63  }
0x42: {  	_ =	swait.ge [sflag:s20], $0x4000  }
0x43: {  	s29 =	smul.u32 $0x14000, s2;
	[sflag:s20] =	ssyncset.done $0x0  }
0x44: {  	s28 =	smul.u32 $0x140000, s25;
	[sflag:s20] =	ssyncadd.s32 $0xFFFFC000  }
0x45: {  	[spmem:s1] =	stream.indirect.scatter.add.f32 [tilespmem:s16], [sflag:$0x3], $0x80, s13, s18, $0xb8;
	[tilespmem:$0x1C300] =	vst v63  }
0x46: {  	_ =	swait.ge [sflag:s4], $0x4000  }
0x47: {  	s28 =	sadd.s32 s29, s28;
	[sflag:s4] =	ssyncset.done $0x0  }
0x48: {  	s29 =	ssub.s32 $0x2, s25;
	s28 =	sshrl.u32 s28, $0x3;
	[sflag:s4] =	ssyncadd.s32 $0xFFFFC000  }
0x49: {  	s26 =	sadd.s32 s28, s26;
	s28 =	sshrl.u32 s29, $0x1;
	_ =	swait.ge [sflag:s17], $0x4000  }
0x4a: {  	s28 =	ssub.s32 s29, s28;
	[sflag:s17] =	ssyncset.done $0x0  }
0x4b: {  	s25 =	simm.s32 $0x8280;
	s30 =	smax.u32 s28, $0x1;
	[sflag:s17] =	ssyncadd.s32 $0xFFFFC000  }
0x4c: {  	[spmem:s1] =	stream.indirect.scatter.add.f32 [tilespmem:s3], [sflag:$0x3], $0x80, s25, s18, $0xb8;
	[tilespmem:$0x1C300] =	vst v63  }
0x4d: {  	p0 =	sne.s32 s30, $0x1;
	_ =	swait.ge [sflag:s4], $0x4000  }
.Ltmp0:
0x4e: {  	[sflag:s4] =	ssyncset.done $0x0;
	(pc) =	sbr.rel @!p0 .LBB2_2-.Ltmp0, $4  }
0x4f: {  	s26 =	sadd.s32 $0x121A00, s26;
	s28 =	sshll.u32 s2, $0x6;
	[sflag:s4] =	ssyncadd.s32 $0xFFFFC000  }
0x50: {  	s29 =	sshrl.u32 s5, $0x3;
	s28 =	sor.u32 $0x1C03, s28;
	[bflag:$0x0] =	sbarrier.arrive $0xFFFF  }
0x51: {  	[hbm:s26], [sflag:s28] =	dma.local [spmem:s29], $0x2800  }
0x52: {  	s30 =	sadd.s32 $0xFFFFFFFF, s30;
	_ =	swait.ge [sflag:s4], $0x2800  }
.LBB2_1:
0x53: {  	[sflag:s4] =	ssyncset.done $0x0  }
0x54: {  	s31 =	rddreg [dreg:$0x3];
	[sflag:s4] =	ssyncadd.s32 $0xFFFFD800  }
0x55: {  	[tilespmem:s3], [sflag:$0x3] =	stream.linear.gather [hbm4b:s31+s3], $0x4000, $0x38;
	[tilespmem:$0x1C300] =	vst v63  }
0x56: {  	_ =	swait.ge [sflag:s4], $0x4000  }
0x57: {  	[sflag:s4] =	ssyncset.done $0x0  }
0x58: {  	[sflag:s4] =	ssyncadd.s32 $0xFFFFC000  }
0x59: {  	[spmem:s5] =	stream.linear.scatter [tilespmem:s3], [sflag:$0x3], $0x4000, $0x38;
	[tilespmem:$0x1C300] =	vst v63  }
0x5a: {  	_ =	swait.ge [sflag:s4], $0x4000  }
0x5b: {  	[sflag:s4] =	ssyncset.done $0x0  }
0x5c: {  	[sflag:s4] =	ssyncadd.s32 $0xFFFFC000  }
0x5d: {  	[spmem:s6] =	stream.linear.scatter [tilespmem:s3], [sflag:$0x3], $0x4000, $0x38;
	[tilespmem:$0x1C300] =	vst v63  }
0x5e: {  	_ =	swait.ge [sflag:s4], $0x4000  }
0x5f: {  	[sflag:s4] =	ssyncset.done $0x0  }
0x60: {  	[sflag:s4] =	ssyncadd.s32 $0xFFFFC000  }
0x61: {  	[spmem:s7] =	stream.linear.scatter [tilespmem:s3], [sflag:$0x3], $0x4000, $0x38;
	[tilespmem:$0x1C300] =	vst v63  }
0x62: {  	_ =	swait.ge [sflag:s4], $0x4000  }
0x63: {  	[sflag:s4] =	ssyncset.done $0x0  }
0x64: {  	[sflag:s4] =	ssyncadd.s32 $0xFFFFC000  }
0x65: {  	[spmem:s8] =	stream.linear.scatter [tilespmem:s3], [sflag:$0x3], $0x4000, $0x38;
	[tilespmem:$0x1C300] =	vst v63  }
0x66: {  	_ =	swait.ge [sflag:s4], $0x4000  }
0x67: {  	[sflag:s4] =	ssyncset.done $0x0  }
0x68: {  	[sflag:s4] =	ssyncadd.s32 $0xFFFFC000  }
0x69: {  	[spmem:s9] =	stream.linear.scatter [tilespmem:s3], [sflag:$0x3], $0x4000, $0x38;
	[tilespmem:$0x1C300] =	vst v63  }
0x6a: {  	_ =	swait.ge [sflag:s4], $0x4000  }
0x6b: {  	[sflag:s4] =	ssyncset.done $0x0  }
0x6c: {  	[sflag:s4] =	ssyncadd.s32 $0xFFFFC000  }
0x6d: {  	[tilespmem:s11], [sflag:$0x3] =	stream.linear.gather [hbm4b:s10+s3], $0x180, $0x38;
	[tilespmem:$0x1C300] =	vst v63  }
0x6e: {  	_ =	swait.ge [sflag:s4], $0x180  }
0x6f: {  	[sflag:s4] =	ssyncset.done $0x0  }
0x70: {  	[sflag:s4] =	ssyncadd.s32 $0xFFFFFE80  }
0x71: {  	[tilespmem:s13], [sflag:$0x3] =	stream.linear.gather [hbm4b:s12+s3], $0x100, $0x38;
	[tilespmem:$0x1C300] =	vst v63  }
0x72: {  	_ =	swait.ge [sflag:s4], $0x100  }
0x73: {  	[sflag:s4] =	ssyncset.done $0x0  }
0x74: {  	[sflag:s4] =	ssyncadd.s32 $0xFFFFFF00  }
0x75: {  	[tilespmem:s3], [sflag:$0x1] =	stream.linear.gather [hbm4b:s14+s3], $0x4000, $0x38;
	[tilespmem:$0x1C300] =	vst v63  }
0x76: {  	[bflag:$0x0] =	sbarrier.arrive $0xFFFF  }
0x77: {  	[tilespmem:s16], [sflag:$0x2] =	stream.linear.gather [hbm4b:s15+s3], $0x4000, $0x38;
	[tilespmem:$0x1C300] =	vst v63  }
0x78: {  	_ =	swait.ge [sflag:s17], $0x4000  }
0x79: {  	[sflag:s17] =	ssyncset.done $0x0  }
0x7a: {  	[sflag:s17] =	ssyncadd.s32 $0xFFFFC000  }
0x7b: {  	[spmem:s1] =	stream.indirect.scatter.add.f32 [tilespmem:s3], [sflag:$0x3], $0x80, s11, s18, $0xb8;
	[tilespmem:$0x1C300] =	vst v63  }
0x7c: {  	_ =	swait.ge [sflag:s4], $0x4000  }
0x7d: {  	[sflag:s4] =	ssyncset.done $0x0  }
0x7e: {  	[sflag:s4] =	ssyncadd.s32 $0xFFFFC000  }
0x7f: {  	[tilespmem:s3], [sflag:$0x1] =	stream.linear.gather [hbm4b:s19+s3], $0x4000, $0x38;
	[tilespmem:$0x1C300] =	vst v63  }
0x80: {  	_ =	swait.ge [sflag:s20], $0x4000  }
0x81: {  	[sflag:s20] =	ssyncset.done $0x0  }
0x82: {  	[sflag:s20] =	ssyncadd.s32 $0xFFFFC000  }
0x83: {  	[spmem:s1] =	stream.indirect.scatter.add.f32 [tilespmem:s16], [sflag:$0x3], $0x80, s21, s18, $0xb8;
	[tilespmem:$0x1C300] =	vst v63  }
0x84: {  	_ =	swait.ge [sflag:s4], $0x4000  }
0x85: {  	[sflag:s4] =	ssyncset.done $0x0  }
0x86: {  	[sflag:s4] =	ssyncadd.s32 $0xFFFFC000  }
0x87: {  	[tilespmem:s16], [sflag:$0x2] =	stream.linear.gather [hbm4b:s22+s3], $0x4000, $0x38;
	[tilespmem:$0x1C300] =	vst v63  }
0x88: {  	_ =	swait.ge [sflag:s17], $0x4000  }
0x89: {  	[sflag:s17] =	ssyncset.done $0x0  }
0x8a: {  	[sflag:s17] =	ssyncadd.s32 $0xFFFFC000  }
0x8b: {  	[spmem:s1] =	stream.indirect.scatter.add.f32 [tilespmem:s3], [sflag:$0x3], $0x80, s23, s18, $0xb8;
	[tilespmem:$0x1C300] =	vst v63  }
0x8c: {  	_ =	swait.ge [sflag:s4], $0x4000  }
0x8d: {  	[sflag:s4] =	ssyncset.done $0x0  }
0x8e: {  	[sflag:s4] =	ssyncadd.s32 $0xFFFFC000  }
0x8f: {  	[tilespmem:s3], [sflag:$0x1] =	stream.linear.gather [hbm4b:s24+s3], $0x4000, $0x38;
	[tilespmem:$0x1C300] =	vst v63  }
0x90: {  	_ =	swait.ge [sflag:s20], $0x4000  }
0x91: {  	[sflag:s20] =	ssyncset.done $0x0  }
0x92: {  	[sflag:s20] =	ssyncadd.s32 $0xFFFFC000  }
0x93: {  	[spmem:s1] =	stream.indirect.scatter.add.f32 [tilespmem:s16], [sflag:$0x3], $0x80, s13, s18, $0xb8;
	[tilespmem:$0x1C300] =	vst v63  }
0x94: {  	_ =	swait.ge [sflag:s4], $0x4000  }
0x95: {  	[sflag:s4] =	ssyncset.done $0x0  }
0x96: {  	[sflag:s4] =	ssyncadd.s32 $0xFFFFC000  }
0x97: {  	_ =	swait.ge [sflag:s17], $0x4000  }
0x98: {  	[sflag:s17] =	ssyncset.done $0x0  }
0x99: {  	[sflag:s17] =	ssyncadd.s32 $0xFFFFC000  }
0x9a: {  	[spmem:s1] =	stream.indirect.scatter.add.f32 [tilespmem:s3], [sflag:$0x3], $0x80, s25, s18, $0xb8;
	[tilespmem:$0x1C300] =	vst v63  }
0x9b: {  	p0 =	sne.s32 s30, $0x1;
	_ =	swait.ge [sflag:s4], $0x4000  }
.Ltmp1:
0x9c: {  	[sflag:s4] =	ssyncset.done $0x0;
	(pc) =	sbr.rel @p0 .LBB2_1-.Ltmp1, $4  }
0x9d: {  	[sflag:s4] =	ssyncadd.s32 $0xFFFFC000  }
0x9e: {  	[bflag:$0x0] =	sbarrier.arrive $0xFFFF  }
0x9f: {  	[hbm:s26], [sflag:s28] =	dma.local [spmem:s29], $0x2800  }
0xa0: {  	s30 =	sadd.s32 $0xFFFFFFFF, s30;
	_ =	swait.ge [sflag:s4], $0x2800  }
.LBB2_2:
0xa1: {  	[sflag:s4] =	ssyncset.done $0x0  }
0xa2: {  	[sflag:s4] =	ssyncadd.s32 $0xFFFFD800  }
0xa3: {  	_ =	sfence.sel $0x180000  }
0xa4: {  	[bflag:$0x0] =	sbarrier.arrive $0xFFFF  }
0xa5: {  	p0 =	sne.s32 s2, $0x0;
	_ =	strace $0x90000056  }
0xa6: {  	s0 =	sadd.s32 @!p0 $0x100000, s0;
	[bflag:$0x2] =	sbarrier.arrive $0xFFFF  }
0xa7: {  	[sflag:s0] =	ssyncadd.tile.s32 @!p0 $0x1;
	_ =	shalt  }
.Lfunc_end2:
_tile_overlayer_lowered:
.L_overlay_start_2:
0xa8: {  	(tag) =	ssettag $0x2  }
0xa9: {  	s0 =	rddreg [dreg:$0x0];
	s2 =	stileid.u32  }
0xaa: {  	s1 =	rddreg [dreg:$0x1];
	p0 =	sne.s32 s2, $0x0  }
0xab: {  	s3 =	rddreg [dreg:$0x2];
	[bflag:$0x3] =	sbarrier.arrive $0xFFFF;
	s2 =	simm.s32 @!p0 $0x1C03  }
0xac: {  	[timem:s3], [sflag:s2] =	dma.local @!p0 [hbm:s0], s1  }
0xad: {  	s0 =	simm.s32 @!p0 $0x3  }
0xae: {  	_ =	swait.ge @!p0 [sflag:s0], s1  }
0xaf: {  	s1 =	ssub.s32 @!p0 $0x0, s1;
	[sflag:s0] =	ssyncset.done @!p0 $0x0  }
0xb0: {  	[sflag:s0] =	ssyncadd.s32 @!p0 s1  }
0xb1: {  	[bflag:$0x3] =	sbarrier.arrive $0xFFFF  }
0xb2: {  	_ =	shalt  }

// kernel: kernel.42.cloned.1.call-start
scs
__scs_entry_jumppad:
0x0: {  	(pc) =	sbr.rel $0x88, $3  }
0x1: {  	(tag) =	ssettag $0x0;
	lr =	simm.s32 $0x1  }
0x2: {  	[smem:$0x3F8E] =	sst lr;
	_ =	strace $0xD0000000  }
0x3: {  	_ = 	snop  }
0x4: {  	_ = 	snop  }
0x5: {  	_ = 	snop  }
0x6: {  	_ = 	snop  }
0x7: {  	_ = 	snop  }
__scs_overlays_trampoline_lowered:
0x8: {  	[smem:$0x3F9D] =	sst s0  }
0x9: {  	[smem:$0x3F9E] =	sst s1  }
0xa: {  	[smem:$0x3F9F] =	sst s2  }
0xb: {  	[smem:$0x3FA0] =	sst s3  }
0xc: {  	[smem:$0x3FA1] =	sst s4  }
0xd: {  	[smem:$0x3FA2] =	sst s5  }
0xe: {  	[smem:$0x3FA3] =	sst s6  }
0xf: {  	[smem:$0x3FA4] =	sst s7  }
0x10: {  	[smem:$0x3FA5] =	sst s8  }
0x11: {  	[smem:$0x3FA6] =	sst s9;
	s0 =	simm.s32 @!p0 $0x0  }
0x12: {  	s1 =	sld [smem:$0x3F8C];
	s0 =	simm.s32 @p0 $0x1  }
0x13: {  	[smem:$0x3FA7] =	sst s0;
	s0 =	simm.s32 @!p1 $0x0  }
0x14: {  	s2 =	sld [smem:$0x3F8B];
	s0 =	simm.s32 @p1 $0x1  }
0x15: {  	[smem:$0x3FA8] =	sst s0;
	s0 =	simm.s32 @!p2 $0x0  }
0x16: {  	s3 =	sld [smem:$0x3FDB];
	s0 =	simm.s32 @p2 $0x1  }
0x17: {  	s4 =	simm.s32 $0x1BF5;
	[smem:$0x3FAA] =	sst s0  }
0x18: {  	s0 =	sld [smem:$0x3F8D];
	_ =	swait.ge [sflag:s4], $0x0  }
0x19: {  	s7 =	sld [smem:$0x3F8E]  }
0x1a: {  	s8 =	sadd.s32 $0xFFFFE003, lr  }
0x1b: {  	s9 =	sadd.s32 $0xFFFFFEF7, lr;
	s5 =	simm.s32 $0xFFFFFFFF;
	p2 =	slt.u32 s8, $0xFFFFF086  }
0x1c: {  	p1 =	slt.u32 s9, $0xF7A;
	s5 =	simm.s32 @!p2 $0x0  }
0x1d: {  	s5 =	simm.s32 @p1 $0x1;
	p0 =	seq.s32 s7, s2  }
0x1e: {  	s7 =	smul.u32 @!p0 $0xF7A, s2;
	p2 =	seq.s32 @!p0 s5, $0x0  }
0x1f: {  	s9 =	smul.u32 $0xF7A, s1;
	s8 =	simm.s32 @!p0 $0x1BF5;
	p2 =	por !p2, p0  }
0x20: {  	[sflag:s8] =	ssyncset.s32 @!p0 $0xFFFFF086;
	s6 =	sadd.s32 @!p0 s3, s7;
	s7 =	simm.s32 @!p0 $0x108  }
0x21: {  	s3 =	sadd.s32 s3, s9;
	s6 =	sadd.s32 @!p0 $0x88, s6;
	s7 =	simm.s32 @p2 $0x1082  }
0x22: {  	[simem:s7], [sflag:s8] =	dma.local @!p0 [hbm:s6], $0xF7A  }
0x23: {  	s9 =	sor.u32 $0xD0000000, s2;
	s6 =	simm.s32 $0x108;
	_ =	swait.ge @!p0 [sflag:s8], $0x0  }
0x24: {  	s3 =	sadd.s32 $0x88, s3;
	s6 =	simm.s32 @!p1 $0x1082;
	[sflag:s4] =	ssyncset.s32 $0xFFFFF086  }
0x25: {  	[simem:s6], [sflag:s4] =	dma.local [hbm:s3], $0xF7A  }
0x26: {  	[smem:$0x3F8E] =	sst s1;
	(tag) =	ssettag s2;
	_ =	strace s9  }
0x27: {  	s1 =	sld [smem:$0x3F9E]  }
0x28: {  	s2 =	sld [smem:$0x3F9F]  }
0x29: {  	s4 =	sld [smem:$0x3FA1]  }
0x2a: {  	p0 =	seq.s32 s5, $0x0;
	s5 =	sld [smem:$0x3FA2]  }
0x2b: {  	s6 =	sld [smem:$0x3FA3]  }
0x2c: {  	s7 =	sld [smem:$0x3FA4]  }
0x2d: {  	s3 =	simm.s32 $0x108;
	s8 =	sld [smem:$0x3FA5]  }
0x2e: {  	s3 =	simm.s32 @!p0 $0x1082;
	s9 =	sld [smem:$0x3FA6]  }
0x2f: {  	lr =	sadd.s32 s0, s3;
	s0 =	sld [smem:$0x3F9D]  }
0x30: {  	s3 =	sld [smem:$0x3FA0]  }
0x31: {  	[smem:$0x3FA9] =	sst s10  }
0x32: {  	s10 =	sld [smem:$0x3FA7];
	_ =	sdelay $0x3  }
0x33: {  	p0 =	seq.s32 s10, $0x1;
	s10 =	sld [smem:$0x3FA9];
	_ =	sdelay $0x3  }
0x34: {  	[smem:$0x3FA9] =	sst s10  }
0x35: {  	s10 =	sld [smem:$0x3FA8];
	_ =	sdelay $0x3  }
0x36: {  	p1 =	seq.s32 s10, $0x1;
	s10 =	sld [smem:$0x3FA9];
	_ =	sdelay $0x3  }
0x37: {  	[smem:$0x3FA9] =	sst s10  }
0x38: {  	s10 =	sld [smem:$0x3FAA]  }
0x39: {  	_ = 	snop;
	(pc) =	sbr.ind lr, $3  }
0x3a: {  	_ = 	snop  }
0x3b: {  	_ = 	snop  }
0x3c: {  	p2 =	seq.s32 s10, $0x1;
	s10 =	sld [smem:$0x3FA9]  }
0x3d: {  	_ =	shalt  }
0x3e: {  	_ =	shalt  }
0x3f: {  	_ =	shalt  }
0x40: {  	_ =	shalt  }
0x41: {  	_ =	shalt  }
0x42: {  	_ =	shalt  }
0x43: {  	_ =	shalt  }
0x44: {  	_ =	shalt  }
0x45: {  	_ =	shalt  }
0x46: {  	_ =	shalt  }
0x47: {  	_ =	shalt  }
0x48: {  	_ =	shalt  }
0x49: {  	_ =	shalt  }
0x4a: {  	_ =	shalt  }
0x4b: {  	_ =	shalt  }
0x4c: {  	_ =	shalt  }
0x4d: {  	_ =	shalt  }
0x4e: {  	_ =	shalt  }
0x4f: {  	_ =	shalt  }
0x50: {  	_ =	shalt  }
0x51: {  	_ =	shalt  }
0x52: {  	_ =	shalt  }
0x53: {  	_ =	shalt  }
0x54: {  	_ =	shalt  }
0x55: {  	_ =	shalt  }
0x56: {  	_ =	shalt  }
0x57: {  	_ =	shalt  }
0x58: {  	_ =	shalt  }
0x59: {  	_ =	shalt  }
0x5a: {  	_ =	shalt  }
0x5b: {  	_ =	shalt  }
0x5c: {  	_ =	shalt  }
0x5d: {  	_ =	shalt  }
0x5e: {  	_ =	shalt  }
0x5f: {  	_ =	shalt  }
0x60: {  	_ =	shalt  }
0x61: {  	_ =	shalt  }
0x62: {  	_ =	shalt  }
0x63: {  	_ =	shalt  }
0x64: {  	_ =	shalt  }
0x65: {  	_ =	shalt  }
0x66: {  	_ =	shalt  }
0x67: {  	_ =	shalt  }
0x68: {  	_ =	shalt  }
0x69: {  	_ =	shalt  }
0x6a: {  	_ =	shalt  }
0x6b: {  	_ =	shalt  }
0x6c: {  	_ =	shalt  }
0x6d: {  	_ =	shalt  }
0x6e: {  	_ =	shalt  }
0x6f: {  	_ =	shalt  }
0x70: {  	_ =	shalt  }
0x71: {  	_ =	shalt  }
0x72: {  	_ =	shalt  }
0x73: {  	_ =	shalt  }
0x74: {  	_ =	shalt  }
0x75: {  	_ =	shalt  }
0x76: {  	_ =	shalt  }
0x77: {  	_ =	shalt  }
0x78: {  	_ =	shalt  }
0x79: {  	_ =	shalt  }
0x7a: {  	_ =	shalt  }
0x7b: {  	_ =	shalt  }
0x7c: {  	_ =	shalt  }
0x7d: {  	_ =	shalt  }
0x7e: {  	_ =	shalt  }
0x7f: {  	_ =	shalt  }
0x80: {  	_ =	shalt  }
0x81: {  	_ =	shalt  }
0x82: {  	_ =	shalt  }
0x83: {  	_ =	shalt  }
0x84: {  	_ =	shalt  }
0x85: {  	_ =	shalt  }
0x86: {  	_ =	shalt  }
0x87: {  	_ =	shalt  }
.Lfunc_end0:
.L_simem_size_0:
called_computation.6_lowered:
.L_overlay_start_0:
0x88: {  	s2 =	sld [smem:$0x3FD9]  }
0x89: {  	s3 =	sld [smem:$0x3FFE];
	_ =	sdelay $0x1  }
0x8a: {  	s1 =	srdreg.scid  }
0x8b: {  	s0 =	sand.u32 $0x1, s1  }
0x8c: {  	s17 =	sshll.u32 s0, $0xA;
	s2 =	sadd.s32 s3, s2  }
0x8d: {  	s2 =	sadd.s32 s2, s17  }
0x8e: {  	[smem:$0x3FB5] =	sst s2  }
0x8f: {  	_ = 	snop  }
0x90: {  	s18 =	sld [smem:$0x3FD0];
	(tm) =	ssettm $0x1  }
0x91: {  	s19 =	sld [smem:$0x3FFB];
	_ =	sdelay $0x3  }
0x92: {  	_ =	strace s19  }
0x93: {  	s2 =	sld [smem:$0x3FFC];
	_ =	sdelay $0x3  }
0x94: {  	_ =	strace s2  }
0x95: {  	s2 =	sld [smem:$0x3FFD];
	_ =	sdelay $0x3  }
0x96: {  	_ =	strace s2  }
0x97: {  	_ =	strace $0x8FFFFFFF  }
0x98: {  	s20 =	sld [smem:$0x3FDB];
	_ =	sdelay $0x1  }
0x99: {  	s4 =	simm.s32 $_scs_section_size  }
0x9a: {  	s5 =	simm.s32 $_size__tile_overlayer_lowered;
	s6 =	simm.s32 $_tile_overlayer_lowered  }
0x9b: {  	s7 =	simm.s32 $0x1BFF;
	s21 =	sshll.u32 s6, $0x1;
	s4 =	sadd.s32 s4, s20  }
0x9c: {  	s22 =	simm.s32 $0x0;
	s5 =	sshll.u32 s5, $0x1;
	s6 =	sadd.s32 s21, s4  }
0x9d: {  	[timem:s22], [sflag:s7] =	dma.local [hbm:s6], s5  }
0x9e: {  	_ =	swait.ge [sflag:s7], s5  }
0x9f: {  	s5 =	ssub.s32 $0x0, s5;
	[sflag:s7] =	ssyncset.done $0x0  }
0xa0: {  	[sflag:s7] =	ssyncadd.s32 s5;
	_ =	sdelay $0x1  }
0xa1: {  	s23 =	simm.s32 $0x1B8B  }
0xa2: {  	_ =	swait.ge [sflag:s23], $0x1  }
0xa3: {  	[sflag:s23] =	ssyncset.done $0x0  }
0xa4: {  	[sflag:s23] =	ssyncadd.s32 $0xFFFFFFFF  }
0xa5: {  	s5 =	sld [smem:$0x0]  }
0xa6: {  	s6 =	sand.u32 $0xFFFFFFFE, s1  }
0xa7: {  	p0 =	sne.s32 s1, s6  }
0xa8: {  	s6 =	sshll.u32 @p0 s6, $0xE  }
0xa9: {  	s6 =	sadd.s32 @p0 $0x11B8D, s6;
	s7 =	sshll.u32 @p0 s5, $0x11  }
0xaa: {  	s6 =	sor.u32 @p0 s7, s6  }
0xab: {  	[sflag:s6] =	ssyncadd.remote.s32 @p0 $0x1;
	_ =	sdelay $0x1  }
0xac: {  	s6 =	simm.s32 @p0 $0x1B8D  }
0xad: {  	_ =	swait.eq @p0 [sflag:s6], $0x1  }
0xae: {  	[sflag:s6] =	ssyncadd.s32 @p0 $0xFFFFFFFF  }
0xaf: {  	s7 =	sshll.u32 @!p0 s1, $0xE  }
0xb0: {  	s7 =	sor.u32 @!p0 $0x4000, s7;
	s6 =	simm.s32 @!p0 $0x1B8D  }
0xb1: {  	s5 =	sshll.u32 @!p0 s5, $0x11;
	s7 =	sadd.s32 @!p0 $0x11B8D, s7;
	_ =	swait.eq @!p0 [sflag:s6], $0x1  }
0xb2: {  	s5 =	sor.u32 @!p0 s5, s7;
	[sflag:s6] =	ssyncadd.s32 @!p0 $0xFFFFFFFF  }
0xb3: {  	s25 =	simm.s32 $0x1B8E;
	s24 =	sld [smem:$0x3FFE];
	[sflag:s5] =	ssyncadd.remote.s32 @!p0 $0x1  }
0xb4: {  	s26 =	simm.s32 $execute0_lowered;
	[smem:$0x3FD2] =	sst s25  }
0xb5: {  	s6 =	sshll.u32 s26, $0x1;
	_ =	strace $0x8000005B;
	[dreg:$0x1] =	wrdreg $0xFFFFFFFF  }
0xb6: {  	s28 =	simm.s32 $_size_execute0_lowered;
	s4 =	sadd.s32 s4, s6;
	[dreg:$0x0] =	wrdreg $0x0  }
0xb7: {  	s6 =	sshll.u32 s28, $0x1;
	[dreg:$0x2] =	wrdreg s4  }
0xb8: {  	[dreg:$0x3] =	wrdreg s6  }
0xb9: {  	[dreg:$0x4] =	wrdreg $0xC0  }
0xba: {  	_ =	task [dreg:s22], $0x5FFFF  }
0xbb: {  	[dreg:$0x1] =	wrdreg $0xFFFFFFFF  }
0xbc: {  	[dreg:$0x0] =	wrdreg $0x60  }
0xbd: {  	[dreg:$0x2] =	wrdreg s24  }
0xbe: {  	[dreg:$0x3] =	wrdreg s18  }
0xbf: {  	[dreg:$0x4] =	wrdreg $0x9  }
0xc0: {  	_ =	task.clear_ibuf [dreg:s22], $0x5FFFF;
	_ =	strace $0x9000005B  }
0xc1: {  	s29 =	simm.s32 $0x9;
	_ =	strace $0x8000005D  }
0xc2: {  	_ =	swait.ge [sflag:s29], $0x1  }
0xc3: {  	[sflag:s29] =	ssyncadd.s32 $0xFFFFFFFF  }
0xc4: {  	_ =	strace $0x9000005D  }
0xc5: {  	_ =	sfence  }
0xc6: {  	s30 =	sld [smem:$0x0];
	_ =	sdelay $0x2  }
0xc7: {  	s31 =	sshll.u32 s1, $0xD;
	s1 =	sshrl.u32 s1, $0x2  }
0xc8: {  	s4 =	sand.u32 $0x4000, s31;
	s1 =	sadd.s32 s1, s30  }
0xc9: {  	s0 =	sor.u32 s4, s0;
	s1 =	sshll.u32 s1, $0x11  }
0xca: {  	s0 =	sor.u32 s1, s0  }
0xcb: {  	s0 =	sadd.s32 $0x8F2B, s0  }
0xcc: {  	[sflag:s0] =	ssyncadd.remote.s32 $0x1  }
0xcd: {  	_ =	sfence.sel $0xFFFF  }
0xce: {  	[dreg:$0x0] =	wrdreg $0xFFFFFFFF;
	(pc) =	sbr.abs _section_cstart, $3  }
0xcf: {  	[dreg:$0x1] =	wrdreg $0xFFFFFFFF  }
0xd0: {  	_ =	task.clear_ibuf [dreg:s22], $0x2FFFF;
	_ =	strace $0x9FFFFFFF  }
0xd1: {  	(tm) =	ssettm $0x7FFFFFFF  }
tec
execute0_lowered:
.L_overlay_start_1:
0x0: {  	(tag) =	ssettag $0x1  }
0x1: {  	s12 =	rddreg [dreg:$0x0]  }
0x2: {  	s1 =	srdreg.scid;
	s0 =	stileid.u32  }
0x3: {  	s3 =	rddreg [dreg:$0x1];
	s13 =	sand.u32 $0x1, s1;
	s4 =	sshll.u32 s0, $0x1  }
0x4: {  	s2 =	simm.s32 $0x0;
	s1 =	rddreg [dreg:$0x2];
	s14 =	sor.u32 s13, s4  }
0x5: {  	[smem:$0x7FF] =	sst s2;
	s4 =	sshll.u32 s14, $0x6  }
0x6: {  	_ =	strace $0x8000005C;
	s4 =	sadd.s32 s3, s4;
	s3 =	simm.s32 $0x2  }
0x7: {  	[tilespmem:s2], [sflag:$0x2] =	stream.linear.gather [hbm4b:s4+s2], $0x180, $0x38;
	[tilespmem:$0xC200] =	vst v63  }
0x8: {  	_ =	swait.ge [sflag:s3], $0x180  }
0x9: {  	s6 =	simm.s32 $0x80;
	[sflag:s3] =	ssyncset.done $0x0  }
0xa: {  	s7 =	simm.s32 $0x200;
	s5 =	sadd.s32 $0xD1800, s12;
	[sflag:s3] =	ssyncadd.s32 $0xFFFFFE80  }
0xb: {  	[tilespmem:s7], [sflag:$0x1] =	stream.indirect.gather [hbm4b:s5+s6], $0x80, s2, s6, $0xb8;
	[tilespmem:$0xC200] =	vst v63  }
0xc: {  	s8 =	simm.s32 $0x4200  }
0xd: {  	[tilespmem:s8], [sflag:$0x1] =	stream.indirect.gather [hbm4b:s5+s6], $0x80, s6, s6, $0xb8;
	[tilespmem:$0xC200] =	vst v63  }
0xe: {  	s9 =	simm.s32 $0x100;
	s10 =	simm.s32 $0x8200;
	s11 =	simm.s32 $0x1  }
0xf: {  	[tilespmem:s10], [sflag:$0x1] =	stream.indirect.gather [hbm4b:s5+s6], $0x80, s9, s6, $0xb8;
	[tilespmem:$0xC200] =	vst v63  }
0x10: {  	_ =	swait.ge [sflag:s11], $0x4000  }
0x11: {  	[sflag:s11] =	ssyncset.done $0x0  }
0x12: {  	s13 =	ssub.s32 $0x2, s13;
	[sflag:s11] =	ssyncadd.s32 $0xFFFFC000  }
0x13: {  	s15 =	sshrl.u32 s13, $0x1;
	_ =	swait.ge [sflag:s11], $0x4000  }
0x14: {  	s13 =	ssub.s32 s13, s15;
	[sflag:s11] =	ssyncset.done $0x0  }
0x15: {  	s14 =	smul.u32 $0x1800, s14;
	s13 =	smax.u32 s13, $0x1;
	[sflag:s11] =	ssyncadd.s32 $0xFFFFC000  }
0x16: {  	p0 =	sne.s32 s13, $0x1;
	_ =	swait.ge [sflag:s11], $0x4000  }
.Ltmp0:
0x17: {  	s12 =	sadd.s32 s14, s12;
	[sflag:s11] =	ssyncset.done $0x0;
	(pc) =	sbr.rel @!p0 .LBB2_2-.Ltmp0, $4  }
0x18: {  	s12 =	sadd.s32 $0x8000, s12;
	[sflag:s11] =	ssyncadd.s32 $0xFFFFC000  }
0x19: {  	[hbm4b:s12+s2] =	stream.linear.scatter [tilespmem:s7], [sflag:$0x2], $0xC000, $0x38;
	[tilespmem:$0xC200] =	vst v63  }
0x1a: {  	_ =	swait.ge [sflag:s3], $0xC000  }
0x1b: {  	s13 =	sadd.s32 $0xFFFFFFFF, s13;
	[sflag:s3] =	ssyncset.done $0x0  }
.LBB2_1:
0x1c: {  	p0 =	sne.s32 s13, $0x1;
	s13 =	sadd.s32 $0xFFFFFFFF, s13;
	[sflag:s3] =	ssyncadd.s32 $0xFFFF4000  }
0x1d: {  	[tilespmem:s2], [sflag:$0x2] =	stream.linear.gather [hbm4b:s4+s2], $0x180, $0x38;
	[tilespmem:$0xC200] =	vst v63  }
0x1e: {  	_ =	swait.ge [sflag:s3], $0x180  }
0x1f: {  	[sflag:s3] =	ssyncset.done $0x0  }
0x20: {  	[sflag:s3] =	ssyncadd.s32 $0xFFFFFE80  }
0x21: {  	[tilespmem:s7], [sflag:$0x1] =	stream.indirect.gather [hbm4b:s5+s6], $0x80, s2, s6, $0xb8;
	[tilespmem:$0xC200] =	vst v63  }
0x22: {  	_ = 	snop  }
0x23: {  	[tilespmem:s8], [sflag:$0x1] =	stream.indirect.gather [hbm4b:s5+s6], $0x80, s6, s6, $0xb8;
	[tilespmem:$0xC200] =	vst v63  }
0x24: {  	_ = 	snop  }
0x25: {  	[tilespmem:s10], [sflag:$0x1] =	stream.indirect.gather [hbm4b:s5+s6], $0x80, s9, s6, $0xb8;
	[tilespmem:$0xC200] =	vst v63  }
0x26: {  	_ =	swait.ge [sflag:s11], $0x4000  }
0x27: {  	[sflag:s11] =	ssyncset.done $0x0  }
0x28: {  	[sflag:s11] =	ssyncadd.s32 $0xFFFFC000  }
0x29: {  	_ =	swait.ge [sflag:s11], $0x4000  }
0x2a: {  	[sflag:s11] =	ssyncset.done $0x0  }
0x2b: {  	[sflag:s11] =	ssyncadd.s32 $0xFFFFC000  }
0x2c: {  	_ =	swait.ge [sflag:s11], $0x4000  }
.Ltmp1:
0x2d: {  	[sflag:s11] =	ssyncset.done $0x0;
	(pc) =	sbr.rel @p0 .LBB2_1-.Ltmp1, $4  }
0x2e: {  	[sflag:s11] =	ssyncadd.s32 $0xFFFFC000  }
0x2f: {  	[hbm4b:s12+s2] =	stream.linear.scatter [tilespmem:s7], [sflag:$0x2], $0xC000, $0x38;
	[tilespmem:$0xC200] =	vst v63  }
0x30: {  	_ =	swait.ge [sflag:s3], $0xC000  }
0x31: {  	[sflag:s3] =	ssyncset.done $0x0  }
.LBB2_2:
0x32: {  	[sflag:s3] =	ssyncadd.s32 $0xFFFF4000  }
0x33: {  	_ =	sfence.sel $0x180000  }
0x34: {  	[bflag:$0x0] =	sbarrier.arrive $0xFFFF  }
0x35: {  	p0 =	sne.s32 s0, $0x0;
	_ =	strace $0x9000005C  }
0x36: {  	s0 =	sadd.s32 @!p0 $0x100000, s1;
	[bflag:$0x2] =	sbarrier.arrive $0xFFFF  }
0x37: {  	[sflag:s0] =	ssyncadd.tile.s32 @!p0 $0x1;
	_ =	shalt  }
.Lfunc_end2:
_tile_overlayer_lowered:
.L_overlay_start_2:
0x38: {  	(tag) =	ssettag $0x2  }
0x39: {  	s0 =	rddreg [dreg:$0x0];
	s2 =	stileid.u32  }
0x3a: {  	s1 =	rddreg [dreg:$0x1];
	p0 =	sne.s32 s2, $0x0  }
0x3b: {  	s3 =	rddreg [dreg:$0x2];
	[bflag:$0x3] =	sbarrier.arrive $0xFFFF;
	s2 =	simm.s32 @!p0 $0x1C02  }
0x3c: {  	[timem:s3], [sflag:s2] =	dma.local @!p0 [hbm:s0], s1  }
0x3d: {  	s0 =	simm.s32 @!p0 $0x2  }
0x3e: {  	_ =	swait.ge @!p0 [sflag:s0], s1  }
0x3f: {  	s1 =	ssub.s32 @!p0 $0x0, s1;
	[sflag:s0] =	ssyncset.done @!p0 $0x0  }
0x40: {  	[sflag:s0] =	ssyncadd.s32 @!p0 s1  }
0x41: {  	[bflag:$0x3] =	sbarrier.arrive $0xFFFF  }
0x42: {  	_ =	shalt  }

// kernel: kernel.45.cloned.1.call-start
scs
__scs_entry_jumppad:
0x0: {  	(pc) =	sbr.rel $0x88, $3  }
0x1: {  	(tag) =	ssettag $0x0;
	lr =	simm.s32 $0x1  }
0x2: {  	[smem:$0x3F8E] =	sst lr;
	_ =	strace $0xD0000000  }
0x3: {  	_ = 	snop  }
0x4: {  	_ = 	snop  }
0x5: {  	_ = 	snop  }
0x6: {  	_ = 	snop  }
0x7: {  	_ = 	snop  }
__scs_overlays_trampoline_lowered:
0x8: {  	[smem:$0x3F9D] =	sst s0  }
0x9: {  	[smem:$0x3F9E] =	sst s1  }
0xa: {  	[smem:$0x3F9F] =	sst s2  }
0xb: {  	[smem:$0x3FA0] =	sst s3  }
0xc: {  	[smem:$0x3FA1] =	sst s4  }
0xd: {  	[smem:$0x3FA2] =	sst s5  }
0xe: {  	[smem:$0x3FA3] =	sst s6  }
0xf: {  	[smem:$0x3FA4] =	sst s7  }
0x10: {  	[smem:$0x3FA5] =	sst s8  }
0x11: {  	[smem:$0x3FA6] =	sst s9;
	s0 =	simm.s32 @!p0 $0x0  }
0x12: {  	s1 =	sld [smem:$0x3F8C];
	s0 =	simm.s32 @p0 $0x1  }
0x13: {  	[smem:$0x3FA7] =	sst s0;
	s0 =	simm.s32 @!p1 $0x0  }
0x14: {  	s2 =	sld [smem:$0x3F8B];
	s0 =	simm.s32 @p1 $0x1  }
0x15: {  	[smem:$0x3FA8] =	sst s0;
	s0 =	simm.s32 @!p2 $0x0  }
0x16: {  	s3 =	sld [smem:$0x3FDB];
	s0 =	simm.s32 @p2 $0x1  }
0x17: {  	s4 =	simm.s32 $0x1BF5;
	[smem:$0x3FAA] =	sst s0  }
0x18: {  	s0 =	sld [smem:$0x3F8D];
	_ =	swait.ge [sflag:s4], $0x0  }
0x19: {  	s7 =	sld [smem:$0x3F8E]  }
0x1a: {  	s8 =	sadd.s32 $0xFFFFE003, lr  }
0x1b: {  	s9 =	sadd.s32 $0xFFFFFEF7, lr;
	s5 =	simm.s32 $0xFFFFFFFF;
	p2 =	slt.u32 s8, $0xFFFFF086  }
0x1c: {  	p1 =	slt.u32 s9, $0xF7A;
	s5 =	simm.s32 @!p2 $0x0  }
0x1d: {  	s5 =	simm.s32 @p1 $0x1;
	p0 =	seq.s32 s7, s2  }
0x1e: {  	s7 =	smul.u32 @!p0 $0xF7A, s2;
	p2 =	seq.s32 @!p0 s5, $0x0  }
0x1f: {  	s9 =	smul.u32 $0xF7A, s1;
	s8 =	simm.s32 @!p0 $0x1BF5;
	p2 =	por !p2, p0  }
0x20: {  	[sflag:s8] =	ssyncset.s32 @!p0 $0xFFFFF086;
	s6 =	sadd.s32 @!p0 s3, s7;
	s7 =	simm.s32 @!p0 $0x108  }
0x21: {  	s3 =	sadd.s32 s3, s9;
	s6 =	sadd.s32 @!p0 $0x88, s6;
	s7 =	simm.s32 @p2 $0x1082  }
0x22: {  	[simem:s7], [sflag:s8] =	dma.local @!p0 [hbm:s6], $0xF7A  }
0x23: {  	s9 =	sor.u32 $0xD0000000, s2;
	s6 =	simm.s32 $0x108;
	_ =	swait.ge @!p0 [sflag:s8], $0x0  }
0x24: {  	s3 =	sadd.s32 $0x88, s3;
	s6 =	simm.s32 @!p1 $0x1082;
	[sflag:s4] =	ssyncset.s32 $0xFFFFF086  }
0x25: {  	[simem:s6], [sflag:s4] =	dma.local [hbm:s3], $0xF7A  }
0x26: {  	[smem:$0x3F8E] =	sst s1;
	(tag) =	ssettag s2;
	_ =	strace s9  }
0x27: {  	s1 =	sld [smem:$0x3F9E]  }
0x28: {  	s2 =	sld [smem:$0x3F9F]  }
0x29: {  	s4 =	sld [smem:$0x3FA1]  }
0x2a: {  	p0 =	seq.s32 s5, $0x0;
	s5 =	sld [smem:$0x3FA2]  }
0x2b: {  	s6 =	sld [smem:$0x3FA3]  }
0x2c: {  	s7 =	sld [smem:$0x3FA4]  }
0x2d: {  	s3 =	simm.s32 $0x108;
	s8 =	sld [smem:$0x3FA5]  }
0x2e: {  	s3 =	simm.s32 @!p0 $0x1082;
	s9 =	sld [smem:$0x3FA6]  }
0x2f: {  	lr =	sadd.s32 s0, s3;
	s0 =	sld [smem:$0x3F9D]  }
0x30: {  	s3 =	sld [smem:$0x3FA0]  }
0x31: {  	[smem:$0x3FA9] =	sst s10  }
0x32: {  	s10 =	sld [smem:$0x3FA7];
	_ =	sdelay $0x3  }
0x33: {  	p0 =	seq.s32 s10, $0x1;
	s10 =	sld [smem:$0x3FA9];
	_ =	sdelay $0x3  }
0x34: {  	[smem:$0x3FA9] =	sst s10  }
0x35: {  	s10 =	sld [smem:$0x3FA8];
	_ =	sdelay $0x3  }
0x36: {  	p1 =	seq.s32 s10, $0x1;
	s10 =	sld [smem:$0x3FA9];
	_ =	sdelay $0x3  }
0x37: {  	[smem:$0x3FA9] =	sst s10  }
0x38: {  	s10 =	sld [smem:$0x3FAA]  }
0x39: {  	_ = 	snop;
	(pc) =	sbr.ind lr, $3  }
0x3a: {  	_ = 	snop  }
0x3b: {  	_ = 	snop  }
0x3c: {  	p2 =	seq.s32 s10, $0x1;
	s10 =	sld [smem:$0x3FA9]  }
0x3d: {  	_ =	shalt  }
0x3e: {  	_ =	shalt  }
0x3f: {  	_ =	shalt  }
0x40: {  	_ =	shalt  }
0x41: {  	_ =	shalt  }
0x42: {  	_ =	shalt  }
0x43: {  	_ =	shalt  }
0x44: {  	_ =	shalt  }
0x45: {  	_ =	shalt  }
0x46: {  	_ =	shalt  }
0x47: {  	_ =	shalt  }
0x48: {  	_ =	shalt  }
0x49: {  	_ =	shalt  }
0x4a: {  	_ =	shalt  }
0x4b: {  	_ =	shalt  }
0x4c: {  	_ =	shalt  }
0x4d: {  	_ =	shalt  }
0x4e: {  	_ =	shalt  }
0x4f: {  	_ =	shalt  }
0x50: {  	_ =	shalt  }
0x51: {  	_ =	shalt  }
0x52: {  	_ =	shalt  }
0x53: {  	_ =	shalt  }
0x54: {  	_ =	shalt  }
0x55: {  	_ =	shalt  }
0x56: {  	_ =	shalt  }
0x57: {  	_ =	shalt  }
0x58: {  	_ =	shalt  }
0x59: {  	_ =	shalt  }
0x5a: {  	_ =	shalt  }
0x5b: {  	_ =	shalt  }
0x5c: {  	_ =	shalt  }
0x5d: {  	_ =	shalt  }
0x5e: {  	_ =	shalt  }
0x5f: {  	_ =	shalt  }
0x60: {  	_ =	shalt  }
0x61: {  	_ =	shalt  }
0x62: {  	_ =	shalt  }
0x63: {  	_ =	shalt  }
0x64: {  	_ =	shalt  }
0x65: {  	_ =	shalt  }
0x66: {  	_ =	shalt  }
0x67: {  	_ =	shalt  }
0x68: {  	_ =	shalt  }
0x69: {  	_ =	shalt  }
0x6a: {  	_ =	shalt  }
0x6b: {  	_ =	shalt  }
0x6c: {  	_ =	shalt  }
0x6d: {  	_ =	shalt  }
0x6e: {  	_ =	shalt  }
0x6f: {  	_ =	shalt  }
0x70: {  	_ =	shalt  }
0x71: {  	_ =	shalt  }
0x72: {  	_ =	shalt  }
0x73: {  	_ =	shalt  }
0x74: {  	_ =	shalt  }
0x75: {  	_ =	shalt  }
0x76: {  	_ =	shalt  }
0x77: {  	_ =	shalt  }
0x78: {  	_ =	shalt  }
0x79: {  	_ =	shalt  }
0x7a: {  	_ =	shalt  }
0x7b: {  	_ =	shalt  }
0x7c: {  	_ =	shalt  }
0x7d: {  	_ =	shalt  }
0x7e: {  	_ =	shalt  }
0x7f: {  	_ =	shalt  }
0x80: {  	_ =	shalt  }
0x81: {  	_ =	shalt  }
0x82: {  	_ =	shalt  }
0x83: {  	_ =	shalt  }
0x84: {  	_ =	shalt  }
0x85: {  	_ =	shalt  }
0x86: {  	_ =	shalt  }
0x87: {  	_ =	shalt  }
.Lfunc_end0:
.L_simem_size_0:
called_computation.7_lowered:
.L_overlay_start_0:
0x88: {  	s2 =	sld [smem:$0x3FD9]  }
0x89: {  	s3 =	sld [smem:$0x3FFE];
	_ =	sdelay $0x1  }
0x8a: {  	s1 =	srdreg.scid  }
0x8b: {  	s0 =	sand.u32 $0x1, s1  }
0x8c: {  	s16 =	sshll.u32 s0, $0xA;
	s2 =	sadd.s32 s3, s2  }
0x8d: {  	s2 =	sadd.s32 s2, s16  }
0x8e: {  	[smem:$0x3FB5] =	sst s2  }
0x8f: {  	_ = 	snop  }
0x90: {  	(tm) =	ssettm $0x1  }
0x91: {  	s17 =	sld [smem:$0x3FFB];
	_ =	sdelay $0x3  }
0x92: {  	_ =	strace s17  }
0x93: {  	s2 =	sld [smem:$0x3FFC];
	_ =	sdelay $0x3  }
0x94: {  	_ =	strace s2  }
0x95: {  	s2 =	sld [smem:$0x3FFD];
	_ =	sdelay $0x3  }
0x96: {  	_ =	strace s2  }
0x97: {  	_ =	strace $0x8FFFFFFF  }
0x98: {  	s18 =	sld [smem:$0x3FDB];
	_ =	sdelay $0x1  }
0x99: {  	s19 =	simm.s32 $_scs_section_size  }
0x9a: {  	s4 =	simm.s32 $_size__tile_overlayer_lowered;
	s5 =	simm.s32 $_tile_overlayer_lowered  }
0x9b: {  	s22 =	simm.s32 $0x1BFF;
	s21 =	sshll.u32 s5, $0x1;
	s2 =	sadd.s32 s19, s18  }
0x9c: {  	s6 =	simm.s32 $0x0;
	s20 =	sshll.u32 s4, $0x1;
	s4 =	sadd.s32 s21, s2  }
0x9d: {  	[timem:s6], [sflag:s22] =	dma.local [hbm:s4], s20  }
0x9e: {  	_ =	swait.ge [sflag:s22], s20  }
0x9f: {  	s3 =	ssub.s32 $0x0, s20;
	[sflag:s22] =	ssyncset.done $0x0  }
0xa0: {  	[sflag:s22] =	ssyncadd.s32 s3;
	_ =	sdelay $0x1  }
0xa1: {  	s23 =	simm.s32 $0x1B8B  }
0xa2: {  	_ =	swait.ge [sflag:s23], $0x1  }
0xa3: {  	[sflag:s23] =	ssyncset.done $0x0  }
0xa4: {  	s25 =	simm.s32 $0x1B8E;
	s24 =	sld [smem:$0x3FFE];
	[sflag:s23] =	ssyncadd.s32 $0xFFFFFFFF  }
0xa5: {  	s26 =	simm.s32 $execute0_lowered;
	[smem:$0x3FD2] =	sst s25  }
0xa6: {  	s4 =	sshll.u32 s26, $0x1;
	_ =	strace $0x80000058;
	[dreg:$0x1] =	wrdreg $0xFFFFFFFF  }
0xa7: {  	s28 =	simm.s32 $_size_execute0_lowered;
	s2 =	sadd.s32 s2, s4;
	[dreg:$0x0] =	wrdreg $0x0  }
0xa8: {  	s4 =	sshll.u32 s28, $0x1;
	[dreg:$0x2] =	wrdreg s2  }
0xa9: {  	[dreg:$0x3] =	wrdreg s4  }
0xaa: {  	[dreg:$0x4] =	wrdreg $0xC0  }
0xab: {  	_ =	task [dreg:s6], $0x5FFFF  }
0xac: {  	[dreg:$0x1] =	wrdreg $0xFFFFFFFF  }
0xad: {  	[dreg:$0x0] =	wrdreg $0x60  }
0xae: {  	[dreg:$0x2] =	wrdreg s24  }
0xaf: {  	[dreg:$0x3] =	wrdreg $0xA  }
0xb0: {  	_ =	task.clear_ibuf [dreg:s6], $0x4FFFF;
	_ =	strace $0x90000058  }
0xb1: {  	s29 =	simm.s32 $0xA;
	_ =	strace $0x8000005A  }
0xb2: {  	_ =	swait.ge [sflag:s29], $0x1  }
0xb3: {  	[sflag:s29] =	ssyncadd.s32 $0xFFFFFFFF  }
0xb4: {  	_ =	strace $0x9000005A  }
0xb5: {  	_ =	sfence  }
0xb6: {  	s30 =	sld [smem:$0x0];
	_ =	sdelay $0x2  }
0xb7: {  	s31 =	sshll.u32 s1, $0xD;
	s1 =	sshrl.u32 s1, $0x2  }
0xb8: {  	s3 =	sand.u32 $0x4000, s31;
	s1 =	sadd.s32 s1, s30  }
0xb9: {  	s0 =	sor.u32 s3, s0;
	s1 =	sshll.u32 s1, $0x11  }
0xba: {  	s0 =	sor.u32 s1, s0  }
0xbb: {  	s0 =	sadd.s32 $0x8F2B, s0  }
0xbc: {  	[sflag:s0] =	ssyncadd.remote.s32 $0x1  }
0xbd: {  	_ =	sfence.sel $0xFFFF  }
0xbe: {  	[dreg:$0x0] =	wrdreg $0xFFFFFFFF;
	(pc) =	sbr.abs _section_cstart, $3  }
0xbf: {  	[dreg:$0x1] =	wrdreg $0xFFFFFFFF  }
0xc0: {  	_ =	task.clear_ibuf [dreg:s6], $0x2FFFF;
	_ =	strace $0x9FFFFFFF  }
0xc1: {  	(tm) =	ssettm $0x7FFFFFFF  }
tec
execute0_lowered:
.L_overlay_start_1:
0x0: {  	(tag) =	ssettag $0x1  }
0x1: {  	s1 =	srdreg.scid  }
0x2: {  	s0 =	stileid.u32;
	s10 =	sand.u32 $0x1, s1  }
0x3: {  	s29 =	sshll.u32 s0, $0x9;
	s2 =	sshll.u32 s10, $0x8  }
0x4: {  	s11 =	rddreg [dreg:$0x0];
	s12 =	sor.u32 s2, s29  }
0x5: {  	s1 =	rddreg [dreg:$0x1];
	s2 =	simm.s32 $0x0;
	s3 =	sshrl.u32 s12, $0x3  }
0x6: {  	[smem:$0x7FF] =	sst s2;
	s3 =	sadd.s32 s3, s11  }
0x7: {  	_ =	strace $0x80000059;
	s4 =	sadd.s32 $0x60000, s3;
	s3 =	simm.s32 $0x2  }
0x8: {  	[tilespmem:s2], [sflag:$0x2] =	stream.linear.gather [hbm4b:s4+s2], $0x100, $0x38;
	[tilespmem:$0x8100] =	vst v63  }
0x9: {  	_ =	swait.ge [sflag:s3], $0x100  }
0xa: {  	s6 =	simm.s32 $0x80;
	[sflag:s3] =	ssyncset.done $0x0  }
0xb: {  	s7 =	simm.s32 $0x100;
	s5 =	sadd.s32 $0xD1800, s11;
	[sflag:s3] =	ssyncadd.s32 $0xFFFFFF00  }
0xc: {  	[tilespmem:s7], [sflag:$0x1] =	stream.indirect.gather [hbm4b:s5+s6], $0x80, s2, s6, $0xb8;
	[tilespmem:$0x8100] =	vst v63  }
0xd: {  	s8 =	simm.s32 $0x4100;
	s9 =	simm.s32 $0x1;
	s10 =	ssub.s32 $0x2, s10  }
0xe: {  	[tilespmem:s8], [sflag:$0x1] =	stream.indirect.gather [hbm4b:s5+s6], $0x80, s6, s6, $0xb8;
	[tilespmem:$0x8100] =	vst v63  }
0xf: {  	s13 =	sshrl.u32 s10, $0x1;
	_ =	swait.ge [sflag:s9], $0x4000  }
0x10: {  	s30 =	ssub.s32 s10, s13;
	[sflag:s9] =	ssyncset.done $0x0  }
0x11: {  	s31 =	smax.u32 s30, $0x1;
	[sflag:s9] =	ssyncadd.s32 $0xFFFFC000  }
0x12: {  	s12 =	sshll.u32 s12, $0x4;
	p0 =	sne.s32 s31, $0x1;
	_ =	swait.ge [sflag:s9], $0x4000  }
.Ltmp0:
0x13: {  	s11 =	sadd.s32 s12, s11;
	[sflag:s9] =	ssyncset.done $0x0;
	(pc) =	sbr.rel @!p0 .LBB2_2-.Ltmp0, $4  }
0x14: {  	s10 =	sadd.s32 $0x60400, s11;
	[sflag:s9] =	ssyncadd.s32 $0xFFFFC000  }
0x15: {  	[hbm4b:s10+s2] =	stream.linear.scatter [tilespmem:s7], [sflag:$0x2], $0x8000, $0x38;
	[tilespmem:$0x8100] =	vst v63  }
0x16: {  	_ =	swait.ge [sflag:s3], $0x8000  }
0x17: {  	s11 =	sadd.s32 $0xFFFFFFFF, s31;
	[sflag:s3] =	ssyncset.done $0x0  }
.LBB2_1:
0x18: {  	p0 =	sne.s32 s11, $0x1;
	s11 =	sadd.s32 $0xFFFFFFFF, s11;
	[sflag:s3] =	ssyncadd.s32 $0xFFFF8000  }
0x19: {  	[tilespmem:s2], [sflag:$0x2] =	stream.linear.gather [hbm4b:s4+s2], $0x100, $0x38;
	[tilespmem:$0x8100] =	vst v63  }
0x1a: {  	_ =	swait.ge [sflag:s3], $0x100  }
0x1b: {  	[sflag:s3] =	ssyncset.done $0x0  }
0x1c: {  	[sflag:s3] =	ssyncadd.s32 $0xFFFFFF00  }
0x1d: {  	[tilespmem:s7], [sflag:$0x1] =	stream.indirect.gather [hbm4b:s5+s6], $0x80, s2, s6, $0xb8;
	[tilespmem:$0x8100] =	vst v63  }
0x1e: {  	_ = 	snop  }
0x1f: {  	[tilespmem:s8], [sflag:$0x1] =	stream.indirect.gather [hbm4b:s5+s6], $0x80, s6, s6, $0xb8;
	[tilespmem:$0x8100] =	vst v63  }
0x20: {  	_ =	swait.ge [sflag:s9], $0x4000  }
0x21: {  	[sflag:s9] =	ssyncset.done $0x0  }
0x22: {  	[sflag:s9] =	ssyncadd.s32 $0xFFFFC000  }
0x23: {  	_ =	swait.ge [sflag:s9], $0x4000  }
.Ltmp1:
0x24: {  	[sflag:s9] =	ssyncset.done $0x0;
	(pc) =	sbr.rel @p0 .LBB2_1-.Ltmp1, $4  }
0x25: {  	[sflag:s9] =	ssyncadd.s32 $0xFFFFC000  }
0x26: {  	[hbm4b:s10+s2] =	stream.linear.scatter [tilespmem:s7], [sflag:$0x2], $0x8000, $0x38;
	[tilespmem:$0x8100] =	vst v63  }
0x27: {  	_ =	swait.ge [sflag:s3], $0x8000  }
0x28: {  	[sflag:s3] =	ssyncset.done $0x0  }
.LBB2_2:
0x29: {  	[sflag:s3] =	ssyncadd.s32 $0xFFFF8000  }
0x2a: {  	_ =	sfence.sel $0x180000  }
0x2b: {  	[bflag:$0x0] =	sbarrier.arrive $0xFFFF  }
0x2c: {  	p0 =	sne.s32 s0, $0x0;
	_ =	strace $0x90000059  }
0x2d: {  	s0 =	sadd.s32 @!p0 $0x100000, s1;
	[bflag:$0x2] =	sbarrier.arrive $0xFFFF  }
0x2e: {  	[sflag:s0] =	ssyncadd.tile.s32 @!p0 $0x1;
	_ =	shalt  }
.Lfunc_end2:
_tile_overlayer_lowered:
.L_overlay_start_2:
0x2f: {  	(tag) =	ssettag $0x2  }
0x30: {  	s0 =	rddreg [dreg:$0x0];
	s2 =	stileid.u32  }
0x31: {  	s1 =	rddreg [dreg:$0x1];
	p0 =	sne.s32 s2, $0x0  }
0x32: {  	s3 =	rddreg [dreg:$0x2];
	[bflag:$0x3] =	sbarrier.arrive $0xFFFF;
	s2 =	simm.s32 @!p0 $0x1C02  }
0x33: {  	[timem:s3], [sflag:s2] =	dma.local @!p0 [hbm:s0], s1  }
0x34: {  	s0 =	simm.s32 @!p0 $0x2  }
0x35: {  	_ =	swait.ge @!p0 [sflag:s0], s1  }
0x36: {  	s1 =	ssub.s32 @!p0 $0x0, s1;
	[sflag:s0] =	ssyncset.done @!p0 $0x0  }
0x37: {  	[sflag:s0] =	ssyncadd.s32 @!p0 s1  }
0x38: {  	[bflag:$0x3] =	sbarrier.arrive $0xFFFF  }
0x39: {  	_ =	shalt  }

// kernel: kernel.48.cloned.1.call-start
scs
__scs_entry_jumppad:
0x0: {  	(pc) =	sbr.rel $0x88, $3  }
0x1: {  	(tag) =	ssettag $0x0;
	lr =	simm.s32 $0x1  }
0x2: {  	[smem:$0x3F8E] =	sst lr;
	_ =	strace $0xD0000000  }
0x3: {  	_ = 	snop  }
0x4: {  	_ = 	snop  }
0x5: {  	_ = 	snop  }
0x6: {  	_ = 	snop  }
0x7: {  	_ = 	snop  }
__scs_overlays_trampoline_lowered:
0x8: {  	[smem:$0x3F9D] =	sst s0  }
0x9: {  	[smem:$0x3F9E] =	sst s1  }
0xa: {  	[smem:$0x3F9F] =	sst s2  }
0xb: {  	[smem:$0x3FA0] =	sst s3  }
0xc: {  	[smem:$0x3FA1] =	sst s4  }
0xd: {  	[smem:$0x3FA2] =	sst s5  }
0xe: {  	[smem:$0x3FA3] =	sst s6  }
0xf: {  	[smem:$0x3FA4] =	sst s7  }
0x10: {  	[smem:$0x3FA5] =	sst s8  }
0x11: {  	[smem:$0x3FA6] =	sst s9;
	s0 =	simm.s32 @!p0 $0x0  }
0x12: {  	s1 =	sld [smem:$0x3F8C];
	s0 =	simm.s32 @p0 $0x1  }
0x13: {  	[smem:$0x3FA7] =	sst s0;
	s0 =	simm.s32 @!p1 $0x0  }
0x14: {  	s2 =	sld [smem:$0x3F8B];
	s0 =	simm.s32 @p1 $0x1  }
0x15: {  	[smem:$0x3FA8] =	sst s0;
	s0 =	simm.s32 @!p2 $0x0  }
0x16: {  	s3 =	sld [smem:$0x3FDB];
	s0 =	simm.s32 @p2 $0x1  }
0x17: {  	s4 =	simm.s32 $0x1BF5;
	[smem:$0x3FAA] =	sst s0  }
0x18: {  	s0 =	sld [smem:$0x3F8D];
	_ =	swait.ge [sflag:s4], $0x0  }
0x19: {  	s7 =	sld [smem:$0x3F8E]  }
0x1a: {  	s8 =	sadd.s32 $0xFFFFE003, lr  }
0x1b: {  	s9 =	sadd.s32 $0xFFFFFEF7, lr;
	s5 =	simm.s32 $0xFFFFFFFF;
	p2 =	slt.u32 s8, $0xFFFFF086  }
0x1c: {  	p1 =	slt.u32 s9, $0xF7A;
	s5 =	simm.s32 @!p2 $0x0  }
0x1d: {  	s5 =	simm.s32 @p1 $0x1;
	p0 =	seq.s32 s7, s2  }
0x1e: {  	s7 =	smul.u32 @!p0 $0xF7A, s2;
	p2 =	seq.s32 @!p0 s5, $0x0  }
0x1f: {  	s9 =	smul.u32 $0xF7A, s1;
	s8 =	simm.s32 @!p0 $0x1BF5;
	p2 =	por !p2, p0  }
0x20: {  	[sflag:s8] =	ssyncset.s32 @!p0 $0xFFFFF086;
	s6 =	sadd.s32 @!p0 s3, s7;
	s7 =	simm.s32 @!p0 $0x108  }
0x21: {  	s3 =	sadd.s32 s3, s9;
	s6 =	sadd.s32 @!p0 $0x88, s6;
	s7 =	simm.s32 @p2 $0x1082  }
0x22: {  	[simem:s7], [sflag:s8] =	dma.local @!p0 [hbm:s6], $0xF7A  }
0x23: {  	s9 =	sor.u32 $0xD0000000, s2;
	s6 =	simm.s32 $0x108;
	_ =	swait.ge @!p0 [sflag:s8], $0x0  }
0x24: {  	s3 =	sadd.s32 $0x88, s3;
	s6 =	simm.s32 @!p1 $0x1082;
	[sflag:s4] =	ssyncset.s32 $0xFFFFF086  }
0x25: {  	[simem:s6], [sflag:s4] =	dma.local [hbm:s3], $0xF7A  }
0x26: {  	[smem:$0x3F8E] =	sst s1;
	(tag) =	ssettag s2;
	_ =	strace s9  }
0x27: {  	s1 =	sld [smem:$0x3F9E]  }
0x28: {  	s2 =	sld [smem:$0x3F9F]  }
0x29: {  	s4 =	sld [smem:$0x3FA1]  }
0x2a: {  	p0 =	seq.s32 s5, $0x0;
	s5 =	sld [smem:$0x3FA2]  }
0x2b: {  	s6 =	sld [smem:$0x3FA3]  }
0x2c: {  	s7 =	sld [smem:$0x3FA4]  }
0x2d: {  	s3 =	simm.s32 $0x108;
	s8 =	sld [smem:$0x3FA5]  }
0x2e: {  	s3 =	simm.s32 @!p0 $0x1082;
	s9 =	sld [smem:$0x3FA6]  }
0x2f: {  	lr =	sadd.s32 s0, s3;
	s0 =	sld [smem:$0x3F9D]  }
0x30: {  	s3 =	sld [smem:$0x3FA0]  }
0x31: {  	[smem:$0x3FA9] =	sst s10  }
0x32: {  	s10 =	sld [smem:$0x3FA7];
	_ =	sdelay $0x3  }
0x33: {  	p0 =	seq.s32 s10, $0x1;
	s10 =	sld [smem:$0x3FA9];
	_ =	sdelay $0x3  }
0x34: {  	[smem:$0x3FA9] =	sst s10  }
0x35: {  	s10 =	sld [smem:$0x3FA8];
	_ =	sdelay $0x3  }
0x36: {  	p1 =	seq.s32 s10, $0x1;
	s10 =	sld [smem:$0x3FA9];
	_ =	sdelay $0x3  }
0x37: {  	[smem:$0x3FA9] =	sst s10  }
0x38: {  	s10 =	sld [smem:$0x3FAA]  }
0x39: {  	_ = 	snop;
	(pc) =	sbr.ind lr, $3  }
0x3a: {  	_ = 	snop  }
0x3b: {  	_ = 	snop  }
0x3c: {  	p2 =	seq.s32 s10, $0x1;
	s10 =	sld [smem:$0x3FA9]  }
0x3d: {  	_ =	shalt  }
0x3e: {  	_ =	shalt  }
0x3f: {  	_ =	shalt  }
0x40: {  	_ =	shalt  }
0x41: {  	_ =	shalt  }
0x42: {  	_ =	shalt  }
0x43: {  	_ =	shalt  }
0x44: {  	_ =	shalt  }
0x45: {  	_ =	shalt  }
0x46: {  	_ =	shalt  }
0x47: {  	_ =	shalt  }
0x48: {  	_ =	shalt  }
0x49: {  	_ =	shalt  }
0x4a: {  	_ =	shalt  }
0x4b: {  	_ =	shalt  }
0x4c: {  	_ =	shalt  }
0x4d: {  	_ =	shalt  }
0x4e: {  	_ =	shalt  }
0x4f: {  	_ =	shalt  }
0x50: {  	_ =	shalt  }
0x51: {  	_ =	shalt  }
0x52: {  	_ =	shalt  }
0x53: {  	_ =	shalt  }
0x54: {  	_ =	shalt  }
0x55: {  	_ =	shalt  }
0x56: {  	_ =	shalt  }
0x57: {  	_ =	shalt  }
0x58: {  	_ =	shalt  }
0x59: {  	_ =	shalt  }
0x5a: {  	_ =	shalt  }
0x5b: {  	_ =	shalt  }
0x5c: {  	_ =	shalt  }
0x5d: {  	_ =	shalt  }
0x5e: {  	_ =	shalt  }
0x5f: {  	_ =	shalt  }
0x60: {  	_ =	shalt  }
0x61: {  	_ =	shalt  }
0x62: {  	_ =	shalt  }
0x63: {  	_ =	shalt  }
0x64: {  	_ =	shalt  }
0x65: {  	_ =	shalt  }
0x66: {  	_ =	shalt  }
0x67: {  	_ =	shalt  }
0x68: {  	_ =	shalt  }
0x69: {  	_ =	shalt  }
0x6a: {  	_ =	shalt  }
0x6b: {  	_ =	shalt  }
0x6c: {  	_ =	shalt  }
0x6d: {  	_ =	shalt  }
0x6e: {  	_ =	shalt  }
0x6f: {  	_ =	shalt  }
0x70: {  	_ =	shalt  }
0x71: {  	_ =	shalt  }
0x72: {  	_ =	shalt  }
0x73: {  	_ =	shalt  }
0x74: {  	_ =	shalt  }
0x75: {  	_ =	shalt  }
0x76: {  	_ =	shalt  }
0x77: {  	_ =	shalt  }
0x78: {  	_ =	shalt  }
0x79: {  	_ =	shalt  }
0x7a: {  	_ =	shalt  }
0x7b: {  	_ =	shalt  }
0x7c: {  	_ =	shalt  }
0x7d: {  	_ =	shalt  }
0x7e: {  	_ =	shalt  }
0x7f: {  	_ =	shalt  }
0x80: {  	_ =	shalt  }
0x81: {  	_ =	shalt  }
0x82: {  	_ =	shalt  }
0x83: {  	_ =	shalt  }
0x84: {  	_ =	shalt  }
0x85: {  	_ =	shalt  }
0x86: {  	_ =	shalt  }
0x87: {  	_ =	shalt  }
.Lfunc_end0:
.L_simem_size_0:
called_computation.8_lowered:
.L_overlay_start_0:
0x88: {  	s2 =	sld [smem:$0x3FD9]  }
0x89: {  	s3 =	sld [smem:$0x3FFE];
	_ =	sdelay $0x1  }
0x8a: {  	s1 =	srdreg.scid  }
0x8b: {  	s0 =	sand.u32 $0x1, s1  }
0x8c: {  	s16 =	sshll.u32 s0, $0xA;
	s2 =	sadd.s32 s3, s2  }
0x8d: {  	s2 =	sadd.s32 s2, s16  }
0x8e: {  	[smem:$0x3FB5] =	sst s2  }
0x8f: {  	_ = 	snop  }
0x90: {  	(tm) =	ssettm $0x1  }
0x91: {  	s17 =	sld [smem:$0x3FFB];
	_ =	sdelay $0x3  }
0x92: {  	_ =	strace s17  }
0x93: {  	s2 =	sld [smem:$0x3FFC];
	_ =	sdelay $0x3  }
0x94: {  	_ =	strace s2  }
0x95: {  	s2 =	sld [smem:$0x3FFD];
	_ =	sdelay $0x3  }
0x96: {  	_ =	strace s2  }
0x97: {  	_ =	strace $0x8FFFFFFF  }
0x98: {  	s18 =	sld [smem:$0x3FDB];
	_ =	sdelay $0x1  }
0x99: {  	s19 =	simm.s32 $_scs_section_size  }
0x9a: {  	s4 =	simm.s32 $_size__tile_overlayer_lowered;
	s5 =	simm.s32 $_tile_overlayer_lowered  }
0x9b: {  	s22 =	simm.s32 $0x1BFF;
	s21 =	sshll.u32 s5, $0x1;
	s2 =	sadd.s32 s19, s18  }
0x9c: {  	s6 =	simm.s32 $0x0;
	s20 =	sshll.u32 s4, $0x1;
	s4 =	sadd.s32 s21, s2  }
0x9d: {  	[timem:s6], [sflag:s22] =	dma.local [hbm:s4], s20  }
0x9e: {  	_ =	swait.ge [sflag:s22], s20  }
0x9f: {  	s3 =	ssub.s32 $0x0, s20;
	[sflag:s22] =	ssyncset.done $0x0  }
0xa0: {  	[sflag:s22] =	ssyncadd.s32 s3;
	_ =	sdelay $0x1  }
0xa1: {  	s23 =	simm.s32 $0x1B8B  }
0xa2: {  	_ =	swait.ge [sflag:s23], $0x1  }
0xa3: {  	[sflag:s23] =	ssyncset.done $0x0  }
0xa4: {  	s25 =	simm.s32 $0x1B8E;
	s24 =	sld [smem:$0x3FFE];
	[sflag:s23] =	ssyncadd.s32 $0xFFFFFFFF  }
0xa5: {  	s26 =	simm.s32 $execute0_lowered;
	[smem:$0x3FD2] =	sst s25  }
0xa6: {  	s4 =	sshll.u32 s26, $0x1;
	_ =	strace $0x8000005E;
	[dreg:$0x1] =	wrdreg $0xFFFFFFFF  }
0xa7: {  	s28 =	simm.s32 $_size_execute0_lowered;
	s2 =	sadd.s32 s2, s4;
	[dreg:$0x0] =	wrdreg $0x0  }
0xa8: {  	s4 =	sshll.u32 s28, $0x1;
	[dreg:$0x2] =	wrdreg s2  }
0xa9: {  	[dreg:$0x3] =	wrdreg s4  }
0xaa: {  	[dreg:$0x4] =	wrdreg $0xC0  }
0xab: {  	_ =	task [dreg:s6], $0x5FFFF  }
0xac: {  	[dreg:$0x1] =	wrdreg $0xFFFFFFFF  }
0xad: {  	[dreg:$0x0] =	wrdreg $0x60  }
0xae: {  	[dreg:$0x2] =	wrdreg s24  }
0xaf: {  	[dreg:$0x3] =	wrdreg $0x83000  }
0xb0: {  	[dreg:$0x4] =	wrdreg $0x9  }
0xb1: {  	_ =	task.clear_ibuf [dreg:s6], $0x5FFFF;
	_ =	strace $0x9000005E  }
0xb2: {  	s29 =	simm.s32 $0x9;
	_ =	strace $0x80000060  }
0xb3: {  	_ =	swait.ge [sflag:s29], $0x1  }
0xb4: {  	[sflag:s29] =	ssyncadd.s32 $0xFFFFFFFF  }
0xb5: {  	_ =	strace $0x90000060  }
0xb6: {  	_ =	sfence  }
0xb7: {  	s30 =	sld [smem:$0x0];
	_ =	sdelay $0x2  }
0xb8: {  	s31 =	sshll.u32 s1, $0xD;
	s1 =	sshrl.u32 s1, $0x2  }
0xb9: {  	s3 =	sand.u32 $0x4000, s31;
	s1 =	sadd.s32 s1, s30  }
0xba: {  	s0 =	sor.u32 s3, s0;
	s1 =	sshll.u32 s1, $0x11  }
0xbb: {  	s0 =	sor.u32 s1, s0  }
0xbc: {  	s0 =	sadd.s32 $0x8F2B, s0  }
0xbd: {  	[sflag:s0] =	ssyncadd.remote.s32 $0x1  }
0xbe: {  	_ =	sfence.sel $0xFFFF  }
0xbf: {  	[dreg:$0x0] =	wrdreg $0xFFFFFFFF;
	(pc) =	sbr.abs _section_cstart, $3  }
0xc0: {  	[dreg:$0x1] =	wrdreg $0xFFFFFFFF  }
0xc1: {  	_ =	task.clear_ibuf [dreg:s6], $0x2FFFF;
	_ =	strace $0x9FFFFFFF  }
0xc2: {  	(tm) =	ssettm $0x7FFFFFFF  }
0xc3: {  	_ =	shalt  }
tec
execute0_lowered:
.L_overlay_start_1:
0x0: {  	(tag) =	ssettag $0x1  }
0x1: {  	s26 =	rddreg [dreg:$0x0]  }
0x2: {  	s1 =	rddreg [dreg:$0x1]  }
0x3: {  	s0 =	rddreg [dreg:$0x2];
	s3 =	simm.s32 $0x0  }
0x4: {  	[smem:$0x7FF] =	sst s3;
	s2 =	sadd.s32 $0xD1000, s26  }
0x5: {  	_ =	strace $0x8000005F;
	[dreg:$0x3] =	wrdreg s2;
	s2 =	stileid.u32  }
0x6: {  	s4 =	simm.s32 $0x3;
	s5 =	rddreg [dreg:$0x3];
	s6 =	smul.u32 $0x50000, s2  }
0x7: {  	[tilespmem:s3], [sflag:$0x3] =	stream.linear.gather [hbm4b:s5+s3], $0x4000, $0x38;
	[tilespmem:$0x1C300] =	vst v63  }
0x8: {  	_ =	swait.ge [sflag:s4], $0x4000  }
0x9: {  	s25 =	sshrl.u32 s6, $0x2;
	[sflag:s4] =	ssyncset.done $0x0  }
0xa: {  	s5 =	sadd.s32 s25, s1;
	[sflag:s4] =	ssyncadd.s32 $0xFFFFC000  }
0xb: {  	[spmem:s5] =	stream.linear.scatter [tilespmem:s3], [sflag:$0x3], $0x4000, $0x38;
	[tilespmem:$0x1C300] =	vst v63  }
0xc: {  	_ =	swait.ge [sflag:s4], $0x4000  }
0xd: {  	[sflag:s4] =	ssyncset.done $0x0  }
0xe: {  	s6 =	sadd.s32 $0x4000, s5;
	[sflag:s4] =	ssyncadd.s32 $0xFFFFC000  }
0xf: {  	[spmem:s6] =	stream.linear.scatter [tilespmem:s3], [sflag:$0x3], $0x4000, $0x38;
	[tilespmem:$0x1C300] =	vst v63  }
0x10: {  	_ =	swait.ge [sflag:s4], $0x4000  }
0x11: {  	[sflag:s4] =	ssyncset.done $0x0  }
0x12: {  	s7 =	sadd.s32 $0x8000, s5;
	[sflag:s4] =	ssyncadd.s32 $0xFFFFC000  }
0x13: {  	[spmem:s7] =	stream.linear.scatter [tilespmem:s3], [sflag:$0x3], $0x4000, $0x38;
	[tilespmem:$0x1C300] =	vst v63  }
0x14: {  	_ =	swait.ge [sflag:s4], $0x4000  }
0x15: {  	[sflag:s4] =	ssyncset.done $0x0  }
0x16: {  	s8 =	sadd.s32 $0xC000, s5;
	[sflag:s4] =	ssyncadd.s32 $0xFFFFC000  }
0x17: {  	[spmem:s8] =	stream.linear.scatter [tilespmem:s3], [sflag:$0x3], $0x4000, $0x38;
	[tilespmem:$0x1C300] =	vst v63  }
0x18: {  	s9 =	srdreg.scid;
	_ =	swait.ge [sflag:s4], $0x4000  }
0x19: {  	s31 =	sshll.u32 s2, $0x1;
	s25 =	sand.u32 $0x1, s9;
	[sflag:s4] =	ssyncset.done $0x0  }
0x1a: {  	s22 =	sor.u32 s25, s31;
	s9 =	sadd.s32 $0x10000, s5;
	[sflag:s4] =	ssyncadd.s32 $0xFFFFC000  }
0x1b: {  	[spmem:s9] =	stream.linear.scatter [tilespmem:s3], [sflag:$0x3], $0x4000, $0x38;
	[tilespmem:$0x1C300] =	vst v63  }
0x1c: {  	s10 =	sshll.u32 s22, $0x6;
	_ =	swait.ge [sflag:s4], $0x4000  }
0x1d: {  	s10 =	sadd.s32 s10, s26;
	[sflag:s4] =	ssyncset.done $0x0  }
0x1e: {  	s11 =	simm.s32 $0x8000;
	s10 =	sadd.s32 $0x80800, s10;
	[sflag:s4] =	ssyncadd.s32 $0xFFFFC000  }
0x1f: {  	[tilespmem:s11], [sflag:$0x3] =	stream.linear.gather [hbm4b:s10+s3], $0x180, $0x38;
	[tilespmem:$0x1C300] =	vst v63  }
0x20: {  	s12 =	sshll.u32 s22, $0x5;
	_ =	swait.ge [sflag:s4], $0x180  }
0x21: {  	s13 =	simm.s32 $0x8200;
	s12 =	sadd.s32 s12, s26;
	[sflag:s4] =	ssyncset.done $0x0  }
0x22: {  	s15 =	smul.u32 $0xC000, s22;
	s12 =	sadd.s32 $0x80400, s12;
	[sflag:s4] =	ssyncadd.s32 $0xFFFFFE80  }
0x23: {  	[tilespmem:s13], [sflag:$0x3] =	stream.linear.gather [hbm4b:s12+s3], $0x100, $0x38;
	[tilespmem:$0x1C300] =	vst v63  }
0x24: {  	s17 =	simm.s32 $0x1;
	s16 =	smul.u32 $0x1800, s22;
	_ =	swait.ge [sflag:s4], $0x100  }
0x25: {  	s14 =	sadd.s32 $0x81000, s26;
	s15 =	sshrl.u32 s15, $0x3;
	[sflag:s4] =	ssyncset.done $0x0  }
0x26: {  	s19 =	sadd.s32 s14, s15;
	s14 =	sadd.s32 s14, s16;
	[sflag:s4] =	ssyncadd.s32 $0xFFFFFF00  }
0x27: {  	[tilespmem:s3], [sflag:$0x1] =	stream.linear.gather [hbm4b:s14+s3], $0x4000, $0x38;
	[tilespmem:$0x1C300] =	vst v63  }
0x28: {  	s16 =	simm.s32 $0x4000;
	s15 =	sadd.s32 $0x800, s19;
	[bflag:$0x0] =	sbarrier.arrive $0xFFFF  }
0x29: {  	[tilespmem:s16], [sflag:$0x2] =	stream.linear.gather [hbm4b:s15+s3], $0x4000, $0x38;
	[tilespmem:$0x1C300] =	vst v63  }
0x2a: {  	_ =	swait.ge [sflag:s17], $0x4000  }
0x2b: {  	[sflag:s17] =	ssyncset.done $0x0  }
0x2c: {  	s18 =	simm.s32 $0x80;
	[sflag:s17] =	ssyncadd.s32 $0xFFFFC000  }
0x2d: {  	[spmem:s1] =	stream.indirect.scatter.add.f32 [tilespmem:s3], [sflag:$0x3], $0x80, s11, s18, $0xb8;
	[tilespmem:$0x1C300] =	vst v63  }
0x2e: {  	_ =	swait.ge [sflag:s4], $0x4000  }
0x2f: {  	[sflag:s4] =	ssyncset.done $0x0  }
0x30: {  	s20 =	simm.s32 $0x2;
	s19 =	sadd.s32 $0x1000, s19;
	[sflag:s4] =	ssyncadd.s32 $0xFFFFC000  }
0x31: {  	[tilespmem:s3], [sflag:$0x1] =	stream.linear.gather [hbm4b:s19+s3], $0x4000, $0x38;
	[tilespmem:$0x1C300] =	vst v63  }
0x32: {  	_ =	swait.ge [sflag:s20], $0x4000  }
0x33: {  	[sflag:s20] =	ssyncset.done $0x0  }
0x34: {  	s21 =	simm.s32 $0x8080;
	[sflag:s20] =	ssyncadd.s32 $0xFFFFC000  }
0x35: {  	[spmem:s1] =	stream.indirect.scatter.add.f32 [tilespmem:s16], [sflag:$0x3], $0x80, s21, s18, $0xb8;
	[tilespmem:$0x1C300] =	vst v63  }
0x36: {  	s22 =	sshll.u32 s22, $0xC;
	_ =	swait.ge [sflag:s4], $0x4000  }
0x37: {  	s24 =	sadd.s32 s22, s26;
	[sflag:s4] =	ssyncset.done $0x0  }
0x38: {  	s22 =	sadd.s32 $0xF9800, s24;
	[sflag:s4] =	ssyncadd.s32 $0xFFFFC000  }
0x39: {  	[tilespmem:s16], [sflag:$0x2] =	stream.linear.gather [hbm4b:s22+s3], $0x4000, $0x38;
	[tilespmem:$0x1C300] =	vst v63  }
0x3a: {  	_ =	swait.ge [sflag:s17], $0x4000  }
0x3b: {  	[sflag:s17] =	ssyncset.done $0x0  }
0x3c: {  	s23 =	simm.s32 $0x8100;
	[sflag:s17] =	ssyncadd.s32 $0xFFFFC000  }
0x3d: {  	[spmem:s1] =	stream.indirect.scatter.add.f32 [tilespmem:s3], [sflag:$0x3], $0x80, s23, s18, $0xb8;
	[tilespmem:$0x1C300] =	vst v63  }
0x3e: {  	_ =	swait.ge [sflag:s4], $0x4000  }
0x3f: {  	[sflag:s4] =	ssyncset.done $0x0  }
0x40: {  	s24 =	sadd.s32 $0xFA000, s24;
	[sflag:s4] =	ssyncadd.s32 $0xFFFFC000  }
0x41: {  	[tilespmem:s3], [sflag:$0x1] =	stream.linear.gather [hbm4b:s24+s3], $0x4000, $0x38;
	[tilespmem:$0x1C300] =	vst v63  }
0x42: {  	_ =	swait.ge [sflag:s20], $0x4000  }
0x43: {  	s29 =	smul.u32 $0x14000, s2;
	[sflag:s20] =	ssyncset.done $0x0  }
0x44: {  	s28 =	smul.u32 $0x140000, s25;
	[sflag:s20] =	ssyncadd.s32 $0xFFFFC000  }
0x45: {  	[spmem:s1] =	stream.indirect.scatter.add.f32 [tilespmem:s16], [sflag:$0x3], $0x80, s13, s18, $0xb8;
	[tilespmem:$0x1C300] =	vst v63  }
0x46: {  	_ =	swait.ge [sflag:s4], $0x4000  }
0x47: {  	s28 =	sadd.s32 s29, s28;
	[sflag:s4] =	ssyncset.done $0x0  }
0x48: {  	s29 =	ssub.s32 $0x2, s25;
	s28 =	sshrl.u32 s28, $0x3;
	[sflag:s4] =	ssyncadd.s32 $0xFFFFC000  }
0x49: {  	s26 =	sadd.s32 s28, s26;
	s28 =	sshrl.u32 s29, $0x1;
	_ =	swait.ge [sflag:s17], $0x4000  }
0x4a: {  	s28 =	ssub.s32 s29, s28;
	[sflag:s17] =	ssyncset.done $0x0  }
0x4b: {  	s25 =	simm.s32 $0x8280;
	s30 =	smax.u32 s28, $0x1;
	[sflag:s17] =	ssyncadd.s32 $0xFFFFC000  }
0x4c: {  	[spmem:s1] =	stream.indirect.scatter.add.f32 [tilespmem:s3], [sflag:$0x3], $0x80, s25, s18, $0xb8;
	[tilespmem:$0x1C300] =	vst v63  }
0x4d: {  	p0 =	sne.s32 s30, $0x1;
	_ =	swait.ge [sflag:s4], $0x4000  }
.Ltmp0:
0x4e: {  	[sflag:s4] =	ssyncset.done $0x0;
	(pc) =	sbr.rel @!p0 .LBB2_2-.Ltmp0, $4  }
0x4f: {  	s26 =	sadd.s32 $0x8000, s26;
	s28 =	sshll.u32 s2, $0x6;
	[sflag:s4] =	ssyncadd.s32 $0xFFFFC000  }
0x50: {  	s29 =	sshrl.u32 s5, $0x3;
	s28 =	sor.u32 $0x1C03, s28;
	[bflag:$0x0] =	sbarrier.arrive $0xFFFF  }
0x51: {  	[hbm:s26], [sflag:s28] =	dma.local [spmem:s29], $0x2800  }
0x52: {  	s30 =	sadd.s32 $0xFFFFFFFF, s30;
	_ =	swait.ge [sflag:s4], $0x2800  }
.LBB2_1:
0x53: {  	[sflag:s4] =	ssyncset.done $0x0  }
0x54: {  	s31 =	rddreg [dreg:$0x3];
	[sflag:s4] =	ssyncadd.s32 $0xFFFFD800  }
0x55: {  	[tilespmem:s3], [sflag:$0x3] =	stream.linear.gather [hbm4b:s31+s3], $0x4000, $0x38;
	[tilespmem:$0x1C300] =	vst v63  }
0x56: {  	_ =	swait.ge [sflag:s4], $0x4000  }
0x57: {  	[sflag:s4] =	ssyncset.done $0x0  }
0x58: {  	[sflag:s4] =	ssyncadd.s32 $0xFFFFC000  }
0x59: {  	[spmem:s5] =	stream.linear.scatter [tilespmem:s3], [sflag:$0x3], $0x4000, $0x38;
	[tilespmem:$0x1C300] =	vst v63  }
0x5a: {  	_ =	swait.ge [sflag:s4], $0x4000  }
0x5b: {  	[sflag:s4] =	ssyncset.done $0x0  }
0x5c: {  	[sflag:s4] =	ssyncadd.s32 $0xFFFFC000  }
0x5d: {  	[spmem:s6] =	stream.linear.scatter [tilespmem:s3], [sflag:$0x3], $0x4000, $0x38;
	[tilespmem:$0x1C300] =	vst v63  }
0x5e: {  	_ =	swait.ge [sflag:s4], $0x4000  }
0x5f: {  	[sflag:s4] =	ssyncset.done $0x0  }
0x60: {  	[sflag:s4] =	ssyncadd.s32 $0xFFFFC000  }
0x61: {  	[spmem:s7] =	stream.linear.scatter [tilespmem:s3], [sflag:$0x3], $0x4000, $0x38;
	[tilespmem:$0x1C300] =	vst v63  }
0x62: {  	_ =	swait.ge [sflag:s4], $0x4000  }
0x63: {  	[sflag:s4] =	ssyncset.done $0x0  }
0x64: {  	[sflag:s4] =	ssyncadd.s32 $0xFFFFC000  }
0x65: {  	[spmem:s8] =	stream.linear.scatter [tilespmem:s3], [sflag:$0x3], $0x4000, $0x38;
	[tilespmem:$0x1C300] =	vst v63  }
0x66: {  	_ =	swait.ge [sflag:s4], $0x4000  }
0x67: {  	[sflag:s4] =	ssyncset.done $0x0  }
0x68: {  	[sflag:s4] =	ssyncadd.s32 $0xFFFFC000  }
0x69: {  	[spmem:s9] =	stream.linear.scatter [tilespmem:s3], [sflag:$0x3], $0x4000, $0x38;
	[tilespmem:$0x1C300] =	vst v63  }
0x6a: {  	_ =	swait.ge [sflag:s4], $0x4000  }
0x6b: {  	[sflag:s4] =	ssyncset.done $0x0  }
0x6c: {  	[sflag:s4] =	ssyncadd.s32 $0xFFFFC000  }
0x6d: {  	[tilespmem:s11], [sflag:$0x3] =	stream.linear.gather [hbm4b:s10+s3], $0x180, $0x38;
	[tilespmem:$0x1C300] =	vst v63  }
0x6e: {  	_ =	swait.ge [sflag:s4], $0x180  }
0x6f: {  	[sflag:s4] =	ssyncset.done $0x0  }
0x70: {  	[sflag:s4] =	ssyncadd.s32 $0xFFFFFE80  }
0x71: {  	[tilespmem:s13], [sflag:$0x3] =	stream.linear.gather [hbm4b:s12+s3], $0x100, $0x38;
	[tilespmem:$0x1C300] =	vst v63  }
0x72: {  	_ =	swait.ge [sflag:s4], $0x100  }
0x73: {  	[sflag:s4] =	ssyncset.done $0x0  }
0x74: {  	[sflag:s4] =	ssyncadd.s32 $0xFFFFFF00  }
0x75: {  	[tilespmem:s3], [sflag:$0x1] =	stream.linear.gather [hbm4b:s14+s3], $0x4000, $0x38;
	[tilespmem:$0x1C300] =	vst v63  }
0x76: {  	[bflag:$0x0] =	sbarrier.arrive $0xFFFF  }
0x77: {  	[tilespmem:s16], [sflag:$0x2] =	stream.linear.gather [hbm4b:s15+s3], $0x4000, $0x38;
	[tilespmem:$0x1C300] =	vst v63  }
0x78: {  	_ =	swait.ge [sflag:s17], $0x4000  }
0x79: {  	[sflag:s17] =	ssyncset.done $0x0  }
0x7a: {  	[sflag:s17] =	ssyncadd.s32 $0xFFFFC000  }
0x7b: {  	[spmem:s1] =	stream.indirect.scatter.add.f32 [tilespmem:s3], [sflag:$0x3], $0x80, s11, s18, $0xb8;
	[tilespmem:$0x1C300] =	vst v63  }
0x7c: {  	_ =	swait.ge [sflag:s4], $0x4000  }
0x7d: {  	[sflag:s4] =	ssyncset.done $0x0  }
0x7e: {  	[sflag:s4] =	ssyncadd.s32 $0xFFFFC000  }
0x7f: {  	[tilespmem:s3], [sflag:$0x1] =	stream.linear.gather [hbm4b:s19+s3], $0x4000, $0x38;
	[tilespmem:$0x1C300] =	vst v63  }
0x80: {  	_ =	swait.ge [sflag:s20], $0x4000  }
0x81: {  	[sflag:s20] =	ssyncset.done $0x0  }
0x82: {  	[sflag:s20] =	ssyncadd.s32 $0xFFFFC000  }
0x83: {  	[spmem:s1] =	stream.indirect.scatter.add.f32 [tilespmem:s16], [sflag:$0x3], $0x80, s21, s18, $0xb8;
	[tilespmem:$0x1C300] =	vst v63  }
0x84: {  	_ =	swait.ge [sflag:s4], $0x4000  }
0x85: {  	[sflag:s4] =	ssyncset.done $0x0  }
0x86: {  	[sflag:s4] =	ssyncadd.s32 $0xFFFFC000  }
0x87: {  	[tilespmem:s16], [sflag:$0x2] =	stream.linear.gather [hbm4b:s22+s3], $0x4000, $0x38;
	[tilespmem:$0x1C300] =	vst v63  }
0x88: {  	_ =	swait.ge [sflag:s17], $0x4000  }
0x89: {  	[sflag:s17] =	ssyncset.done $0x0  }
0x8a: {  	[sflag:s17] =	ssyncadd.s32 $0xFFFFC000  }
0x8b: {  	[spmem:s1] =	stream.indirect.scatter.add.f32 [tilespmem:s3], [sflag:$0x3], $0x80, s23, s18, $0xb8;
	[tilespmem:$0x1C300] =	vst v63  }
0x8c: {  	_ =	swait.ge [sflag:s4], $0x4000  }
0x8d: {  	[sflag:s4] =	ssyncset.done $0x0  }
0x8e: {  	[sflag:s4] =	ssyncadd.s32 $0xFFFFC000  }
0x8f: {  	[tilespmem:s3], [sflag:$0x1] =	stream.linear.gather [hbm4b:s24+s3], $0x4000, $0x38;
	[tilespmem:$0x1C300] =	vst v63  }
0x90: {  	_ =	swait.ge [sflag:s20], $0x4000  }
0x91: {  	[sflag:s20] =	ssyncset.done $0x0  }
0x92: {  	[sflag:s20] =	ssyncadd.s32 $0xFFFFC000  }
0x93: {  	[spmem:s1] =	stream.indirect.scatter.add.f32 [tilespmem:s16], [sflag:$0x3], $0x80, s13, s18, $0xb8;
	[tilespmem:$0x1C300] =	vst v63  }
0x94: {  	_ =	swait.ge [sflag:s4], $0x4000  }
0x95: {  	[sflag:s4] =	ssyncset.done $0x0  }
0x96: {  	[sflag:s4] =	ssyncadd.s32 $0xFFFFC000  }
0x97: {  	_ =	swait.ge [sflag:s17], $0x4000  }
0x98: {  	[sflag:s17] =	ssyncset.done $0x0  }
0x99: {  	[sflag:s17] =	ssyncadd.s32 $0xFFFFC000  }
0x9a: {  	[spmem:s1] =	stream.indirect.scatter.add.f32 [tilespmem:s3], [sflag:$0x3], $0x80, s25, s18, $0xb8;
	[tilespmem:$0x1C300] =	vst v63  }
0x9b: {  	p0 =	sne.s32 s30, $0x1;
	_ =	swait.ge [sflag:s4], $0x4000  }
.Ltmp1:
0x9c: {  	[sflag:s4] =	ssyncset.done $0x0;
	(pc) =	sbr.rel @p0 .LBB2_1-.Ltmp1, $4  }
0x9d: {  	[sflag:s4] =	ssyncadd.s32 $0xFFFFC000  }
0x9e: {  	[bflag:$0x0] =	sbarrier.arrive $0xFFFF  }
0x9f: {  	[hbm:s26], [sflag:s28] =	dma.local [spmem:s29], $0x2800  }
0xa0: {  	s30 =	sadd.s32 $0xFFFFFFFF, s30;
	_ =	swait.ge [sflag:s4], $0x2800  }
.LBB2_2:
0xa1: {  	[sflag:s4] =	ssyncset.done $0x0  }
0xa2: {  	[sflag:s4] =	ssyncadd.s32 $0xFFFFD800  }
0xa3: {  	_ =	sfence.sel $0x180000  }
0xa4: {  	[bflag:$0x0] =	sbarrier.arrive $0xFFFF  }
0xa5: {  	p0 =	sne.s32 s2, $0x0;
	_ =	strace $0x9000005F  }
0xa6: {  	s0 =	sadd.s32 @!p0 $0x100000, s0;
	[bflag:$0x2] =	sbarrier.arrive $0xFFFF  }
0xa7: {  	[sflag:s0] =	ssyncadd.tile.s32 @!p0 $0x1;
	_ =	shalt  }
.Lfunc_end2:
_tile_overlayer_lowered:
.L_overlay_start_2:
0xa8: {  	(tag) =	ssettag $0x2  }
0xa9: {  	s0 =	rddreg [dreg:$0x0];
	s2 =	stileid.u32  }
0xaa: {  	s1 =	rddreg [dreg:$0x1];
	p0 =	sne.s32 s2, $0x0  }
0xab: {  	s3 =	rddreg [dreg:$0x2];
	[bflag:$0x3] =	sbarrier.arrive $0xFFFF;
	s2 =	simm.s32 @!p0 $0x1C03  }
0xac: {  	[timem:s3], [sflag:s2] =	dma.local @!p0 [hbm:s0], s1  }
0xad: {  	s0 =	simm.s32 @!p0 $0x3  }
0xae: {  	_ =	swait.ge @!p0 [sflag:s0], s1  }
0xaf: {  	s1 =	ssub.s32 @!p0 $0x0, s1;
	[sflag:s0] =	ssyncset.done @!p0 $0x0  }
0xb0: {  	[sflag:s0] =	ssyncadd.s32 @!p0 s1  }
0xb1: {  	[bflag:$0x3] =	sbarrier.arrive $0xFFFF  }
0xb2: {  	_ =	shalt  }

// kernel: kernel.51.cloned.1.call-start
scs
__scs_entry_jumppad:
0x0: {  	(pc) =	sbr.rel $0x88, $3  }
0x1: {  	(tag) =	ssettag $0x0;
	lr =	simm.s32 $0x1  }
0x2: {  	[smem:$0x3F8E] =	sst lr;
	_ =	strace $0xD0000000  }
0x3: {  	_ = 	snop  }
0x4: {  	_ = 	snop  }
0x5: {  	_ = 	snop  }
0x6: {  	_ = 	snop  }
0x7: {  	_ = 	snop  }
__scs_overlays_trampoline_lowered:
0x8: {  	[smem:$0x3F9D] =	sst s0  }
0x9: {  	[smem:$0x3F9E] =	sst s1  }
0xa: {  	[smem:$0x3F9F] =	sst s2  }
0xb: {  	[smem:$0x3FA0] =	sst s3  }
0xc: {  	[smem:$0x3FA1] =	sst s4  }
0xd: {  	[smem:$0x3FA2] =	sst s5  }
0xe: {  	[smem:$0x3FA3] =	sst s6  }
0xf: {  	[smem:$0x3FA4] =	sst s7  }
0x10: {  	[smem:$0x3FA5] =	sst s8  }
0x11: {  	[smem:$0x3FA6] =	sst s9;
	s0 =	simm.s32 @!p0 $0x0  }
0x12: {  	s1 =	sld [smem:$0x3F8C];
	s0 =	simm.s32 @p0 $0x1  }
0x13: {  	[smem:$0x3FA7] =	sst s0;
	s0 =	simm.s32 @!p1 $0x0  }
0x14: {  	s2 =	sld [smem:$0x3F8B];
	s0 =	simm.s32 @p1 $0x1  }
0x15: {  	[smem:$0x3FA8] =	sst s0;
	s0 =	simm.s32 @!p2 $0x0  }
0x16: {  	s3 =	sld [smem:$0x3FDB];
	s0 =	simm.s32 @p2 $0x1  }
0x17: {  	s4 =	simm.s32 $0x1BF5;
	[smem:$0x3FAA] =	sst s0  }
0x18: {  	s0 =	sld [smem:$0x3F8D];
	_ =	swait.ge [sflag:s4], $0x0  }
0x19: {  	s7 =	sld [smem:$0x3F8E]  }
0x1a: {  	s8 =	sadd.s32 $0xFFFFE003, lr  }
0x1b: {  	s9 =	sadd.s32 $0xFFFFFEF7, lr;
	s5 =	simm.s32 $0xFFFFFFFF;
	p2 =	slt.u32 s8, $0xFFFFF086  }
0x1c: {  	p1 =	slt.u32 s9, $0xF7A;
	s5 =	simm.s32 @!p2 $0x0  }
0x1d: {  	s5 =	simm.s32 @p1 $0x1;
	p0 =	seq.s32 s7, s2  }
0x1e: {  	s7 =	smul.u32 @!p0 $0xF7A, s2;
	p2 =	seq.s32 @!p0 s5, $0x0  }
0x1f: {  	s9 =	smul.u32 $0xF7A, s1;
	s8 =	simm.s32 @!p0 $0x1BF5;
	p2 =	por !p2, p0  }
0x20: {  	[sflag:s8] =	ssyncset.s32 @!p0 $0xFFFFF086;
	s6 =	sadd.s32 @!p0 s3, s7;
	s7 =	simm.s32 @!p0 $0x108  }
0x21: {  	s3 =	sadd.s32 s3, s9;
	s6 =	sadd.s32 @!p0 $0x88, s6;
	s7 =	simm.s32 @p2 $0x1082  }
0x22: {  	[simem:s7], [sflag:s8] =	dma.local @!p0 [hbm:s6], $0xF7A  }
0x23: {  	s9 =	sor.u32 $0xD0000000, s2;
	s6 =	simm.s32 $0x108;
	_ =	swait.ge @!p0 [sflag:s8], $0x0  }
0x24: {  	s3 =	sadd.s32 $0x88, s3;
	s6 =	simm.s32 @!p1 $0x1082;
	[sflag:s4] =	ssyncset.s32 $0xFFFFF086  }
0x25: {  	[simem:s6], [sflag:s4] =	dma.local [hbm:s3], $0xF7A  }
0x26: {  	[smem:$0x3F8E] =	sst s1;
	(tag) =	ssettag s2;
	_ =	strace s9  }
0x27: {  	s1 =	sld [smem:$0x3F9E]  }
0x28: {  	s2 =	sld [smem:$0x3F9F]  }
0x29: {  	s4 =	sld [smem:$0x3FA1]  }
0x2a: {  	p0 =	seq.s32 s5, $0x0;
	s5 =	sld [smem:$0x3FA2]  }
0x2b: {  	s6 =	sld [smem:$0x3FA3]  }
0x2c: {  	s7 =	sld [smem:$0x3FA4]  }
0x2d: {  	s3 =	simm.s32 $0x108;
	s8 =	sld [smem:$0x3FA5]  }
0x2e: {  	s3 =	simm.s32 @!p0 $0x1082;
	s9 =	sld [smem:$0x3FA6]  }
0x2f: {  	lr =	sadd.s32 s0, s3;
	s0 =	sld [smem:$0x3F9D]  }
0x30: {  	s3 =	sld [smem:$0x3FA0]  }
0x31: {  	[smem:$0x3FA9] =	sst s10  }
0x32: {  	s10 =	sld [smem:$0x3FA7];
	_ =	sdelay $0x3  }
0x33: {  	p0 =	seq.s32 s10, $0x1;
	s10 =	sld [smem:$0x3FA9];
	_ =	sdelay $0x3  }
0x34: {  	[smem:$0x3FA9] =	sst s10  }
0x35: {  	s10 =	sld [smem:$0x3FA8];
	_ =	sdelay $0x3  }
0x36: {  	p1 =	seq.s32 s10, $0x1;
	s10 =	sld [smem:$0x3FA9];
	_ =	sdelay $0x3  }
0x37: {  	[smem:$0x3FA9] =	sst s10  }
0x38: {  	s10 =	sld [smem:$0x3FAA]  }
0x39: {  	_ = 	snop;
	(pc) =	sbr.ind lr, $3  }
0x3a: {  	_ = 	snop  }
0x3b: {  	_ = 	snop  }
0x3c: {  	p2 =	seq.s32 s10, $0x1;
	s10 =	sld [smem:$0x3FA9]  }
0x3d: {  	_ =	shalt  }
0x3e: {  	_ =	shalt  }
0x3f: {  	_ =	shalt  }
0x40: {  	_ =	shalt  }
0x41: {  	_ =	shalt  }
0x42: {  	_ =	shalt  }
0x43: {  	_ =	shalt  }
0x44: {  	_ =	shalt  }
0x45: {  	_ =	shalt  }
0x46: {  	_ =	shalt  }
0x47: {  	_ =	shalt  }
0x48: {  	_ =	shalt  }
0x49: {  	_ =	shalt  }
0x4a: {  	_ =	shalt  }
0x4b: {  	_ =	shalt  }
0x4c: {  	_ =	shalt  }
0x4d: {  	_ =	shalt  }
0x4e: {  	_ =	shalt  }
0x4f: {  	_ =	shalt  }
0x50: {  	_ =	shalt  }
0x51: {  	_ =	shalt  }
0x52: {  	_ =	shalt  }
0x53: {  	_ =	shalt  }
0x54: {  	_ =	shalt  }
0x55: {  	_ =	shalt  }
0x56: {  	_ =	shalt  }
0x57: {  	_ =	shalt  }
0x58: {  	_ =	shalt  }
0x59: {  	_ =	shalt  }
0x5a: {  	_ =	shalt  }
0x5b: {  	_ =	shalt  }
0x5c: {  	_ =	shalt  }
0x5d: {  	_ =	shalt  }
0x5e: {  	_ =	shalt  }
0x5f: {  	_ =	shalt  }
0x60: {  	_ =	shalt  }
0x61: {  	_ =	shalt  }
0x62: {  	_ =	shalt  }
0x63: {  	_ =	shalt  }
0x64: {  	_ =	shalt  }
0x65: {  	_ =	shalt  }
0x66: {  	_ =	shalt  }
0x67: {  	_ =	shalt  }
0x68: {  	_ =	shalt  }
0x69: {  	_ =	shalt  }
0x6a: {  	_ =	shalt  }
0x6b: {  	_ =	shalt  }
0x6c: {  	_ =	shalt  }
0x6d: {  	_ =	shalt  }
0x6e: {  	_ =	shalt  }
0x6f: {  	_ =	shalt  }
0x70: {  	_ =	shalt  }
0x71: {  	_ =	shalt  }
0x72: {  	_ =	shalt  }
0x73: {  	_ =	shalt  }
0x74: {  	_ =	shalt  }
0x75: {  	_ =	shalt  }
0x76: {  	_ =	shalt  }
0x77: {  	_ =	shalt  }
0x78: {  	_ =	shalt  }
0x79: {  	_ =	shalt  }
0x7a: {  	_ =	shalt  }
0x7b: {  	_ =	shalt  }
0x7c: {  	_ =	shalt  }
0x7d: {  	_ =	shalt  }
0x7e: {  	_ =	shalt  }
0x7f: {  	_ =	shalt  }
0x80: {  	_ =	shalt  }
0x81: {  	_ =	shalt  }
0x82: {  	_ =	shalt  }
0x83: {  	_ =	shalt  }
0x84: {  	_ =	shalt  }
0x85: {  	_ =	shalt  }
0x86: {  	_ =	shalt  }
0x87: {  	_ =	shalt  }
.Lfunc_end0:
.L_simem_size_0:
called_computation.9_lowered:
.L_overlay_start_0:
0x88: {  	s2 =	sld [smem:$0x3FD9]  }
0x89: {  	s3 =	sld [smem:$0x3FFE];
	_ =	sdelay $0x1  }
0x8a: {  	s1 =	srdreg.scid  }
0x8b: {  	s0 =	sand.u32 $0x1, s1  }
0x8c: {  	s17 =	sshll.u32 s0, $0xA;
	s2 =	sadd.s32 s3, s2  }
0x8d: {  	s2 =	sadd.s32 s2, s17  }
0x8e: {  	[smem:$0x3FB5] =	sst s2  }
0x8f: {  	_ = 	snop  }
0x90: {  	s2 =	sld [smem:$0x3FD0];
	(tm) =	ssettm $0x1  }
0x91: {  	s18 =	sld [smem:$0x3FFB];
	_ =	sdelay $0x3  }
0x92: {  	_ =	strace s18  }
0x93: {  	s3 =	sld [smem:$0x3FFC];
	_ =	sdelay $0x3  }
0x94: {  	_ =	strace s3  }
0x95: {  	s3 =	sld [smem:$0x3FFD];
	_ =	sdelay $0x3  }
0x96: {  	_ =	strace s3  }
0x97: {  	_ =	strace $0x8FFFFFFF  }
0x98: {  	s19 =	sld [smem:$0x3FDB];
	_ =	sdelay $0x1  }
0x99: {  	s4 =	simm.s32 $_scs_section_size  }
0x9a: {  	s5 =	simm.s32 $_size__tile_overlayer_lowered;
	s6 =	simm.s32 $_tile_overlayer_lowered  }
0x9b: {  	s22 =	simm.s32 $0x1BFF;
	s21 =	sshll.u32 s6, $0x1;
	s3 =	sadd.s32 s4, s19  }
0x9c: {  	s7 =	simm.s32 $0x0;
	s20 =	sshll.u32 s5, $0x1;
	s5 =	sadd.s32 s21, s3  }
0x9d: {  	[timem:s7], [sflag:s22] =	dma.local [hbm:s5], s20  }
0x9e: {  	_ =	swait.ge [sflag:s22], s20  }
0x9f: {  	s4 =	ssub.s32 $0x0, s20;
	[sflag:s22] =	ssyncset.done $0x0  }
0xa0: {  	[sflag:s22] =	ssyncadd.s32 s4;
	_ =	sdelay $0x1  }
0xa1: {  	s23 =	simm.s32 $0x1B8B  }
0xa2: {  	_ =	swait.ge [sflag:s23], $0x1  }
0xa3: {  	[sflag:s23] =	ssyncset.done $0x0  }
0xa4: {  	s25 =	simm.s32 $0x1B8E;
	s24 =	sld [smem:$0x3FFE];
	[sflag:s23] =	ssyncadd.s32 $0xFFFFFFFF  }
0xa5: {  	s26 =	simm.s32 $execute0_lowered;
	[smem:$0x3FD2] =	sst s25  }
0xa6: {  	s5 =	sshll.u32 s26, $0x1;
	_ =	strace $0x80000061;
	[dreg:$0x1] =	wrdreg $0xFFFFFFFF  }
0xa7: {  	s28 =	simm.s32 $_size_execute0_lowered;
	s3 =	sadd.s32 s3, s5;
	[dreg:$0x0] =	wrdreg $0x0  }
0xa8: {  	s5 =	sshll.u32 s28, $0x1;
	[dreg:$0x2] =	wrdreg s3  }
0xa9: {  	[dreg:$0x3] =	wrdreg s5  }
0xaa: {  	[dreg:$0x4] =	wrdreg $0xC0  }
0xab: {  	_ =	task [dreg:s7], $0x5FFFF  }
0xac: {  	[dreg:$0x1] =	wrdreg $0xFFFFFFFF  }
0xad: {  	[dreg:$0x0] =	wrdreg $0x60  }
0xae: {  	[dreg:$0x2] =	wrdreg s24  }
0xaf: {  	[dreg:$0x3] =	wrdreg s2  }
0xb0: {  	[dreg:$0x4] =	wrdreg $0x9  }
0xb1: {  	_ =	task.clear_ibuf [dreg:s7], $0x5FFFF;
	_ =	strace $0x90000061  }
0xb2: {  	s29 =	simm.s32 $0x9;
	_ =	strace $0x80000063  }
0xb3: {  	_ =	swait.ge [sflag:s29], $0x1  }
0xb4: {  	[sflag:s29] =	ssyncadd.s32 $0xFFFFFFFF  }
0xb5: {  	_ =	strace $0x90000063  }
0xb6: {  	_ =	sfence  }
0xb7: {  	s30 =	sld [smem:$0x0];
	_ =	sdelay $0x2  }
0xb8: {  	s31 =	sshll.u32 s1, $0xD;
	s1 =	sshrl.u32 s1, $0x2  }
0xb9: {  	s3 =	sand.u32 $0x4000, s31;
	s1 =	sadd.s32 s1, s30  }
0xba: {  	s0 =	sor.u32 s3, s0;
	s1 =	sshll.u32 s1, $0x11  }
0xbb: {  	s0 =	sor.u32 s1, s0  }
0xbc: {  	s0 =	sadd.s32 $0x8F2B, s0  }
0xbd: {  	[sflag:s0] =	ssyncadd.remote.s32 $0x1  }
0xbe: {  	_ =	sfence.sel $0xFFFF  }
0xbf: {  	[dreg:$0x0] =	wrdreg $0xFFFFFFFF;
	(pc) =	sbr.abs _section_cstart, $3  }
0xc0: {  	[dreg:$0x1] =	wrdreg $0xFFFFFFFF  }
0xc1: {  	_ =	task.clear_ibuf [dreg:s7], $0x2FFFF;
	_ =	strace $0x9FFFFFFF  }
0xc2: {  	(tm) =	ssettm $0x7FFFFFFF  }
0xc3: {  	_ =	shalt  }
tec
execute0_lowered:
.L_overlay_start_1:
0x0: {  	(tag) =	ssettag $0x1  }
0x1: {  	s1 =	srdreg.scid;
	s5 =	rddreg [dreg:$0x0]  }
0x2: {  	s0 =	stileid.u32;
	s2 =	rddreg [dreg:$0x1];
	s3 =	simm.s32 $0x0  }
0x3: {  	s12 =	simm.s32 $0x5000;
	s13 =	simm.s32 $0xA150;
	s14 =	simm.s32 $0xE150  }
0x4: {  	s4 =	sand.u32 $0x1, s1;
	s30 =	sshll.u32 s0, $0x1;
	s1 =	rddreg [dreg:$0x2]  }
0x5: {  	s15 =	simm.s32 $0x0;
	[smem:$0x7FF] =	sst s3;
	s6 =	sor.u32 s4, s30  }
0x6: {  	_ =	strace $0x80000062;
	s9 =	ssub.s32 $0x2, s4;
	s7 =	smul.u32 $0xA00, s6  }
0x7: {  	s8 =	smul.u32 $0x28, s6;
	s6 =	sshll.u32 s6, $0xB;
	s31 =	sshrl.u32 s9, $0x1  }
0x8: {  	s4 =	sadd.s32 $0x30000, s5;
	s10 =	sadd.s32 s6, s5;
	s11 =	ssub.s32 s9, s31  }
0x9: {  	s7 =	sadd.s32 s7, s5;
	s8 =	sadd.s32 s8, s5;
	s9 =	sadd.s32 $0x30800, s10  }
0xa: {  	s5 =	sadd.s32 $0x1C000, s7;
	s6 =	sadd.s32 $0x8000, s7;
	s7 =	sadd.s32 $0x119800, s8  }
0xb: {  	s8 =	sadd.s32 $0x40800, s10;
	s10 =	smax.u32 s11, $0x1;
	s11 =	simm.s32 $0x1  }
.LBB2_1:
0xc: {  	[tilespmem:s3], [sflag:$0x1] =	stream.linear.gather [hbm4b:s5+s3], $0x5000, $0x38;
	[tilespmem:$0x12150] =	vst v63  }
0xd: {  	_ =	swait.ge [sflag:s11], $0x5000  }
0xe: {  	[sflag:s11] =	ssyncset.done $0x0  }
0xf: {  	[sflag:s11] =	ssyncadd.s32 $0xFFFFB000  }
0x10: {  	[tilespmem:s12], [sflag:$0x1] =	stream.linear.gather [hbm4b:s6+s3], $0x5000, $0x38;
	[tilespmem:$0x12150] =	vst v63  }
0x11: {  	_ =	swait.ge [sflag:s11], $0x5000  }
0x12: {  	[sflag:s11] =	ssyncset.done $0x0  }
0x13: {  	s16 =	simm.s32 $0xA000;
	[sflag:s11] =	ssyncadd.s32 $0xFFFFB000  }
0x14: {  	[tilespmem:s16], [sflag:$0x1] =	stream.linear.gather [hbm4b:s7+s3], $0x140, $0x38;
	[tilespmem:$0x12150] =	vst v63  }
0x15: {  	_ =	swait.ge [sflag:s11], $0x140  }
0x16: {  	[sflag:s11] =	ssyncset.done $0x0  }
0x17: {  	[sflag:s11] =	ssyncadd.s32 $0xFFFFFEC0  }
0x18: {  	[tilespmem:s13], [sflag:$0x1] =	stream.linear.gather [hbm4b:s2+s3], $0x4000, $0x38;
	[tilespmem:$0x12150] =	vst v63  }
0x19: {  	_ =	swait.ge [sflag:s11], $0x4000  }
0x1a: {  	[sflag:s11] =	ssyncset.done $0x0  }
0x1b: {  	[sflag:s11] =	ssyncadd.s32 $0xFFFFC000  }
0x1c: {  	[tilespmem:s14], [sflag:$0x1] =	stream.linear.gather [hbm4b:s4+s3], $0x4000, $0x38;
	[tilespmem:$0x12150] =	vst v63  }
0x1d: {  	_ =	swait.ge [sflag:s11], $0x4000  }
0x1e: {  	[sflag:s11] =	ssyncset.done $0x0  }
0x1f: {  	[sflag:s11] =	ssyncadd.s32 $0xFFFFC000  }
0x20: {  	v0 =	vld [tilespmem:s16+$0x0];
	_ =	sdelay $0x4  }
0x21: {  	(v2sf) =	vpush v0, $0x0;
	_ =	sdelay $0xe  }
0x22: {  	s19 =	simm.s32 $0x0;
	s17 =	spop (v2sf)  }
0x23: {  	v0 =	vld [tilespmem:s19+$0x0];
	s17 =	sshll.u32 s17, $0x6  }
0x24: {  	v1 =	vld [tilespmem:s17+$0xA150];
	_ =	sdelay $0x4  }
0x25: {  	v0 =	vadd.f32 v0, v1;
	_ =	sdelay $0x1  }
0x26: {  	[tilespmem:s17+$0xA150] =	vst v0;
	v0 =	vld [tilespmem:s17+$0xE150]  }
0x27: {  	v1 =	vld [tilespmem:s19+$0x5000];
	_ =	sdelay $0x4  }
0x28: {  	v0 =	vmax.f32 v0, v1  }
0x29: {  	[tilespmem:s17+$0xE150] =	vst v0;
	v0 =	vld [tilespmem:s17+$0xA160]  }
0x2a: {  	v1 =	vld [tilespmem:s19+$0x10];
	_ =	sdelay $0x4  }
0x2b: {  	v0 =	vadd.f32 v1, v0;
	_ =	sdelay $0x1  }
0x2c: {  	[tilespmem:s17+$0xA160] =	vst v0;
	v0 =	vld [tilespmem:s17+$0xE160]  }
0x2d: {  	v1 =	vld [tilespmem:s19+$0x5010];
	_ =	sdelay $0x4  }
0x2e: {  	v0 =	vmax.f32 v0, v1  }
0x2f: {  	[tilespmem:s17+$0xE160] =	vst v0;
	v0 =	vld [tilespmem:s17+$0xA170]  }
0x30: {  	v1 =	vld [tilespmem:s19+$0x20];
	_ =	sdelay $0x4  }
0x31: {  	v0 =	vadd.f32 v1, v0;
	_ =	sdelay $0x1  }
0x32: {  	[tilespmem:s17+$0xA170] =	vst v0;
	v0 =	vld [tilespmem:s17+$0xE170]  }
0x33: {  	v1 =	vld [tilespmem:s19+$0x5020];
	_ =	sdelay $0x4  }
0x34: {  	v0 =	vmax.f32 v0, v1  }
0x35: {  	[tilespmem:s17+$0xE170] =	vst v0;
	v0 =	vld [tilespmem:s17+$0xA180]  }
0x36: {  	v1 =	vld [tilespmem:s19+$0x30];
	_ =	sdelay $0x4  }
0x37: {  	v0 =	vadd.f32 v1, v0;
	_ =	sdelay $0x1  }
0x38: {  	[tilespmem:s17+$0xA180] =	vst v0;
	v0 =	vld [tilespmem:s17+$0xE180]  }
0x39: {  	s18 =	simm.s32 $0x100;
	v1 =	vld [tilespmem:s19+$0x5030]  }
.LBB2_2:
0x3a: {  	_ =	sdelay $0x2  }
0x3b: {  	p0 =	sne.s32 s18, $0x13F00  }
0x3c: {  	s16 =	sadd.s32 $0x1, s16;
	s19 =	smov.u32 s18;
	s18 =	sadd.s32 $0x100, s18;
	v0 =	vmax.f32 v0, v1  }
0x3d: {  	[tilespmem:s17+$0xE180] =	vst v0  }
0x3e: {  	v0 =	vld [tilespmem:s16+$0x0];
	_ =	sdelay $0x4  }
0x3f: {  	(v2sf) =	vpush v0, $0x0;
	_ =	sdelay $0xe  }
0x40: {  	s19 =	sshra.s32 s19, $0x2;
	s17 =	spop (v2sf)  }
0x41: {  	s17 =	sshll.u32 s17, $0x6;
	v0 =	vld [tilespmem:s19+$0x0]  }
0x42: {  	v1 =	vld [tilespmem:s17+$0xA150];
	_ =	sdelay $0x4  }
0x43: {  	v0 =	vadd.f32 v0, v1;
	_ =	sdelay $0x1  }
0x44: {  	[tilespmem:s17+$0xA150] =	vst v0;
	v0 =	vld [tilespmem:s17+$0xE150]  }
0x45: {  	v1 =	vld [tilespmem:s19+$0x5000];
	_ =	sdelay $0x4  }
0x46: {  	v0 =	vmax.f32 v0, v1  }
0x47: {  	[tilespmem:s17+$0xE150] =	vst v0;
	v0 =	vld [tilespmem:s17+$0xA160]  }
0x48: {  	v1 =	vld [tilespmem:s19+$0x10];
	_ =	sdelay $0x4  }
0x49: {  	v0 =	vadd.f32 v1, v0;
	_ =	sdelay $0x1  }
0x4a: {  	[tilespmem:s17+$0xA160] =	vst v0;
	v0 =	vld [tilespmem:s17+$0xE160]  }
0x4b: {  	v1 =	vld [tilespmem:s19+$0x5010];
	_ =	sdelay $0x4  }
0x4c: {  	v0 =	vmax.f32 v0, v1  }
0x4d: {  	[tilespmem:s17+$0xE160] =	vst v0;
	v0 =	vld [tilespmem:s17+$0xA170]  }
0x4e: {  	v1 =	vld [tilespmem:s19+$0x20];
	_ =	sdelay $0x4  }
0x4f: {  	v0 =	vadd.f32 v1, v0;
	_ =	sdelay $0x1  }
0x50: {  	[tilespmem:s17+$0xA170] =	vst v0;
	v0 =	vld [tilespmem:s17+$0xE170]  }
0x51: {  	v1 =	vld [tilespmem:s19+$0x5020];
	_ =	sdelay $0x4  }
0x52: {  	v0 =	vmax.f32 v0, v1  }
0x53: {  	[tilespmem:s17+$0xE170] =	vst v0;
	v0 =	vld [tilespmem:s17+$0xA180]  }
0x54: {  	v1 =	vld [tilespmem:s19+$0x30];
	_ =	sdelay $0x3  }
.Ltmp0:
0x55: {  	(pc) =	sbr.rel @p0 .LBB2_2-.Ltmp0, $3  }
0x56: {  	v0 =	vadd.f32 v1, v0;
	_ =	sdelay $0x1  }
0x57: {  	[tilespmem:s17+$0xA180] =	vst v0;
	v0 =	vld [tilespmem:s17+$0xE180]  }
0x58: {  	v1 =	vld [tilespmem:s19+$0x5030]  }
0x59: {  	_ =	sdelay $0x3  }
0x5a: {  	v0 =	vmax.f32 v0, v1  }
0x5b: {  	[tilespmem:s17+$0xE180] =	vst v0  }
0x5c: {  	[hbm4b:s8+s3] =	stream.linear.scatter [tilespmem:s13], [sflag:$0x1], $0x4000, $0x38;
	[tilespmem:$0x12150] =	vst v63  }
0x5d: {  	s15 =	sadd.s32 $0x1, s15;
	_ =	swait.ge [sflag:s11], $0x4000  }
0x5e: {  	p0 =	sne.s32 s15, s10;
	[sflag:s11] =	ssyncset.done $0x0  }
.Ltmp1:
0x5f: {  	[sflag:s11] =	ssyncadd.s32 $0xFFFFC000;
	(pc) =	sbr.rel @p0 .LBB2_1-.Ltmp1, $4  }
0x60: {  	[hbm4b:s9+s3] =	stream.linear.scatter [tilespmem:s14], [sflag:$0x1], $0x4000, $0x38;
	[tilespmem:$0x12150] =	vst v63  }
0x61: {  	_ =	swait.ge [sflag:s11], $0x4000  }
0x62: {  	[sflag:s11] =	ssyncset.done $0x0  }
0x63: {  	[sflag:s11] =	ssyncadd.s32 $0xFFFFC000  }
0x64: {  	_ =	sfence.sel $0x180000  }
0x65: {  	[bflag:$0x0] =	sbarrier.arrive $0xFFFF  }
0x66: {  	p0 =	sne.s32 s0, $0x0;
	_ =	strace $0x90000062  }
0x67: {  	s0 =	sadd.s32 @!p0 $0x100000, s1;
	[bflag:$0x2] =	sbarrier.arrive $0xFFFF  }
0x68: {  	[sflag:s0] =	ssyncadd.tile.s32 @!p0 $0x1;
	_ =	shalt  }
.Lfunc_end2:
_tile_overlayer_lowered:
.L_overlay_start_2:
0x69: {  	(tag) =	ssettag $0x2  }
0x6a: {  	s0 =	rddreg [dreg:$0x0];
	s2 =	stileid.u32  }
0x6b: {  	s1 =	rddreg [dreg:$0x1];
	p0 =	sne.s32 s2, $0x0  }
0x6c: {  	s3 =	rddreg [dreg:$0x2];
	[bflag:$0x3] =	sbarrier.arrive $0xFFFF;
	s2 =	simm.s32 @!p0 $0x1C01  }
0x6d: {  	[timem:s3], [sflag:s2] =	dma.local @!p0 [hbm:s0], s1  }
0x6e: {  	s0 =	simm.s32 @!p0 $0x1  }
0x6f: {  	_ =	swait.ge @!p0 [sflag:s0], s1  }
0x70: {  	s1 =	ssub.s32 @!p0 $0x0, s1;
	[sflag:s0] =	ssyncset.done @!p0 $0x0  }
0x71: {  	[sflag:s0] =	ssyncadd.s32 @!p0 s1  }
0x72: {  	[bflag:$0x3] =	sbarrier.arrive $0xFFFF  }
0x73: {  	_ =	shalt  }

</sc_bundles>
